<compile_context>
chip_gen: v7x
topology: tpu7x:2x2x1
jax: 0.10.2.dev20260603
libtpu: 0.0.44.dev20260713+nightly
codegen_flags: <defaults>
</compile_context>

<pallas_src>
import functools

import jax
import jax.numpy as jnp
from jax import lax
from jax.experimental import pallas as pl
from jax.experimental.pallas import tpu as pltpu
from jax.experimental.pallas import tpu_sc as plsc

B, S, H, I, E, TOPK, TGT = 32, 512, 768, 1536, 8, 2, 128
NC, NS = 2, 16
NW = NC * NS
CHUNK = 32


def _sc_gather_rows(table, ids3):
    nw, nch, chunk = ids3.shape
    n = nw * nch * chunk
    d = table.shape[1]
    mesh = plsc.VectorSubcoreMesh(core_axis_name="c", subcore_axis_name="s")

    @functools.partial(
        pl.kernel,
        mesh=mesh,
        out_type=jax.ShapeDtypeStruct((n, d), table.dtype),
        scratch_types=[
            pltpu.VMEM((nch, chunk), jnp.int32),
            pltpu.VMEM((4, chunk, d), table.dtype),
            pltpu.SemaphoreType.DMA((4,)),
            pltpu.SemaphoreType.DMA((4,)),
        ],
    )
    def k(table_hbm, ids_hbm, out_hbm, idx_v, bufs, gsems, osems):
        wid = lax.axis_index("s") * NC + lax.axis_index("c")
        pltpu.sync_copy(ids_hbm.at[wid], idx_v)
        base = wid * (nch * chunk)

        def gather(i):
            return pltpu.async_copy(
                table_hbm.at[idx_v.at[i]], bufs.at[i % 4], gsems.at[i % 4])

        def put(i):
            return pltpu.async_copy(
                bufs.at[i % 4], out_hbm.at[pl.ds(base + i * chunk, chunk)],
                osems.at[i % 4])

        cps_g = [None] * nch
        cps_o = [None] * nch
        for j in range(min(4, nch)):
            cps_g[j] = gather(j)
        for i in range(nch):
            cps_g[i].wait()
            cps_o[i] = put(i)
            if i >= 1 and i + 3 < nch:
                cps_o[i - 1].wait()
                cps_g[i + 3] = gather(i + 3)
        for j in range(max(0, nch - 4), nch):
            cps_o[j].wait()

    return k(table, ids3)


def _enc_body(x_ref, ids_ref, gate_ref, sgwb_ref, suwb_ref, segw_ref,
              rw_ref, tid_ref, vsum_ref, cls_ref):
    x = x_ref[0]
    logits = lax.dot_general(
        x, gate_ref[...], (((1,), (1,)), ((), ())),
        preferred_element_type=jnp.float32)

    m = jnp.max(logits, axis=0, keepdims=True)
    p = jnp.exp(logits - m)
    p = p / jnp.sum(p, axis=0, keepdims=True)
    sidx = lax.broadcasted_iota(jnp.int32, (S, E), 0)
    v1 = jnp.max(p, axis=0, keepdims=True)
    i1 = jnp.min(jnp.where(p == v1, sidx, S), axis=0, keepdims=True)
    p2 = jnp.where(sidx == i1, -1.0, p)
    v2 = jnp.max(p2, axis=0, keepdims=True)
    i2 = jnp.min(jnp.where(p2 == v2, sidx, S), axis=0, keepdims=True)
    nw1 = v1 / jnp.sum(v1, axis=1, keepdims=True)
    nw2 = v2 / jnp.sum(v2, axis=1, keepdims=True)
    rw_ref[...] = jnp.concatenate([nw1[..., None], nw2[..., None]], axis=-1)
    ids4 = ids_ref[0][..., None]
    pidx = (lax.broadcasted_iota(jnp.int32, (4, 128, 1), 0) * 128
            + lax.broadcasted_iota(jnp.int32, (4, 128, 1), 1))
    t1 = jnp.sum(jnp.where(pidx == i1.reshape(1, 1, E), ids4, 0), axis=(0, 1))
    t2 = jnp.sum(jnp.where(pidx == i2.reshape(1, 1, E), ids4, 0), axis=(0, 1))
    tid_ref[...] = jnp.concatenate([t1[None, :, None], t2[None, :, None]],
                                   axis=-1)

    xb = x.astype(jnp.bfloat16)
    g = lax.dot_general(xb, sgwb_ref[...], (((1,), (1,)), ((), ())),
                        preferred_element_type=jnp.float32)
    u = lax.dot_general(xb, suwb_ref[...], (((1,), (1,)), ((), ())),
                        preferred_element_type=jnp.float32)
    h = (g * jax.nn.sigmoid(g) * u).astype(jnp.bfloat16)
    segate = jax.nn.sigmoid(lax.dot_general(
        x, segw_ref[...], (((1,), (1,)), ((), ())),
        preferred_element_type=jnp.float32))
    vsum_ref[0] = lax.dot_general(segate.astype(jnp.bfloat16), h,
                                  (((0,), (0,)), ((), ())),
                                  preferred_element_type=jnp.float32)
    cls_ref[0] = x[0:1]


def _encoder(hidden, ids3, gate_w, sgwb, suwb, segw):
    nb = hidden.shape[0]
    return pl.pallas_call(
        _enc_body,
        grid=(nb,),
        in_specs=[
            pl.BlockSpec((1, S, H), lambda b: (b, 0, 0)),
            pl.BlockSpec((1, 4, S // 4), lambda b: (b, 0, 0)),
            pl.BlockSpec((E, H), lambda b: (0, 0)),
            pl.BlockSpec((I, H), lambda b: (0, 0)),
            pl.BlockSpec((I, H), lambda b: (0, 0)),
            pl.BlockSpec((1, H), lambda b: (0, 0)),
        ],
        out_specs=[
            pl.BlockSpec((1, E, TOPK), lambda b: (b, 0, 0)),
            pl.BlockSpec((1, E, TOPK), lambda b: (b, 0, 0)),
            pl.BlockSpec((1, 1, I), lambda b: (b, 0, 0)),
            pl.BlockSpec((1, 1, H), lambda b: (b, 0, 0)),
        ],
        out_shape=[
            jax.ShapeDtypeStruct((nb, E, TOPK), jnp.float32),
            jax.ShapeDtypeStruct((nb, E, TOPK), jnp.int32),
            jax.ShapeDtypeStruct((nb, 1, I), jnp.float32),
            jax.ShapeDtypeStruct((nb, 1, H), jnp.float32),
        ],
    )(hidden, ids3, gate_w, sgwb, suwb, segw)


NDISP = TOPK * B


def _expert_body(tid_sref, table_ref, gw_ref, uw_ref, dw_ref, rw_ref,
                 vsum_ref, sdw_ref, cls_ref, fw_ref,
                 fb_ref, ow_ref, ob_ref, out_ref,
                 xbuf_ref, base_ref, sems):
    e = pl.program_id(0)

    def fetch(expert, slot):
        for j in range(NDISP):
            pltpu.make_async_copy(
                table_ref.at[pl.ds(tid_sref[expert * NDISP + j], 1)],
                xbuf_ref.at[slot, pl.ds(j, 1)], sems.at[slot]).start()

    @pl.when(e == 0)
    def _():
        fetch(0, 0)
        shared = lax.dot_general(vsum_ref[...], sdw_ref[...],
                                 (((1,), (1,)), ((), ())),
                                 preferred_element_type=jnp.float32)
        base_ref[...] = (
            lax.dot_general(shared, fw_ref[:, H:2 * H],
                            (((1,), (1,)), ((), ())),
                            preferred_element_type=jnp.float32)
            + lax.dot_general(cls_ref[...], fw_ref[:, 2 * H:],
                              (((1,), (1,)), ((), ())),
                              preferred_element_type=jnp.float32)
            + fb_ref[...]
        )

    @pl.when(e + 1 < E)
    def _():
        fetch(e + 1, (e + 1) % 2)

    slot = e % 2
    pltpu.make_async_copy(
        table_ref.at[pl.ds(0, NDISP)], xbuf_ref.at[slot],
        sems.at[slot]).wait()
    x = xbuf_ref[slot]
    g = lax.dot_general(x, gw_ref[0], (((1,), (1,)), ((), ())),
                        preferred_element_type=jnp.float32)
    u = lax.dot_general(x, uw_ref[0], (((1,), (1,)), ((), ())),
                        preferred_element_type=jnp.float32)
    h = g * jax.nn.sigmoid(g) * u
    hw = h * rw_ref[0][0][:, None]
    v = hw[:B] + hw[B:]
    eo = lax.dot_general(v, dw_ref[0], (((1,), (1,)), ((), ())),
                         preferred_element_type=jnp.float32)
    fh = base_ref[...] + lax.dot_general(eo, fw_ref[:, :H],
                                         (((1,), (1,)), ((), ())),
                                         preferred_element_type=jnp.float32)
    out_ref[0] = lax.dot_general(fh, ow_ref[...], (((1,), (1,)), ((), ())),
                                 preferred_element_type=jnp.float32) + ob_ref[...]


def _experts_head(tid_flat, table, eg, eu, ed, rw, vsum, sdw, cls,
                  fw, fb, ow, ob):
    grid_spec = pltpu.PrefetchScalarGridSpec(
        num_scalar_prefetch=1,
        grid=(E,),
        in_specs=[
            pl.BlockSpec(memory_space=pl.ANY),
            pl.BlockSpec((1, I, H), lambda e, sref: (e, 0, 0)),
            pl.BlockSpec((1, I, H), lambda e, sref: (e, 0, 0)),
            pl.BlockSpec((1, H, I), lambda e, sref: (e, 0, 0)),
            pl.BlockSpec((1, 1, NDISP), lambda e, sref: (e, 0, 0)),
            pl.BlockSpec((B, I), lambda e, sref: (0, 0)),
            pl.BlockSpec((H, I), lambda e, sref: (0, 0)),
            pl.BlockSpec((B, H), lambda e, sref: (0, 0)),
            pl.BlockSpec((H, 3 * H), lambda e, sref: (0, 0)),
            pl.BlockSpec((1, H), lambda e, sref: (0, 0)),
            pl.BlockSpec((TGT, H), lambda e, sref: (0, 0)),
            pl.BlockSpec((1, TGT), lambda e, sref: (0, 0)),
        ],
        out_specs=pl.BlockSpec((1, B, TGT), lambda e, sref: (e, 0, 0)),
        scratch_shapes=[
            pltpu.VMEM((2, NDISP, H), jnp.float32),
            pltpu.VMEM((B, H), jnp.float32),
            pltpu.SemaphoreType.DMA((2,)),
        ],
    )
    return pl.pallas_call(
        _expert_body,
        grid_spec=grid_spec,
        out_shape=jax.ShapeDtypeStruct((E, B, TGT), jnp.float32),
    )(tid_flat, table, eg, eu, ed, rw, vsum, sdw, cls, fw, fb, ow, ob)


def kernel(input_ids, token_type_ids, attention_mask, embed_table, gate_w,
           expert_gate, expert_up, expert_down,
           shared_gate_w, shared_up_w, shared_down_w, shared_expert_gate_w,
           feature_w, feature_b, output_w, output_b):
    del token_type_ids, attention_mask
    ids = input_ids.reshape(-1).astype(jnp.int32)
    sgwb = shared_gate_w.astype(jnp.bfloat16)
    suwb = shared_up_w.astype(jnp.bfloat16)
    group_sizes = (16, 16)
    parts = []
    start = 0
    for bg in group_sizes:
        rows_g = bg * S
        ids_g = lax.slice(ids, (start * S,), (start * S + rows_g,))
        hid_g = _sc_gather_rows(
            embed_table, ids_g.reshape(NW, rows_g // (NW * CHUNK), CHUNK))
        parts.append(_encoder(
            hid_g.reshape(bg, S, H), ids_g.reshape(bg, 4, S // 4), gate_w,
            sgwb, suwb, shared_expert_gate_w))
        start += bg
    rw = jnp.concatenate([p[0] for p in parts], axis=0)
    tid = jnp.concatenate([p[1] for p in parts], axis=0)
    vsum = jnp.concatenate([p[2] for p in parts], axis=0).reshape(B, I)
    cls = jnp.concatenate([p[3] for p in parts], axis=0).reshape(B, H)

    tid_flat = tid.transpose(1, 2, 0).reshape(-1)
    rw_ekb = rw.transpose(1, 2, 0).reshape(E, 1, NDISP)

    out = _experts_head(
        tid_flat, embed_table, expert_gate, expert_up, expert_down, rw_ekb,
        vsum, shared_down_w, cls, feature_w,
        feature_b.reshape(1, H), output_w, output_b.reshape(1, TGT))
    return out.transpose(1, 0, 2)

# --- scband reference (transcript-rebuilt; emitter-appended) ---
"""Pipeline reference for scband-moemulti-classification-50010599195002 (READ-ONLY COPY).

The authoritative reference and input builder live on the scoring server;
editing this copy changes nothing except your own understanding.
"""

import jax, jax.numpy as jnp
import numpy as np

B, S, H, I, E, TOPK, TGT, VOCAB = 32, 512, 768, 1536, 8, 2, 128, 30522
NORM_TOPK = True

# NOTE: the original module wraps a pretrained BERT encoder. To keep the reference
# self-contained and focus on the MoE routing computation, the encoder is replaced
# by a learned token-embedding lookup producing last_hidden_state of the same shape.
# Dropout is identity (eval mode / p=0).

def setup_inputs(seed: int = 0) -> dict:
    key = jax.random.key(seed)
    ks = jax.random.split(key, 16)
    input_ids = jax.random.randint(ks[0], (B, S), 0, VOCAB, dtype=jnp.int64)
    token_type_ids = jnp.zeros((B, S), dtype=jnp.int64)
    attention_mask = jnp.ones((B, S), dtype=jnp.int64)
    sc = 0.02
    embed_table = jax.random.normal(ks[1], (VOCAB, H), dtype=jnp.float32) * sc
    gate_w = jax.random.normal(ks[2], (E, H), dtype=jnp.float32) * sc
    expert_gate = jax.random.normal(ks[3], (E, I, H), dtype=jnp.float32) * sc
    expert_up = jax.random.normal(ks[4], (E, I, H), dtype=jnp.float32) * sc
    expert_down = jax.random.normal(ks[5], (E, H, I), dtype=jnp.float32) * sc
    shared_gate_w = jax.random.normal(ks[6], (I, H), dtype=jnp.float32) * sc
    shared_up_w = jax.random.normal(ks[7], (I, H), dtype=jnp.float32) * sc
    shared_down_w = jax.random.normal(ks[8], (H, I), dtype=jnp.float32) * sc
    shared_expert_gate_w = jax.random.normal(ks[9], (1, H), dtype=jnp.float32) * sc
    feature_w = jax.random.normal(ks[10], (H, 3 * H), dtype=jnp.float32) * sc
    feature_b = jnp.zeros((H,), dtype=jnp.float32)
    output_w = jax.random.normal(ks[11], (TGT, H), dtype=jnp.float32) * sc
    output_b = jnp.zeros((TGT,), dtype=jnp.float32)
    return {
        'input_ids': input_ids, 'token_type_ids': token_type_ids, 'attention_mask': attention_mask,
        'embed_table': embed_table, 'gate_w': gate_w,
        'expert_gate': expert_gate, 'expert_up': expert_up, 'expert_down': expert_down,
        'shared_gate_w': shared_gate_w, 'shared_up_w': shared_up_w, 'shared_down_w': shared_down_w,
        'shared_expert_gate_w': shared_expert_gate_w,
        'feature_w': feature_w, 'feature_b': feature_b,
        'output_w': output_w, 'output_b': output_b,
    }

def _expert_mlp(x, gw, uw, dw):
    g = x @ gw.T
    u = x @ uw.T
    return (jax.nn.silu(g) * u) @ dw.T

def reference(input_ids, token_type_ids, attention_mask, embed_table, gate_w,
              expert_gate, expert_up, expert_down,
              shared_gate_w, shared_up_w, shared_down_w, shared_expert_gate_w,
              feature_w, feature_b, output_w, output_b):
    # encoder stand-in: embedding lookup (gather) -> last_hidden_state
    hidden_states = jnp.take(embed_table, input_ids, axis=0)  # [B, S, H]
    batch_size, sequence_length, hidden_dim = hidden_states.shape
    coord = (jnp.arange(batch_size, dtype=jnp.int32) * sequence_length)[:, None]  # [B,1]
    router_logits = hidden_states @ gate_w.T  # [B, S, E]
    routing_weights = jax.nn.softmax(router_logits.astype(jnp.float32), axis=1)
    # topk over sequence dim (dim=1), per expert-channel
    rw_t = jnp.transpose(routing_weights, (0, 2, 1))  # [B, E, S]
    topv, topi = jax.lax.top_k(rw_t, TOPK)  # [B, E, TOPK]
    routing_weights = jnp.transpose(topv, (0, 2, 1))  # [B, TOPK, E]
    selected_ids = jnp.transpose(topi, (0, 2, 1))  # [B, TOPK, E]
    if NORM_TOPK:
        routing_weights = routing_weights / routing_weights.sum(axis=-1, keepdims=True)
    routing_weights = routing_weights.astype(hidden_states.dtype)
    flat_hidden = hidden_states.reshape(-1, hidden_dim)
    expert_outputs = []
    for expert_idx in range(E):
        selected_id = selected_ids[:, :, expert_idx] + coord  # [B, TOPK]
        current = jnp.take(flat_hidden, selected_id.reshape(-1), axis=0)
        current = current.reshape(batch_size, -1, hidden_dim)  # [B, TOPK, H]
        rel = _expert_mlp(current, expert_gate[expert_idx], expert_up[expert_idx], expert_down[expert_idx])
        rel = jnp.einsum('bs,bsh->bh', routing_weights[:, :, expert_idx], rel)
        expert_outputs.append(rel[:, None, :])
    expert_outputs = jnp.concatenate(expert_outputs, axis=1)  # [B, E, H]
    shared_out = _expert_mlp(hidden_states, shared_gate_w, shared_up_w, shared_down_w)  # [B, S, H]
    shared_gate = jax.nn.sigmoid(hidden_states @ shared_expert_gate_w.T)  # [B, S, 1]
    shared_out = jnp.einsum('bsh,bsh->bh', jnp.broadcast_to(shared_gate, shared_out.shape), shared_out)
    shared_out = jnp.broadcast_to(shared_out[:, None, :], (batch_size, E, hidden_dim))
    cls_output = jnp.broadcast_to(hidden_states[:, 0][:, None, :], (batch_size, E, hidden_dim))
    feat_in = jnp.concatenate([expert_outputs, shared_out, cls_output], axis=-1)  # [B, E, 3H]
    final_hidden = feat_in @ feature_w.T + feature_b
    logits = final_hidden @ output_w.T + output_b
    return logits

if __name__ == "__main__":
    import jax
    _d = setup_inputs()
    print(jax.jit(kernel)(*tuple(_d.values())))

</pallas_src>

<mosaic_0001>
#map = affine_map<(d0, d1) -> (0, 0)>
#map1 = affine_map<(d0, d1) -> (0, 0, 0)>
module attributes {stable_mosaic.version = 14 : i64} {
  func.func @k(%arg0: i32, %arg1: i32, %arg2: memref<30522x768xf32, #tpu.memory_space<hbm>>, %arg3: memref<32x8x32xi32, #tpu.memory_space<hbm>>, %arg4: memref<8192x768xf32, #tpu.memory_space<hbm>>, %arg5: memref<8x32xi32, #tpu.memory_space<vmem>>, %arg6: memref<4x32x768xf32, #tpu.memory_space<vmem>>, %arg7: memref<4x!tpu.dma_semaphore, #tpu.memory_space<semaphore_mem>>, %arg8: memref<4x!tpu.dma_semaphore, #tpu.memory_space<semaphore_mem>>) attributes {dimension_semantics = [#tpu.dimension_semantics<core_parallel>, #tpu.dimension_semantics<subcore_parallel>], iteration_bounds = array<i64: 2, 16>, scalar_prefetch = 0 : i64, scratch_operands = 4 : i64, tpu.core_type = #tpu.core_type<sc_vector_subcore>, window_params = [{transform_indices = #map}, {transform_indices = #map1}, {transform_indices = #map}]} {
    %mul3A = arith.constant 2 : i32
    %mul3A_0 = arith.muli %arg1, %mul3A : i32
    %add3A = arith.addi %mul3A_0, %arg0 : i32
    "tpu.region"() ({
      %run_scoped3A = tpu.sem_alloc : memref<!tpu.dma_semaphore, #tpu.memory_space<semaphore_mem>>
      %dma_start3A_513 = arith.constant 0 : i32
      %dma_start3A_514 = arith.constant 0 : i32
      %dma_start3A_515 = tpu.memref_slice %arg3[%add3A, %dma_start3A_513, %dma_start3A_514] : memref<32x8x32xi32, #tpu.memory_space<hbm>> -> memref<1x8x32xi32, #tpu.memory_space<hbm>>
      %dma_start3A_516 = tpu.memref_squeeze %dma_start3A_515 : memref<1x8x32xi32, #tpu.memory_space<hbm>> -> memref<8x32xi32, #tpu.memory_space<hbm>>
      %dma_start3A_517 = arith.constant 0 : i32
      %dma_start3A_518 = arith.constant 0 : i32
      %dma_start3A_519 = tpu.memref_slice %arg3[%add3A, %dma_start3A_517, %dma_start3A_518] : memref<32x8x32xi32, #tpu.memory_space<hbm>> -> memref<1x8x32xi32, #tpu.memory_space<hbm>>
      %dma_start3A_520 = tpu.memref_squeeze %dma_start3A_519 : memref<1x8x32xi32, #tpu.memory_space<hbm>> -> memref<8x32xi32, #tpu.memory_space<hbm>>
      tpu.enqueue_dma source(%dma_start3A_520 : memref<8x32xi32, #tpu.memory_space<hbm>>) target(%arg5 : memref<8x32xi32, #tpu.memory_space<vmem>>) target_semaphore(%run_scoped3A : memref<!tpu.dma_semaphore, #tpu.memory_space<semaphore_mem>>)
      %dma_wait3A_521 = arith.constant 0 : i32
      %dma_wait3A_522 = arith.constant 0 : i32
      %dma_wait3A_523 = tpu.memref_slice %arg3[%add3A, %dma_wait3A_521, %dma_wait3A_522] : memref<32x8x32xi32, #tpu.memory_space<hbm>> -> memref<1x8x32xi32, #tpu.memory_space<hbm>>
      %dma_wait3A_524 = tpu.memref_squeeze %dma_wait3A_523 : memref<1x8x32xi32, #tpu.memory_space<hbm>> -> memref<8x32xi32, #tpu.memory_space<hbm>>
      %dma_wait3A_525 = arith.constant 0 : i32
      %dma_wait3A_526 = arith.constant 0 : i32
      %dma_wait3A_527 = tpu.memref_slice %arg3[%add3A, %dma_wait3A_525, %dma_wait3A_526] : memref<32x8x32xi32, #tpu.memory_space<hbm>> -> memref<1x8x32xi32, #tpu.memory_space<hbm>>
      %dma_wait3A_528 = tpu.memref_squeeze %dma_wait3A_527 : memref<1x8x32xi32, #tpu.memory_space<hbm>> -> memref<8x32xi32, #tpu.memory_space<hbm>>
      tpu.wait_dma2 semaphore(%run_scoped3A : memref<!tpu.dma_semaphore, #tpu.memory_space<semaphore_mem>>) src(%dma_wait3A_528 : memref<8x32xi32, #tpu.memory_space<hbm>>) dst(%arg5 : memref<8x32xi32, #tpu.memory_space<vmem>>)
      tpu.yield
    }) : () -> ()
    %mul3A_1 = arith.constant 256 : i32
    %mul3A_2 = arith.muli %add3A, %mul3A_1 : i32
    %dma_start3A = arith.constant 0 : i32
    %dma_start3A_3 = arith.constant 0 : i32
    %dma_start3A_4 = arith.constant 0 : i32
    %dma_start3A_5 = arith.constant 0 : i32
    %dma_start3A_6 = arith.constant 0 : i32
    %dma_start3A_7 = tpu.memref_slice %arg6[%dma_start3A_3, %dma_start3A_5, %dma_start3A_6] : memref<4x32x768xf32, #tpu.memory_space<vmem>> -> memref<1x32x768xf32, #tpu.memory_space<vmem>>
    %dma_start3A_8 = tpu.memref_squeeze %dma_start3A_7 : memref<1x32x768xf32, #tpu.memory_space<vmem>> -> memref<32x768xf32, #tpu.memory_space<vmem>>
    %dma_start3A_9 = arith.constant 0 : i32
    %dma_start3A_10 = tpu.memref_slice %arg5[%dma_start3A, %dma_start3A_9] : memref<8x32xi32, #tpu.memory_space<vmem>> -> memref<1x32xi32, #tpu.memory_space<vmem>>
    %dma_start3A_11 = tpu.memref_squeeze %dma_start3A_10 : memref<1x32xi32, #tpu.memory_space<vmem>> -> memref<32xi32, #tpu.memory_space<vmem>>
    %dma_start3A_12 = arith.constant 0 : i32
    %dma_start3A_13 = arith.constant 0 : i32
    %dma_start3A_14 = tpu.memref_slice %arg2[%dma_start3A_12, %dma_start3A_13] : memref<30522x768xf32, #tpu.memory_space<hbm>> -> memref<30522x768xf32, #tpu.memory_space<hbm>>
    %dma_start3A_15 = tpu.memref_slice %arg7[%dma_start3A_4] : memref<4x!tpu.dma_semaphore, #tpu.memory_space<semaphore_mem>> -> memref<1x!tpu.dma_semaphore, #tpu.memory_space<semaphore_mem>>
    %dma_start3A_16 = tpu.memref_squeeze %dma_start3A_15 : memref<1x!tpu.dma_semaphore, #tpu.memory_space<semaphore_mem>> -> memref<!tpu.dma_semaphore, #tpu.memory_space<semaphore_mem>>
    tpu.enqueue_indirect_dma source(%dma_start3A_14 : memref<30522x768xf32, #tpu.memory_space<hbm>>) target(%dma_start3A_8 : memref<32x768xf32, #tpu.memory_space<vmem>>) offsets(%dma_start3A_11 : memref<32xi32, #tpu.memory_space<vmem>>) semaphore(%dma_start3A_16 : memref<!tpu.dma_semaphore, #tpu.memory_space<semaphore_mem>>)
    %dma_start3A_17 = arith.constant 1 : i32
    %dma_start3A_18 = arith.constant 1 : i32
    %dma_start3A_19 = arith.constant 1 : i32
    %dma_start3A_20 = arith.constant 0 : i32
    %dma_start3A_21 = arith.constant 0 : i32
    %dma_start3A_22 = tpu.memref_slice %arg6[%dma_start3A_18, %dma_start3A_20, %dma_start3A_21] : memref<4x32x768xf32, #tpu.memory_space<vmem>> -> memref<1x32x768xf32, #tpu.memory_space<vmem>>
    %dma_start3A_23 = tpu.memref_squeeze %dma_start3A_22 : memref<1x32x768xf32, #tpu.memory_space<vmem>> -> memref<32x768xf32, #tpu.memory_space<vmem>>
    %dma_start3A_24 = arith.constant 0 : i32
    %dma_start3A_25 = tpu.memref_slice %arg5[%dma_start3A_17, %dma_start3A_24] : memref<8x32xi32, #tpu.memory_space<vmem>> -> memref<1x32xi32, #tpu.memory_space<vmem>>
    %dma_start3A_26 = tpu.memref_squeeze %dma_start3A_25 : memref<1x32xi32, #tpu.memory_space<vmem>> -> memref<32xi32, #tpu.memory_space<vmem>>
    %dma_start3A_27 = arith.constant 0 : i32
    %dma_start3A_28 = arith.constant 0 : i32
    %dma_start3A_29 = tpu.memref_slice %arg2[%dma_start3A_27, %dma_start3A_28] : memref<30522x768xf32, #tpu.memory_space<hbm>> -> memref<30522x768xf32, #tpu.memory_space<hbm>>
    %dma_start3A_30 = tpu.memref_slice %arg7[%dma_start3A_19] : memref<4x!tpu.dma_semaphore, #tpu.memory_space<semaphore_mem>> -> memref<1x!tpu.dma_semaphore, #tpu.memory_space<semaphore_mem>>
    %dma_start3A_31 = tpu.memref_squeeze %dma_start3A_30 : memref<1x!tpu.dma_semaphore, #tpu.memory_space<semaphore_mem>> -> memref<!tpu.dma_semaphore, #tpu.memory_space<semaphore_mem>>
    tpu.enqueue_indirect_dma source(%dma_start3A_29 : memref<30522x768xf32, #tpu.memory_space<hbm>>) target(%dma_start3A_23 : memref<32x768xf32, #tpu.memory_space<vmem>>) offsets(%dma_start3A_26 : memref<32xi32, #tpu.memory_space<vmem>>) semaphore(%dma_start3A_31 : memref<!tpu.dma_semaphore, #tpu.memory_space<semaphore_mem>>)
    %dma_start3A_32 = arith.constant 2 : i32
    %dma_start3A_33 = arith.constant 2 : i32
    %dma_start3A_34 = arith.constant 2 : i32
    %dma_start3A_35 = arith.constant 0 : i32
    %dma_start3A_36 = arith.constant 0 : i32
    %dma_start3A_37 = tpu.memref_slice %arg6[%dma_start3A_33, %dma_start3A_35, %dma_start3A_36] : memref<4x32x768xf32, #tpu.memory_space<vmem>> -> memref<1x32x768xf32, #tpu.memory_space<vmem>>
    %dma_start3A_38 = tpu.memref_squeeze %dma_start3A_37 : memref<1x32x768xf32, #tpu.memory_space<vmem>> -> memref<32x768xf32, #tpu.memory_space<vmem>>
    %dma_start3A_39 = arith.constant 0 : i32
    %dma_start3A_40 = tpu.memref_slice %arg5[%dma_start3A_32, %dma_start3A_39] : memref<8x32xi32, #tpu.memory_space<vmem>> -> memref<1x32xi32, #tpu.memory_space<vmem>>
    %dma_start3A_41 = tpu.memref_squeeze %dma_start3A_40 : memref<1x32xi32, #tpu.memory_space<vmem>> -> memref<32xi32, #tpu.memory_space<vmem>>
    %dma_start3A_42 = arith.constant 0 : i32
    %dma_start3A_43 = arith.constant 0 : i32
    %dma_start3A_44 = tpu.memref_slice %arg2[%dma_start3A_42, %dma_start3A_43] : memref<30522x768xf32, #tpu.memory_space<hbm>> -> memref<30522x768xf32, #tpu.memory_space<hbm>>
    %dma_start3A_45 = tpu.memref_slice %arg7[%dma_start3A_34] : memref<4x!tpu.dma_semaphore, #tpu.memory_space<semaphore_mem>> -> memref<1x!tpu.dma_semaphore, #tpu.memory_space<semaphore_mem>>
    %dma_start3A_46 = tpu.memref_squeeze %dma_start3A_45 : memref<1x!tpu.dma_semaphore, #tpu.memory_space<semaphore_mem>> -> memref<!tpu.dma_semaphore, #tpu.memory_space<semaphore_mem>>
    tpu.enqueue_indirect_dma source(%dma_start3A_44 : memref<30522x768xf32, #tpu.memory_space<hbm>>) target(%dma_start3A_38 : memref<32x768xf32, #tpu.memory_space<vmem>>) offsets(%dma_start3A_41 : memref<32xi32, #tpu.memory_space<vmem>>) semaphore(%dma_start3A_46 : memref<!tpu.dma_semaphore, #tpu.memory_space<semaphore_mem>>)
    %dma_start3A_47 = arith.constant 3 : i32
    %dma_start3A_48 = arith.constant 3 : i32
    %dma_start3A_49 = arith.constant 3 : i32
    %dma_start3A_50 = arith.constant 0 : i32
    %dma_start3A_51 = arith.constant 0 : i32
    %dma_start3A_52 = tpu.memref_slice %arg6[%dma_start3A_48, %dma_start3A_50, %dma_start3A_51] : memref<4x32x768xf32, #tpu.memory_space<vmem>> -> memref<1x32x768xf32, #tpu.memory_space<vmem>>
    %dma_start3A_53 = tpu.memref_squeeze %dma_start3A_52 : memref<1x32x768xf32, #tpu.memory_space<vmem>> -> memref<32x768xf32, #tpu.memory_space<vmem>>
    %dma_start3A_54 = arith.constant 0 : i32
    %dma_start3A_55 = tpu.memref_slice %arg5[%dma_start3A_47, %dma_start3A_54] : memref<8x32xi32, #tpu.memory_space<vmem>> -> memref<1x32xi32, #tpu.memory_space<vmem>>
    %dma_start3A_56 = tpu.memref_squeeze %dma_start3A_55 : memref<1x32xi32, #tpu.memory_space<vmem>> -> memref<32xi32, #tpu.memory_space<vmem>>
    %dma_start3A_57 = arith.constant 0 : i32
    %dma_start3A_58 = arith.constant 0 : i32
    %dma_start3A_59 = tpu.memref_slice %arg2[%dma_start3A_57, %dma_start3A_58] : memref<30522x768xf32, #tpu.memory_space<hbm>> -> memref<30522x768xf32, #tpu.memory_space<hbm>>
    %dma_start3A_60 = tpu.memref_slice %arg7[%dma_start3A_49] : memref<4x!tpu.dma_semaphore, #tpu.memory_space<semaphore_mem>> -> memref<1x!tpu.dma_semaphore, #tpu.memory_space<semaphore_mem>>
    %dma_start3A_61 = tpu.memref_squeeze %dma_start3A_60 : memref<1x!tpu.dma_semaphore, #tpu.memory_space<semaphore_mem>> -> memref<!tpu.dma_semaphore, #tpu.memory_space<semaphore_mem>>
    tpu.enqueue_indirect_dma source(%dma_start3A_59 : memref<30522x768xf32, #tpu.memory_space<hbm>>) target(%dma_start3A_53 : memref<32x768xf32, #tpu.memory_space<vmem>>) offsets(%dma_start3A_56 : memref<32xi32, #tpu.memory_space<vmem>>) semaphore(%dma_start3A_61 : memref<!tpu.dma_semaphore, #tpu.memory_space<semaphore_mem>>)
    %dma_wait3A = arith.constant 0 : i32
    %dma_wait3A_62 = arith.constant 0 : i32
    %dma_wait3A_63 = arith.constant 0 : i32
    %dma_wait3A_64 = arith.constant 0 : i32
    %dma_wait3A_65 = arith.constant 0 : i32
    %dma_wait3A_66 = tpu.memref_slice %arg6[%dma_wait3A_62, %dma_wait3A_64, %dma_wait3A_65] : memref<4x32x768xf32, #tpu.memory_space<vmem>> -> memref<1x32x768xf32, #tpu.memory_space<vmem>>
    %dma_wait3A_67 = tpu.memref_squeeze %dma_wait3A_66 : memref<1x32x768xf32, #tpu.memory_space<vmem>> -> memref<32x768xf32, #tpu.memory_space<vmem>>
    %dma_wait3A_68 = arith.constant 0 : i32
    %dma_wait3A_69 = tpu.memref_slice %arg5[%dma_wait3A, %dma_wait3A_68] : memref<8x32xi32, #tpu.memory_space<vmem>> -> memref<1x32xi32, #tpu.memory_space<vmem>>
    %dma_wait3A_70 = tpu.memref_squeeze %dma_wait3A_69 : memref<1x32xi32, #tpu.memory_space<vmem>> -> memref<32xi32, #tpu.memory_space<vmem>>
    %dma_wait3A_71 = arith.constant 0 : i32
    %dma_wait3A_72 = arith.constant 0 : i32
    %dma_wait3A_73 = tpu.memref_slice %arg2[%dma_wait3A_71, %dma_wait3A_72] : memref<30522x768xf32, #tpu.memory_space<hbm>> -> memref<30522x768xf32, #tpu.memory_space<hbm>>
    %dma_wait3A_74 = tpu.memref_slice %arg7[%dma_wait3A_63] : memref<4x!tpu.dma_semaphore, #tpu.memory_space<semaphore_mem>> -> memref<1x!tpu.dma_semaphore, #tpu.memory_space<semaphore_mem>>
    %dma_wait3A_75 = tpu.memref_squeeze %dma_wait3A_74 : memref<1x!tpu.dma_semaphore, #tpu.memory_space<semaphore_mem>> -> memref<!tpu.dma_semaphore, #tpu.memory_space<semaphore_mem>>
    tpu.wait_indirect_dma semaphore(%dma_wait3A_75 : memref<!tpu.dma_semaphore, #tpu.memory_space<semaphore_mem>>) src(%dma_wait3A_73 : memref<30522x768xf32, #tpu.memory_space<hbm>>) dst(%dma_wait3A_67 : memref<32x768xf32, #tpu.memory_space<vmem>>)
    %add3A_76 = arith.constant 0 : i32
    %add3A_77 = arith.addi %mul3A_2, %add3A_76 : i32
    %dma_start3A_78 = arith.constant 0 : i32
    %dma_start3A_79 = arith.constant 0 : i32
    %dma_start3A_80 = arith.constant 0 : i32
    %dma_start3A_81 = arith.constant 0 : i32
    %dma_start3A_82 = tpu.memref_slice %arg6[%dma_start3A_78, %dma_start3A_80, %dma_start3A_81] : memref<4x32x768xf32, #tpu.memory_space<vmem>> -> memref<1x32x768xf32, #tpu.memory_space<vmem>>
    %dma_start3A_83 = tpu.memref_squeeze %dma_start3A_82 : memref<1x32x768xf32, #tpu.memory_space<vmem>> -> memref<32x768xf32, #tpu.memory_space<vmem>>
    %dma_start3A_84 = arith.constant 0 : i32
    %dma_start3A_85 = tpu.memref_slice %arg4[%add3A_77, %dma_start3A_84] : memref<8192x768xf32, #tpu.memory_space<hbm>> -> memref<32x768xf32, #tpu.memory_space<hbm>>
    %dma_start3A_86 = tpu.memref_slice %arg8[%dma_start3A_79] : memref<4x!tpu.dma_semaphore, #tpu.memory_space<semaphore_mem>> -> memref<1x!tpu.dma_semaphore, #tpu.memory_space<semaphore_mem>>
    %dma_start3A_87 = tpu.memref_squeeze %dma_start3A_86 : memref<1x!tpu.dma_semaphore, #tpu.memory_space<semaphore_mem>> -> memref<!tpu.dma_semaphore, #tpu.memory_space<semaphore_mem>>
    %dma_start3A_88 = arith.constant 0 : i32
    %dma_start3A_89 = tpu.memref_slice %arg4[%add3A_77, %dma_start3A_88] : memref<8192x768xf32, #tpu.memory_space<hbm>> -> memref<32x768xf32, #tpu.memory_space<hbm>>
    %dma_start3A_90 = arith.constant 0 : i32
    %dma_start3A_91 = arith.constant 0 : i32
    %dma_start3A_92 = tpu.memref_slice %arg6[%dma_start3A_78, %dma_start3A_90, %dma_start3A_91] : memref<4x32x768xf32, #tpu.memory_space<vmem>> -> memref<1x32x768xf32, #tpu.memory_space<vmem>>
    %dma_start3A_93 = tpu.memref_squeeze %dma_start3A_92 : memref<1x32x768xf32, #tpu.memory_space<vmem>> -> memref<32x768xf32, #tpu.memory_space<vmem>>
    tpu.enqueue_dma source(%dma_start3A_93 : memref<32x768xf32, #tpu.memory_space<vmem>>) target(%dma_start3A_89 : memref<32x768xf32, #tpu.memory_space<hbm>>) target_semaphore(%dma_start3A_87 : memref<!tpu.dma_semaphore, #tpu.memory_space<semaphore_mem>>)
    %dma_wait3A_94 = arith.constant 1 : i32
    %dma_wait3A_95 = arith.constant 1 : i32
    %dma_wait3A_96 = arith.constant 1 : i32
    %dma_wait3A_97 = arith.constant 0 : i32
    %dma_wait3A_98 = arith.constant 0 : i32
    %dma_wait3A_99 = tpu.memref_slice %arg6[%dma_wait3A_95, %dma_wait3A_97, %dma_wait3A_98] : memref<4x32x768xf32, #tpu.memory_space<vmem>> -> memref<1x32x768xf32, #tpu.memory_space<vmem>>
    %dma_wait3A_100 = tpu.memref_squeeze %dma_wait3A_99 : memref<1x32x768xf32, #tpu.memory_space<vmem>> -> memref<32x768xf32, #tpu.memory_space<vmem>>
    %dma_wait3A_101 = arith.constant 0 : i32
    %dma_wait3A_102 = tpu.memref_slice %arg5[%dma_wait3A_94, %dma_wait3A_101] : memref<8x32xi32, #tpu.memory_space<vmem>> -> memref<1x32xi32, #tpu.memory_space<vmem>>
    %dma_wait3A_103 = tpu.memref_squeeze %dma_wait3A_102 : memref<1x32xi32, #tpu.memory_space<vmem>> -> memref<32xi32, #tpu.memory_space<vmem>>
    %dma_wait3A_104 = arith.constant 0 : i32
    %dma_wait3A_105 = arith.constant 0 : i32
    %dma_wait3A_106 = tpu.memref_slice %arg2[%dma_wait3A_104, %dma_wait3A_105] : memref<30522x768xf32, #tpu.memory_space<hbm>> -> memref<30522x768xf32, #tpu.memory_space<hbm>>
    %dma_wait3A_107 = tpu.memref_slice %arg7[%dma_wait3A_96] : memref<4x!tpu.dma_semaphore, #tpu.memory_space<semaphore_mem>> -> memref<1x!tpu.dma_semaphore, #tpu.memory_space<semaphore_mem>>
    %dma_wait3A_108 = tpu.memref_squeeze %dma_wait3A_107 : memref<1x!tpu.dma_semaphore, #tpu.memory_space<semaphore_mem>> -> memref<!tpu.dma_semaphore, #tpu.memory_space<semaphore_mem>>
    tpu.wait_indirect_dma semaphore(%dma_wait3A_108 : memref<!tpu.dma_semaphore, #tpu.memory_space<semaphore_mem>>) src(%dma_wait3A_106 : memref<30522x768xf32, #tpu.memory_space<hbm>>) dst(%dma_wait3A_100 : memref<32x768xf32, #tpu.memory_space<vmem>>)
    %add3A_109 = arith.constant 32 : i32
    %add3A_110 = arith.addi %mul3A_2, %add3A_109 : i32
    %dma_start3A_111 = arith.constant 1 : i32
    %dma_start3A_112 = arith.constant 1 : i32
    %dma_start3A_113 = arith.constant 0 : i32
    %dma_start3A_114 = arith.constant 0 : i32
    %dma_start3A_115 = tpu.memref_slice %arg6[%dma_start3A_111, %dma_start3A_113, %dma_start3A_114] : memref<4x32x768xf32, #tpu.memory_space<vmem>> -> memref<1x32x768xf32, #tpu.memory_space<vmem>>
    %dma_start3A_116 = tpu.memref_squeeze %dma_start3A_115 : memref<1x32x768xf32, #tpu.memory_space<vmem>> -> memref<32x768xf32, #tpu.memory_space<vmem>>
    %dma_start3A_117 = arith.constant 0 : i32
    %dma_start3A_118 = tpu.memref_slice %arg4[%add3A_110, %dma_start3A_117] : memref<8192x768xf32, #tpu.memory_space<hbm>> -> memref<32x768xf32, #tpu.memory_space<hbm>>
    %dma_start3A_119 = tpu.memref_slice %arg8[%dma_start3A_112] : memref<4x!tpu.dma_semaphore, #tpu.memory_space<semaphore_mem>> -> memref<1x!tpu.dma_semaphore, #tpu.memory_space<semaphore_mem>>
    %dma_start3A_120 = tpu.memref_squeeze %dma_start3A_119 : memref<1x!tpu.dma_semaphore, #tpu.memory_space<semaphore_mem>> -> memref<!tpu.dma_semaphore, #tpu.memory_space<semaphore_mem>>
    %dma_start3A_121 = arith.constant 0 : i32
    %dma_start3A_122 = tpu.memref_slice %arg4[%add3A_110, %dma_start3A_121] : memref<8192x768xf32, #tpu.memory_space<hbm>> -> memref<32x768xf32, #tpu.memory_space<hbm>>
    %dma_start3A_123 = arith.constant 0 : i32
    %dma_start3A_124 = arith.constant 0 : i32
    %dma_start3A_125 = tpu.memref_slice %arg6[%dma_start3A_111, %dma_start3A_123, %dma_start3A_124] : memref<4x32x768xf32, #tpu.memory_space<vmem>> -> memref<1x32x768xf32, #tpu.memory_space<vmem>>
    %dma_start3A_126 = tpu.memref_squeeze %dma_start3A_125 : memref<1x32x768xf32, #tpu.memory_space<vmem>> -> memref<32x768xf32, #tpu.memory_space<vmem>>
    tpu.enqueue_dma source(%dma_start3A_126 : memref<32x768xf32, #tpu.memory_space<vmem>>) target(%dma_start3A_122 : memref<32x768xf32, #tpu.memory_space<hbm>>) target_semaphore(%dma_start3A_120 : memref<!tpu.dma_semaphore, #tpu.memory_space<semaphore_mem>>)
    %dma_wait3A_127 = arith.constant 0 : i32
    %dma_wait3A_128 = arith.constant 0 : i32
    %dma_wait3A_129 = arith.constant 0 : i32
    %dma_wait3A_130 = arith.constant 0 : i32
    %dma_wait3A_131 = tpu.memref_slice %arg6[%dma_wait3A_127, %dma_wait3A_129, %dma_wait3A_130] : memref<4x32x768xf32, #tpu.memory_space<vmem>> -> memref<1x32x768xf32, #tpu.memory_space<vmem>>
    %dma_wait3A_132 = tpu.memref_squeeze %dma_wait3A_131 : memref<1x32x768xf32, #tpu.memory_space<vmem>> -> memref<32x768xf32, #tpu.memory_space<vmem>>
    %dma_wait3A_133 = arith.constant 0 : i32
    %dma_wait3A_134 = tpu.memref_slice %arg4[%add3A_77, %dma_wait3A_133] : memref<8192x768xf32, #tpu.memory_space<hbm>> -> memref<32x768xf32, #tpu.memory_space<hbm>>
    %dma_wait3A_135 = tpu.memref_slice %arg8[%dma_wait3A_128] : memref<4x!tpu.dma_semaphore, #tpu.memory_space<semaphore_mem>> -> memref<1x!tpu.dma_semaphore, #tpu.memory_space<semaphore_mem>>
    %dma_wait3A_136 = tpu.memref_squeeze %dma_wait3A_135 : memref<1x!tpu.dma_semaphore, #tpu.memory_space<semaphore_mem>> -> memref<!tpu.dma_semaphore, #tpu.memory_space<semaphore_mem>>
    %dma_wait3A_137 = arith.constant 0 : i32
    %dma_wait3A_138 = tpu.memref_slice %arg4[%add3A_77, %dma_wait3A_137] : memref<8192x768xf32, #tpu.memory_space<hbm>> -> memref<32x768xf32, #tpu.memory_space<hbm>>
    %dma_wait3A_139 = arith.constant 0 : i32
    %dma_wait3A_140 = arith.constant 0 : i32
    %dma_wait3A_141 = tpu.memref_slice %arg6[%dma_wait3A_127, %dma_wait3A_139, %dma_wait3A_140] : memref<4x32x768xf32, #tpu.memory_space<vmem>> -> memref<1x32x768xf32, #tpu.memory_space<vmem>>
    %dma_wait3A_142 = tpu.memref_squeeze %dma_wait3A_141 : memref<1x32x768xf32, #tpu.memory_space<vmem>> -> memref<32x768xf32, #tpu.memory_space<vmem>>
    tpu.wait_dma2 semaphore(%dma_wait3A_136 : memref<!tpu.dma_semaphore, #tpu.memory_space<semaphore_mem>>) src(%dma_wait3A_142 : memref<32x768xf32, #tpu.memory_space<vmem>>) dst(%dma_wait3A_138 : memref<32x768xf32, #tpu.memory_space<hbm>>)
    %dma_start3A_143 = arith.constant 4 : i32
    %dma_start3A_144 = arith.constant 0 : i32
    %dma_start3A_145 = arith.constant 0 : i32
    %dma_start3A_146 = arith.constant 0 : i32
    %dma_start3A_147 = arith.constant 0 : i32
    %dma_start3A_148 = tpu.memref_slice %arg6[%dma_start3A_144, %dma_start3A_146, %dma_start3A_147] : memref<4x32x768xf32, #tpu.memory_space<vmem>> -> memref<1x32x768xf32, #tpu.memory_space<vmem>>
    %dma_start3A_149 = tpu.memref_squeeze %dma_start3A_148 : memref<1x32x768xf32, #tpu.memory_space<vmem>> -> memref<32x768xf32, #tpu.memory_space<vmem>>
    %dma_start3A_150 = arith.constant 0 : i32
    %dma_start3A_151 = tpu.memref_slice %arg5[%dma_start3A_143, %dma_start3A_150] : memref<8x32xi32, #tpu.memory_space<vmem>> -> memref<1x32xi32, #tpu.memory_space<vmem>>
    %dma_start3A_152 = tpu.memref_squeeze %dma_start3A_151 : memref<1x32xi32, #tpu.memory_space<vmem>> -> memref<32xi32, #tpu.memory_space<vmem>>
    %dma_start3A_153 = arith.constant 0 : i32
    %dma_start3A_154 = arith.constant 0 : i32
    %dma_start3A_155 = tpu.memref_slice %arg2[%dma_start3A_153, %dma_start3A_154] : memref<30522x768xf32, #tpu.memory_space<hbm>> -> memref<30522x768xf32, #tpu.memory_space<hbm>>
    %dma_start3A_156 = tpu.memref_slice %arg7[%dma_start3A_145] : memref<4x!tpu.dma_semaphore, #tpu.memory_space<semaphore_mem>> -> memref<1x!tpu.dma_semaphore, #tpu.memory_space<semaphore_mem>>
    %dma_start3A_157 = tpu.memref_squeeze %dma_start3A_156 : memref<1x!tpu.dma_semaphore, #tpu.memory_space<semaphore_mem>> -> memref<!tpu.dma_semaphore, #tpu.memory_space<semaphore_mem>>
    tpu.enqueue_indirect_dma source(%dma_start3A_155 : memref<30522x768xf32, #tpu.memory_space<hbm>>) target(%dma_start3A_149 : memref<32x768xf32, #tpu.memory_space<vmem>>) offsets(%dma_start3A_152 : memref<32xi32, #tpu.memory_space<vmem>>) semaphore(%dma_start3A_157 : memref<!tpu.dma_semaphore, #tpu.memory_space<semaphore_mem>>)
    %dma_wait3A_158 = arith.constant 2 : i32
    %dma_wait3A_159 = arith.constant 2 : i32
    %dma_wait3A_160 = arith.constant 2 : i32
    %dma_wait3A_161 = arith.constant 0 : i32
    %dma_wait3A_162 = arith.constant 0 : i32
    %dma_wait3A_163 = tpu.memref_slice %arg6[%dma_wait3A_159, %dma_wait3A_161, %dma_wait3A_162] : memref<4x32x768xf32, #tpu.memory_space<vmem>> -> memref<1x32x768xf32, #tpu.memory_space<vmem>>
    %dma_wait3A_164 = tpu.memref_squeeze %dma_wait3A_163 : memref<1x32x768xf32, #tpu.memory_space<vmem>> -> memref<32x768xf32, #tpu.memory_space<vmem>>
    %dma_wait3A_165 = arith.constant 0 : i32
    %dma_wait3A_166 = tpu.memref_slice %arg5[%dma_wait3A_158, %dma_wait3A_165] : memref<8x32xi32, #tpu.memory_space<vmem>> -> memref<1x32xi32, #tpu.memory_space<vmem>>
    %dma_wait3A_167 = tpu.memref_squeeze %dma_wait3A_166 : memref<1x32xi32, #tpu.memory_space<vmem>> -> memref<32xi32, #tpu.memory_space<vmem>>
    %dma_wait3A_168 = arith.constant 0 : i32
    %dma_wait3A_169 = arith.constant 0 : i32
    %dma_wait3A_170 = tpu.memref_slice %arg2[%dma_wait3A_168, %dma_wait3A_169] : memref<30522x768xf32, #tpu.memory_space<hbm>> -> memref<30522x768xf32, #tpu.memory_space<hbm>>
    %dma_wait3A_171 = tpu.memref_slice %arg7[%dma_wait3A_160] : memref<4x!tpu.dma_semaphore, #tpu.memory_space<semaphore_mem>> -> memref<1x!tpu.dma_semaphore, #tpu.memory_space<semaphore_mem>>
    %dma_wait3A_172 = tpu.memref_squeeze %dma_wait3A_171 : memref<1x!tpu.dma_semaphore, #tpu.memory_space<semaphore_mem>> -> memref<!tpu.dma_semaphore, #tpu.memory_space<semaphore_mem>>
    tpu.wait_indirect_dma semaphore(%dma_wait3A_172 : memref<!tpu.dma_semaphore, #tpu.memory_space<semaphore_mem>>) src(%dma_wait3A_170 : memref<30522x768xf32, #tpu.memory_space<hbm>>) dst(%dma_wait3A_164 : memref<32x768xf32, #tpu.memory_space<vmem>>)
    %add3A_173 = arith.constant 64 : i32
    %add3A_174 = arith.addi %mul3A_2, %add3A_173 : i32
    %dma_start3A_175 = arith.constant 2 : i32
    %dma_start3A_176 = arith.constant 2 : i32
    %dma_start3A_177 = arith.constant 0 : i32
    %dma_start3A_178 = arith.constant 0 : i32
    %dma_start3A_179 = tpu.memref_slice %arg6[%dma_start3A_175, %dma_start3A_177, %dma_start3A_178] : memref<4x32x768xf32, #tpu.memory_space<vmem>> -> memref<1x32x768xf32, #tpu.memory_space<vmem>>
    %dma_start3A_180 = tpu.memref_squeeze %dma_start3A_179 : memref<1x32x768xf32, #tpu.memory_space<vmem>> -> memref<32x768xf32, #tpu.memory_space<vmem>>
    %dma_start3A_181 = arith.constant 0 : i32
    %dma_start3A_182 = tpu.memref_slice %arg4[%add3A_174, %dma_start3A_181] : memref<8192x768xf32, #tpu.memory_space<hbm>> -> memref<32x768xf32, #tpu.memory_space<hbm>>
    %dma_start3A_183 = tpu.memref_slice %arg8[%dma_start3A_176] : memref<4x!tpu.dma_semaphore, #tpu.memory_space<semaphore_mem>> -> memref<1x!tpu.dma_semaphore, #tpu.memory_space<semaphore_mem>>
    %dma_start3A_184 = tpu.memref_squeeze %dma_start3A_183 : memref<1x!tpu.dma_semaphore, #tpu.memory_space<semaphore_mem>> -> memref<!tpu.dma_semaphore, #tpu.memory_space<semaphore_mem>>
    %dma_start3A_185 = arith.constant 0 : i32
    %dma_start3A_186 = tpu.memref_slice %arg4[%add3A_174, %dma_start3A_185] : memref<8192x768xf32, #tpu.memory_space<hbm>> -> memref<32x768xf32, #tpu.memory_space<hbm>>
    %dma_start3A_187 = arith.constant 0 : i32
    %dma_start3A_188 = arith.constant 0 : i32
    %dma_start3A_189 = tpu.memref_slice %arg6[%dma_start3A_175, %dma_start3A_187, %dma_start3A_188] : memref<4x32x768xf32, #tpu.memory_space<vmem>> -> memref<1x32x768xf32, #tpu.memory_space<vmem>>
    %dma_start3A_190 = tpu.memref_squeeze %dma_start3A_189 : memref<1x32x768xf32, #tpu.memory_space<vmem>> -> memref<32x768xf32, #tpu.memory_space<vmem>>
    tpu.enqueue_dma source(%dma_start3A_190 : memref<32x768xf32, #tpu.memory_space<vmem>>) target(%dma_start3A_186 : memref<32x768xf32, #tpu.memory_space<hbm>>) target_semaphore(%dma_start3A_184 : memref<!tpu.dma_semaphore, #tpu.memory_space<semaphore_mem>>)
    %dma_wait3A_191 = arith.constant 1 : i32
    %dma_wait3A_192 = arith.constant 1 : i32
    %dma_wait3A_193 = arith.constant 0 : i32
    %dma_wait3A_194 = arith.constant 0 : i32
    %dma_wait3A_195 = tpu.memref_slice %arg6[%dma_wait3A_191, %dma_wait3A_193, %dma_wait3A_194] : memref<4x32x768xf32, #tpu.memory_space<vmem>> -> memref<1x32x768xf32, #tpu.memory_space<vmem>>
    %dma_wait3A_196 = tpu.memref_squeeze %dma_wait3A_195 : memref<1x32x768xf32, #tpu.memory_space<vmem>> -> memref<32x768xf32, #tpu.memory_space<vmem>>
    %dma_wait3A_197 = arith.constant 0 : i32
    %dma_wait3A_198 = tpu.memref_slice %arg4[%add3A_110, %dma_wait3A_197] : memref<8192x768xf32, #tpu.memory_space<hbm>> -> memref<32x768xf32, #tpu.memory_space<hbm>>
    %dma_wait3A_199 = tpu.memref_slice %arg8[%dma_wait3A_192] : memref<4x!tpu.dma_semaphore, #tpu.memory_space<semaphore_mem>> -> memref<1x!tpu.dma_semaphore, #tpu.memory_space<semaphore_mem>>
    %dma_wait3A_200 = tpu.memref_squeeze %dma_wait3A_199 : memref<1x!tpu.dma_semaphore, #tpu.memory_space<semaphore_mem>> -> memref<!tpu.dma_semaphore, #tpu.memory_space<semaphore_mem>>
    %dma_wait3A_201 = arith.constant 0 : i32
    %dma_wait3A_202 = tpu.memref_slice %arg4[%add3A_110, %dma_wait3A_201] : memref<8192x768xf32, #tpu.memory_space<hbm>> -> memref<32x768xf32, #tpu.memory_space<hbm>>
    %dma_wait3A_203 = arith.constant 0 : i32
    %dma_wait3A_204 = arith.constant 0 : i32
    %dma_wait3A_205 = tpu.memref_slice %arg6[%dma_wait3A_191, %dma_wait3A_203, %dma_wait3A_204] : memref<4x32x768xf32, #tpu.memory_space<vmem>> -> memref<1x32x768xf32, #tpu.memory_space<vmem>>
    %dma_wait3A_206 = tpu.memref_squeeze %dma_wait3A_205 : memref<1x32x768xf32, #tpu.memory_space<vmem>> -> memref<32x768xf32, #tpu.memory_space<vmem>>
    tpu.wait_dma2 semaphore(%dma_wait3A_200 : memref<!tpu.dma_semaphore, #tpu.memory_space<semaphore_mem>>) src(%dma_wait3A_206 : memref<32x768xf32, #tpu.memory_space<vmem>>) dst(%dma_wait3A_202 : memref<32x768xf32, #tpu.memory_space<hbm>>)
    %dma_start3A_207 = arith.constant 5 : i32
    %dma_start3A_208 = arith.constant 1 : i32
    %dma_start3A_209 = arith.constant 1 : i32
    %dma_start3A_210 = arith.constant 0 : i32
    %dma_start3A_211 = arith.constant 0 : i32
    %dma_start3A_212 = tpu.memref_slice %arg6[%dma_start3A_208, %dma_start3A_210, %dma_start3A_211] : memref<4x32x768xf32, #tpu.memory_space<vmem>> -> memref<1x32x768xf32, #tpu.memory_space<vmem>>
    %dma_start3A_213 = tpu.memref_squeeze %dma_start3A_212 : memref<1x32x768xf32, #tpu.memory_space<vmem>> -> memref<32x768xf32, #tpu.memory_space<vmem>>
    %dma_start3A_214 = arith.constant 0 : i32
    %dma_start3A_215 = tpu.memref_slice %arg5[%dma_start3A_207, %dma_start3A_214] : memref<8x32xi32, #tpu.memory_space<vmem>> -> memref<1x32xi32, #tpu.memory_space<vmem>>
    %dma_start3A_216 = tpu.memref_squeeze %dma_start3A_215 : memref<1x32xi32, #tpu.memory_space<vmem>> -> memref<32xi32, #tpu.memory_space<vmem>>
    %dma_start3A_217 = arith.constant 0 : i32
    %dma_start3A_218 = arith.constant 0 : i32
    %dma_start3A_219 = tpu.memref_slice %arg2[%dma_start3A_217, %dma_start3A_218] : memref<30522x768xf32, #tpu.memory_space<hbm>> -> memref<30522x768xf32, #tpu.memory_space<hbm>>
    %dma_start3A_220 = tpu.memref_slice %arg7[%dma_start3A_209] : memref<4x!tpu.dma_semaphore, #tpu.memory_space<semaphore_mem>> -> memref<1x!tpu.dma_semaphore, #tpu.memory_space<semaphore_mem>>
    %dma_start3A_221 = tpu.memref_squeeze %dma_start3A_220 : memref<1x!tpu.dma_semaphore, #tpu.memory_space<semaphore_mem>> -> memref<!tpu.dma_semaphore, #tpu.memory_space<semaphore_mem>>
    tpu.enqueue_indirect_dma source(%dma_start3A_219 : memref<30522x768xf32, #tpu.memory_space<hbm>>) target(%dma_start3A_213 : memref<32x768xf32, #tpu.memory_space<vmem>>) offsets(%dma_start3A_216 : memref<32xi32, #tpu.memory_space<vmem>>) semaphore(%dma_start3A_221 : memref<!tpu.dma_semaphore, #tpu.memory_space<semaphore_mem>>)
    %dma_wait3A_222 = arith.constant 3 : i32
    %dma_wait3A_223 = arith.constant 3 : i32
    %dma_wait3A_224 = arith.constant 3 : i32
    %dma_wait3A_225 = arith.constant 0 : i32
    %dma_wait3A_226 = arith.constant 0 : i32
    %dma_wait3A_227 = tpu.memref_slice %arg6[%dma_wait3A_223, %dma_wait3A_225, %dma_wait3A_226] : memref<4x32x768xf32, #tpu.memory_space<vmem>> -> memref<1x32x768xf32, #tpu.memory_space<vmem>>
    %dma_wait3A_228 = tpu.memref_squeeze %dma_wait3A_227 : memref<1x32x768xf32, #tpu.memory_space<vmem>> -> memref<32x768xf32, #tpu.memory_space<vmem>>
    %dma_wait3A_229 = arith.constant 0 : i32
    %dma_wait3A_230 = tpu.memref_slice %arg5[%dma_wait3A_222, %dma_wait3A_229] : memref<8x32xi32, #tpu.memory_space<vmem>> -> memref<1x32xi32, #tpu.memory_space<vmem>>
    %dma_wait3A_231 = tpu.memref_squeeze %dma_wait3A_230 : memref<1x32xi32, #tpu.memory_space<vmem>> -> memref<32xi32, #tpu.memory_space<vmem>>
    %dma_wait3A_232 = arith.constant 0 : i32
    %dma_wait3A_233 = arith.constant 0 : i32
    %dma_wait3A_234 = tpu.memref_slice %arg2[%dma_wait3A_232, %dma_wait3A_233] : memref<30522x768xf32, #tpu.memory_space<hbm>> -> memref<30522x768xf32, #tpu.memory_space<hbm>>
    %dma_wait3A_235 = tpu.memref_slice %arg7[%dma_wait3A_224] : memref<4x!tpu.dma_semaphore, #tpu.memory_space<semaphore_mem>> -> memref<1x!tpu.dma_semaphore, #tpu.memory_space<semaphore_mem>>
    %dma_wait3A_236 = tpu.memref_squeeze %dma_wait3A_235 : memref<1x!tpu.dma_semaphore, #tpu.memory_space<semaphore_mem>> -> memref<!tpu.dma_semaphore, #tpu.memory_space<semaphore_mem>>
    tpu.wait_indirect_dma semaphore(%dma_wait3A_236 : memref<!tpu.dma_semaphore, #tpu.memory_space<semaphore_mem>>) src(%dma_wait3A_234 : memref<30522x768xf32, #tpu.memory_space<hbm>>) dst(%dma_wait3A_228 : memref<32x768xf32, #tpu.memory_space<vmem>>)
    %add3A_237 = arith.constant 96 : i32
    %add3A_238 = arith.addi %mul3A_2, %add3A_237 : i32
    %dma_start3A_239 = arith.constant 3 : i32
    %dma_start3A_240 = arith.constant 3 : i32
    %dma_start3A_241 = arith.constant 0 : i32
    %dma_start3A_242 = arith.constant 0 : i32
    %dma_start3A_243 = tpu.memref_slice %arg6[%dma_start3A_239, %dma_start3A_241, %dma_start3A_242] : memref<4x32x768xf32, #tpu.memory_space<vmem>> -> memref<1x32x768xf32, #tpu.memory_space<vmem>>
    %dma_start3A_244 = tpu.memref_squeeze %dma_start3A_243 : memref<1x32x768xf32, #tpu.memory_space<vmem>> -> memref<32x768xf32, #tpu.memory_space<vmem>>
    %dma_start3A_245 = arith.constant 0 : i32
    %dma_start3A_246 = tpu.memref_slice %arg4[%add3A_238, %dma_start3A_245] : memref<8192x768xf32, #tpu.memory_space<hbm>> -> memref<32x768xf32, #tpu.memory_space<hbm>>
    %dma_start3A_247 = tpu.memref_slice %arg8[%dma_start3A_240] : memref<4x!tpu.dma_semaphore, #tpu.memory_space<semaphore_mem>> -> memref<1x!tpu.dma_semaphore, #tpu.memory_space<semaphore_mem>>
    %dma_start3A_248 = tpu.memref_squeeze %dma_start3A_247 : memref<1x!tpu.dma_semaphore, #tpu.memory_space<semaphore_mem>> -> memref<!tpu.dma_semaphore, #tpu.memory_space<semaphore_mem>>
    %dma_start3A_249 = arith.constant 0 : i32
    %dma_start3A_250 = tpu.memref_slice %arg4[%add3A_238, %dma_start3A_249] : memref<8192x768xf32, #tpu.memory_space<hbm>> -> memref<32x768xf32, #tpu.memory_space<hbm>>
    %dma_start3A_251 = arith.constant 0 : i32
    %dma_start3A_252 = arith.constant 0 : i32
    %dma_start3A_253 = tpu.memref_slice %arg6[%dma_start3A_239, %dma_start3A_251, %dma_start3A_252] : memref<4x32x768xf32, #tpu.memory_space<vmem>> -> memref<1x32x768xf32, #tpu.memory_space<vmem>>
    %dma_start3A_254 = tpu.memref_squeeze %dma_start3A_253 : memref<1x32x768xf32, #tpu.memory_space<vmem>> -> memref<32x768xf32, #tpu.memory_space<vmem>>
    tpu.enqueue_dma source(%dma_start3A_254 : memref<32x768xf32, #tpu.memory_space<vmem>>) target(%dma_start3A_250 : memref<32x768xf32, #tpu.memory_space<hbm>>) target_semaphore(%dma_start3A_248 : memref<!tpu.dma_semaphore, #tpu.memory_space<semaphore_mem>>)
    %dma_wait3A_255 = arith.constant 2 : i32
    %dma_wait3A_256 = arith.constant 2 : i32
    %dma_wait3A_257 = arith.constant 0 : i32
    %dma_wait3A_258 = arith.constant 0 : i32
    %dma_wait3A_259 = tpu.memref_slice %arg6[%dma_wait3A_255, %dma_wait3A_257, %dma_wait3A_258] : memref<4x32x768xf32, #tpu.memory_space<vmem>> -> memref<1x32x768xf32, #tpu.memory_space<vmem>>
    %dma_wait3A_260 = tpu.memref_squeeze %dma_wait3A_259 : memref<1x32x768xf32, #tpu.memory_space<vmem>> -> memref<32x768xf32, #tpu.memory_space<vmem>>
    %dma_wait3A_261 = arith.constant 0 : i32
    %dma_wait3A_262 = tpu.memref_slice %arg4[%add3A_174, %dma_wait3A_261] : memref<8192x768xf32, #tpu.memory_space<hbm>> -> memref<32x768xf32, #tpu.memory_space<hbm>>
    %dma_wait3A_263 = tpu.memref_slice %arg8[%dma_wait3A_256] : memref<4x!tpu.dma_semaphore, #tpu.memory_space<semaphore_mem>> -> memref<1x!tpu.dma_semaphore, #tpu.memory_space<semaphore_mem>>
    %dma_wait3A_264 = tpu.memref_squeeze %dma_wait3A_263 : memref<1x!tpu.dma_semaphore, #tpu.memory_space<semaphore_mem>> -> memref<!tpu.dma_semaphore, #tpu.memory_space<semaphore_mem>>
    %dma_wait3A_265 = arith.constant 0 : i32
    %dma_wait3A_266 = tpu.memref_slice %arg4[%add3A_174, %dma_wait3A_265] : memref<8192x768xf32, #tpu.memory_space<hbm>> -> memref<32x768xf32, #tpu.memory_space<hbm>>
    %dma_wait3A_267 = arith.constant 0 : i32
    %dma_wait3A_268 = arith.constant 0 : i32
    %dma_wait3A_269 = tpu.memref_slice %arg6[%dma_wait3A_255, %dma_wait3A_267, %dma_wait3A_268] : memref<4x32x768xf32, #tpu.memory_space<vmem>> -> memref<1x32x768xf32, #tpu.memory_space<vmem>>
    %dma_wait3A_270 = tpu.memref_squeeze %dma_wait3A_269 : memref<1x32x768xf32, #tpu.memory_space<vmem>> -> memref<32x768xf32, #tpu.memory_space<vmem>>
    tpu.wait_dma2 semaphore(%dma_wait3A_264 : memref<!tpu.dma_semaphore, #tpu.memory_space<semaphore_mem>>) src(%dma_wait3A_270 : memref<32x768xf32, #tpu.memory_space<vmem>>) dst(%dma_wait3A_266 : memref<32x768xf32, #tpu.memory_space<hbm>>)
    %dma_start3A_271 = arith.constant 6 : i32
    %dma_start3A_272 = arith.constant 2 : i32
    %dma_start3A_273 = arith.constant 2 : i32
    %dma_start3A_274 = arith.constant 0 : i32
    %dma_start3A_275 = arith.constant 0 : i32
    %dma_start3A_276 = tpu.memref_slice %arg6[%dma_start3A_272, %dma_start3A_274, %dma_start3A_275] : memref<4x32x768xf32, #tpu.memory_space<vmem>> -> memref<1x32x768xf32, #tpu.memory_space<vmem>>
    %dma_start3A_277 = tpu.memref_squeeze %dma_start3A_276 : memref<1x32x768xf32, #tpu.memory_space<vmem>> -> memref<32x768xf32, #tpu.memory_space<vmem>>
    %dma_start3A_278 = arith.constant 0 : i32
    %dma_start3A_279 = tpu.memref_slice %arg5[%dma_start3A_271, %dma_start3A_278] : memref<8x32xi32, #tpu.memory_space<vmem>> -> memref<1x32xi32, #tpu.memory_space<vmem>>
    %dma_start3A_280 = tpu.memref_squeeze %dma_start3A_279 : memref<1x32xi32, #tpu.memory_space<vmem>> -> memref<32xi32, #tpu.memory_space<vmem>>
    %dma_start3A_281 = arith.constant 0 : i32
    %dma_start3A_282 = arith.constant 0 : i32
    %dma_start3A_283 = tpu.memref_slice %arg2[%dma_start3A_281, %dma_start3A_282] : memref<30522x768xf32, #tpu.memory_space<hbm>> -> memref<30522x768xf32, #tpu.memory_space<hbm>>
    %dma_start3A_284 = tpu.memref_slice %arg7[%dma_start3A_273] : memref<4x!tpu.dma_semaphore, #tpu.memory_space<semaphore_mem>> -> memref<1x!tpu.dma_semaphore, #tpu.memory_space<semaphore_mem>>
    %dma_start3A_285 = tpu.memref_squeeze %dma_start3A_284 : memref<1x!tpu.dma_semaphore, #tpu.memory_space<semaphore_mem>> -> memref<!tpu.dma_semaphore, #tpu.memory_space<semaphore_mem>>
    tpu.enqueue_indirect_dma source(%dma_start3A_283 : memref<30522x768xf32, #tpu.memory_space<hbm>>) target(%dma_start3A_277 : memref<32x768xf32, #tpu.memory_space<vmem>>) offsets(%dma_start3A_280 : memref<32xi32, #tpu.memory_space<vmem>>) semaphore(%dma_start3A_285 : memref<!tpu.dma_semaphore, #tpu.memory_space<semaphore_mem>>)
    %dma_wait3A_286 = arith.constant 4 : i32
    %dma_wait3A_287 = arith.constant 0 : i32
    %dma_wait3A_288 = arith.constant 0 : i32
    %dma_wait3A_289 = arith.constant 0 : i32
    %dma_wait3A_290 = arith.constant 0 : i32
    %dma_wait3A_291 = tpu.memref_slice %arg6[%dma_wait3A_287, %dma_wait3A_289, %dma_wait3A_290] : memref<4x32x768xf32, #tpu.memory_space<vmem>> -> memref<1x32x768xf32, #tpu.memory_space<vmem>>
    %dma_wait3A_292 = tpu.memref_squeeze %dma_wait3A_291 : memref<1x32x768xf32, #tpu.memory_space<vmem>> -> memref<32x768xf32, #tpu.memory_space<vmem>>
    %dma_wait3A_293 = arith.constant 0 : i32
    %dma_wait3A_294 = tpu.memref_slice %arg5[%dma_wait3A_286, %dma_wait3A_293] : memref<8x32xi32, #tpu.memory_space<vmem>> -> memref<1x32xi32, #tpu.memory_space<vmem>>
    %dma_wait3A_295 = tpu.memref_squeeze %dma_wait3A_294 : memref<1x32xi32, #tpu.memory_space<vmem>> -> memref<32xi32, #tpu.memory_space<vmem>>
    %dma_wait3A_296 = arith.constant 0 : i32
    %dma_wait3A_297 = arith.constant 0 : i32
    %dma_wait3A_298 = tpu.memref_slice %arg2[%dma_wait3A_296, %dma_wait3A_297] : memref<30522x768xf32, #tpu.memory_space<hbm>> -> memref<30522x768xf32, #tpu.memory_space<hbm>>
    %dma_wait3A_299 = tpu.memref_slice %arg7[%dma_wait3A_288] : memref<4x!tpu.dma_semaphore, #tpu.memory_space<semaphore_mem>> -> memref<1x!tpu.dma_semaphore, #tpu.memory_space<semaphore_mem>>
    %dma_wait3A_300 = tpu.memref_squeeze %dma_wait3A_299 : memref<1x!tpu.dma_semaphore, #tpu.memory_space<semaphore_mem>> -> memref<!tpu.dma_semaphore, #tpu.memory_space<semaphore_mem>>
    tpu.wait_indirect_dma semaphore(%dma_wait3A_300 : memref<!tpu.dma_semaphore, #tpu.memory_space<semaphore_mem>>) src(%dma_wait3A_298 : memref<30522x768xf32, #tpu.memory_space<hbm>>) dst(%dma_wait3A_292 : memref<32x768xf32, #tpu.memory_space<vmem>>)
    %add3A_301 = arith.constant 128 : i32
    %add3A_302 = arith.addi %mul3A_2, %add3A_301 : i32
    %dma_start3A_303 = arith.constant 0 : i32
    %dma_start3A_304 = arith.constant 0 : i32
    %dma_start3A_305 = arith.constant 0 : i32
    %dma_start3A_306 = arith.constant 0 : i32
    %dma_start3A_307 = tpu.memref_slice %arg6[%dma_start3A_303, %dma_start3A_305, %dma_start3A_306] : memref<4x32x768xf32, #tpu.memory_space<vmem>> -> memref<1x32x768xf32, #tpu.memory_space<vmem>>
    %dma_start3A_308 = tpu.memref_squeeze %dma_start3A_307 : memref<1x32x768xf32, #tpu.memory_space<vmem>> -> memref<32x768xf32, #tpu.memory_space<vmem>>
    %dma_start3A_309 = arith.constant 0 : i32
    %dma_start3A_310 = tpu.memref_slice %arg4[%add3A_302, %dma_start3A_309] : memref<8192x768xf32, #tpu.memory_space<hbm>> -> memref<32x768xf32, #tpu.memory_space<hbm>>
    %dma_start3A_311 = tpu.memref_slice %arg8[%dma_start3A_304] : memref<4x!tpu.dma_semaphore, #tpu.memory_space<semaphore_mem>> -> memref<1x!tpu.dma_semaphore, #tpu.memory_space<semaphore_mem>>
    %dma_start3A_312 = tpu.memref_squeeze %dma_start3A_311 : memref<1x!tpu.dma_semaphore, #tpu.memory_space<semaphore_mem>> -> memref<!tpu.dma_semaphore, #tpu.memory_space<semaphore_mem>>
    %dma_start3A_313 = arith.constant 0 : i32
    %dma_start3A_314 = tpu.memref_slice %arg4[%add3A_302, %dma_start3A_313] : memref<8192x768xf32, #tpu.memory_space<hbm>> -> memref<32x768xf32, #tpu.memory_space<hbm>>
    %dma_start3A_315 = arith.constant 0 : i32
    %dma_start3A_316 = arith.constant 0 : i32
    %dma_start3A_317 = tpu.memref_slice %arg6[%dma_start3A_303, %dma_start3A_315, %dma_start3A_316] : memref<4x32x768xf32, #tpu.memory_space<vmem>> -> memref<1x32x768xf32, #tpu.memory_space<vmem>>
    %dma_start3A_318 = tpu.memref_squeeze %dma_start3A_317 : memref<1x32x768xf32, #tpu.memory_space<vmem>> -> memref<32x768xf32, #tpu.memory_space<vmem>>
    tpu.enqueue_dma source(%dma_start3A_318 : memref<32x768xf32, #tpu.memory_space<vmem>>) target(%dma_start3A_314 : memref<32x768xf32, #tpu.memory_space<hbm>>) target_semaphore(%dma_start3A_312 : memref<!tpu.dma_semaphore, #tpu.memory_space<semaphore_mem>>)
    %dma_wait3A_319 = arith.constant 3 : i32
    %dma_wait3A_320 = arith.constant 3 : i32
    %dma_wait3A_321 = arith.constant 0 : i32
    %dma_wait3A_322 = arith.constant 0 : i32
    %dma_wait3A_323 = tpu.memref_slice %arg6[%dma_wait3A_319, %dma_wait3A_321, %dma_wait3A_322] : memref<4x32x768xf32, #tpu.memory_space<vmem>> -> memref<1x32x768xf32, #tpu.memory_space<vmem>>
    %dma_wait3A_324 = tpu.memref_squeeze %dma_wait3A_323 : memref<1x32x768xf32, #tpu.memory_space<vmem>> -> memref<32x768xf32, #tpu.memory_space<vmem>>
    %dma_wait3A_325 = arith.constant 0 : i32
    %dma_wait3A_326 = tpu.memref_slice %arg4[%add3A_238, %dma_wait3A_325] : memref<8192x768xf32, #tpu.memory_space<hbm>> -> memref<32x768xf32, #tpu.memory_space<hbm>>
    %dma_wait3A_327 = tpu.memref_slice %arg8[%dma_wait3A_320] : memref<4x!tpu.dma_semaphore, #tpu.memory_space<semaphore_mem>> -> memref<1x!tpu.dma_semaphore, #tpu.memory_space<semaphore_mem>>
    %dma_wait3A_328 = tpu.memref_squeeze %dma_wait3A_327 : memref<1x!tpu.dma_semaphore, #tpu.memory_space<semaphore_mem>> -> memref<!tpu.dma_semaphore, #tpu.memory_space<semaphore_mem>>
    %dma_wait3A_329 = arith.constant 0 : i32
    %dma_wait3A_330 = tpu.memref_slice %arg4[%add3A_238, %dma_wait3A_329] : memref<8192x768xf32, #tpu.memory_space<hbm>> -> memref<32x768xf32, #tpu.memory_space<hbm>>
    %dma_wait3A_331 = arith.constant 0 : i32
    %dma_wait3A_332 = arith.constant 0 : i32
    %dma_wait3A_333 = tpu.memref_slice %arg6[%dma_wait3A_319, %dma_wait3A_331, %dma_wait3A_332] : memref<4x32x768xf32, #tpu.memory_space<vmem>> -> memref<1x32x768xf32, #tpu.memory_space<vmem>>
    %dma_wait3A_334 = tpu.memref_squeeze %dma_wait3A_333 : memref<1x32x768xf32, #tpu.memory_space<vmem>> -> memref<32x768xf32, #tpu.memory_space<vmem>>
    tpu.wait_dma2 semaphore(%dma_wait3A_328 : memref<!tpu.dma_semaphore, #tpu.memory_space<semaphore_mem>>) src(%dma_wait3A_334 : memref<32x768xf32, #tpu.memory_space<vmem>>) dst(%dma_wait3A_330 : memref<32x768xf32, #tpu.memory_space<hbm>>)
    %dma_start3A_335 = arith.constant 7 : i32
    %dma_start3A_336 = arith.constant 3 : i32
    %dma_start3A_337 = arith.constant 3 : i32
    %dma_start3A_338 = arith.constant 0 : i32
    %dma_start3A_339 = arith.constant 0 : i32
    %dma_start3A_340 = tpu.memref_slice %arg6[%dma_start3A_336, %dma_start3A_338, %dma_start3A_339] : memref<4x32x768xf32, #tpu.memory_space<vmem>> -> memref<1x32x768xf32, #tpu.memory_space<vmem>>
    %dma_start3A_341 = tpu.memref_squeeze %dma_start3A_340 : memref<1x32x768xf32, #tpu.memory_space<vmem>> -> memref<32x768xf32, #tpu.memory_space<vmem>>
    %dma_start3A_342 = arith.constant 0 : i32
    %dma_start3A_343 = tpu.memref_slice %arg5[%dma_start3A_335, %dma_start3A_342] : memref<8x32xi32, #tpu.memory_space<vmem>> -> memref<1x32xi32, #tpu.memory_space<vmem>>
    %dma_start3A_344 = tpu.memref_squeeze %dma_start3A_343 : memref<1x32xi32, #tpu.memory_space<vmem>> -> memref<32xi32, #tpu.memory_space<vmem>>
    %dma_start3A_345 = arith.constant 0 : i32
    %dma_start3A_346 = arith.constant 0 : i32
    %dma_start3A_347 = tpu.memref_slice %arg2[%dma_start3A_345, %dma_start3A_346] : memref<30522x768xf32, #tpu.memory_space<hbm>> -> memref<30522x768xf32, #tpu.memory_space<hbm>>
    %dma_start3A_348 = tpu.memref_slice %arg7[%dma_start3A_337] : memref<4x!tpu.dma_semaphore, #tpu.memory_space<semaphore_mem>> -> memref<1x!tpu.dma_semaphore, #tpu.memory_space<semaphore_mem>>
    %dma_start3A_349 = tpu.memref_squeeze %dma_start3A_348 : memref<1x!tpu.dma_semaphore, #tpu.memory_space<semaphore_mem>> -> memref<!tpu.dma_semaphore, #tpu.memory_space<semaphore_mem>>
    tpu.enqueue_indirect_dma source(%dma_start3A_347 : memref<30522x768xf32, #tpu.memory_space<hbm>>) target(%dma_start3A_341 : memref<32x768xf32, #tpu.memory_space<vmem>>) offsets(%dma_start3A_344 : memref<32xi32, #tpu.memory_space<vmem>>) semaphore(%dma_start3A_349 : memref<!tpu.dma_semaphore, #tpu.memory_space<semaphore_mem>>)
    %dma_wait3A_350 = arith.constant 5 : i32
    %dma_wait3A_351 = arith.constant 1 : i32
    %dma_wait3A_352 = arith.constant 1 : i32
    %dma_wait3A_353 = arith.constant 0 : i32
    %dma_wait3A_354 = arith.constant 0 : i32
    %dma_wait3A_355 = tpu.memref_slice %arg6[%dma_wait3A_351, %dma_wait3A_353, %dma_wait3A_354] : memref<4x32x768xf32, #tpu.memory_space<vmem>> -> memref<1x32x768xf32, #tpu.memory_space<vmem>>
    %dma_wait3A_356 = tpu.memref_squeeze %dma_wait3A_355 : memref<1x32x768xf32, #tpu.memory_space<vmem>> -> memref<32x768xf32, #tpu.memory_space<vmem>>
    %dma_wait3A_357 = arith.constant 0 : i32
    %dma_wait3A_358 = tpu.memref_slice %arg5[%dma_wait3A_350, %dma_wait3A_357] : memref<8x32xi32, #tpu.memory_space<vmem>> -> memref<1x32xi32, #tpu.memory_space<vmem>>
    %dma_wait3A_359 = tpu.memref_squeeze %dma_wait3A_358 : memref<1x32xi32, #tpu.memory_space<vmem>> -> memref<32xi32, #tpu.memory_space<vmem>>
    %dma_wait3A_360 = arith.constant 0 : i32
    %dma_wait3A_361 = arith.constant 0 : i32
    %dma_wait3A_362 = tpu.memref_slice %arg2[%dma_wait3A_360, %dma_wait3A_361] : memref<30522x768xf32, #tpu.memory_space<hbm>> -> memref<30522x768xf32, #tpu.memory_space<hbm>>
    %dma_wait3A_363 = tpu.memref_slice %arg7[%dma_wait3A_352] : memref<4x!tpu.dma_semaphore, #tpu.memory_space<semaphore_mem>> -> memref<1x!tpu.dma_semaphore, #tpu.memory_space<semaphore_mem>>
    %dma_wait3A_364 = tpu.memref_squeeze %dma_wait3A_363 : memref<1x!tpu.dma_semaphore, #tpu.memory_space<semaphore_mem>> -> memref<!tpu.dma_semaphore, #tpu.memory_space<semaphore_mem>>
    tpu.wait_indirect_dma semaphore(%dma_wait3A_364 : memref<!tpu.dma_semaphore, #tpu.memory_space<semaphore_mem>>) src(%dma_wait3A_362 : memref<30522x768xf32, #tpu.memory_space<hbm>>) dst(%dma_wait3A_356 : memref<32x768xf32, #tpu.memory_space<vmem>>)
    %add3A_365 = arith.constant 160 : i32
    %add3A_366 = arith.addi %mul3A_2, %add3A_365 : i32
    %dma_start3A_367 = arith.constant 1 : i32
    %dma_start3A_368 = arith.constant 1 : i32
    %dma_start3A_369 = arith.constant 0 : i32
    %dma_start3A_370 = arith.constant 0 : i32
    %dma_start3A_371 = tpu.memref_slice %arg6[%dma_start3A_367, %dma_start3A_369, %dma_start3A_370] : memref<4x32x768xf32, #tpu.memory_space<vmem>> -> memref<1x32x768xf32, #tpu.memory_space<vmem>>
    %dma_start3A_372 = tpu.memref_squeeze %dma_start3A_371 : memref<1x32x768xf32, #tpu.memory_space<vmem>> -> memref<32x768xf32, #tpu.memory_space<vmem>>
    %dma_start3A_373 = arith.constant 0 : i32
    %dma_start3A_374 = tpu.memref_slice %arg4[%add3A_366, %dma_start3A_373] : memref<8192x768xf32, #tpu.memory_space<hbm>> -> memref<32x768xf32, #tpu.memory_space<hbm>>
    %dma_start3A_375 = tpu.memref_slice %arg8[%dma_start3A_368] : memref<4x!tpu.dma_semaphore, #tpu.memory_space<semaphore_mem>> -> memref<1x!tpu.dma_semaphore, #tpu.memory_space<semaphore_mem>>
    %dma_start3A_376 = tpu.memref_squeeze %dma_start3A_375 : memref<1x!tpu.dma_semaphore, #tpu.memory_space<semaphore_mem>> -> memref<!tpu.dma_semaphore, #tpu.memory_space<semaphore_mem>>
    %dma_start3A_377 = arith.constant 0 : i32
    %dma_start3A_378 = tpu.memref_slice %arg4[%add3A_366, %dma_start3A_377] : memref<8192x768xf32, #tpu.memory_space<hbm>> -> memref<32x768xf32, #tpu.memory_space<hbm>>
    %dma_start3A_379 = arith.constant 0 : i32
    %dma_start3A_380 = arith.constant 0 : i32
    %dma_start3A_381 = tpu.memref_slice %arg6[%dma_start3A_367, %dma_start3A_379, %dma_start3A_380] : memref<4x32x768xf32, #tpu.memory_space<vmem>> -> memref<1x32x768xf32, #tpu.memory_space<vmem>>
    %dma_start3A_382 = tpu.memref_squeeze %dma_start3A_381 : memref<1x32x768xf32, #tpu.memory_space<vmem>> -> memref<32x768xf32, #tpu.memory_space<vmem>>
    tpu.enqueue_dma source(%dma_start3A_382 : memref<32x768xf32, #tpu.memory_space<vmem>>) target(%dma_start3A_378 : memref<32x768xf32, #tpu.memory_space<hbm>>) target_semaphore(%dma_start3A_376 : memref<!tpu.dma_semaphore, #tpu.memory_space<semaphore_mem>>)
    %dma_wait3A_383 = arith.constant 6 : i32
    %dma_wait3A_384 = arith.constant 2 : i32
    %dma_wait3A_385 = arith.constant 2 : i32
    %dma_wait3A_386 = arith.constant 0 : i32
    %dma_wait3A_387 = arith.constant 0 : i32
    %dma_wait3A_388 = tpu.memref_slice %arg6[%dma_wait3A_384, %dma_wait3A_386, %dma_wait3A_387] : memref<4x32x768xf32, #tpu.memory_space<vmem>> -> memref<1x32x768xf32, #tpu.memory_space<vmem>>
    %dma_wait3A_389 = tpu.memref_squeeze %dma_wait3A_388 : memref<1x32x768xf32, #tpu.memory_space<vmem>> -> memref<32x768xf32, #tpu.memory_space<vmem>>
    %dma_wait3A_390 = arith.constant 0 : i32
    %dma_wait3A_391 = tpu.memref_slice %arg5[%dma_wait3A_383, %dma_wait3A_390] : memref<8x32xi32, #tpu.memory_space<vmem>> -> memref<1x32xi32, #tpu.memory_space<vmem>>
    %dma_wait3A_392 = tpu.memref_squeeze %dma_wait3A_391 : memref<1x32xi32, #tpu.memory_space<vmem>> -> memref<32xi32, #tpu.memory_space<vmem>>
    %dma_wait3A_393 = arith.constant 0 : i32
    %dma_wait3A_394 = arith.constant 0 : i32
    %dma_wait3A_395 = tpu.memref_slice %arg2[%dma_wait3A_393, %dma_wait3A_394] : memref<30522x768xf32, #tpu.memory_space<hbm>> -> memref<30522x768xf32, #tpu.memory_space<hbm>>
    %dma_wait3A_396 = tpu.memref_slice %arg7[%dma_wait3A_385] : memref<4x!tpu.dma_semaphore, #tpu.memory_space<semaphore_mem>> -> memref<1x!tpu.dma_semaphore, #tpu.memory_space<semaphore_mem>>
    %dma_wait3A_397 = tpu.memref_squeeze %dma_wait3A_396 : memref<1x!tpu.dma_semaphore, #tpu.memory_space<semaphore_mem>> -> memref<!tpu.dma_semaphore, #tpu.memory_space<semaphore_mem>>
    tpu.wait_indirect_dma semaphore(%dma_wait3A_397 : memref<!tpu.dma_semaphore, #tpu.memory_space<semaphore_mem>>) src(%dma_wait3A_395 : memref<30522x768xf32, #tpu.memory_space<hbm>>) dst(%dma_wait3A_389 : memref<32x768xf32, #tpu.memory_space<vmem>>)
    %add3A_398 = arith.constant 192 : i32
    %add3A_399 = arith.addi %mul3A_2, %add3A_398 : i32
    %dma_start3A_400 = arith.constant 2 : i32
    %dma_start3A_401 = arith.constant 2 : i32
    %dma_start3A_402 = arith.constant 0 : i32
    %dma_start3A_403 = arith.constant 0 : i32
    %dma_start3A_404 = tpu.memref_slice %arg6[%dma_start3A_400, %dma_start3A_402, %dma_start3A_403] : memref<4x32x768xf32, #tpu.memory_space<vmem>> -> memref<1x32x768xf32, #tpu.memory_space<vmem>>
    %dma_start3A_405 = tpu.memref_squeeze %dma_start3A_404 : memref<1x32x768xf32, #tpu.memory_space<vmem>> -> memref<32x768xf32, #tpu.memory_space<vmem>>
    %dma_start3A_406 = arith.constant 0 : i32
    %dma_start3A_407 = tpu.memref_slice %arg4[%add3A_399, %dma_start3A_406] : memref<8192x768xf32, #tpu.memory_space<hbm>> -> memref<32x768xf32, #tpu.memory_space<hbm>>
    %dma_start3A_408 = tpu.memref_slice %arg8[%dma_start3A_401] : memref<4x!tpu.dma_semaphore, #tpu.memory_space<semaphore_mem>> -> memref<1x!tpu.dma_semaphore, #tpu.memory_space<semaphore_mem>>
    %dma_start3A_409 = tpu.memref_squeeze %dma_start3A_408 : memref<1x!tpu.dma_semaphore, #tpu.memory_space<semaphore_mem>> -> memref<!tpu.dma_semaphore, #tpu.memory_space<semaphore_mem>>
    %dma_start3A_410 = arith.constant 0 : i32
    %dma_start3A_411 = tpu.memref_slice %arg4[%add3A_399, %dma_start3A_410] : memref<8192x768xf32, #tpu.memory_space<hbm>> -> memref<32x768xf32, #tpu.memory_space<hbm>>
    %dma_start3A_412 = arith.constant 0 : i32
    %dma_start3A_413 = arith.constant 0 : i32
    %dma_start3A_414 = tpu.memref_slice %arg6[%dma_start3A_400, %dma_start3A_412, %dma_start3A_413] : memref<4x32x768xf32, #tpu.memory_space<vmem>> -> memref<1x32x768xf32, #tpu.memory_space<vmem>>
    %dma_start3A_415 = tpu.memref_squeeze %dma_start3A_414 : memref<1x32x768xf32, #tpu.memory_space<vmem>> -> memref<32x768xf32, #tpu.memory_space<vmem>>
    tpu.enqueue_dma source(%dma_start3A_415 : memref<32x768xf32, #tpu.memory_space<vmem>>) target(%dma_start3A_411 : memref<32x768xf32, #tpu.memory_space<hbm>>) target_semaphore(%dma_start3A_409 : memref<!tpu.dma_semaphore, #tpu.memory_space<semaphore_mem>>)
    %dma_wait3A_416 = arith.constant 7 : i32
    %dma_wait3A_417 = arith.constant 3 : i32
    %dma_wait3A_418 = arith.constant 3 : i32
    %dma_wait3A_419 = arith.constant 0 : i32
    %dma_wait3A_420 = arith.constant 0 : i32
    %dma_wait3A_421 = tpu.memref_slice %arg6[%dma_wait3A_417, %dma_wait3A_419, %dma_wait3A_420] : memref<4x32x768xf32, #tpu.memory_space<vmem>> -> memref<1x32x768xf32, #tpu.memory_space<vmem>>
    %dma_wait3A_422 = tpu.memref_squeeze %dma_wait3A_421 : memref<1x32x768xf32, #tpu.memory_space<vmem>> -> memref<32x768xf32, #tpu.memory_space<vmem>>
    %dma_wait3A_423 = arith.constant 0 : i32
    %dma_wait3A_424 = tpu.memref_slice %arg5[%dma_wait3A_416, %dma_wait3A_423] : memref<8x32xi32, #tpu.memory_space<vmem>> -> memref<1x32xi32, #tpu.memory_space<vmem>>
    %dma_wait3A_425 = tpu.memref_squeeze %dma_wait3A_424 : memref<1x32xi32, #tpu.memory_space<vmem>> -> memref<32xi32, #tpu.memory_space<vmem>>
    %dma_wait3A_426 = arith.constant 0 : i32
    %dma_wait3A_427 = arith.constant 0 : i32
    %dma_wait3A_428 = tpu.memref_slice %arg2[%dma_wait3A_426, %dma_wait3A_427] : memref<30522x768xf32, #tpu.memory_space<hbm>> -> memref<30522x768xf32, #tpu.memory_space<hbm>>
    %dma_wait3A_429 = tpu.memref_slice %arg7[%dma_wait3A_418] : memref<4x!tpu.dma_semaphore, #tpu.memory_space<semaphore_mem>> -> memref<1x!tpu.dma_semaphore, #tpu.memory_space<semaphore_mem>>
    %dma_wait3A_430 = tpu.memref_squeeze %dma_wait3A_429 : memref<1x!tpu.dma_semaphore, #tpu.memory_space<semaphore_mem>> -> memref<!tpu.dma_semaphore, #tpu.memory_space<semaphore_mem>>
    tpu.wait_indirect_dma semaphore(%dma_wait3A_430 : memref<!tpu.dma_semaphore, #tpu.memory_space<semaphore_mem>>) src(%dma_wait3A_428 : memref<30522x768xf32, #tpu.memory_space<hbm>>) dst(%dma_wait3A_422 : memref<32x768xf32, #tpu.memory_space<vmem>>)
    %add3A_431 = arith.constant 224 : i32
    %add3A_432 = arith.addi %mul3A_2, %add3A_431 : i32
    %dma_start3A_433 = arith.constant 3 : i32
    %dma_start3A_434 = arith.constant 3 : i32
    %dma_start3A_435 = arith.constant 0 : i32
    %dma_start3A_436 = arith.constant 0 : i32
    %dma_start3A_437 = tpu.memref_slice %arg6[%dma_start3A_433, %dma_start3A_435, %dma_start3A_436] : memref<4x32x768xf32, #tpu.memory_space<vmem>> -> memref<1x32x768xf32, #tpu.memory_space<vmem>>
    %dma_start3A_438 = tpu.memref_squeeze %dma_start3A_437 : memref<1x32x768xf32, #tpu.memory_space<vmem>> -> memref<32x768xf32, #tpu.memory_space<vmem>>
    %dma_start3A_439 = arith.constant 0 : i32
    %dma_start3A_440 = tpu.memref_slice %arg4[%add3A_432, %dma_start3A_439] : memref<8192x768xf32, #tpu.memory_space<hbm>> -> memref<32x768xf32, #tpu.memory_space<hbm>>
    %dma_start3A_441 = tpu.memref_slice %arg8[%dma_start3A_434] : memref<4x!tpu.dma_semaphore, #tpu.memory_space<semaphore_mem>> -> memref<1x!tpu.dma_semaphore, #tpu.memory_space<semaphore_mem>>
    %dma_start3A_442 = tpu.memref_squeeze %dma_start3A_441 : memref<1x!tpu.dma_semaphore, #tpu.memory_space<semaphore_mem>> -> memref<!tpu.dma_semaphore, #tpu.memory_space<semaphore_mem>>
    %dma_start3A_443 = arith.constant 0 : i32
    %dma_start3A_444 = tpu.memref_slice %arg4[%add3A_432, %dma_start3A_443] : memref<8192x768xf32, #tpu.memory_space<hbm>> -> memref<32x768xf32, #tpu.memory_space<hbm>>
    %dma_start3A_445 = arith.constant 0 : i32
    %dma_start3A_446 = arith.constant 0 : i32
    %dma_start3A_447 = tpu.memref_slice %arg6[%dma_start3A_433, %dma_start3A_445, %dma_start3A_446] : memref<4x32x768xf32, #tpu.memory_space<vmem>> -> memref<1x32x768xf32, #tpu.memory_space<vmem>>
    %dma_start3A_448 = tpu.memref_squeeze %dma_start3A_447 : memref<1x32x768xf32, #tpu.memory_space<vmem>> -> memref<32x768xf32, #tpu.memory_space<vmem>>
    tpu.enqueue_dma source(%dma_start3A_448 : memref<32x768xf32, #tpu.memory_space<vmem>>) target(%dma_start3A_444 : memref<32x768xf32, #tpu.memory_space<hbm>>) target_semaphore(%dma_start3A_442 : memref<!tpu.dma_semaphore, #tpu.memory_space<semaphore_mem>>)
    %dma_wait3A_449 = arith.constant 0 : i32
    %dma_wait3A_450 = arith.constant 0 : i32
    %dma_wait3A_451 = arith.constant 0 : i32
    %dma_wait3A_452 = arith.constant 0 : i32
    %dma_wait3A_453 = tpu.memref_slice %arg6[%dma_wait3A_449, %dma_wait3A_451, %dma_wait3A_452] : memref<4x32x768xf32, #tpu.memory_space<vmem>> -> memref<1x32x768xf32, #tpu.memory_space<vmem>>
    %dma_wait3A_454 = tpu.memref_squeeze %dma_wait3A_453 : memref<1x32x768xf32, #tpu.memory_space<vmem>> -> memref<32x768xf32, #tpu.memory_space<vmem>>
    %dma_wait3A_455 = arith.constant 0 : i32
    %dma_wait3A_456 = tpu.memref_slice %arg4[%add3A_302, %dma_wait3A_455] : memref<8192x768xf32, #tpu.memory_space<hbm>> -> memref<32x768xf32, #tpu.memory_space<hbm>>
    %dma_wait3A_457 = tpu.memref_slice %arg8[%dma_wait3A_450] : memref<4x!tpu.dma_semaphore, #tpu.memory_space<semaphore_mem>> -> memref<1x!tpu.dma_semaphore, #tpu.memory_space<semaphore_mem>>
    %dma_wait3A_458 = tpu.memref_squeeze %dma_wait3A_457 : memref<1x!tpu.dma_semaphore, #tpu.memory_space<semaphore_mem>> -> memref<!tpu.dma_semaphore, #tpu.memory_space<semaphore_mem>>
    %dma_wait3A_459 = arith.constant 0 : i32
    %dma_wait3A_460 = tpu.memref_slice %arg4[%add3A_302, %dma_wait3A_459] : memref<8192x768xf32, #tpu.memory_space<hbm>> -> memref<32x768xf32, #tpu.memory_space<hbm>>
    %dma_wait3A_461 = arith.constant 0 : i32
    %dma_wait3A_462 = arith.constant 0 : i32
    %dma_wait3A_463 = tpu.memref_slice %arg6[%dma_wait3A_449, %dma_wait3A_461, %dma_wait3A_462] : memref<4x32x768xf32, #tpu.memory_space<vmem>> -> memref<1x32x768xf32, #tpu.memory_space<vmem>>
    %dma_wait3A_464 = tpu.memref_squeeze %dma_wait3A_463 : memref<1x32x768xf32, #tpu.memory_space<vmem>> -> memref<32x768xf32, #tpu.memory_space<vmem>>
    tpu.wait_dma2 semaphore(%dma_wait3A_458 : memref<!tpu.dma_semaphore, #tpu.memory_space<semaphore_mem>>) src(%dma_wait3A_464 : memref<32x768xf32, #tpu.memory_space<vmem>>) dst(%dma_wait3A_460 : memref<32x768xf32, #tpu.memory_space<hbm>>)
    %dma_wait3A_465 = arith.constant 1 : i32
    %dma_wait3A_466 = arith.constant 1 : i32
    %dma_wait3A_467 = arith.constant 0 : i32
    %dma_wait3A_468 = arith.constant 0 : i32
    %dma_wait3A_469 = tpu.memref_slice %arg6[%dma_wait3A_465, %dma_wait3A_467, %dma_wait3A_468] : memref<4x32x768xf32, #tpu.memory_space<vmem>> -> memref<1x32x768xf32, #tpu.memory_space<vmem>>
    %dma_wait3A_470 = tpu.memref_squeeze %dma_wait3A_469 : memref<1x32x768xf32, #tpu.memory_space<vmem>> -> memref<32x768xf32, #tpu.memory_space<vmem>>
    %dma_wait3A_471 = arith.constant 0 : i32
    %dma_wait3A_472 = tpu.memref_slice %arg4[%add3A_366, %dma_wait3A_471] : memref<8192x768xf32, #tpu.memory_space<hbm>> -> memref<32x768xf32, #tpu.memory_space<hbm>>
    %dma_wait3A_473 = tpu.memref_slice %arg8[%dma_wait3A_466] : memref<4x!tpu.dma_semaphore, #tpu.memory_space<semaphore_mem>> -> memref<1x!tpu.dma_semaphore, #tpu.memory_space<semaphore_mem>>
    %dma_wait3A_474 = tpu.memref_squeeze %dma_wait3A_473 : memref<1x!tpu.dma_semaphore, #tpu.memory_space<semaphore_mem>> -> memref<!tpu.dma_semaphore, #tpu.memory_space<semaphore_mem>>
    %dma_wait3A_475 = arith.constant 0 : i32
    %dma_wait3A_476 = tpu.memref_slice %arg4[%add3A_366, %dma_wait3A_475] : memref<8192x768xf32, #tpu.memory_space<hbm>> -> memref<32x768xf32, #tpu.memory_space<hbm>>
    %dma_wait3A_477 = arith.constant 0 : i32
    %dma_wait3A_478 = arith.constant 0 : i32
    %dma_wait3A_479 = tpu.memref_slice %arg6[%dma_wait3A_465, %dma_wait3A_477, %dma_wait3A_478] : memref<4x32x768xf32, #tpu.memory_space<vmem>> -> memref<1x32x768xf32, #tpu.memory_space<vmem>>
    %dma_wait3A_480 = tpu.memref_squeeze %dma_wait3A_479 : memref<1x32x768xf32, #tpu.memory_space<vmem>> -> memref<32x768xf32, #tpu.memory_space<vmem>>
    tpu.wait_dma2 semaphore(%dma_wait3A_474 : memref<!tpu.dma_semaphore, #tpu.memory_space<semaphore_mem>>) src(%dma_wait3A_480 : memref<32x768xf32, #tpu.memory_space<vmem>>) dst(%dma_wait3A_476 : memref<32x768xf32, #tpu.memory_space<hbm>>)
    %dma_wait3A_481 = arith.constant 2 : i32
    %dma_wait3A_482 = arith.constant 2 : i32
    %dma_wait3A_483 = arith.constant 0 : i32
    %dma_wait3A_484 = arith.constant 0 : i32
    %dma_wait3A_485 = tpu.memref_slice %arg6[%dma_wait3A_481, %dma_wait3A_483, %dma_wait3A_484] : memref<4x32x768xf32, #tpu.memory_space<vmem>> -> memref<1x32x768xf32, #tpu.memory_space<vmem>>
    %dma_wait3A_486 = tpu.memref_squeeze %dma_wait3A_485 : memref<1x32x768xf32, #tpu.memory_space<vmem>> -> memref<32x768xf32, #tpu.memory_space<vmem>>
    %dma_wait3A_487 = arith.constant 0 : i32
    %dma_wait3A_488 = tpu.memref_slice %arg4[%add3A_399, %dma_wait3A_487] : memref<8192x768xf32, #tpu.memory_space<hbm>> -> memref<32x768xf32, #tpu.memory_space<hbm>>
    %dma_wait3A_489 = tpu.memref_slice %arg8[%dma_wait3A_482] : memref<4x!tpu.dma_semaphore, #tpu.memory_space<semaphore_mem>> -> memref<1x!tpu.dma_semaphore, #tpu.memory_space<semaphore_mem>>
    %dma_wait3A_490 = tpu.memref_squeeze %dma_wait3A_489 : memref<1x!tpu.dma_semaphore, #tpu.memory_space<semaphore_mem>> -> memref<!tpu.dma_semaphore, #tpu.memory_space<semaphore_mem>>
    %dma_wait3A_491 = arith.constant 0 : i32
    %dma_wait3A_492 = tpu.memref_slice %arg4[%add3A_399, %dma_wait3A_491] : memref<8192x768xf32, #tpu.memory_space<hbm>> -> memref<32x768xf32, #tpu.memory_space<hbm>>
    %dma_wait3A_493 = arith.constant 0 : i32
    %dma_wait3A_494 = arith.constant 0 : i32
    %dma_wait3A_495 = tpu.memref_slice %arg6[%dma_wait3A_481, %dma_wait3A_493, %dma_wait3A_494] : memref<4x32x768xf32, #tpu.memory_space<vmem>> -> memref<1x32x768xf32, #tpu.memory_space<vmem>>
    %dma_wait3A_496 = tpu.memref_squeeze %dma_wait3A_495 : memref<1x32x768xf32, #tpu.memory_space<vmem>> -> memref<32x768xf32, #tpu.memory_space<vmem>>
    tpu.wait_dma2 semaphore(%dma_wait3A_490 : memref<!tpu.dma_semaphore, #tpu.memory_space<semaphore_mem>>) src(%dma_wait3A_496 : memref<32x768xf32, #tpu.memory_space<vmem>>) dst(%dma_wait3A_492 : memref<32x768xf32, #tpu.memory_space<hbm>>)
    %dma_wait3A_497 = arith.constant 3 : i32
    %dma_wait3A_498 = arith.constant 3 : i32
    %dma_wait3A_499 = arith.constant 0 : i32
    %dma_wait3A_500 = arith.constant 0 : i32
    %dma_wait3A_501 = tpu.memref_slice %arg6[%dma_wait3A_497, %dma_wait3A_499, %dma_wait3A_500] : memref<4x32x768xf32, #tpu.memory_space<vmem>> -> memref<1x32x768xf32, #tpu.memory_space<vmem>>
    %dma_wait3A_502 = tpu.memref_squeeze %dma_wait3A_501 : memref<1x32x768xf32, #tpu.memory_space<vmem>> -> memref<32x768xf32, #tpu.memory_space<vmem>>
    %dma_wait3A_503 = arith.constant 0 : i32
    %dma_wait3A_504 = tpu.memref_slice %arg4[%add3A_432, %dma_wait3A_503] : memref<8192x768xf32, #tpu.memory_space<hbm>> -> memref<32x768xf32, #tpu.memory_space<hbm>>
    %dma_wait3A_505 = tpu.memref_slice %arg8[%dma_wait3A_498] : memref<4x!tpu.dma_semaphore, #tpu.memory_space<semaphore_mem>> -> memref<1x!tpu.dma_semaphore, #tpu.memory_space<semaphore_mem>>
    %dma_wait3A_506 = tpu.memref_squeeze %dma_wait3A_505 : memref<1x!tpu.dma_semaphore, #tpu.memory_space<semaphore_mem>> -> memref<!tpu.dma_semaphore, #tpu.memory_space<semaphore_mem>>
    %dma_wait3A_507 = arith.constant 0 : i32
    %dma_wait3A_508 = tpu.memref_slice %arg4[%add3A_432, %dma_wait3A_507] : memref<8192x768xf32, #tpu.memory_space<hbm>> -> memref<32x768xf32, #tpu.memory_space<hbm>>
    %dma_wait3A_509 = arith.constant 0 : i32
    %dma_wait3A_510 = arith.constant 0 : i32
    %dma_wait3A_511 = tpu.memref_slice %arg6[%dma_wait3A_497, %dma_wait3A_509, %dma_wait3A_510] : memref<4x32x768xf32, #tpu.memory_space<vmem>> -> memref<1x32x768xf32, #tpu.memory_space<vmem>>
    %dma_wait3A_512 = tpu.memref_squeeze %dma_wait3A_511 : memref<1x32x768xf32, #tpu.memory_space<vmem>> -> memref<32x768xf32, #tpu.memory_space<vmem>>
    tpu.wait_dma2 semaphore(%dma_wait3A_506 : memref<!tpu.dma_semaphore, #tpu.memory_space<semaphore_mem>>) src(%dma_wait3A_512 : memref<32x768xf32, #tpu.memory_space<vmem>>) dst(%dma_wait3A_508 : memref<32x768xf32, #tpu.memory_space<hbm>>)
    return
  }
}

#map = affine_map<(d0, d1) -> (0, 0)>
#map1 = affine_map<(d0, d1) -> (0, 0, 0)>
module attributes {stable_mosaic.version = 14 : i64} {
  func.func @k(%arg0: i32, %arg1: i32, %arg2: memref<30522x768xf32, #tpu.memory_space<hbm>>, %arg3: memref<32x8x32xi32, #tpu.memory_space<hbm>>, %arg4: memref<8192x768xf32, #tpu.memory_space<hbm>>, %arg5: memref<8x32xi32, #tpu.memory_space<vmem>>, %arg6: memref<4x32x768xf32, #tpu.memory_space<vmem>>, %arg7: memref<4x!tpu.dma_semaphore, #tpu.memory_space<semaphore_mem>>, %arg8: memref<4x!tpu.dma_semaphore, #tpu.memory_space<semaphore_mem>>) attributes {dimension_semantics = [#tpu.dimension_semantics<core_parallel>, #tpu.dimension_semantics<subcore_parallel>], iteration_bounds = array<i64: 2, 16>, scalar_prefetch = 0 : i64, scratch_operands = 4 : i64, tpu.core_type = #tpu.core_type<sc_vector_subcore>, window_params = [{transform_indices = #map}, {transform_indices = #map1}, {transform_indices = #map}]} {
    %mul3A = arith.constant 2 : i32
    %mul3A_0 = arith.muli %arg1, %mul3A : i32
    %add3A = arith.addi %mul3A_0, %arg0 : i32
    "tpu.region"() ({
      %run_scoped3A = tpu.sem_alloc : memref<!tpu.dma_semaphore, #tpu.memory_space<semaphore_mem>>
      %dma_start3A_513 = arith.constant 0 : i32
      %dma_start3A_514 = arith.constant 0 : i32
      %dma_start3A_515 = tpu.memref_slice %arg3[%add3A, %dma_start3A_513, %dma_start3A_514] : memref<32x8x32xi32, #tpu.memory_space<hbm>> -> memref<1x8x32xi32, #tpu.memory_space<hbm>>
      %dma_start3A_516 = tpu.memref_squeeze %dma_start3A_515 : memref<1x8x32xi32, #tpu.memory_space<hbm>> -> memref<8x32xi32, #tpu.memory_space<hbm>>
      %dma_start3A_517 = arith.constant 0 : i32
      %dma_start3A_518 = arith.constant 0 : i32
      %dma_start3A_519 = tpu.memref_slice %arg3[%add3A, %dma_start3A_517, %dma_start3A_518] : memref<32x8x32xi32, #tpu.memory_space<hbm>> -> memref<1x8x32xi32, #tpu.memory_space<hbm>>
      %dma_start3A_520 = tpu.memref_squeeze %dma_start3A_519 : memref<1x8x32xi32, #tpu.memory_space<hbm>> -> memref<8x32xi32, #tpu.memory_space<hbm>>
      tpu.enqueue_dma source(%dma_start3A_520 : memref<8x32xi32, #tpu.memory_space<hbm>>) target(%arg5 : memref<8x32xi32, #tpu.memory_space<vmem>>) target_semaphore(%run_scoped3A : memref<!tpu.dma_semaphore, #tpu.memory_space<semaphore_mem>>)
      %dma_wait3A_521 = arith.constant 0 : i32
      %dma_wait3A_522 = arith.constant 0 : i32
      %dma_wait3A_523 = tpu.memref_slice %arg3[%add3A, %dma_wait3A_521, %dma_wait3A_522] : memref<32x8x32xi32, #tpu.memory_space<hbm>> -> memref<1x8x32xi32, #tpu.memory_space<hbm>>
      %dma_wait3A_524 = tpu.memref_squeeze %dma_wait3A_523 : memref<1x8x32xi32, #tpu.memory_space<hbm>> -> memref<8x32xi32, #tpu.memory_space<hbm>>
      %dma_wait3A_525 = arith.constant 0 : i32
      %dma_wait3A_526 = arith.constant 0 : i32
      %dma_wait3A_527 = tpu.memref_slice %arg3[%add3A, %dma_wait3A_525, %dma_wait3A_526] : memref<32x8x32xi32, #tpu.memory_space<hbm>> -> memref<1x8x32xi32, #tpu.memory_space<hbm>>
      %dma_wait3A_528 = tpu.memref_squeeze %dma_wait3A_527 : memref<1x8x32xi32, #tpu.memory_space<hbm>> -> memref<8x32xi32, #tpu.memory_space<hbm>>
      tpu.wait_dma2 semaphore(%run_scoped3A : memref<!tpu.dma_semaphore, #tpu.memory_space<semaphore_mem>>) src(%dma_wait3A_528 : memref<8x32xi32, #tpu.memory_space<hbm>>) dst(%arg5 : memref<8x32xi32, #tpu.memory_space<vmem>>)
      tpu.yield
    }) : () -> ()
    %mul3A_1 = arith.constant 256 : i32
    %mul3A_2 = arith.muli %add3A, %mul3A_1 : i32
    %dma_start3A = arith.constant 0 : i32
    %dma_start3A_3 = arith.constant 0 : i32
    %dma_start3A_4 = arith.constant 0 : i32
    %dma_start3A_5 = arith.constant 0 : i32
    %dma_start3A_6 = arith.constant 0 : i32
    %dma_start3A_7 = tpu.memref_slice %arg6[%dma_start3A_3, %dma_start3A_5, %dma_start3A_6] : memref<4x32x768xf32, #tpu.memory_space<vmem>> -> memref<1x32x768xf32, #tpu.memory_space<vmem>>
    %dma_start3A_8 = tpu.memref_squeeze %dma_start3A_7 : memref<1x32x768xf32, #tpu.memory_space<vmem>> -> memref<32x768xf32, #tpu.memory_space<vmem>>
    %dma_start3A_9 = arith.constant 0 : i32
    %dma_start3A_10 = tpu.memref_slice %arg5[%dma_start3A, %dma_start3A_9] : memref<8x32xi32, #tpu.memory_space<vmem>> -> memref<1x32xi32, #tpu.memory_space<vmem>>
    %dma_start3A_11 = tpu.memref_squeeze %dma_start3A_10 : memref<1x32xi32, #tpu.memory_space<vmem>> -> memref<32xi32, #tpu.memory_space<vmem>>
    %dma_start3A_12 = arith.constant 0 : i32
    %dma_start3A_13 = arith.constant 0 : i32
    %dma_start3A_14 = tpu.memref_slice %arg2[%dma_start3A_12, %dma_start3A_13] : memref<30522x768xf32, #tpu.memory_space<hbm>> -> memref<30522x768xf32, #tpu.memory_space<hbm>>
    %dma_start3A_15 = tpu.memref_slice %arg7[%dma_start3A_4] : memref<4x!tpu.dma_semaphore, #tpu.memory_space<semaphore_mem>> -> memref<1x!tpu.dma_semaphore, #tpu.memory_space<semaphore_mem>>
    %dma_start3A_16 = tpu.memref_squeeze %dma_start3A_15 : memref<1x!tpu.dma_semaphore, #tpu.memory_space<semaphore_mem>> -> memref<!tpu.dma_semaphore, #tpu.memory_space<semaphore_mem>>
    tpu.enqueue_indirect_dma source(%dma_start3A_14 : memref<30522x768xf32, #tpu.memory_space<hbm>>) target(%dma_start3A_8 : memref<32x768xf32, #tpu.memory_space<vmem>>) offsets(%dma_start3A_11 : memref<32xi32, #tpu.memory_space<vmem>>) semaphore(%dma_start3A_16 : memref<!tpu.dma_semaphore, #tpu.memory_space<semaphore_mem>>)
    %dma_start3A_17 = arith.constant 1 : i32
    %dma_start3A_18 = arith.constant 1 : i32
    %dma_start3A_19 = arith.constant 1 : i32
    %dma_start3A_20 = arith.constant 0 : i32
    %dma_start3A_21 = arith.constant 0 : i32
    %dma_start3A_22 = tpu.memref_slice %arg6[%dma_start3A_18, %dma_start3A_20, %dma_start3A_21] : memref<4x32x768xf32, #tpu.memory_space<vmem>> -> memref<1x32x768xf32, #tpu.memory_space<vmem>>
    %dma_start3A_23 = tpu.memref_squeeze %dma_start3A_22 : memref<1x32x768xf32, #tpu.memory_space<vmem>> -> memref<32x768xf32, #tpu.memory_space<vmem>>
    %dma_start3A_24 = arith.constant 0 : i32
    %dma_start3A_25 = tpu.memref_slice %arg5[%dma_start3A_17, %dma_start3A_24] : memref<8x32xi32, #tpu.memory_space<vmem>> -> memref<1x32xi32, #tpu.memory_space<vmem>>
    %dma_start3A_26 = tpu.memref_squeeze %dma_start3A_25 : memref<1x32xi32, #tpu.memory_space<vmem>> -> memref<32xi32, #tpu.memory_space<vmem>>
    %dma_start3A_27 = arith.constant 0 : i32
    %dma_start3A_28 = arith.constant 0 : i32
    %dma_start3A_29 = tpu.memref_slice %arg2[%dma_start3A_27, %dma_start3A_28] : memref<30522x768xf32, #tpu.memory_space<hbm>> -> memref<30522x768xf32, #tpu.memory_space<hbm>>
    %dma_start3A_30 = tpu.memref_slice %arg7[%dma_start3A_19] : memref<4x!tpu.dma_semaphore, #tpu.memory_space<semaphore_mem>> -> memref<1x!tpu.dma_semaphore, #tpu.memory_space<semaphore_mem>>
    %dma_start3A_31 = tpu.memref_squeeze %dma_start3A_30 : memref<1x!tpu.dma_semaphore, #tpu.memory_space<semaphore_mem>> -> memref<!tpu.dma_semaphore, #tpu.memory_space<semaphore_mem>>
    tpu.enqueue_indirect_dma source(%dma_start3A_29 : memref<30522x768xf32, #tpu.memory_space<hbm>>) target(%dma_start3A_23 : memref<32x768xf32, #tpu.memory_space<vmem>>) offsets(%dma_start3A_26 : memref<32xi32, #tpu.memory_space<vmem>>) semaphore(%dma_start3A_31 : memref<!tpu.dma_semaphore, #tpu.memory_space<semaphore_mem>>)
    %dma_start3A_32 = arith.constant 2 : i32
    %dma_start3A_33 = arith.constant 2 : i32
    %dma_start3A_34 = arith.constant 2 : i32
    %dma_start3A_35 = arith.constant 0 : i32
    %dma_start3A_36 = arith.constant 0 : i32
    %dma_start3A_37 = tpu.memref_slice %arg6[%dma_start3A_33, %dma_start3A_35, %dma_start3A_36] : memref<4x32x768xf32, #tpu.memory_space<vmem>> -> memref<1x32x768xf32, #tpu.memory_space<vmem>>
    %dma_start3A_38 = tpu.memref_squeeze %dma_start3A_37 : memref<1x32x768xf32, #tpu.memory_space<vmem>> -> memref<32x768xf32, #tpu.memory_space<vmem>>
    %dma_start3A_39 = arith.constant 0 : i32
    %dma_start3A_40 = tpu.memref_slice %arg5[%dma_start3A_32, %dma_start3A_39] : memref<8x32xi32, #tpu.memory_space<vmem>> -> memref<1x32xi32, #tpu.memory_space<vmem>>
    %dma_start3A_41 = tpu.memref_squeeze %dma_start3A_40 : memref<1x32xi32, #tpu.memory_space<vmem>> -> memref<32xi32, #tpu.memory_space<vmem>>
    %dma_start3A_42 = arith.constant 0 : i32
    %dma_start3A_43 = arith.constant 0 : i32
    %dma_start3A_44 = tpu.memref_slice %arg2[%dma_start3A_42, %dma_start3A_43] : memref<30522x768xf32, #tpu.memory_space<hbm>> -> memref<30522x768xf32, #tpu.memory_space<hbm>>
    %dma_start3A_45 = tpu.memref_slice %arg7[%dma_start3A_34] : memref<4x!tpu.dma_semaphore, #tpu.memory_space<semaphore_mem>> -> memref<1x!tpu.dma_semaphore, #tpu.memory_space<semaphore_mem>>
    %dma_start3A_46 = tpu.memref_squeeze %dma_start3A_45 : memref<1x!tpu.dma_semaphore, #tpu.memory_space<semaphore_mem>> -> memref<!tpu.dma_semaphore, #tpu.memory_space<semaphore_mem>>
    tpu.enqueue_indirect_dma source(%dma_start3A_44 : memref<30522x768xf32, #tpu.memory_space<hbm>>) target(%dma_start3A_38 : memref<32x768xf32, #tpu.memory_space<vmem>>) offsets(%dma_start3A_41 : memref<32xi32, #tpu.memory_space<vmem>>) semaphore(%dma_start3A_46 : memref<!tpu.dma_semaphore, #tpu.memory_space<semaphore_mem>>)
    %dma_start3A_47 = arith.constant 3 : i32
    %dma_start3A_48 = arith.constant 3 : i32
    %dma_start3A_49 = arith.constant 3 : i32
    %dma_start3A_50 = arith.constant 0 : i32
    %dma_start3A_51 = arith.constant 0 : i32
    %dma_start3A_52 = tpu.memref_slice %arg6[%dma_start3A_48, %dma_start3A_50, %dma_start3A_51] : memref<4x32x768xf32, #tpu.memory_space<vmem>> -> memref<1x32x768xf32, #tpu.memory_space<vmem>>
    %dma_start3A_53 = tpu.memref_squeeze %dma_start3A_52 : memref<1x32x768xf32, #tpu.memory_space<vmem>> -> memref<32x768xf32, #tpu.memory_space<vmem>>
    %dma_start3A_54 = arith.constant 0 : i32
    %dma_start3A_55 = tpu.memref_slice %arg5[%dma_start3A_47, %dma_start3A_54] : memref<8x32xi32, #tpu.memory_space<vmem>> -> memref<1x32xi32, #tpu.memory_space<vmem>>
    %dma_start3A_56 = tpu.memref_squeeze %dma_start3A_55 : memref<1x32xi32, #tpu.memory_space<vmem>> -> memref<32xi32, #tpu.memory_space<vmem>>
    %dma_start3A_57 = arith.constant 0 : i32
    %dma_start3A_58 = arith.constant 0 : i32
    %dma_start3A_59 = tpu.memref_slice %arg2[%dma_start3A_57, %dma_start3A_58] : memref<30522x768xf32, #tpu.memory_space<hbm>> -> memref<30522x768xf32, #tpu.memory_space<hbm>>
    %dma_start3A_60 = tpu.memref_slice %arg7[%dma_start3A_49] : memref<4x!tpu.dma_semaphore, #tpu.memory_space<semaphore_mem>> -> memref<1x!tpu.dma_semaphore, #tpu.memory_space<semaphore_mem>>
    %dma_start3A_61 = tpu.memref_squeeze %dma_start3A_60 : memref<1x!tpu.dma_semaphore, #tpu.memory_space<semaphore_mem>> -> memref<!tpu.dma_semaphore, #tpu.memory_space<semaphore_mem>>
    tpu.enqueue_indirect_dma source(%dma_start3A_59 : memref<30522x768xf32, #tpu.memory_space<hbm>>) target(%dma_start3A_53 : memref<32x768xf32, #tpu.memory_space<vmem>>) offsets(%dma_start3A_56 : memref<32xi32, #tpu.memory_space<vmem>>) semaphore(%dma_start3A_61 : memref<!tpu.dma_semaphore, #tpu.memory_space<semaphore_mem>>)
    %dma_wait3A = arith.constant 0 : i32
    %dma_wait3A_62 = arith.constant 0 : i32
    %dma_wait3A_63 = arith.constant 0 : i32
    %dma_wait3A_64 = arith.constant 0 : i32
    %dma_wait3A_65 = arith.constant 0 : i32
    %dma_wait3A_66 = tpu.memref_slice %arg6[%dma_wait3A_62, %dma_wait3A_64, %dma_wait3A_65] : memref<4x32x768xf32, #tpu.memory_space<vmem>> -> memref<1x32x768xf32, #tpu.memory_space<vmem>>
    %dma_wait3A_67 = tpu.memref_squeeze %dma_wait3A_66 : memref<1x32x768xf32, #tpu.memory_space<vmem>> -> memref<32x768xf32, #tpu.memory_space<vmem>>
    %dma_wait3A_68 = arith.constant 0 : i32
    %dma_wait3A_69 = tpu.memref_slice %arg5[%dma_wait3A, %dma_wait3A_68] : memref<8x32xi32, #tpu.memory_space<vmem>> -> memref<1x32xi32, #tpu.memory_space<vmem>>
    %dma_wait3A_70 = tpu.memref_squeeze %dma_wait3A_69 : memref<1x32xi32, #tpu.memory_space<vmem>> -> memref<32xi32, #tpu.memory_space<vmem>>
    %dma_wait3A_71 = arith.constant 0 : i32
    %dma_wait3A_72 = arith.constant 0 : i32
    %dma_wait3A_73 = tpu.memref_slice %arg2[%dma_wait3A_71, %dma_wait3A_72] : memref<30522x768xf32, #tpu.memory_space<hbm>> -> memref<30522x768xf32, #tpu.memory_space<hbm>>
    %dma_wait3A_74 = tpu.memref_slice %arg7[%dma_wait3A_63] : memref<4x!tpu.dma_semaphore, #tpu.memory_space<semaphore_mem>> -> memref<1x!tpu.dma_semaphore, #tpu.memory_space<semaphore_mem>>
    %dma_wait3A_75 = tpu.memref_squeeze %dma_wait3A_74 : memref<1x!tpu.dma_semaphore, #tpu.memory_space<semaphore_mem>> -> memref<!tpu.dma_semaphore, #tpu.memory_space<semaphore_mem>>
    tpu.wait_indirect_dma semaphore(%dma_wait3A_75 : memref<!tpu.dma_semaphore, #tpu.memory_space<semaphore_mem>>) src(%dma_wait3A_73 : memref<30522x768xf32, #tpu.memory_space<hbm>>) dst(%dma_wait3A_67 : memref<32x768xf32, #tpu.memory_space<vmem>>)
    %add3A_76 = arith.constant 0 : i32
    %add3A_77 = arith.addi %mul3A_2, %add3A_76 : i32
    %dma_start3A_78 = arith.constant 0 : i32
    %dma_start3A_79 = arith.constant 0 : i32
    %dma_start3A_80 = arith.constant 0 : i32
    %dma_start3A_81 = arith.constant 0 : i32
    %dma_start3A_82 = tpu.memref_slice %arg6[%dma_start3A_78, %dma_start3A_80, %dma_start3A_81] : memref<4x32x768xf32, #tpu.memory_space<vmem>> -> memref<1x32x768xf32, #tpu.memory_space<vmem>>
    %dma_start3A_83 = tpu.memref_squeeze %dma_start3A_82 : memref<1x32x768xf32, #tpu.memory_space<vmem>> -> memref<32x768xf32, #tpu.memory_space<vmem>>
    %dma_start3A_84 = arith.constant 0 : i32
    %dma_start3A_85 = tpu.memref_slice %arg4[%add3A_77, %dma_start3A_84] : memref<8192x768xf32, #tpu.memory_space<hbm>> -> memref<32x768xf32, #tpu.memory_space<hbm>>
    %dma_start3A_86 = tpu.memref_slice %arg8[%dma_start3A_79] : memref<4x!tpu.dma_semaphore, #tpu.memory_space<semaphore_mem>> -> memref<1x!tpu.dma_semaphore, #tpu.memory_space<semaphore_mem>>
    %dma_start3A_87 = tpu.memref_squeeze %dma_start3A_86 : memref<1x!tpu.dma_semaphore, #tpu.memory_space<semaphore_mem>> -> memref<!tpu.dma_semaphore, #tpu.memory_space<semaphore_mem>>
    %dma_start3A_88 = arith.constant 0 : i32
    %dma_start3A_89 = tpu.memref_slice %arg4[%add3A_77, %dma_start3A_88] : memref<8192x768xf32, #tpu.memory_space<hbm>> -> memref<32x768xf32, #tpu.memory_space<hbm>>
    %dma_start3A_90 = arith.constant 0 : i32
    %dma_start3A_91 = arith.constant 0 : i32
    %dma_start3A_92 = tpu.memref_slice %arg6[%dma_start3A_78, %dma_start3A_90, %dma_start3A_91] : memref<4x32x768xf32, #tpu.memory_space<vmem>> -> memref<1x32x768xf32, #tpu.memory_space<vmem>>
    %dma_start3A_93 = tpu.memref_squeeze %dma_start3A_92 : memref<1x32x768xf32, #tpu.memory_space<vmem>> -> memref<32x768xf32, #tpu.memory_space<vmem>>
    tpu.enqueue_dma source(%dma_start3A_93 : memref<32x768xf32, #tpu.memory_space<vmem>>) target(%dma_start3A_89 : memref<32x768xf32, #tpu.memory_space<hbm>>) target_semaphore(%dma_start3A_87 : memref<!tpu.dma_semaphore, #tpu.memory_space<semaphore_mem>>)
    %dma_wait3A_94 = arith.constant 1 : i32
    %dma_wait3A_95 = arith.constant 1 : i32
    %dma_wait3A_96 = arith.constant 1 : i32
    %dma_wait3A_97 = arith.constant 0 : i32
    %dma_wait3A_98 = arith.constant 0 : i32
    %dma_wait3A_99 = tpu.memref_slice %arg6[%dma_wait3A_95, %dma_wait3A_97, %dma_wait3A_98] : memref<4x32x768xf32, #tpu.memory_space<vmem>> -> memref<1x32x768xf32, #tpu.memory_space<vmem>>
    %dma_wait3A_100 = tpu.memref_squeeze %dma_wait3A_99 : memref<1x32x768xf32, #tpu.memory_space<vmem>> -> memref<32x768xf32, #tpu.memory_space<vmem>>
    %dma_wait3A_101 = arith.constant 0 : i32
    %dma_wait3A_102 = tpu.memref_slice %arg5[%dma_wait3A_94, %dma_wait3A_101] : memref<8x32xi32, #tpu.memory_space<vmem>> -> memref<1x32xi32, #tpu.memory_space<vmem>>
    %dma_wait3A_103 = tpu.memref_squeeze %dma_wait3A_102 : memref<1x32xi32, #tpu.memory_space<vmem>> -> memref<32xi32, #tpu.memory_space<vmem>>
    %dma_wait3A_104 = arith.constant 0 : i32
    %dma_wait3A_105 = arith.constant 0 : i32
    %dma_wait3A_106 = tpu.memref_slice %arg2[%dma_wait3A_104, %dma_wait3A_105] : memref<30522x768xf32, #tpu.memory_space<hbm>> -> memref<30522x768xf32, #tpu.memory_space<hbm>>
    %dma_wait3A_107 = tpu.memref_slice %arg7[%dma_wait3A_96] : memref<4x!tpu.dma_semaphore, #tpu.memory_space<semaphore_mem>> -> memref<1x!tpu.dma_semaphore, #tpu.memory_space<semaphore_mem>>
    %dma_wait3A_108 = tpu.memref_squeeze %dma_wait3A_107 : memref<1x!tpu.dma_semaphore, #tpu.memory_space<semaphore_mem>> -> memref<!tpu.dma_semaphore, #tpu.memory_space<semaphore_mem>>
    tpu.wait_indirect_dma semaphore(%dma_wait3A_108 : memref<!tpu.dma_semaphore, #tpu.memory_space<semaphore_mem>>) src(%dma_wait3A_106 : memref<30522x768xf32, #tpu.memory_space<hbm>>) dst(%dma_wait3A_100 : memref<32x768xf32, #tpu.memory_space<vmem>>)
    %add3A_109 = arith.constant 32 : i32
    %add3A_110 = arith.addi %mul3A_2, %add3A_109 : i32
    %dma_start3A_111 = arith.constant 1 : i32
    %dma_start3A_112 = arith.constant 1 : i32
    %dma_start3A_113 = arith.constant 0 : i32
    %dma_start3A_114 = arith.constant 0 : i32
    %dma_start3A_115 = tpu.memref_slice %arg6[%dma_start3A_111, %dma_start3A_113, %dma_start3A_114] : memref<4x32x768xf32, #tpu.memory_space<vmem>> -> memref<1x32x768xf32, #tpu.memory_space<vmem>>
    %dma_start3A_116 = tpu.memref_squeeze %dma_start3A_115 : memref<1x32x768xf32, #tpu.memory_space<vmem>> -> memref<32x768xf32, #tpu.memory_space<vmem>>
    %dma_start3A_117 = arith.constant 0 : i32
    %dma_start3A_118 = tpu.memref_slice %arg4[%add3A_110, %dma_start3A_117] : memref<8192x768xf32, #tpu.memory_space<hbm>> -> memref<32x768xf32, #tpu.memory_space<hbm>>
    %dma_start3A_119 = tpu.memref_slice %arg8[%dma_start3A_112] : memref<4x!tpu.dma_semaphore, #tpu.memory_space<semaphore_mem>> -> memref<1x!tpu.dma_semaphore, #tpu.memory_space<semaphore_mem>>
    %dma_start3A_120 = tpu.memref_squeeze %dma_start3A_119 : memref<1x!tpu.dma_semaphore, #tpu.memory_space<semaphore_mem>> -> memref<!tpu.dma_semaphore, #tpu.memory_space<semaphore_mem>>
    %dma_start3A_121 = arith.constant 0 : i32
    %dma_start3A_122 = tpu.memref_slice %arg4[%add3A_110, %dma_start3A_121] : memref<8192x768xf32, #tpu.memory_space<hbm>> -> memref<32x768xf32, #tpu.memory_space<hbm>>
    %dma_start3A_123 = arith.constant 0 : i32
    %dma_start3A_124 = arith.constant 0 : i32
    %dma_start3A_125 = tpu.memref_slice %arg6[%dma_start3A_111, %dma_start3A_123, %dma_start3A_124] : memref<4x32x768xf32, #tpu.memory_space<vmem>> -> memref<1x32x768xf32, #tpu.memory_space<vmem>>
    %dma_start3A_126 = tpu.memref_squeeze %dma_start3A_125 : memref<1x32x768xf32, #tpu.memory_space<vmem>> -> memref<32x768xf32, #tpu.memory_space<vmem>>
    tpu.enqueue_dma source(%dma_start3A_126 : memref<32x768xf32, #tpu.memory_space<vmem>>) target(%dma_start3A_122 : memref<32x768xf32, #tpu.memory_space<hbm>>) target_semaphore(%dma_start3A_120 : memref<!tpu.dma_semaphore, #tpu.memory_space<semaphore_mem>>)
    %dma_wait3A_127 = arith.constant 0 : i32
    %dma_wait3A_128 = arith.constant 0 : i32
    %dma_wait3A_129 = arith.constant 0 : i32
    %dma_wait3A_130 = arith.constant 0 : i32
    %dma_wait3A_131 = tpu.memref_slice %arg6[%dma_wait3A_127, %dma_wait3A_129, %dma_wait3A_130] : memref<4x32x768xf32, #tpu.memory_space<vmem>> -> memref<1x32x768xf32, #tpu.memory_space<vmem>>
    %dma_wait3A_132 = tpu.memref_squeeze %dma_wait3A_131 : memref<1x32x768xf32, #tpu.memory_space<vmem>> -> memref<32x768xf32, #tpu.memory_space<vmem>>
    %dma_wait3A_133 = arith.constant 0 : i32
    %dma_wait3A_134 = tpu.memref_slice %arg4[%add3A_77, %dma_wait3A_133] : memref<8192x768xf32, #tpu.memory_space<hbm>> -> memref<32x768xf32, #tpu.memory_space<hbm>>
    %dma_wait3A_135 = tpu.memref_slice %arg8[%dma_wait3A_128] : memref<4x!tpu.dma_semaphore, #tpu.memory_space<semaphore_mem>> -> memref<1x!tpu.dma_semaphore, #tpu.memory_space<semaphore_mem>>
    %dma_wait3A_136 = tpu.memref_squeeze %dma_wait3A_135 : memref<1x!tpu.dma_semaphore, #tpu.memory_space<semaphore_mem>> -> memref<!tpu.dma_semaphore, #tpu.memory_space<semaphore_mem>>
    %dma_wait3A_137 = arith.constant 0 : i32
    %dma_wait3A_138 = tpu.memref_slice %arg4[%add3A_77, %dma_wait3A_137] : memref<8192x768xf32, #tpu.memory_space<hbm>> -> memref<32x768xf32, #tpu.memory_space<hbm>>
    %dma_wait3A_139 = arith.constant 0 : i32
    %dma_wait3A_140 = arith.constant 0 : i32
    %dma_wait3A_141 = tpu.memref_slice %arg6[%dma_wait3A_127, %dma_wait3A_139, %dma_wait3A_140] : memref<4x32x768xf32, #tpu.memory_space<vmem>> -> memref<1x32x768xf32, #tpu.memory_space<vmem>>
    %dma_wait3A_142 = tpu.memref_squeeze %dma_wait3A_141 : memref<1x32x768xf32, #tpu.memory_space<vmem>> -> memref<32x768xf32, #tpu.memory_space<vmem>>
    tpu.wait_dma2 semaphore(%dma_wait3A_136 : memref<!tpu.dma_semaphore, #tpu.memory_space<semaphore_mem>>) src(%dma_wait3A_142 : memref<32x768xf32, #tpu.memory_space<vmem>>) dst(%dma_wait3A_138 : memref<32x768xf32, #tpu.memory_space<hbm>>)
    %dma_start3A_143 = arith.constant 4 : i32
    %dma_start3A_144 = arith.constant 0 : i32
    %dma_start3A_145 = arith.constant 0 : i32
    %dma_start3A_146 = arith.constant 0 : i32
    %dma_start3A_147 = arith.constant 0 : i32
    %dma_start3A_148 = tpu.memref_slice %arg6[%dma_start3A_144, %dma_start3A_146, %dma_start3A_147] : memref<4x32x768xf32, #tpu.memory_space<vmem>> -> memref<1x32x768xf32, #tpu.memory_space<vmem>>
    %dma_start3A_149 = tpu.memref_squeeze %dma_start3A_148 : memref<1x32x768xf32, #tpu.memory_space<vmem>> -> memref<32x768xf32, #tpu.memory_space<vmem>>
    %dma_start3A_150 = arith.constant 0 : i32
    %dma_start3A_151 = tpu.memref_slice %arg5[%dma_start3A_143, %dma_start3A_150] : memref<8x32xi32, #tpu.memory_space<vmem>> -> memref<1x32xi32, #tpu.memory_space<vmem>>
    %dma_start3A_152 = tpu.memref_squeeze %dma_start3A_151 : memref<1x32xi32, #tpu.memory_space<vmem>> -> memref<32xi32, #tpu.memory_space<vmem>>
    %dma_start3A_153 = arith.constant 0 : i32
    %dma_start3A_154 = arith.constant 0 : i32
    %dma_start3A_155 = tpu.memref_slice %arg2[%dma_start3A_153, %dma_start3A_154] : memref<30522x768xf32, #tpu.memory_space<hbm>> -> memref<30522x768xf32, #tpu.memory_space<hbm>>
    %dma_start3A_156 = tpu.memref_slice %arg7[%dma_start3A_145] : memref<4x!tpu.dma_semaphore, #tpu.memory_space<semaphore_mem>> -> memref<1x!tpu.dma_semaphore, #tpu.memory_space<semaphore_mem>>
    %dma_start3A_157 = tpu.memref_squeeze %dma_start3A_156 : memref<1x!tpu.dma_semaphore, #tpu.memory_space<semaphore_mem>> -> memref<!tpu.dma_semaphore, #tpu.memory_space<semaphore_mem>>
    tpu.enqueue_indirect_dma source(%dma_start3A_155 : memref<30522x768xf32, #tpu.memory_space<hbm>>) target(%dma_start3A_149 : memref<32x768xf32, #tpu.memory_space<vmem>>) offsets(%dma_start3A_152 : memref<32xi32, #tpu.memory_space<vmem>>) semaphore(%dma_start3A_157 : memref<!tpu.dma_semaphore, #tpu.memory_space<semaphore_mem>>)
    %dma_wait3A_158 = arith.constant 2 : i32
    %dma_wait3A_159 = arith.constant 2 : i32
    %dma_wait3A_160 = arith.constant 2 : i32
    %dma_wait3A_161 = arith.constant 0 : i32
    %dma_wait3A_162 = arith.constant 0 : i32
    %dma_wait3A_163 = tpu.memref_slice %arg6[%dma_wait3A_159, %dma_wait3A_161, %dma_wait3A_162] : memref<4x32x768xf32, #tpu.memory_space<vmem>> -> memref<1x32x768xf32, #tpu.memory_space<vmem>>
    %dma_wait3A_164 = tpu.memref_squeeze %dma_wait3A_163 : memref<1x32x768xf32, #tpu.memory_space<vmem>> -> memref<32x768xf32, #tpu.memory_space<vmem>>
    %dma_wait3A_165 = arith.constant 0 : i32
    %dma_wait3A_166 = tpu.memref_slice %arg5[%dma_wait3A_158, %dma_wait3A_165] : memref<8x32xi32, #tpu.memory_space<vmem>> -> memref<1x32xi32, #tpu.memory_space<vmem>>
    %dma_wait3A_167 = tpu.memref_squeeze %dma_wait3A_166 : memref<1x32xi32, #tpu.memory_space<vmem>> -> memref<32xi32, #tpu.memory_space<vmem>>
    %dma_wait3A_168 = arith.constant 0 : i32
    %dma_wait3A_169 = arith.constant 0 : i32
    %dma_wait3A_170 = tpu.memref_slice %arg2[%dma_wait3A_168, %dma_wait3A_169] : memref<30522x768xf32, #tpu.memory_space<hbm>> -> memref<30522x768xf32, #tpu.memory_space<hbm>>
    %dma_wait3A_171 = tpu.memref_slice %arg7[%dma_wait3A_160] : memref<4x!tpu.dma_semaphore, #tpu.memory_space<semaphore_mem>> -> memref<1x!tpu.dma_semaphore, #tpu.memory_space<semaphore_mem>>
    %dma_wait3A_172 = tpu.memref_squeeze %dma_wait3A_171 : memref<1x!tpu.dma_semaphore, #tpu.memory_space<semaphore_mem>> -> memref<!tpu.dma_semaphore, #tpu.memory_space<semaphore_mem>>
    tpu.wait_indirect_dma semaphore(%dma_wait3A_172 : memref<!tpu.dma_semaphore, #tpu.memory_space<semaphore_mem>>) src(%dma_wait3A_170 : memref<30522x768xf32, #tpu.memory_space<hbm>>) dst(%dma_wait3A_164 : memref<32x768xf32, #tpu.memory_space<vmem>>)
    %add3A_173 = arith.constant 64 : i32
    %add3A_174 = arith.addi %mul3A_2, %add3A_173 : i32
    %dma_start3A_175 = arith.constant 2 : i32
    %dma_start3A_176 = arith.constant 2 : i32
    %dma_start3A_177 = arith.constant 0 : i32
    %dma_start3A_178 = arith.constant 0 : i32
    %dma_start3A_179 = tpu.memref_slice %arg6[%dma_start3A_175, %dma_start3A_177, %dma_start3A_178] : memref<4x32x768xf32, #tpu.memory_space<vmem>> -> memref<1x32x768xf32, #tpu.memory_space<vmem>>
    %dma_start3A_180 = tpu.memref_squeeze %dma_start3A_179 : memref<1x32x768xf32, #tpu.memory_space<vmem>> -> memref<32x768xf32, #tpu.memory_space<vmem>>
    %dma_start3A_181 = arith.constant 0 : i32
    %dma_start3A_182 = tpu.memref_slice %arg4[%add3A_174, %dma_start3A_181] : memref<8192x768xf32, #tpu.memory_space<hbm>> -> memref<32x768xf32, #tpu.memory_space<hbm>>
    %dma_start3A_183 = tpu.memref_slice %arg8[%dma_start3A_176] : memref<4x!tpu.dma_semaphore, #tpu.memory_space<semaphore_mem>> -> memref<1x!tpu.dma_semaphore, #tpu.memory_space<semaphore_mem>>
    %dma_start3A_184 = tpu.memref_squeeze %dma_start3A_183 : memref<1x!tpu.dma_semaphore, #tpu.memory_space<semaphore_mem>> -> memref<!tpu.dma_semaphore, #tpu.memory_space<semaphore_mem>>
    %dma_start3A_185 = arith.constant 0 : i32
    %dma_start3A_186 = tpu.memref_slice %arg4[%add3A_174, %dma_start3A_185] : memref<8192x768xf32, #tpu.memory_space<hbm>> -> memref<32x768xf32, #tpu.memory_space<hbm>>
    %dma_start3A_187 = arith.constant 0 : i32
    %dma_start3A_188 = arith.constant 0 : i32
    %dma_start3A_189 = tpu.memref_slice %arg6[%dma_start3A_175, %dma_start3A_187, %dma_start3A_188] : memref<4x32x768xf32, #tpu.memory_space<vmem>> -> memref<1x32x768xf32, #tpu.memory_space<vmem>>
    %dma_start3A_190 = tpu.memref_squeeze %dma_start3A_189 : memref<1x32x768xf32, #tpu.memory_space<vmem>> -> memref<32x768xf32, #tpu.memory_space<vmem>>
    tpu.enqueue_dma source(%dma_start3A_190 : memref<32x768xf32, #tpu.memory_space<vmem>>) target(%dma_start3A_186 : memref<32x768xf32, #tpu.memory_space<hbm>>) target_semaphore(%dma_start3A_184 : memref<!tpu.dma_semaphore, #tpu.memory_space<semaphore_mem>>)
    %dma_wait3A_191 = arith.constant 1 : i32
    %dma_wait3A_192 = arith.constant 1 : i32
    %dma_wait3A_193 = arith.constant 0 : i32
    %dma_wait3A_194 = arith.constant 0 : i32
    %dma_wait3A_195 = tpu.memref_slice %arg6[%dma_wait3A_191, %dma_wait3A_193, %dma_wait3A_194] : memref<4x32x768xf32, #tpu.memory_space<vmem>> -> memref<1x32x768xf32, #tpu.memory_space<vmem>>
    %dma_wait3A_196 = tpu.memref_squeeze %dma_wait3A_195 : memref<1x32x768xf32, #tpu.memory_space<vmem>> -> memref<32x768xf32, #tpu.memory_space<vmem>>
    %dma_wait3A_197 = arith.constant 0 : i32
    %dma_wait3A_198 = tpu.memref_slice %arg4[%add3A_110, %dma_wait3A_197] : memref<8192x768xf32, #tpu.memory_space<hbm>> -> memref<32x768xf32, #tpu.memory_space<hbm>>
    %dma_wait3A_199 = tpu.memref_slice %arg8[%dma_wait3A_192] : memref<4x!tpu.dma_semaphore, #tpu.memory_space<semaphore_mem>> -> memref<1x!tpu.dma_semaphore, #tpu.memory_space<semaphore_mem>>
    %dma_wait3A_200 = tpu.memref_squeeze %dma_wait3A_199 : memref<1x!tpu.dma_semaphore, #tpu.memory_space<semaphore_mem>> -> memref<!tpu.dma_semaphore, #tpu.memory_space<semaphore_mem>>
    %dma_wait3A_201 = arith.constant 0 : i32
    %dma_wait3A_202 = tpu.memref_slice %arg4[%add3A_110, %dma_wait3A_201] : memref<8192x768xf32, #tpu.memory_space<hbm>> -> memref<32x768xf32, #tpu.memory_space<hbm>>
    %dma_wait3A_203 = arith.constant 0 : i32
    %dma_wait3A_204 = arith.constant 0 : i32
    %dma_wait3A_205 = tpu.memref_slice %arg6[%dma_wait3A_191, %dma_wait3A_203, %dma_wait3A_204] : memref<4x32x768xf32, #tpu.memory_space<vmem>> -> memref<1x32x768xf32, #tpu.memory_space<vmem>>
    %dma_wait3A_206 = tpu.memref_squeeze %dma_wait3A_205 : memref<1x32x768xf32, #tpu.memory_space<vmem>> -> memref<32x768xf32, #tpu.memory_space<vmem>>
    tpu.wait_dma2 semaphore(%dma_wait3A_200 : memref<!tpu.dma_semaphore, #tpu.memory_space<semaphore_mem>>) src(%dma_wait3A_206 : memref<32x768xf32, #tpu.memory_space<vmem>>) dst(%dma_wait3A_202 : memref<32x768xf32, #tpu.memory_space<hbm>>)
    %dma_start3A_207 = arith.constant 5 : i32
    %dma_start3A_208 = arith.constant 1 : i32
    %dma_start3A_209 = arith.constant 1 : i32
    %dma_start3A_210 = arith.constant 0 : i32
    %dma_start3A_211 = arith.constant 0 : i32
    %dma_start3A_212 = tpu.memref_slice %arg6[%dma_start3A_208, %dma_start3A_210, %dma_start3A_211] : memref<4x32x768xf32, #tpu.memory_space<vmem>> -> memref<1x32x768xf32, #tpu.memory_space<vmem>>
    %dma_start3A_213 = tpu.memref_squeeze %dma_start3A_212 : memref<1x32x768xf32, #tpu.memory_space<vmem>> -> memref<32x768xf32, #tpu.memory_space<vmem>>
    %dma_start3A_214 = arith.constant 0 : i32
    %dma_start3A_215 = tpu.memref_slice %arg5[%dma_start3A_207, %dma_start3A_214] : memref<8x32xi32, #tpu.memory_space<vmem>> -> memref<1x32xi32, #tpu.memory_space<vmem>>
    %dma_start3A_216 = tpu.memref_squeeze %dma_start3A_215 : memref<1x32xi32, #tpu.memory_space<vmem>> -> memref<32xi32, #tpu.memory_space<vmem>>
    %dma_start3A_217 = arith.constant 0 : i32
    %dma_start3A_218 = arith.constant 0 : i32
    %dma_start3A_219 = tpu.memref_slice %arg2[%dma_start3A_217, %dma_start3A_218] : memref<30522x768xf32, #tpu.memory_space<hbm>> -> memref<30522x768xf32, #tpu.memory_space<hbm>>
    %dma_start3A_220 = tpu.memref_slice %arg7[%dma_start3A_209] : memref<4x!tpu.dma_semaphore, #tpu.memory_space<semaphore_mem>> -> memref<1x!tpu.dma_semaphore, #tpu.memory_space<semaphore_mem>>
    %dma_start3A_221 = tpu.memref_squeeze %dma_start3A_220 : memref<1x!tpu.dma_semaphore, #tpu.memory_space<semaphore_mem>> -> memref<!tpu.dma_semaphore, #tpu.memory_space<semaphore_mem>>
    tpu.enqueue_indirect_dma source(%dma_start3A_219 : memref<30522x768xf32, #tpu.memory_space<hbm>>) target(%dma_start3A_213 : memref<32x768xf32, #tpu.memory_space<vmem>>) offsets(%dma_start3A_216 : memref<32xi32, #tpu.memory_space<vmem>>) semaphore(%dma_start3A_221 : memref<!tpu.dma_semaphore, #tpu.memory_space<semaphore_mem>>)
    %dma_wait3A_222 = arith.constant 3 : i32
    %dma_wait3A_223 = arith.constant 3 : i32
    %dma_wait3A_224 = arith.constant 3 : i32
    %dma_wait3A_225 = arith.constant 0 : i32
    %dma_wait3A_226 = arith.constant 0 : i32
    %dma_wait3A_227 = tpu.memref_slice %arg6[%dma_wait3A_223, %dma_wait3A_225, %dma_wait3A_226] : memref<4x32x768xf32, #tpu.memory_space<vmem>> -> memref<1x32x768xf32, #tpu.memory_space<vmem>>
    %dma_wait3A_228 = tpu.memref_squeeze %dma_wait3A_227 : memref<1x32x768xf32, #tpu.memory_space<vmem>> -> memref<32x768xf32, #tpu.memory_space<vmem>>
    %dma_wait3A_229 = arith.constant 0 : i32
    %dma_wait3A_230 = tpu.memref_slice %arg5[%dma_wait3A_222, %dma_wait3A_229] : memref<8x32xi32, #tpu.memory_space<vmem>> -> memref<1x32xi32, #tpu.memory_space<vmem>>
    %dma_wait3A_231 = tpu.memref_squeeze %dma_wait3A_230 : memref<1x32xi32, #tpu.memory_space<vmem>> -> memref<32xi32, #tpu.memory_space<vmem>>
    %dma_wait3A_232 = arith.constant 0 : i32
    %dma_wait3A_233 = arith.constant 0 : i32
    %dma_wait3A_234 = tpu.memref_slice %arg2[%dma_wait3A_232, %dma_wait3A_233] : memref<30522x768xf32, #tpu.memory_space<hbm>> -> memref<30522x768xf32, #tpu.memory_space<hbm>>
    %dma_wait3A_235 = tpu.memref_slice %arg7[%dma_wait3A_224] : memref<4x!tpu.dma_semaphore, #tpu.memory_space<semaphore_mem>> -> memref<1x!tpu.dma_semaphore, #tpu.memory_space<semaphore_mem>>
    %dma_wait3A_236 = tpu.memref_squeeze %dma_wait3A_235 : memref<1x!tpu.dma_semaphore, #tpu.memory_space<semaphore_mem>> -> memref<!tpu.dma_semaphore, #tpu.memory_space<semaphore_mem>>
    tpu.wait_indirect_dma semaphore(%dma_wait3A_236 : memref<!tpu.dma_semaphore, #tpu.memory_space<semaphore_mem>>) src(%dma_wait3A_234 : memref<30522x768xf32, #tpu.memory_space<hbm>>) dst(%dma_wait3A_228 : memref<32x768xf32, #tpu.memory_space<vmem>>)
    %add3A_237 = arith.constant 96 : i32
    %add3A_238 = arith.addi %mul3A_2, %add3A_237 : i32
    %dma_start3A_239 = arith.constant 3 : i32
    %dma_start3A_240 = arith.constant 3 : i32
    %dma_start3A_241 = arith.constant 0 : i32
    %dma_start3A_242 = arith.constant 0 : i32
    %dma_start3A_243 = tpu.memref_slice %arg6[%dma_start3A_239, %dma_start3A_241, %dma_start3A_242] : memref<4x32x768xf32, #tpu.memory_space<vmem>> -> memref<1x32x768xf32, #tpu.memory_space<vmem>>
    %dma_start3A_244 = tpu.memref_squeeze %dma_start3A_243 : memref<1x32x768xf32, #tpu.memory_space<vmem>> -> memref<32x768xf32, #tpu.memory_space<vmem>>
    %dma_start3A_245 = arith.constant 0 : i32
    %dma_start3A_246 = tpu.memref_slice %arg4[%add3A_238, %dma_start3A_245] : memref<8192x768xf32, #tpu.memory_space<hbm>> -> memref<32x768xf32, #tpu.memory_space<hbm>>
    %dma_start3A_247 = tpu.memref_slice %arg8[%dma_start3A_240] : memref<4x!tpu.dma_semaphore, #tpu.memory_space<semaphore_mem>> -> memref<1x!tpu.dma_semaphore, #tpu.memory_space<semaphore_mem>>
    %dma_start3A_248 = tpu.memref_squeeze %dma_start3A_247 : memref<1x!tpu.dma_semaphore, #tpu.memory_space<semaphore_mem>> -> memref<!tpu.dma_semaphore, #tpu.memory_space<semaphore_mem>>
    %dma_start3A_249 = arith.constant 0 : i32
    %dma_start3A_250 = tpu.memref_slice %arg4[%add3A_238, %dma_start3A_249] : memref<8192x768xf32, #tpu.memory_space<hbm>> -> memref<32x768xf32, #tpu.memory_space<hbm>>
    %dma_start3A_251 = arith.constant 0 : i32
    %dma_start3A_252 = arith.constant 0 : i32
    %dma_start3A_253 = tpu.memref_slice %arg6[%dma_start3A_239, %dma_start3A_251, %dma_start3A_252] : memref<4x32x768xf32, #tpu.memory_space<vmem>> -> memref<1x32x768xf32, #tpu.memory_space<vmem>>
    %dma_start3A_254 = tpu.memref_squeeze %dma_start3A_253 : memref<1x32x768xf32, #tpu.memory_space<vmem>> -> memref<32x768xf32, #tpu.memory_space<vmem>>
    tpu.enqueue_dma source(%dma_start3A_254 : memref<32x768xf32, #tpu.memory_space<vmem>>) target(%dma_start3A_250 : memref<32x768xf32, #tpu.memory_space<hbm>>) target_semaphore(%dma_start3A_248 : memref<!tpu.dma_semaphore, #tpu.memory_space<semaphore_mem>>)
    %dma_wait3A_255 = arith.constant 2 : i32
    %dma_wait3A_256 = arith.constant 2 : i32
    %dma_wait3A_257 = arith.constant 0 : i32
    %dma_wait3A_258 = arith.constant 0 : i32
    %dma_wait3A_259 = tpu.memref_slice %arg6[%dma_wait3A_255, %dma_wait3A_257, %dma_wait3A_258] : memref<4x32x768xf32, #tpu.memory_space<vmem>> -> memref<1x32x768xf32, #tpu.memory_space<vmem>>
    %dma_wait3A_260 = tpu.memref_squeeze %dma_wait3A_259 : memref<1x32x768xf32, #tpu.memory_space<vmem>> -> memref<32x768xf32, #tpu.memory_space<vmem>>
    %dma_wait3A_261 = arith.constant 0 : i32
    %dma_wait3A_262 = tpu.memref_slice %arg4[%add3A_174, %dma_wait3A_261] : memref<8192x768xf32, #tpu.memory_space<hbm>> -> memref<32x768xf32, #tpu.memory_space<hbm>>
    %dma_wait3A_263 = tpu.memref_slice %arg8[%dma_wait3A_256] : memref<4x!tpu.dma_semaphore, #tpu.memory_space<semaphore_mem>> -> memref<1x!tpu.dma_semaphore, #tpu.memory_space<semaphore_mem>>
    %dma_wait3A_264 = tpu.memref_squeeze %dma_wait3A_263 : memref<1x!tpu.dma_semaphore, #tpu.memory_space<semaphore_mem>> -> memref<!tpu.dma_semaphore, #tpu.memory_space<semaphore_mem>>
    %dma_wait3A_265 = arith.constant 0 : i32
    %dma_wait3A_266 = tpu.memref_slice %arg4[%add3A_174, %dma_wait3A_265] : memref<8192x768xf32, #tpu.memory_space<hbm>> -> memref<32x768xf32, #tpu.memory_space<hbm>>
    %dma_wait3A_267 = arith.constant 0 : i32
    %dma_wait3A_268 = arith.constant 0 : i32
    %dma_wait3A_269 = tpu.memref_slice %arg6[%dma_wait3A_255, %dma_wait3A_267, %dma_wait3A_268] : memref<4x32x768xf32, #tpu.memory_space<vmem>> -> memref<1x32x768xf32, #tpu.memory_space<vmem>>
    %dma_wait3A_270 = tpu.memref_squeeze %dma_wait3A_269 : memref<1x32x768xf32, #tpu.memory_space<vmem>> -> memref<32x768xf32, #tpu.memory_space<vmem>>
    tpu.wait_dma2 semaphore(%dma_wait3A_264 : memref<!tpu.dma_semaphore, #tpu.memory_space<semaphore_mem>>) src(%dma_wait3A_270 : memref<32x768xf32, #tpu.memory_space<vmem>>) dst(%dma_wait3A_266 : memref<32x768xf32, #tpu.memory_space<hbm>>)
    %dma_start3A_271 = arith.constant 6 : i32
    %dma_start3A_272 = arith.constant 2 : i32
    %dma_start3A_273 = arith.constant 2 : i32
    %dma_start3A_274 = arith.constant 0 : i32
    %dma_start3A_275 = arith.constant 0 : i32
    %dma_start3A_276 = tpu.memref_slice %arg6[%dma_start3A_272, %dma_start3A_274, %dma_start3A_275] : memref<4x32x768xf32, #tpu.memory_space<vmem>> -> memref<1x32x768xf32, #tpu.memory_space<vmem>>
    %dma_start3A_277 = tpu.memref_squeeze %dma_start3A_276 : memref<1x32x768xf32, #tpu.memory_space<vmem>> -> memref<32x768xf32, #tpu.memory_space<vmem>>
    %dma_start3A_278 = arith.constant 0 : i32
    %dma_start3A_279 = tpu.memref_slice %arg5[%dma_start3A_271, %dma_start3A_278] : memref<8x32xi32, #tpu.memory_space<vmem>> -> memref<1x32xi32, #tpu.memory_space<vmem>>
    %dma_start3A_280 = tpu.memref_squeeze %dma_start3A_279 : memref<1x32xi32, #tpu.memory_space<vmem>> -> memref<32xi32, #tpu.memory_space<vmem>>
    %dma_start3A_281 = arith.constant 0 : i32
    %dma_start3A_282 = arith.constant 0 : i32
    %dma_start3A_283 = tpu.memref_slice %arg2[%dma_start3A_281, %dma_start3A_282] : memref<30522x768xf32, #tpu.memory_space<hbm>> -> memref<30522x768xf32, #tpu.memory_space<hbm>>
    %dma_start3A_284 = tpu.memref_slice %arg7[%dma_start3A_273] : memref<4x!tpu.dma_semaphore, #tpu.memory_space<semaphore_mem>> -> memref<1x!tpu.dma_semaphore, #tpu.memory_space<semaphore_mem>>
    %dma_start3A_285 = tpu.memref_squeeze %dma_start3A_284 : memref<1x!tpu.dma_semaphore, #tpu.memory_space<semaphore_mem>> -> memref<!tpu.dma_semaphore, #tpu.memory_space<semaphore_mem>>
    tpu.enqueue_indirect_dma source(%dma_start3A_283 : memref<30522x768xf32, #tpu.memory_space<hbm>>) target(%dma_start3A_277 : memref<32x768xf32, #tpu.memory_space<vmem>>) offsets(%dma_start3A_280 : memref<32xi32, #tpu.memory_space<vmem>>) semaphore(%dma_start3A_285 : memref<!tpu.dma_semaphore, #tpu.memory_space<semaphore_mem>>)
    %dma_wait3A_286 = arith.constant 4 : i32
    %dma_wait3A_287 = arith.constant 0 : i32
    %dma_wait3A_288 = arith.constant 0 : i32
    %dma_wait3A_289 = arith.constant 0 : i32
    %dma_wait3A_290 = arith.constant 0 : i32
    %dma_wait3A_291 = tpu.memref_slice %arg6[%dma_wait3A_287, %dma_wait3A_289, %dma_wait3A_290] : memref<4x32x768xf32, #tpu.memory_space<vmem>> -> memref<1x32x768xf32, #tpu.memory_space<vmem>>
    %dma_wait3A_292 = tpu.memref_squeeze %dma_wait3A_291 : memref<1x32x768xf32, #tpu.memory_space<vmem>> -> memref<32x768xf32, #tpu.memory_space<vmem>>
    %dma_wait3A_293 = arith.constant 0 : i32
    %dma_wait3A_294 = tpu.memref_slice %arg5[%dma_wait3A_286, %dma_wait3A_293] : memref<8x32xi32, #tpu.memory_space<vmem>> -> memref<1x32xi32, #tpu.memory_space<vmem>>
    %dma_wait3A_295 = tpu.memref_squeeze %dma_wait3A_294 : memref<1x32xi32, #tpu.memory_space<vmem>> -> memref<32xi32, #tpu.memory_space<vmem>>
    %dma_wait3A_296 = arith.constant 0 : i32
    %dma_wait3A_297 = arith.constant 0 : i32
    %dma_wait3A_298 = tpu.memref_slice %arg2[%dma_wait3A_296, %dma_wait3A_297] : memref<30522x768xf32, #tpu.memory_space<hbm>> -> memref<30522x768xf32, #tpu.memory_space<hbm>>
    %dma_wait3A_299 = tpu.memref_slice %arg7[%dma_wait3A_288] : memref<4x!tpu.dma_semaphore, #tpu.memory_space<semaphore_mem>> -> memref<1x!tpu.dma_semaphore, #tpu.memory_space<semaphore_mem>>
    %dma_wait3A_300 = tpu.memref_squeeze %dma_wait3A_299 : memref<1x!tpu.dma_semaphore, #tpu.memory_space<semaphore_mem>> -> memref<!tpu.dma_semaphore, #tpu.memory_space<semaphore_mem>>
    tpu.wait_indirect_dma semaphore(%dma_wait3A_300 : memref<!tpu.dma_semaphore, #tpu.memory_space<semaphore_mem>>) src(%dma_wait3A_298 : memref<30522x768xf32, #tpu.memory_space<hbm>>) dst(%dma_wait3A_292 : memref<32x768xf32, #tpu.memory_space<vmem>>)
    %add3A_301 = arith.constant 128 : i32
    %add3A_302 = arith.addi %mul3A_2, %add3A_301 : i32
    %dma_start3A_303 = arith.constant 0 : i32
    %dma_start3A_304 = arith.constant 0 : i32
    %dma_start3A_305 = arith.constant 0 : i32
    %dma_start3A_306 = arith.constant 0 : i32
    %dma_start3A_307 = tpu.memref_slice %arg6[%dma_start3A_303, %dma_start3A_305, %dma_start3A_306] : memref<4x32x768xf32, #tpu.memory_space<vmem>> -> memref<1x32x768xf32, #tpu.memory_space<vmem>>
    %dma_start3A_308 = tpu.memref_squeeze %dma_start3A_307 : memref<1x32x768xf32, #tpu.memory_space<vmem>> -> memref<32x768xf32, #tpu.memory_space<vmem>>
    %dma_start3A_309 = arith.constant 0 : i32
    %dma_start3A_310 = tpu.memref_slice %arg4[%add3A_302, %dma_start3A_309] : memref<8192x768xf32, #tpu.memory_space<hbm>> -> memref<32x768xf32, #tpu.memory_space<hbm>>
    %dma_start3A_311 = tpu.memref_slice %arg8[%dma_start3A_304] : memref<4x!tpu.dma_semaphore, #tpu.memory_space<semaphore_mem>> -> memref<1x!tpu.dma_semaphore, #tpu.memory_space<semaphore_mem>>
    %dma_start3A_312 = tpu.memref_squeeze %dma_start3A_311 : memref<1x!tpu.dma_semaphore, #tpu.memory_space<semaphore_mem>> -> memref<!tpu.dma_semaphore, #tpu.memory_space<semaphore_mem>>
    %dma_start3A_313 = arith.constant 0 : i32
    %dma_start3A_314 = tpu.memref_slice %arg4[%add3A_302, %dma_start3A_313] : memref<8192x768xf32, #tpu.memory_space<hbm>> -> memref<32x768xf32, #tpu.memory_space<hbm>>
    %dma_start3A_315 = arith.constant 0 : i32
    %dma_start3A_316 = arith.constant 0 : i32
    %dma_start3A_317 = tpu.memref_slice %arg6[%dma_start3A_303, %dma_start3A_315, %dma_start3A_316] : memref<4x32x768xf32, #tpu.memory_space<vmem>> -> memref<1x32x768xf32, #tpu.memory_space<vmem>>
    %dma_start3A_318 = tpu.memref_squeeze %dma_start3A_317 : memref<1x32x768xf32, #tpu.memory_space<vmem>> -> memref<32x768xf32, #tpu.memory_space<vmem>>
    tpu.enqueue_dma source(%dma_start3A_318 : memref<32x768xf32, #tpu.memory_space<vmem>>) target(%dma_start3A_314 : memref<32x768xf32, #tpu.memory_space<hbm>>) target_semaphore(%dma_start3A_312 : memref<!tpu.dma_semaphore, #tpu.memory_space<semaphore_mem>>)
    %dma_wait3A_319 = arith.constant 3 : i32
    %dma_wait3A_320 = arith.constant 3 : i32
    %dma_wait3A_321 = arith.constant 0 : i32
    %dma_wait3A_322 = arith.constant 0 : i32
    %dma_wait3A_323 = tpu.memref_slice %arg6[%dma_wait3A_319, %dma_wait3A_321, %dma_wait3A_322] : memref<4x32x768xf32, #tpu.memory_space<vmem>> -> memref<1x32x768xf32, #tpu.memory_space<vmem>>
    %dma_wait3A_324 = tpu.memref_squeeze %dma_wait3A_323 : memref<1x32x768xf32, #tpu.memory_space<vmem>> -> memref<32x768xf32, #tpu.memory_space<vmem>>
    %dma_wait3A_325 = arith.constant 0 : i32
    %dma_wait3A_326 = tpu.memref_slice %arg4[%add3A_238, %dma_wait3A_325] : memref<8192x768xf32, #tpu.memory_space<hbm>> -> memref<32x768xf32, #tpu.memory_space<hbm>>
    %dma_wait3A_327 = tpu.memref_slice %arg8[%dma_wait3A_320] : memref<4x!tpu.dma_semaphore, #tpu.memory_space<semaphore_mem>> -> memref<1x!tpu.dma_semaphore, #tpu.memory_space<semaphore_mem>>
    %dma_wait3A_328 = tpu.memref_squeeze %dma_wait3A_327 : memref<1x!tpu.dma_semaphore, #tpu.memory_space<semaphore_mem>> -> memref<!tpu.dma_semaphore, #tpu.memory_space<semaphore_mem>>
    %dma_wait3A_329 = arith.constant 0 : i32
    %dma_wait3A_330 = tpu.memref_slice %arg4[%add3A_238, %dma_wait3A_329] : memref<8192x768xf32, #tpu.memory_space<hbm>> -> memref<32x768xf32, #tpu.memory_space<hbm>>
    %dma_wait3A_331 = arith.constant 0 : i32
    %dma_wait3A_332 = arith.constant 0 : i32
    %dma_wait3A_333 = tpu.memref_slice %arg6[%dma_wait3A_319, %dma_wait3A_331, %dma_wait3A_332] : memref<4x32x768xf32, #tpu.memory_space<vmem>> -> memref<1x32x768xf32, #tpu.memory_space<vmem>>
    %dma_wait3A_334 = tpu.memref_squeeze %dma_wait3A_333 : memref<1x32x768xf32, #tpu.memory_space<vmem>> -> memref<32x768xf32, #tpu.memory_space<vmem>>
    tpu.wait_dma2 semaphore(%dma_wait3A_328 : memref<!tpu.dma_semaphore, #tpu.memory_space<semaphore_mem>>) src(%dma_wait3A_334 : memref<32x768xf32, #tpu.memory_space<vmem>>) dst(%dma_wait3A_330 : memref<32x768xf32, #tpu.memory_space<hbm>>)
    %dma_start3A_335 = arith.constant 7 : i32
    %dma_start3A_336 = arith.constant 3 : i32
    %dma_start3A_337 = arith.constant 3 : i32
    %dma_start3A_338 = arith.constant 0 : i32
    %dma_start3A_339 = arith.constant 0 : i32
    %dma_start3A_340 = tpu.memref_slice %arg6[%dma_start3A_336, %dma_start3A_338, %dma_start3A_339] : memref<4x32x768xf32, #tpu.memory_space<vmem>> -> memref<1x32x768xf32, #tpu.memory_space<vmem>>
    %dma_start3A_341 = tpu.memref_squeeze %dma_start3A_340 : memref<1x32x768xf32, #tpu.memory_space<vmem>> -> memref<32x768xf32, #tpu.memory_space<vmem>>
    %dma_start3A_342 = arith.constant 0 : i32
    %dma_start3A_343 = tpu.memref_slice %arg5[%dma_start3A_335, %dma_start3A_342] : memref<8x32xi32, #tpu.memory_space<vmem>> -> memref<1x32xi32, #tpu.memory_space<vmem>>
    %dma_start3A_344 = tpu.memref_squeeze %dma_start3A_343 : memref<1x32xi32, #tpu.memory_space<vmem>> -> memref<32xi32, #tpu.memory_space<vmem>>
    %dma_start3A_345 = arith.constant 0 : i32
    %dma_start3A_346 = arith.constant 0 : i32
    %dma_start3A_347 = tpu.memref_slice %arg2[%dma_start3A_345, %dma_start3A_346] : memref<30522x768xf32, #tpu.memory_space<hbm>> -> memref<30522x768xf32, #tpu.memory_space<hbm>>
    %dma_start3A_348 = tpu.memref_slice %arg7[%dma_start3A_337] : memref<4x!tpu.dma_semaphore, #tpu.memory_space<semaphore_mem>> -> memref<1x!tpu.dma_semaphore, #tpu.memory_space<semaphore_mem>>
    %dma_start3A_349 = tpu.memref_squeeze %dma_start3A_348 : memref<1x!tpu.dma_semaphore, #tpu.memory_space<semaphore_mem>> -> memref<!tpu.dma_semaphore, #tpu.memory_space<semaphore_mem>>
    tpu.enqueue_indirect_dma source(%dma_start3A_347 : memref<30522x768xf32, #tpu.memory_space<hbm>>) target(%dma_start3A_341 : memref<32x768xf32, #tpu.memory_space<vmem>>) offsets(%dma_start3A_344 : memref<32xi32, #tpu.memory_space<vmem>>) semaphore(%dma_start3A_349 : memref<!tpu.dma_semaphore, #tpu.memory_space<semaphore_mem>>)
    %dma_wait3A_350 = arith.constant 5 : i32
    %dma_wait3A_351 = arith.constant 1 : i32
    %dma_wait3A_352 = arith.constant 1 : i32
    %dma_wait3A_353 = arith.constant 0 : i32
    %dma_wait3A_354 = arith.constant 0 : i32
    %dma_wait3A_355 = tpu.memref_slice %arg6[%dma_wait3A_351, %dma_wait3A_353, %dma_wait3A_354] : memref<4x32x768xf32, #tpu.memory_space<vmem>> -> memref<1x32x768xf32, #tpu.memory_space<vmem>>
    %dma_wait3A_356 = tpu.memref_squeeze %dma_wait3A_355 : memref<1x32x768xf32, #tpu.memory_space<vmem>> -> memref<32x768xf32, #tpu.memory_space<vmem>>
    %dma_wait3A_357 = arith.constant 0 : i32
    %dma_wait3A_358 = tpu.memref_slice %arg5[%dma_wait3A_350, %dma_wait3A_357] : memref<8x32xi32, #tpu.memory_space<vmem>> -> memref<1x32xi32, #tpu.memory_space<vmem>>
    %dma_wait3A_359 = tpu.memref_squeeze %dma_wait3A_358 : memref<1x32xi32, #tpu.memory_space<vmem>> -> memref<32xi32, #tpu.memory_space<vmem>>
    %dma_wait3A_360 = arith.constant 0 : i32
    %dma_wait3A_361 = arith.constant 0 : i32
    %dma_wait3A_362 = tpu.memref_slice %arg2[%dma_wait3A_360, %dma_wait3A_361] : memref<30522x768xf32, #tpu.memory_space<hbm>> -> memref<30522x768xf32, #tpu.memory_space<hbm>>
    %dma_wait3A_363 = tpu.memref_slice %arg7[%dma_wait3A_352] : memref<4x!tpu.dma_semaphore, #tpu.memory_space<semaphore_mem>> -> memref<1x!tpu.dma_semaphore, #tpu.memory_space<semaphore_mem>>
    %dma_wait3A_364 = tpu.memref_squeeze %dma_wait3A_363 : memref<1x!tpu.dma_semaphore, #tpu.memory_space<semaphore_mem>> -> memref<!tpu.dma_semaphore, #tpu.memory_space<semaphore_mem>>
    tpu.wait_indirect_dma semaphore(%dma_wait3A_364 : memref<!tpu.dma_semaphore, #tpu.memory_space<semaphore_mem>>) src(%dma_wait3A_362 : memref<30522x768xf32, #tpu.memory_space<hbm>>) dst(%dma_wait3A_356 : memref<32x768xf32, #tpu.memory_space<vmem>>)
    %add3A_365 = arith.constant 160 : i32
    %add3A_366 = arith.addi %mul3A_2, %add3A_365 : i32
    %dma_start3A_367 = arith.constant 1 : i32
    %dma_start3A_368 = arith.constant 1 : i32
    %dma_start3A_369 = arith.constant 0 : i32
    %dma_start3A_370 = arith.constant 0 : i32
    %dma_start3A_371 = tpu.memref_slice %arg6[%dma_start3A_367, %dma_start3A_369, %dma_start3A_370] : memref<4x32x768xf32, #tpu.memory_space<vmem>> -> memref<1x32x768xf32, #tpu.memory_space<vmem>>
    %dma_start3A_372 = tpu.memref_squeeze %dma_start3A_371 : memref<1x32x768xf32, #tpu.memory_space<vmem>> -> memref<32x768xf32, #tpu.memory_space<vmem>>
    %dma_start3A_373 = arith.constant 0 : i32
    %dma_start3A_374 = tpu.memref_slice %arg4[%add3A_366, %dma_start3A_373] : memref<8192x768xf32, #tpu.memory_space<hbm>> -> memref<32x768xf32, #tpu.memory_space<hbm>>
    %dma_start3A_375 = tpu.memref_slice %arg8[%dma_start3A_368] : memref<4x!tpu.dma_semaphore, #tpu.memory_space<semaphore_mem>> -> memref<1x!tpu.dma_semaphore, #tpu.memory_space<semaphore_mem>>
    %dma_start3A_376 = tpu.memref_squeeze %dma_start3A_375 : memref<1x!tpu.dma_semaphore, #tpu.memory_space<semaphore_mem>> -> memref<!tpu.dma_semaphore, #tpu.memory_space<semaphore_mem>>
    %dma_start3A_377 = arith.constant 0 : i32
    %dma_start3A_378 = tpu.memref_slice %arg4[%add3A_366, %dma_start3A_377] : memref<8192x768xf32, #tpu.memory_space<hbm>> -> memref<32x768xf32, #tpu.memory_space<hbm>>
    %dma_start3A_379 = arith.constant 0 : i32
    %dma_start3A_380 = arith.constant 0 : i32
    %dma_start3A_381 = tpu.memref_slice %arg6[%dma_start3A_367, %dma_start3A_379, %dma_start3A_380] : memref<4x32x768xf32, #tpu.memory_space<vmem>> -> memref<1x32x768xf32, #tpu.memory_space<vmem>>
    %dma_start3A_382 = tpu.memref_squeeze %dma_start3A_381 : memref<1x32x768xf32, #tpu.memory_space<vmem>> -> memref<32x768xf32, #tpu.memory_space<vmem>>
    tpu.enqueue_dma source(%dma_start3A_382 : memref<32x768xf32, #tpu.memory_space<vmem>>) target(%dma_start3A_378 : memref<32x768xf32, #tpu.memory_space<hbm>>) target_semaphore(%dma_start3A_376 : memref<!tpu.dma_semaphore, #tpu.memory_space<semaphore_mem>>)
    %dma_wait3A_383 = arith.constant 6 : i32
    %dma_wait3A_384 = arith.constant 2 : i32
    %dma_wait3A_385 = arith.constant 2 : i32
    %dma_wait3A_386 = arith.constant 0 : i32
    %dma_wait3A_387 = arith.constant 0 : i32
    %dma_wait3A_388 = tpu.memref_slice %arg6[%dma_wait3A_384, %dma_wait3A_386, %dma_wait3A_387] : memref<4x32x768xf32, #tpu.memory_space<vmem>> -> memref<1x32x768xf32, #tpu.memory_space<vmem>>
    %dma_wait3A_389 = tpu.memref_squeeze %dma_wait3A_388 : memref<1x32x768xf32, #tpu.memory_space<vmem>> -> memref<32x768xf32, #tpu.memory_space<vmem>>
    %dma_wait3A_390 = arith.constant 0 : i32
    %dma_wait3A_391 = tpu.memref_slice %arg5[%dma_wait3A_383, %dma_wait3A_390] : memref<8x32xi32, #tpu.memory_space<vmem>> -> memref<1x32xi32, #tpu.memory_space<vmem>>
    %dma_wait3A_392 = tpu.memref_squeeze %dma_wait3A_391 : memref<1x32xi32, #tpu.memory_space<vmem>> -> memref<32xi32, #tpu.memory_space<vmem>>
    %dma_wait3A_393 = arith.constant 0 : i32
    %dma_wait3A_394 = arith.constant 0 : i32
    %dma_wait3A_395 = tpu.memref_slice %arg2[%dma_wait3A_393, %dma_wait3A_394] : memref<30522x768xf32, #tpu.memory_space<hbm>> -> memref<30522x768xf32, #tpu.memory_space<hbm>>
    %dma_wait3A_396 = tpu.memref_slice %arg7[%dma_wait3A_385] : memref<4x!tpu.dma_semaphore, #tpu.memory_space<semaphore_mem>> -> memref<1x!tpu.dma_semaphore, #tpu.memory_space<semaphore_mem>>
    %dma_wait3A_397 = tpu.memref_squeeze %dma_wait3A_396 : memref<1x!tpu.dma_semaphore, #tpu.memory_space<semaphore_mem>> -> memref<!tpu.dma_semaphore, #tpu.memory_space<semaphore_mem>>
    tpu.wait_indirect_dma semaphore(%dma_wait3A_397 : memref<!tpu.dma_semaphore, #tpu.memory_space<semaphore_mem>>) src(%dma_wait3A_395 : memref<30522x768xf32, #tpu.memory_space<hbm>>) dst(%dma_wait3A_389 : memref<32x768xf32, #tpu.memory_space<vmem>>)
    %add3A_398 = arith.constant 192 : i32
    %add3A_399 = arith.addi %mul3A_2, %add3A_398 : i32
    %dma_start3A_400 = arith.constant 2 : i32
    %dma_start3A_401 = arith.constant 2 : i32
    %dma_start3A_402 = arith.constant 0 : i32
    %dma_start3A_403 = arith.constant 0 : i32
    %dma_start3A_404 = tpu.memref_slice %arg6[%dma_start3A_400, %dma_start3A_402, %dma_start3A_403] : memref<4x32x768xf32, #tpu.memory_space<vmem>> -> memref<1x32x768xf32, #tpu.memory_space<vmem>>
    %dma_start3A_405 = tpu.memref_squeeze %dma_start3A_404 : memref<1x32x768xf32, #tpu.memory_space<vmem>> -> memref<32x768xf32, #tpu.memory_space<vmem>>
    %dma_start3A_406 = arith.constant 0 : i32
    %dma_start3A_407 = tpu.memref_slice %arg4[%add3A_399, %dma_start3A_406] : memref<8192x768xf32, #tpu.memory_space<hbm>> -> memref<32x768xf32, #tpu.memory_space<hbm>>
    %dma_start3A_408 = tpu.memref_slice %arg8[%dma_start3A_401] : memref<4x!tpu.dma_semaphore, #tpu.memory_space<semaphore_mem>> -> memref<1x!tpu.dma_semaphore, #tpu.memory_space<semaphore_mem>>
    %dma_start3A_409 = tpu.memref_squeeze %dma_start3A_408 : memref<1x!tpu.dma_semaphore, #tpu.memory_space<semaphore_mem>> -> memref<!tpu.dma_semaphore, #tpu.memory_space<semaphore_mem>>
    %dma_start3A_410 = arith.constant 0 : i32
    %dma_start3A_411 = tpu.memref_slice %arg4[%add3A_399, %dma_start3A_410] : memref<8192x768xf32, #tpu.memory_space<hbm>> -> memref<32x768xf32, #tpu.memory_space<hbm>>
    %dma_start3A_412 = arith.constant 0 : i32
    %dma_start3A_413 = arith.constant 0 : i32
    %dma_start3A_414 = tpu.memref_slice %arg6[%dma_start3A_400, %dma_start3A_412, %dma_start3A_413] : memref<4x32x768xf32, #tpu.memory_space<vmem>> -> memref<1x32x768xf32, #tpu.memory_space<vmem>>
    %dma_start3A_415 = tpu.memref_squeeze %dma_start3A_414 : memref<1x32x768xf32, #tpu.memory_space<vmem>> -> memref<32x768xf32, #tpu.memory_space<vmem>>
    tpu.enqueue_dma source(%dma_start3A_415 : memref<32x768xf32, #tpu.memory_space<vmem>>) target(%dma_start3A_411 : memref<32x768xf32, #tpu.memory_space<hbm>>) target_semaphore(%dma_start3A_409 : memref<!tpu.dma_semaphore, #tpu.memory_space<semaphore_mem>>)
    %dma_wait3A_416 = arith.constant 7 : i32
    %dma_wait3A_417 = arith.constant 3 : i32
    %dma_wait3A_418 = arith.constant 3 : i32
    %dma_wait3A_419 = arith.constant 0 : i32
    %dma_wait3A_420 = arith.constant 0 : i32
    %dma_wait3A_421 = tpu.memref_slice %arg6[%dma_wait3A_417, %dma_wait3A_419, %dma_wait3A_420] : memref<4x32x768xf32, #tpu.memory_space<vmem>> -> memref<1x32x768xf32, #tpu.memory_space<vmem>>
    %dma_wait3A_422 = tpu.memref_squeeze %dma_wait3A_421 : memref<1x32x768xf32, #tpu.memory_space<vmem>> -> memref<32x768xf32, #tpu.memory_space<vmem>>
    %dma_wait3A_423 = arith.constant 0 : i32
    %dma_wait3A_424 = tpu.memref_slice %arg5[%dma_wait3A_416, %dma_wait3A_423] : memref<8x32xi32, #tpu.memory_space<vmem>> -> memref<1x32xi32, #tpu.memory_space<vmem>>
    %dma_wait3A_425 = tpu.memref_squeeze %dma_wait3A_424 : memref<1x32xi32, #tpu.memory_space<vmem>> -> memref<32xi32, #tpu.memory_space<vmem>>
    %dma_wait3A_426 = arith.constant 0 : i32
    %dma_wait3A_427 = arith.constant 0 : i32
    %dma_wait3A_428 = tpu.memref_slice %arg2[%dma_wait3A_426, %dma_wait3A_427] : memref<30522x768xf32, #tpu.memory_space<hbm>> -> memref<30522x768xf32, #tpu.memory_space<hbm>>
    %dma_wait3A_429 = tpu.memref_slice %arg7[%dma_wait3A_418] : memref<4x!tpu.dma_semaphore, #tpu.memory_space<semaphore_mem>> -> memref<1x!tpu.dma_semaphore, #tpu.memory_space<semaphore_mem>>
    %dma_wait3A_430 = tpu.memref_squeeze %dma_wait3A_429 : memref<1x!tpu.dma_semaphore, #tpu.memory_space<semaphore_mem>> -> memref<!tpu.dma_semaphore, #tpu.memory_space<semaphore_mem>>
    tpu.wait_indirect_dma semaphore(%dma_wait3A_430 : memref<!tpu.dma_semaphore, #tpu.memory_space<semaphore_mem>>) src(%dma_wait3A_428 : memref<30522x768xf32, #tpu.memory_space<hbm>>) dst(%dma_wait3A_422 : memref<32x768xf32, #tpu.memory_space<vmem>>)
    %add3A_431 = arith.constant 224 : i32
    %add3A_432 = arith.addi %mul3A_2, %add3A_431 : i32
    %dma_start3A_433 = arith.constant 3 : i32
    %dma_start3A_434 = arith.constant 3 : i32
    %dma_start3A_435 = arith.constant 0 : i32
    %dma_start3A_436 = arith.constant 0 : i32
    %dma_start3A_437 = tpu.memref_slice %arg6[%dma_start3A_433, %dma_start3A_435, %dma_start3A_436] : memref<4x32x768xf32, #tpu.memory_space<vmem>> -> memref<1x32x768xf32, #tpu.memory_space<vmem>>
    %dma_start3A_438 = tpu.memref_squeeze %dma_start3A_437 : memref<1x32x768xf32, #tpu.memory_space<vmem>> -> memref<32x768xf32, #tpu.memory_space<vmem>>
    %dma_start3A_439 = arith.constant 0 : i32
    %dma_start3A_440 = tpu.memref_slice %arg4[%add3A_432, %dma_start3A_439] : memref<8192x768xf32, #tpu.memory_space<hbm>> -> memref<32x768xf32, #tpu.memory_space<hbm>>
    %dma_start3A_441 = tpu.memref_slice %arg8[%dma_start3A_434] : memref<4x!tpu.dma_semaphore, #tpu.memory_space<semaphore_mem>> -> memref<1x!tpu.dma_semaphore, #tpu.memory_space<semaphore_mem>>
    %dma_start3A_442 = tpu.memref_squeeze %dma_start3A_441 : memref<1x!tpu.dma_semaphore, #tpu.memory_space<semaphore_mem>> -> memref<!tpu.dma_semaphore, #tpu.memory_space<semaphore_mem>>
    %dma_start3A_443 = arith.constant 0 : i32
    %dma_start3A_444 = tpu.memref_slice %arg4[%add3A_432, %dma_start3A_443] : memref<8192x768xf32, #tpu.memory_space<hbm>> -> memref<32x768xf32, #tpu.memory_space<hbm>>
    %dma_start3A_445 = arith.constant 0 : i32
    %dma_start3A_446 = arith.constant 0 : i32
    %dma_start3A_447 = tpu.memref_slice %arg6[%dma_start3A_433, %dma_start3A_445, %dma_start3A_446] : memref<4x32x768xf32, #tpu.memory_space<vmem>> -> memref<1x32x768xf32, #tpu.memory_space<vmem>>
    %dma_start3A_448 = tpu.memref_squeeze %dma_start3A_447 : memref<1x32x768xf32, #tpu.memory_space<vmem>> -> memref<32x768xf32, #tpu.memory_space<vmem>>
    tpu.enqueue_dma source(%dma_start3A_448 : memref<32x768xf32, #tpu.memory_space<vmem>>) target(%dma_start3A_444 : memref<32x768xf32, #tpu.memory_space<hbm>>) target_semaphore(%dma_start3A_442 : memref<!tpu.dma_semaphore, #tpu.memory_space<semaphore_mem>>)
    %dma_wait3A_449 = arith.constant 0 : i32
    %dma_wait3A_450 = arith.constant 0 : i32
    %dma_wait3A_451 = arith.constant 0 : i32
    %dma_wait3A_452 = arith.constant 0 : i32
    %dma_wait3A_453 = tpu.memref_slice %arg6[%dma_wait3A_449, %dma_wait3A_451, %dma_wait3A_452] : memref<4x32x768xf32, #tpu.memory_space<vmem>> -> memref<1x32x768xf32, #tpu.memory_space<vmem>>
    %dma_wait3A_454 = tpu.memref_squeeze %dma_wait3A_453 : memref<1x32x768xf32, #tpu.memory_space<vmem>> -> memref<32x768xf32, #tpu.memory_space<vmem>>
    %dma_wait3A_455 = arith.constant 0 : i32
    %dma_wait3A_456 = tpu.memref_slice %arg4[%add3A_302, %dma_wait3A_455] : memref<8192x768xf32, #tpu.memory_space<hbm>> -> memref<32x768xf32, #tpu.memory_space<hbm>>
    %dma_wait3A_457 = tpu.memref_slice %arg8[%dma_wait3A_450] : memref<4x!tpu.dma_semaphore, #tpu.memory_space<semaphore_mem>> -> memref<1x!tpu.dma_semaphore, #tpu.memory_space<semaphore_mem>>
    %dma_wait3A_458 = tpu.memref_squeeze %dma_wait3A_457 : memref<1x!tpu.dma_semaphore, #tpu.memory_space<semaphore_mem>> -> memref<!tpu.dma_semaphore, #tpu.memory_space<semaphore_mem>>
    %dma_wait3A_459 = arith.constant 0 : i32
    %dma_wait3A_460 = tpu.memref_slice %arg4[%add3A_302, %dma_wait3A_459] : memref<8192x768xf32, #tpu.memory_space<hbm>> -> memref<32x768xf32, #tpu.memory_space<hbm>>
    %dma_wait3A_461 = arith.constant 0 : i32
    %dma_wait3A_462 = arith.constant 0 : i32
    %dma_wait3A_463 = tpu.memref_slice %arg6[%dma_wait3A_449, %dma_wait3A_461, %dma_wait3A_462] : memref<4x32x768xf32, #tpu.memory_space<vmem>> -> memref<1x32x768xf32, #tpu.memory_space<vmem>>
    %dma_wait3A_464 = tpu.memref_squeeze %dma_wait3A_463 : memref<1x32x768xf32, #tpu.memory_space<vmem>> -> memref<32x768xf32, #tpu.memory_space<vmem>>
    tpu.wait_dma2 semaphore(%dma_wait3A_458 : memref<!tpu.dma_semaphore, #tpu.memory_space<semaphore_mem>>) src(%dma_wait3A_464 : memref<32x768xf32, #tpu.memory_space<vmem>>) dst(%dma_wait3A_460 : memref<32x768xf32, #tpu.memory_space<hbm>>)
    %dma_wait3A_465 = arith.constant 1 : i32
    %dma_wait3A_466 = arith.constant 1 : i32
    %dma_wait3A_467 = arith.constant 0 : i32
    %dma_wait3A_468 = arith.constant 0 : i32
    %dma_wait3A_469 = tpu.memref_slice %arg6[%dma_wait3A_465, %dma_wait3A_467, %dma_wait3A_468] : memref<4x32x768xf32, #tpu.memory_space<vmem>> -> memref<1x32x768xf32, #tpu.memory_space<vmem>>
    %dma_wait3A_470 = tpu.memref_squeeze %dma_wait3A_469 : memref<1x32x768xf32, #tpu.memory_space<vmem>> -> memref<32x768xf32, #tpu.memory_space<vmem>>
    %dma_wait3A_471 = arith.constant 0 : i32
    %dma_wait3A_472 = tpu.memref_slice %arg4[%add3A_366, %dma_wait3A_471] : memref<8192x768xf32, #tpu.memory_space<hbm>> -> memref<32x768xf32, #tpu.memory_space<hbm>>
    %dma_wait3A_473 = tpu.memref_slice %arg8[%dma_wait3A_466] : memref<4x!tpu.dma_semaphore, #tpu.memory_space<semaphore_mem>> -> memref<1x!tpu.dma_semaphore, #tpu.memory_space<semaphore_mem>>
    %dma_wait3A_474 = tpu.memref_squeeze %dma_wait3A_473 : memref<1x!tpu.dma_semaphore, #tpu.memory_space<semaphore_mem>> -> memref<!tpu.dma_semaphore, #tpu.memory_space<semaphore_mem>>
    %dma_wait3A_475 = arith.constant 0 : i32
    %dma_wait3A_476 = tpu.memref_slice %arg4[%add3A_366, %dma_wait3A_475] : memref<8192x768xf32, #tpu.memory_space<hbm>> -> memref<32x768xf32, #tpu.memory_space<hbm>>
    %dma_wait3A_477 = arith.constant 0 : i32
    %dma_wait3A_478 = arith.constant 0 : i32
    %dma_wait3A_479 = tpu.memref_slice %arg6[%dma_wait3A_465, %dma_wait3A_477, %dma_wait3A_478] : memref<4x32x768xf32, #tpu.memory_space<vmem>> -> memref<1x32x768xf32, #tpu.memory_space<vmem>>
    %dma_wait3A_480 = tpu.memref_squeeze %dma_wait3A_479 : memref<1x32x768xf32, #tpu.memory_space<vmem>> -> memref<32x768xf32, #tpu.memory_space<vmem>>
    tpu.wait_dma2 semaphore(%dma_wait3A_474 : memref<!tpu.dma_semaphore, #tpu.memory_space<semaphore_mem>>) src(%dma_wait3A_480 : memref<32x768xf32, #tpu.memory_space<vmem>>) dst(%dma_wait3A_476 : memref<32x768xf32, #tpu.memory_space<hbm>>)
    %dma_wait3A_481 = arith.constant 2 : i32
    %dma_wait3A_482 = arith.constant 2 : i32
    %dma_wait3A_483 = arith.constant 0 : i32
    %dma_wait3A_484 = arith.constant 0 : i32
    %dma_wait3A_485 = tpu.memref_slice %arg6[%dma_wait3A_481, %dma_wait3A_483, %dma_wait3A_484] : memref<4x32x768xf32, #tpu.memory_space<vmem>> -> memref<1x32x768xf32, #tpu.memory_space<vmem>>
    %dma_wait3A_486 = tpu.memref_squeeze %dma_wait3A_485 : memref<1x32x768xf32, #tpu.memory_space<vmem>> -> memref<32x768xf32, #tpu.memory_space<vmem>>
    %dma_wait3A_487 = arith.constant 0 : i32
    %dma_wait3A_488 = tpu.memref_slice %arg4[%add3A_399, %dma_wait3A_487] : memref<8192x768xf32, #tpu.memory_space<hbm>> -> memref<32x768xf32, #tpu.memory_space<hbm>>
    %dma_wait3A_489 = tpu.memref_slice %arg8[%dma_wait3A_482] : memref<4x!tpu.dma_semaphore, #tpu.memory_space<semaphore_mem>> -> memref<1x!tpu.dma_semaphore, #tpu.memory_space<semaphore_mem>>
    %dma_wait3A_490 = tpu.memref_squeeze %dma_wait3A_489 : memref<1x!tpu.dma_semaphore, #tpu.memory_space<semaphore_mem>> -> memref<!tpu.dma_semaphore, #tpu.memory_space<semaphore_mem>>
    %dma_wait3A_491 = arith.constant 0 : i32
    %dma_wait3A_492 = tpu.memref_slice %arg4[%add3A_399, %dma_wait3A_491] : memref<8192x768xf32, #tpu.memory_space<hbm>> -> memref<32x768xf32, #tpu.memory_space<hbm>>
    %dma_wait3A_493 = arith.constant 0 : i32
    %dma_wait3A_494 = arith.constant 0 : i32
    %dma_wait3A_495 = tpu.memref_slice %arg6[%dma_wait3A_481, %dma_wait3A_493, %dma_wait3A_494] : memref<4x32x768xf32, #tpu.memory_space<vmem>> -> memref<1x32x768xf32, #tpu.memory_space<vmem>>
    %dma_wait3A_496 = tpu.memref_squeeze %dma_wait3A_495 : memref<1x32x768xf32, #tpu.memory_space<vmem>> -> memref<32x768xf32, #tpu.memory_space<vmem>>
    tpu.wait_dma2 semaphore(%dma_wait3A_490 : memref<!tpu.dma_semaphore, #tpu.memory_space<semaphore_mem>>) src(%dma_wait3A_496 : memref<32x768xf32, #tpu.memory_space<vmem>>) dst(%dma_wait3A_492 : memref<32x768xf32, #tpu.memory_space<hbm>>)
    %dma_wait3A_497 = arith.constant 3 : i32
    %dma_wait3A_498 = arith.constant 3 : i32
    %dma_wait3A_499 = arith.constant 0 : i32
    %dma_wait3A_500 = arith.constant 0 : i32
    %dma_wait3A_501 = tpu.memref_slice %arg6[%dma_wait3A_497, %dma_wait3A_499, %dma_wait3A_500] : memref<4x32x768xf32, #tpu.memory_space<vmem>> -> memref<1x32x768xf32, #tpu.memory_space<vmem>>
    %dma_wait3A_502 = tpu.memref_squeeze %dma_wait3A_501 : memref<1x32x768xf32, #tpu.memory_space<vmem>> -> memref<32x768xf32, #tpu.memory_space<vmem>>
    %dma_wait3A_503 = arith.constant 0 : i32
    %dma_wait3A_504 = tpu.memref_slice %arg4[%add3A_432, %dma_wait3A_503] : memref<8192x768xf32, #tpu.memory_space<hbm>> -> memref<32x768xf32, #tpu.memory_space<hbm>>
    %dma_wait3A_505 = tpu.memref_slice %arg8[%dma_wait3A_498] : memref<4x!tpu.dma_semaphore, #tpu.memory_space<semaphore_mem>> -> memref<1x!tpu.dma_semaphore, #tpu.memory_space<semaphore_mem>>
    %dma_wait3A_506 = tpu.memref_squeeze %dma_wait3A_505 : memref<1x!tpu.dma_semaphore, #tpu.memory_space<semaphore_mem>> -> memref<!tpu.dma_semaphore, #tpu.memory_space<semaphore_mem>>
    %dma_wait3A_507 = arith.constant 0 : i32
    %dma_wait3A_508 = tpu.memref_slice %arg4[%add3A_432, %dma_wait3A_507] : memref<8192x768xf32, #tpu.memory_space<hbm>> -> memref<32x768xf32, #tpu.memory_space<hbm>>
    %dma_wait3A_509 = arith.constant 0 : i32
    %dma_wait3A_510 = arith.constant 0 : i32
    %dma_wait3A_511 = tpu.memref_slice %arg6[%dma_wait3A_497, %dma_wait3A_509, %dma_wait3A_510] : memref<4x32x768xf32, #tpu.memory_space<vmem>> -> memref<1x32x768xf32, #tpu.memory_space<vmem>>
    %dma_wait3A_512 = tpu.memref_squeeze %dma_wait3A_511 : memref<1x32x768xf32, #tpu.memory_space<vmem>> -> memref<32x768xf32, #tpu.memory_space<vmem>>
    tpu.wait_dma2 semaphore(%dma_wait3A_506 : memref<!tpu.dma_semaphore, #tpu.memory_space<semaphore_mem>>) src(%dma_wait3A_512 : memref<32x768xf32, #tpu.memory_space<vmem>>) dst(%dma_wait3A_508 : memref<32x768xf32, #tpu.memory_space<hbm>>)
    return
  }
}

module attributes {stable_mosaic.version = 14 : i64} {
  func.func @_enc_body(%arg0: i32, %arg1: memref<1x512x768xf32, #tpu.memory_space<vmem>>, %arg2: memref<1x4x128xi32, #tpu.memory_space<vmem>>, %arg3: memref<8x768xf32, #tpu.memory_space<vmem>>, %arg4: memref<1536x768xbf16, #tpu.memory_space<vmem>>, %arg5: memref<1536x768xbf16, #tpu.memory_space<vmem>>, %arg6: memref<1x768xf32, #tpu.memory_space<vmem>>, %arg7: memref<1x8x2xf32, #tpu.memory_space<vmem>>, %arg8: memref<1x8x2xi32, #tpu.memory_space<vmem>>, %arg9: memref<1x1x1536xf32, #tpu.memory_space<vmem>>, %arg10: memref<1x1x768xf32, #tpu.memory_space<vmem>>) attributes {dimension_semantics = [#tpu.dimension_semantics<arbitrary>], iteration_bounds = array<i64: 16>, scalar_prefetch = 0 : i64, scratch_operands = 0 : i64, tpu.core_type = #tpu.core_type<tc>, window_params = [{transform_indices = @transform_0, window_bounds = array<i64: 1, 512, 768>}, {transform_indices = @transform_1, window_bounds = array<i64: 1, 4, 128>}, {pipeline_mode = #tpu.pipeline_mode<synchronous>, transform_indices = @transform_2, window_bounds = array<i64: 8, 768>}, {pipeline_mode = #tpu.pipeline_mode<synchronous>, transform_indices = @transform_3, window_bounds = array<i64: 1536, 768>}, {pipeline_mode = #tpu.pipeline_mode<synchronous>, transform_indices = @transform_4, window_bounds = array<i64: 1536, 768>}, {pipeline_mode = #tpu.pipeline_mode<synchronous>, transform_indices = @transform_5, window_bounds = array<i64: 1, 768>}, {transform_indices = @transform_6, window_bounds = array<i64: 1, 8, 2>}, {transform_indices = @transform_7, window_bounds = array<i64: 1, 8, 2>}, {transform_indices = @transform_8, window_bounds = array<i64: 1, 1, 1536>}, {transform_indices = @transform_9, window_bounds = array<i64: 1, 1, 768>}]} {
    %get3A = arith.constant 0 : index
    %get3A_0 = arith.constant 0 : index
    %get3A_1 = arith.constant 0 : index
    %get3A_2 = vector.load %arg1[%get3A, %get3A_0, %get3A_1] : memref<1x512x768xf32, #tpu.memory_space<vmem>>, vector<1x512x768xf32>
    %get3A_3 = vector.shape_cast %get3A_2 : vector<1x512x768xf32> to vector<512x768xf32>
    %get3A_4 = arith.constant 0 : index
    %get3A_5 = arith.constant 0 : index
    %get3A_6 = vector.load %arg3[%get3A_4, %get3A_5] : memref<8x768xf32, #tpu.memory_space<vmem>>, vector<8x768xf32>
    %dot_general3A = arith.constant dense<0.000000e+00> : vector<512x8xf32>
    %dot_general3A_7 = tpu.matmul %get3A_3, %get3A_6, %dot_general3A {dimension_numbers = #tpu.dot_dimension_numbers<[1], [1], [0], [0], [0, 0, 1, 0], [], []>, transpose_lhs_hint = false} : vector<512x768xf32>, vector<8x768xf32>, vector<512x8xf32> -> vector<512x8xf32>
    %reduce_max3A = arith.constant dense<0xFF800000> : vector<8xf32>
    %reduce_max3A_8 = vector.multi_reduction <maximumf>, %dot_general3A_7, %reduce_max3A [0] : vector<512x8xf32> to vector<8xf32>
    %broadcast_in_dim3A = vector.shape_cast %reduce_max3A_8 : vector<8xf32> to vector<1x8xf32>
    %sub3A = vector.broadcast %broadcast_in_dim3A : vector<1x8xf32> to vector<512x8xf32>
    %sub3A_9 = arith.subf %dot_general3A_7, %sub3A : vector<512x8xf32>
    %exp3A = math.exp %sub3A_9 : vector<512x8xf32>
    %reduce_sum3A = arith.constant dense<0.000000e+00> : vector<8xf32>
    %reduce_sum3A_10 = vector.multi_reduction <add>, %exp3A, %reduce_sum3A [0] : vector<512x8xf32> to vector<8xf32>
    %broadcast_in_dim3A_11 = vector.shape_cast %reduce_sum3A_10 : vector<8xf32> to vector<1x8xf32>
    %div3A = vector.broadcast %broadcast_in_dim3A_11 : vector<1x8xf32> to vector<512x8xf32>
    %div3A_12 = arith.divf %exp3A, %div3A : vector<512x8xf32>
    %iota3A = tpu.iota {dimensions = array<i32: 0>} : vector<512x8xi32>
    %reduce_max3A_13 = arith.constant dense<0xFF800000> : vector<8xf32>
    %reduce_max3A_14 = vector.multi_reduction <maximumf>, %div3A_12, %reduce_max3A_13 [0] : vector<512x8xf32> to vector<8xf32>
    %broadcast_in_dim3A_15 = vector.shape_cast %reduce_max3A_14 : vector<8xf32> to vector<1x8xf32>
    %eq3A = vector.broadcast %broadcast_in_dim3A_15 : vector<1x8xf32> to vector<512x8xf32>
    %eq3A_16 = arith.cmpf oeq, %div3A_12, %eq3A : vector<512x8xf32>
    %jit3A = arith.constant 512 : i32
    %broadcast_in_dim3A_17 = vector.broadcast %jit3A : i32 to vector<512x8xi32>
    %select_n3A = arith.select %eq3A_16, %iota3A, %broadcast_in_dim3A_17 : vector<512x8xi1>, vector<512x8xi32>
    %reduce_min3A = arith.constant dense<2147483647> : vector<8xi32>
    %reduce_min3A_18 = vector.multi_reduction <minsi>, %select_n3A, %reduce_min3A [0] : vector<512x8xi32> to vector<8xi32>
    %broadcast_in_dim3A_19 = vector.shape_cast %reduce_min3A_18 : vector<8xi32> to vector<1x8xi32>
    %eq3A_20 = vector.broadcast %broadcast_in_dim3A_19 : vector<1x8xi32> to vector<512x8xi32>
    %eq3A_21 = arith.cmpi eq, %iota3A, %eq3A_20 : vector<512x8xi32>
    %jit3A_22 = arith.constant -1.000000e+00 : f32
    %broadcast_in_dim3A_23 = vector.broadcast %jit3A_22 : f32 to vector<512x8xf32>
    %select_n3A_24 = arith.select %eq3A_21, %broadcast_in_dim3A_23, %div3A_12 : vector<512x8xi1>, vector<512x8xf32>
    %reduce_max3A_25 = arith.constant dense<0xFF800000> : vector<8xf32>
    %reduce_max3A_26 = vector.multi_reduction <maximumf>, %select_n3A_24, %reduce_max3A_25 [0] : vector<512x8xf32> to vector<8xf32>
    %broadcast_in_dim3A_27 = vector.shape_cast %reduce_max3A_26 : vector<8xf32> to vector<1x8xf32>
    %eq3A_28 = vector.broadcast %broadcast_in_dim3A_27 : vector<1x8xf32> to vector<512x8xf32>
    %eq3A_29 = arith.cmpf oeq, %select_n3A_24, %eq3A_28 : vector<512x8xf32>
    %jit3A_30 = arith.constant 512 : i32
    %broadcast_in_dim3A_31 = vector.broadcast %jit3A_30 : i32 to vector<512x8xi32>
    %select_n3A_32 = arith.select %eq3A_29, %iota3A, %broadcast_in_dim3A_31 : vector<512x8xi1>, vector<512x8xi32>
    %reduce_min3A_33 = arith.constant dense<2147483647> : vector<8xi32>
    %reduce_min3A_34 = vector.multi_reduction <minsi>, %select_n3A_32, %reduce_min3A_33 [0] : vector<512x8xi32> to vector<8xi32>
    %broadcast_in_dim3A_35 = vector.shape_cast %reduce_min3A_34 : vector<8xi32> to vector<1x8xi32>
    %reduce_sum3A_36 = arith.constant dense<0.000000e+00> : vector<1xf32>
    %reduce_sum3A_37 = vector.multi_reduction <add>, %broadcast_in_dim3A_15, %reduce_sum3A_36 [1] : vector<1x8xf32> to vector<1xf32>
    %broadcast_in_dim3A_38 = vector.shape_cast %reduce_sum3A_37 : vector<1xf32> to vector<1x1xf32>
    %div3A_39 = vector.broadcast %broadcast_in_dim3A_38 : vector<1x1xf32> to vector<1x8xf32>
    %div3A_40 = arith.divf %broadcast_in_dim3A_15, %div3A_39 : vector<1x8xf32>
    %reduce_sum3A_41 = arith.constant dense<0.000000e+00> : vector<1xf32>
    %reduce_sum3A_42 = vector.multi_reduction <add>, %broadcast_in_dim3A_27, %reduce_sum3A_41 [1] : vector<1x8xf32> to vector<1xf32>
    %broadcast_in_dim3A_43 = vector.shape_cast %reduce_sum3A_42 : vector<1xf32> to vector<1x1xf32>
    %div3A_44 = vector.broadcast %broadcast_in_dim3A_43 : vector<1x1xf32> to vector<1x8xf32>
    %div3A_45 = arith.divf %broadcast_in_dim3A_27, %div3A_44 : vector<1x8xf32>
    %broadcast_in_dim3A_46 = vector.shape_cast %div3A_40 : vector<1x8xf32> to vector<1x8x1xf32>
    %broadcast_in_dim3A_47 = vector.shape_cast %div3A_45 : vector<1x8xf32> to vector<1x8x1xf32>
    %concatenate3A = tpu.concatenate %broadcast_in_dim3A_46, %broadcast_in_dim3A_47 in 2 : vector<1x8x1xf32>, vector<1x8x1xf32> -> vector<1x8x2xf32>
    %swap3A = arith.constant 0 : index
    %swap3A_48 = arith.constant 0 : index
    %swap3A_49 = arith.constant 0 : index
    %swap3A_50 = vector.load %arg7[%swap3A, %swap3A_48, %swap3A_49] : memref<1x8x2xf32, #tpu.memory_space<vmem>>, vector<1x8x2xf32>
    tpu.vector_store %arg7[%swap3A, %swap3A_48, %swap3A_49], %concatenate3A {strides = array<i32>} : memref<1x8x2xf32, #tpu.memory_space<vmem>>, vector<1x8x2xf32>,
    %get3A_51 = arith.constant 0 : index
    %get3A_52 = arith.constant 0 : index
    %get3A_53 = arith.constant 0 : index
    %get3A_54 = vector.load %arg2[%get3A_51, %get3A_52, %get3A_53] : memref<1x4x128xi32, #tpu.memory_space<vmem>>, vector<1x4x128xi32>
    %get3A_55 = vector.shape_cast %get3A_54 : vector<1x4x128xi32> to vector<4x128xi32>
    %broadcast_in_dim3A_56 = vector.shape_cast %get3A_55 : vector<4x128xi32> to vector<4x128x1xi32>
    %iota3A_57 = tpu.iota {dimensions = array<i32: 0>} : vector<4x128x1xi32>
    %mul3A = arith.constant 128 : i32
    %mul3A_58 = vector.broadcast %mul3A : i32 to vector<4x128x1xi32>
    %mul3A_59 = arith.muli %iota3A_57, %mul3A_58 : vector<4x128x1xi32>
    %iota3A_60 = tpu.iota {dimensions = array<i32: 1>} : vector<4x128x1xi32>
    %add3A = arith.addi %mul3A_59, %iota3A_60 : vector<4x128x1xi32>
    %reshape3A = vector.shape_cast %broadcast_in_dim3A_19 : vector<1x8xi32> to vector<1x1x8xi32>
    %eq3A_61 = vector.broadcast %add3A : vector<4x128x1xi32> to vector<4x128x8xi32>
    %eq3A_62 = vector.broadcast %reshape3A : vector<1x1x8xi32> to vector<4x128x8xi32>
    %eq3A_63 = arith.cmpi eq, %eq3A_61, %eq3A_62 : vector<4x128x8xi32>
    %jit3A_64 = arith.constant 0 : i32
    %broadcast_in_dim3A_65 = vector.shape_cast %broadcast_in_dim3A_56 : vector<4x128x1xi32> to vector<4x128x1xi32>
    %broadcast_in_dim3A_66 = vector.broadcast %broadcast_in_dim3A_65 : vector<4x128x1xi32> to vector<4x128x8xi32>
    %broadcast_in_dim3A_67 = vector.broadcast %jit3A_64 : i32 to vector<4x128x8xi32>
    %select_n3A_68 = arith.select %eq3A_63, %broadcast_in_dim3A_66, %broadcast_in_dim3A_67 : vector<4x128x8xi1>, vector<4x128x8xi32>
    %reduce_sum3A_69 = arith.constant dense<0> : vector<8xi32>
    %reduce_sum3A_70 = vector.multi_reduction <add>, %select_n3A_68, %reduce_sum3A_69 [0, 1] : vector<4x128x8xi32> to vector<8xi32>
    %reshape3A_71 = vector.shape_cast %broadcast_in_dim3A_35 : vector<1x8xi32> to vector<1x1x8xi32>
    %eq3A_72 = vector.broadcast %add3A : vector<4x128x1xi32> to vector<4x128x8xi32>
    %eq3A_73 = vector.broadcast %reshape3A_71 : vector<1x1x8xi32> to vector<4x128x8xi32>
    %eq3A_74 = arith.cmpi eq, %eq3A_72, %eq3A_73 : vector<4x128x8xi32>
    %jit3A_75 = arith.constant 0 : i32
    %broadcast_in_dim3A_76 = vector.shape_cast %broadcast_in_dim3A_56 : vector<4x128x1xi32> to vector<4x128x1xi32>
    %broadcast_in_dim3A_77 = vector.broadcast %broadcast_in_dim3A_76 : vector<4x128x1xi32> to vector<4x128x8xi32>
    %broadcast_in_dim3A_78 = vector.broadcast %jit3A_75 : i32 to vector<4x128x8xi32>
    %select_n3A_79 = arith.select %eq3A_74, %broadcast_in_dim3A_77, %broadcast_in_dim3A_78 : vector<4x128x8xi1>, vector<4x128x8xi32>
    %reduce_sum3A_80 = arith.constant dense<0> : vector<8xi32>
    %reduce_sum3A_81 = vector.multi_reduction <add>, %select_n3A_79, %reduce_sum3A_80 [0, 1] : vector<4x128x8xi32> to vector<8xi32>
    %broadcast_in_dim3A_82 = vector.shape_cast %reduce_sum3A_70 : vector<8xi32> to vector<1x8x1xi32>
    %broadcast_in_dim3A_83 = vector.shape_cast %reduce_sum3A_81 : vector<8xi32> to vector<1x8x1xi32>
    %concatenate3A_84 = tpu.concatenate %broadcast_in_dim3A_82, %broadcast_in_dim3A_83 in 2 : vector<1x8x1xi32>, vector<1x8x1xi32> -> vector<1x8x2xi32>
    %swap3A_85 = arith.constant 0 : index
    %swap3A_86 = arith.constant 0 : index
    %swap3A_87 = arith.constant 0 : index
    %swap3A_88 = vector.load %arg8[%swap3A_85, %swap3A_86, %swap3A_87] : memref<1x8x2xi32, #tpu.memory_space<vmem>>, vector<1x8x2xi32>
    tpu.vector_store %arg8[%swap3A_85, %swap3A_86, %swap3A_87], %concatenate3A_84 {strides = array<i32>} : memref<1x8x2xi32, #tpu.memory_space<vmem>>, vector<1x8x2xi32>,
    %convert_element_type3A = arith.truncf %get3A_3 : vector<512x768xf32> to vector<512x768xbf16>
    %get3A_89 = arith.constant 0 : index
    %get3A_90 = arith.constant 0 : index
    %get3A_91 = vector.load %arg4[%get3A_89, %get3A_90] : memref<1536x768xbf16, #tpu.memory_space<vmem>>, vector<1536x768xbf16>
    %dot_general3A_92 = arith.constant dense<0.000000e+00> : vector<512x1536xf32>
    %dot_general3A_93 = tpu.matmul %convert_element_type3A, %get3A_91, %dot_general3A_92 {dimension_numbers = #tpu.dot_dimension_numbers<[1], [1], [0], [0], [0, 0, 1, 0], [], []>, transpose_lhs_hint = false} : vector<512x768xbf16>, vector<1536x768xbf16>, vector<512x1536xf32> -> vector<512x1536xf32>
    %get3A_94 = arith.constant 0 : index
    %get3A_95 = arith.constant 0 : index
    %get3A_96 = vector.load %arg5[%get3A_94, %get3A_95] : memref<1536x768xbf16, #tpu.memory_space<vmem>>, vector<1536x768xbf16>
    %dot_general3A_97 = arith.constant dense<0.000000e+00> : vector<512x1536xf32>
    %dot_general3A_98 = tpu.matmul %convert_element_type3A, %get3A_96, %dot_general3A_97 {dimension_numbers = #tpu.dot_dimension_numbers<[1], [1], [0], [0], [0, 0, 1, 0], [], []>, transpose_lhs_hint = false} : vector<512x768xbf16>, vector<1536x768xbf16>, vector<512x1536xf32> -> vector<512x1536xf32>
    %logistic3A = arith.negf %dot_general3A_93 : vector<512x1536xf32>
    %logistic3A_99 = math.exp %logistic3A : vector<512x1536xf32>
    %logistic3A_100 = arith.constant 1.000000e+00 : f32
    %logistic3A_101 = vector.broadcast %logistic3A_100 : f32 to vector<512x1536xf32>
    %logistic3A_102 = arith.addf %logistic3A_101, %logistic3A_99 : vector<512x1536xf32>
    %logistic3A_103 = arith.divf %logistic3A_101, %logistic3A_102 : vector<512x1536xf32>
    %mul3A_104 = arith.mulf %dot_general3A_93, %logistic3A_103 : vector<512x1536xf32>
    %mul3A_105 = arith.mulf %mul3A_104, %dot_general3A_98 : vector<512x1536xf32>
    %convert_element_type3A_106 = arith.truncf %mul3A_105 : vector<512x1536xf32> to vector<512x1536xbf16>
    %get3A_107 = arith.constant 0 : index
    %get3A_108 = arith.constant 0 : index
    %get3A_109 = vector.load %arg6[%get3A_107, %get3A_108] : memref<1x768xf32, #tpu.memory_space<vmem>>, vector<1x768xf32>
    %dot_general3A_110 = arith.constant dense<0.000000e+00> : vector<512x1xf32>
    %dot_general3A_111 = tpu.matmul %get3A_3, %get3A_109, %dot_general3A_110 {dimension_numbers = #tpu.dot_dimension_numbers<[1], [1], [0], [0], [0, 0, 1, 0], [], []>, transpose_lhs_hint = false} : vector<512x768xf32>, vector<1x768xf32>, vector<512x1xf32> -> vector<512x1xf32>
    %logistic3A_112 = arith.negf %dot_general3A_111 : vector<512x1xf32>
    %logistic3A_113 = math.exp %logistic3A_112 : vector<512x1xf32>
    %logistic3A_114 = arith.constant 1.000000e+00 : f32
    %logistic3A_115 = vector.broadcast %logistic3A_114 : f32 to vector<512x1xf32>
    %logistic3A_116 = arith.addf %logistic3A_115, %logistic3A_113 : vector<512x1xf32>
    %logistic3A_117 = arith.divf %logistic3A_115, %logistic3A_116 : vector<512x1xf32>
    %convert_element_type3A_118 = arith.truncf %logistic3A_117 : vector<512x1xf32> to vector<512x1xbf16>
    %dot_general3A_119 = arith.constant dense<0.000000e+00> : vector<1x1536xf32>
    %dot_general3A_120 = tpu.matmul %convert_element_type3A_118, %convert_element_type3A_106, %dot_general3A_119 {dimension_numbers = #tpu.dot_dimension_numbers<[0], [0], [1], [1], [0, 1, 1, 1], [], []>, transpose_lhs_hint = false} : vector<512x1xbf16>, vector<512x1536xbf16>, vector<1x1536xf32> -> vector<1x1536xf32>
    %swap3A_121 = arith.constant 0 : index
    %swap3A_122 = arith.constant 0 : index
    %swap3A_123 = arith.constant 0 : index
    %swap3A_124 = vector.load %arg9[%swap3A_121, %swap3A_122, %swap3A_123] : memref<1x1x1536xf32, #tpu.memory_space<vmem>>, vector<1x1x1536xf32>
    %swap3A_125 = vector.shape_cast %swap3A_124 : vector<1x1x1536xf32> to vector<1x1536xf32>
    %swap3A_126 = vector.shape_cast %dot_general3A_120 : vector<1x1536xf32> to vector<1x1x1536xf32>
    tpu.vector_store %arg9[%swap3A_121, %swap3A_122, %swap3A_123], %swap3A_126 {strides = array<i32>} : memref<1x1x1536xf32, #tpu.memory_space<vmem>>, vector<1x1x1536xf32>,
    %slice3A = vector.extract_strided_slice %get3A_3 {offsets = [0, 0], sizes = [1, 768], strides = [1, 1]} : vector<512x768xf32> to vector<1x768xf32>
    %swap3A_127 = arith.constant 0 : index
    %swap3A_128 = arith.constant 0 : index
    %swap3A_129 = arith.constant 0 : index
    %swap3A_130 = vector.load %arg10[%swap3A_127, %swap3A_128, %swap3A_129] : memref<1x1x768xf32, #tpu.memory_space<vmem>>, vector<1x1x768xf32>
    %swap3A_131 = vector.shape_cast %swap3A_130 : vector<1x1x768xf32> to vector<1x768xf32>
    %swap3A_132 = vector.shape_cast %slice3A : vector<1x768xf32> to vector<1x1x768xf32>
    tpu.vector_store %arg10[%swap3A_127, %swap3A_128, %swap3A_129], %swap3A_132 {strides = array<i32>} : memref<1x1x768xf32, #tpu.memory_space<vmem>>, vector<1x1x768xf32>,
    return
  }
  func.func @transform_0(%arg0: i32) -> (i32, i32, i32) {
    %c0_i32 = arith.constant 0 : i32
    %c0_i32_0 = arith.constant 0 : i32
    %c0_i32_1 = arith.constant 0 : i32
    return %arg0, %c0_i32, %c0_i32_0 : i32, i32, i32
  }
  func.func @transform_1(%arg0: i32) -> (i32, i32, i32) {
    %c0_i32 = arith.constant 0 : i32
    %c0_i32_0 = arith.constant 0 : i32
    %c0_i32_1 = arith.constant 0 : i32
    return %arg0, %c0_i32, %c0_i32_0 : i32, i32, i32
  }
  func.func @transform_2(%arg0: i32) -> (i32, i32) {
    %c0_i32 = arith.constant 0 : i32
    %c0_i32_0 = arith.constant 0 : i32
    %c0_i32_1 = arith.constant 0 : i32
    return %c0_i32, %c0_i32_0 : i32, i32
  }
  func.func @transform_3(%arg0: i32) -> (i32, i32) {
    %c0_i32 = arith.constant 0 : i32
    %c0_i32_0 = arith.constant 0 : i32
    %c0_i32_1 = arith.constant 0 : i32
    return %c0_i32, %c0_i32_0 : i32, i32
  }
  func.func @transform_4(%arg0: i32) -> (i32, i32) {
    %c0_i32 = arith.constant 0 : i32
    %c0_i32_0 = arith.constant 0 : i32
    %c0_i32_1 = arith.constant 0 : i32
    return %c0_i32, %c0_i32_0 : i32, i32
  }
  func.func @transform_5(%arg0: i32) -> (i32, i32) {
    %c0_i32 = arith.constant 0 : i32
    %c0_i32_0 = arith.constant 0 : i32
    %c0_i32_1 = arith.constant 0 : i32
    return %c0_i32, %c0_i32_0 : i32, i32
  }
  func.func @transform_6(%arg0: i32) -> (i32, i32, i32) {
    %c0_i32 = arith.constant 0 : i32
    %c0_i32_0 = arith.constant 0 : i32
    %c0_i32_1 = arith.constant 0 : i32
    return %arg0, %c0_i32, %c0_i32_0 : i32, i32, i32
  }
  func.func @transform_7(%arg0: i32) -> (i32, i32, i32) {
    %c0_i32 = arith.constant 0 : i32
    %c0_i32_0 = arith.constant 0 : i32
    %c0_i32_1 = arith.constant 0 : i32
    return %arg0, %c0_i32, %c0_i32_0 : i32, i32, i32
  }
  func.func @transform_8(%arg0: i32) -> (i32, i32, i32) {
    %c0_i32 = arith.constant 0 : i32
    %c0_i32_0 = arith.constant 0 : i32
    %c0_i32_1 = arith.constant 0 : i32
    return %arg0, %c0_i32, %c0_i32_0 : i32, i32, i32
  }
  func.func @transform_9(%arg0: i32) -> (i32, i32, i32) {
    %c0_i32 = arith.constant 0 : i32
    %c0_i32_0 = arith.constant 0 : i32
    %c0_i32_1 = arith.constant 0 : i32
    return %arg0, %c0_i32, %c0_i32_0 : i32, i32, i32
  }
}

module attributes {stable_mosaic.version = 14 : i64} {
  func.func @_expert_body(%arg0: i32, %arg1: memref<512xi32, #tpu.memory_space<smem>>, %arg2: memref<30522x768xf32, #tpu.memory_space<any>>, %arg3: memref<1x1536x768xf32, #tpu.memory_space<vmem>>, %arg4: memref<1x1536x768xf32, #tpu.memory_space<vmem>>, %arg5: memref<1x768x1536xf32, #tpu.memory_space<vmem>>, %arg6: memref<1x1x64xf32, #tpu.memory_space<vmem>>, %arg7: memref<32x1536xf32, #tpu.memory_space<vmem>>, %arg8: memref<768x1536xf32, #tpu.memory_space<vmem>>, %arg9: memref<32x768xf32, #tpu.memory_space<vmem>>, %arg10: memref<768x2304xf32, #tpu.memory_space<vmem>>, %arg11: memref<1x768xf32, #tpu.memory_space<vmem>>, %arg12: memref<128x768xf32, #tpu.memory_space<vmem>>, %arg13: memref<1x128xf32, #tpu.memory_space<vmem>>, %arg14: memref<1x32x128xf32, #tpu.memory_space<vmem>>, %arg15: memref<2x64x768xf32, #tpu.memory_space<vmem>>, %arg16: memref<32x768xf32, #tpu.memory_space<vmem>>, %arg17: memref<2x!tpu.dma_semaphore, #tpu.memory_space<semaphore_mem>>) attributes {dimension_semantics = [#tpu.dimension_semantics<arbitrary>], iteration_bounds = array<i64: 8>, scalar_prefetch = 1 : i64, scratch_operands = 3 : i64, tpu.core_type = #tpu.core_type<tc>, window_params = [{}, {transform_indices = @transform_1, window_bounds = array<i64: 1, 1536, 768>}, {transform_indices = @transform_2, window_bounds = array<i64: 1, 1536, 768>}, {transform_indices = @transform_3, window_bounds = array<i64: 1, 768, 1536>}, {transform_indices = @transform_4, window_bounds = array<i64: 1, 1, 64>}, {pipeline_mode = #tpu.pipeline_mode<synchronous>, transform_indices = @transform_5, window_bounds = array<i64: 32, 1536>}, {pipeline_mode = #tpu.pipeline_mode<synchronous>, transform_indices = @transform_6, window_bounds = array<i64: 768, 1536>}, {pipeline_mode = #tpu.pipeline_mode<synchronous>, transform_indices = @transform_7, window_bounds = array<i64: 32, 768>}, {pipeline_mode = #tpu.pipeline_mode<synchronous>, transform_indices = @transform_8, window_bounds = array<i64: 768, 2304>}, {pipeline_mode = #tpu.pipeline_mode<synchronous>, transform_indices = @transform_9, window_bounds = array<i64: 1, 768>}, {pipeline_mode = #tpu.pipeline_mode<synchronous>, transform_indices = @transform_10, window_bounds = array<i64: 128, 768>}, {pipeline_mode = #tpu.pipeline_mode<synchronous>, transform_indices = @transform_11, window_bounds = array<i64: 1, 128>}, {transform_indices = @transform_12, window_bounds = array<i64: 1, 32, 128>}]} {
    %eq3A = arith.constant 0 : i32
    %eq3A_0 = arith.cmpi eq, %arg0, %eq3A : i32
    %convert_element_type3A = arith.extui %eq3A_0 : i1 to i32
    %cond3A = arith.constant 0 : i32
    %cond3A_1 = arith.cmpi ne, %convert_element_type3A, %cond3A : i32
    scf.if %cond3A_1 {
      %get3A_89 = arith.constant 0 : index
      %get3A_90 = memref.load %arg1[%get3A_89] : memref<512xi32, #tpu.memory_space<smem>>
      %dma_start3A = arith.constant 0 : i32
      %dma_start3A_91 = arith.constant 0 : i32
      %dma_start3A_92 = tpu.memref_slice %arg17[%dma_start3A_91] : memref<2x!tpu.dma_semaphore, #tpu.memory_space<semaphore_mem>> -> memref<1x!tpu.dma_semaphore, #tpu.memory_space<semaphore_mem>>
      %dma_start3A_93 = tpu.memref_squeeze %dma_start3A_92 : memref<1x!tpu.dma_semaphore, #tpu.memory_space<semaphore_mem>> -> memref<!tpu.dma_semaphore, #tpu.memory_space<semaphore_mem>>
      %dma_start3A_94 = arith.constant 0 : i32
      %dma_start3A_95 = arith.constant 0 : i32
      %dma_start3A_96 = tpu.memref_slice %arg15[%dma_start3A, %dma_start3A_94, %dma_start3A_95] : memref<2x64x768xf32, #tpu.memory_space<vmem>> -> memref<1x1x768xf32, #tpu.memory_space<vmem>>
      %dma_start3A_97 = tpu.memref_squeeze %dma_start3A_96 : memref<1x1x768xf32, #tpu.memory_space<vmem>> -> memref<1x768xf32, #tpu.memory_space<vmem>>
      %dma_start3A_98 = arith.constant 0 : i32
      %dma_start3A_99 = tpu.memref_slice %arg2[%get3A_90, %dma_start3A_98] : memref<30522x768xf32, #tpu.memory_space<any>> -> memref<1x768xf32, #tpu.memory_space<any>>
      tpu.enqueue_dma source(%dma_start3A_99 : memref<1x768xf32, #tpu.memory_space<any>>) target(%dma_start3A_97 : memref<1x768xf32, #tpu.memory_space<vmem>>) target_semaphore(%dma_start3A_93 : memref<!tpu.dma_semaphore, #tpu.memory_space<semaphore_mem>>)
      %get3A_100 = arith.constant 1 : index
      %get3A_101 = memref.load %arg1[%get3A_100] : memref<512xi32, #tpu.memory_space<smem>>
      %dma_start3A_102 = arith.constant 0 : i32
      %dma_start3A_103 = arith.constant 0 : i32
      %dma_start3A_104 = tpu.memref_slice %arg17[%dma_start3A_103] : memref<2x!tpu.dma_semaphore, #tpu.memory_space<semaphore_mem>> -> memref<1x!tpu.dma_semaphore, #tpu.memory_space<semaphore_mem>>
      %dma_start3A_105 = tpu.memref_squeeze %dma_start3A_104 : memref<1x!tpu.dma_semaphore, #tpu.memory_space<semaphore_mem>> -> memref<!tpu.dma_semaphore, #tpu.memory_space<semaphore_mem>>
      %dma_start3A_106 = arith.constant 1 : i32
      %dma_start3A_107 = arith.constant 0 : i32
      %dma_start3A_108 = tpu.memref_slice %arg15[%dma_start3A_102, %dma_start3A_106, %dma_start3A_107] : memref<2x64x768xf32, #tpu.memory_space<vmem>> -> memref<1x1x768xf32, #tpu.memory_space<vmem>>
      %dma_start3A_109 = tpu.memref_squeeze %dma_start3A_108 : memref<1x1x768xf32, #tpu.memory_space<vmem>> -> memref<1x768xf32, #tpu.memory_space<vmem>>
      %dma_start3A_110 = arith.constant 0 : i32
      %dma_start3A_111 = tpu.memref_slice %arg2[%get3A_101, %dma_start3A_110] : memref<30522x768xf32, #tpu.memory_space<any>> -> memref<1x768xf32, #tpu.memory_space<any>>
      tpu.enqueue_dma source(%dma_start3A_111 : memref<1x768xf32, #tpu.memory_space<any>>) target(%dma_start3A_109 : memref<1x768xf32, #tpu.memory_space<vmem>>) target_semaphore(%dma_start3A_105 : memref<!tpu.dma_semaphore, #tpu.memory_space<semaphore_mem>>)
      %get3A_112 = arith.constant 2 : index
      %get3A_113 = memref.load %arg1[%get3A_112] : memref<512xi32, #tpu.memory_space<smem>>
      %dma_start3A_114 = arith.constant 0 : i32
      %dma_start3A_115 = arith.constant 0 : i32
      %dma_start3A_116 = tpu.memref_slice %arg17[%dma_start3A_115] : memref<2x!tpu.dma_semaphore, #tpu.memory_space<semaphore_mem>> -> memref<1x!tpu.dma_semaphore, #tpu.memory_space<semaphore_mem>>
      %dma_start3A_117 = tpu.memref_squeeze %dma_start3A_116 : memref<1x!tpu.dma_semaphore, #tpu.memory_space<semaphore_mem>> -> memref<!tpu.dma_semaphore, #tpu.memory_space<semaphore_mem>>
      %dma_start3A_118 = arith.constant 2 : i32
      %dma_start3A_119 = arith.constant 0 : i32
      %dma_start3A_120 = tpu.memref_slice %arg15[%dma_start3A_114, %dma_start3A_118, %dma_start3A_119] : memref<2x64x768xf32, #tpu.memory_space<vmem>> -> memref<1x1x768xf32, #tpu.memory_space<vmem>>
      %dma_start3A_121 = tpu.memref_squeeze %dma_start3A_120 : memref<1x1x768xf32, #tpu.memory_space<vmem>> -> memref<1x768xf32, #tpu.memory_space<vmem>>
      %dma_start3A_122 = arith.constant 0 : i32
      %dma_start3A_123 = tpu.memref_slice %arg2[%get3A_113, %dma_start3A_122] : memref<30522x768xf32, #tpu.memory_space<any>> -> memref<1x768xf32, #tpu.memory_space<any>>
      tpu.enqueue_dma source(%dma_start3A_123 : memref<1x768xf32, #tpu.memory_space<any>>) target(%dma_start3A_121 : memref<1x768xf32, #tpu.memory_space<vmem>>) target_semaphore(%dma_start3A_117 : memref<!tpu.dma_semaphore, #tpu.memory_space<semaphore_mem>>)
      %get3A_124 = arith.constant 3 : index
      %get3A_125 = memref.load %arg1[%get3A_124] : memref<512xi32, #tpu.memory_space<smem>>
      %dma_start3A_126 = arith.constant 0 : i32
      %dma_start3A_127 = arith.constant 0 : i32
      %dma_start3A_128 = tpu.memref_slice %arg17[%dma_start3A_127] : memref<2x!tpu.dma_semaphore, #tpu.memory_space<semaphore_mem>> -> memref<1x!tpu.dma_semaphore, #tpu.memory_space<semaphore_mem>>
      %dma_start3A_129 = tpu.memref_squeeze %dma_start3A_128 : memref<1x!tpu.dma_semaphore, #tpu.memory_space<semaphore_mem>> -> memref<!tpu.dma_semaphore, #tpu.memory_space<semaphore_mem>>
      %dma_start3A_130 = arith.constant 3 : i32
      %dma_start3A_131 = arith.constant 0 : i32
      %dma_start3A_132 = tpu.memref_slice %arg15[%dma_start3A_126, %dma_start3A_130, %dma_start3A_131] : memref<2x64x768xf32, #tpu.memory_space<vmem>> -> memref<1x1x768xf32, #tpu.memory_space<vmem>>
      %dma_start3A_133 = tpu.memref_squeeze %dma_start3A_132 : memref<1x1x768xf32, #tpu.memory_space<vmem>> -> memref<1x768xf32, #tpu.memory_space<vmem>>
      %dma_start3A_134 = arith.constant 0 : i32
      %dma_start3A_135 = tpu.memref_slice %arg2[%get3A_125, %dma_start3A_134] : memref<30522x768xf32, #tpu.memory_space<any>> -> memref<1x768xf32, #tpu.memory_space<any>>
      tpu.enqueue_dma source(%dma_start3A_135 : memref<1x768xf32, #tpu.memory_space<any>>) target(%dma_start3A_133 : memref<1x768xf32, #tpu.memory_space<vmem>>) target_semaphore(%dma_start3A_129 : memref<!tpu.dma_semaphore, #tpu.memory_space<semaphore_mem>>)
      %get3A_136 = arith.constant 4 : index
      %get3A_137 = memref.load %arg1[%get3A_136] : memref<512xi32, #tpu.memory_space<smem>>
      %dma_start3A_138 = arith.constant 0 : i32
      %dma_start3A_139 = arith.constant 0 : i32
      %dma_start3A_140 = tpu.memref_slice %arg17[%dma_start3A_139] : memref<2x!tpu.dma_semaphore, #tpu.memory_space<semaphore_mem>> -> memref<1x!tpu.dma_semaphore, #tpu.memory_space<semaphore_mem>>
      %dma_start3A_141 = tpu.memref_squeeze %dma_start3A_140 : memref<1x!tpu.dma_semaphore, #tpu.memory_space<semaphore_mem>> -> memref<!tpu.dma_semaphore, #tpu.memory_space<semaphore_mem>>
      %dma_start3A_142 = arith.constant 4 : i32
      %dma_start3A_143 = arith.constant 0 : i32
      %dma_start3A_144 = tpu.memref_slice %arg15[%dma_start3A_138, %dma_start3A_142, %dma_start3A_143] : memref<2x64x768xf32, #tpu.memory_space<vmem>> -> memref<1x1x768xf32, #tpu.memory_space<vmem>>
      %dma_start3A_145 = tpu.memref_squeeze %dma_start3A_144 : memref<1x1x768xf32, #tpu.memory_space<vmem>> -> memref<1x768xf32, #tpu.memory_space<vmem>>
      %dma_start3A_146 = arith.constant 0 : i32
      %dma_start3A_147 = tpu.memref_slice %arg2[%get3A_137, %dma_start3A_146] : memref<30522x768xf32, #tpu.memory_space<any>> -> memref<1x768xf32, #tpu.memory_space<any>>
      tpu.enqueue_dma source(%dma_start3A_147 : memref<1x768xf32, #tpu.memory_space<any>>) target(%dma_start3A_145 : memref<1x768xf32, #tpu.memory_space<vmem>>) target_semaphore(%dma_start3A_141 : memref<!tpu.dma_semaphore, #tpu.memory_space<semaphore_mem>>)
      %get3A_148 = arith.constant 5 : index
      %get3A_149 = memref.load %arg1[%get3A_148] : memref<512xi32, #tpu.memory_space<smem>>
      %dma_start3A_150 = arith.constant 0 : i32
      %dma_start3A_151 = arith.constant 0 : i32
      %dma_start3A_152 = tpu.memref_slice %arg17[%dma_start3A_151] : memref<2x!tpu.dma_semaphore, #tpu.memory_space<semaphore_mem>> -> memref<1x!tpu.dma_semaphore, #tpu.memory_space<semaphore_mem>>
      %dma_start3A_153 = tpu.memref_squeeze %dma_start3A_152 : memref<1x!tpu.dma_semaphore, #tpu.memory_space<semaphore_mem>> -> memref<!tpu.dma_semaphore, #tpu.memory_space<semaphore_mem>>
      %dma_start3A_154 = arith.constant 5 : i32
      %dma_start3A_155 = arith.constant 0 : i32
      %dma_start3A_156 = tpu.memref_slice %arg15[%dma_start3A_150, %dma_start3A_154, %dma_start3A_155] : memref<2x64x768xf32, #tpu.memory_space<vmem>> -> memref<1x1x768xf32, #tpu.memory_space<vmem>>
      %dma_start3A_157 = tpu.memref_squeeze %dma_start3A_156 : memref<1x1x768xf32, #tpu.memory_space<vmem>> -> memref<1x768xf32, #tpu.memory_space<vmem>>
      %dma_start3A_158 = arith.constant 0 : i32
      %dma_start3A_159 = tpu.memref_slice %arg2[%get3A_149, %dma_start3A_158] : memref<30522x768xf32, #tpu.memory_space<any>> -> memref<1x768xf32, #tpu.memory_space<any>>
      tpu.enqueue_dma source(%dma_start3A_159 : memref<1x768xf32, #tpu.memory_space<any>>) target(%dma_start3A_157 : memref<1x768xf32, #tpu.memory_space<vmem>>) target_semaphore(%dma_start3A_153 : memref<!tpu.dma_semaphore, #tpu.memory_space<semaphore_mem>>)
      %get3A_160 = arith.constant 6 : index
      %get3A_161 = memref.load %arg1[%get3A_160] : memref<512xi32, #tpu.memory_space<smem>>
      %dma_start3A_162 = arith.constant 0 : i32
      %dma_start3A_163 = arith.constant 0 : i32
      %dma_start3A_164 = tpu.memref_slice %arg17[%dma_start3A_163] : memref<2x!tpu.dma_semaphore, #tpu.memory_space<semaphore_mem>> -> memref<1x!tpu.dma_semaphore, #tpu.memory_space<semaphore_mem>>
      %dma_start3A_165 = tpu.memref_squeeze %dma_start3A_164 : memref<1x!tpu.dma_semaphore, #tpu.memory_space<semaphore_mem>> -> memref<!tpu.dma_semaphore, #tpu.memory_space<semaphore_mem>>
      %dma_start3A_166 = arith.constant 6 : i32
      %dma_start3A_167 = arith.constant 0 : i32
      %dma_start3A_168 = tpu.memref_slice %arg15[%dma_start3A_162, %dma_start3A_166, %dma_start3A_167] : memref<2x64x768xf32, #tpu.memory_space<vmem>> -> memref<1x1x768xf32, #tpu.memory_space<vmem>>
      %dma_start3A_169 = tpu.memref_squeeze %dma_start3A_168 : memref<1x1x768xf32, #tpu.memory_space<vmem>> -> memref<1x768xf32, #tpu.memory_space<vmem>>
      %dma_start3A_170 = arith.constant 0 : i32
      %dma_start3A_171 = tpu.memref_slice %arg2[%get3A_161, %dma_start3A_170] : memref<30522x768xf32, #tpu.memory_space<any>> -> memref<1x768xf32, #tpu.memory_space<any>>
      tpu.enqueue_dma source(%dma_start3A_171 : memref<1x768xf32, #tpu.memory_space<any>>) target(%dma_start3A_169 : memref<1x768xf32, #tpu.memory_space<vmem>>) target_semaphore(%dma_start3A_165 : memref<!tpu.dma_semaphore, #tpu.memory_space<semaphore_mem>>)
      %get3A_172 = arith.constant 7 : index
      %get3A_173 = memref.load %arg1[%get3A_172] : memref<512xi32, #tpu.memory_space<smem>>
      %dma_start3A_174 = arith.constant 0 : i32
      %dma_start3A_175 = arith.constant 0 : i32
      %dma_start3A_176 = tpu.memref_slice %arg17[%dma_start3A_175] : memref<2x!tpu.dma_semaphore, #tpu.memory_space<semaphore_mem>> -> memref<1x!tpu.dma_semaphore, #tpu.memory_space<semaphore_mem>>
      %dma_start3A_177 = tpu.memref_squeeze %dma_start3A_176 : memref<1x!tpu.dma_semaphore, #tpu.memory_space<semaphore_mem>> -> memref<!tpu.dma_semaphore, #tpu.memory_space<semaphore_mem>>
      %dma_start3A_178 = arith.constant 7 : i32
      %dma_start3A_179 = arith.constant 0 : i32
      %dma_start3A_180 = tpu.memref_slice %arg15[%dma_start3A_174, %dma_start3A_178, %dma_start3A_179] : memref<2x64x768xf32, #tpu.memory_space<vmem>> -> memref<1x1x768xf32, #tpu.memory_space<vmem>>
      %dma_start3A_181 = tpu.memref_squeeze %dma_start3A_180 : memref<1x1x768xf32, #tpu.memory_space<vmem>> -> memref<1x768xf32, #tpu.memory_space<vmem>>
      %dma_start3A_182 = arith.constant 0 : i32
      %dma_start3A_183 = tpu.memref_slice %arg2[%get3A_173, %dma_start3A_182] : memref<30522x768xf32, #tpu.memory_space<any>> -> memref<1x768xf32, #tpu.memory_space<any>>
      tpu.enqueue_dma source(%dma_start3A_183 : memref<1x768xf32, #tpu.memory_space<any>>) target(%dma_start3A_181 : memref<1x768xf32, #tpu.memory_space<vmem>>) target_semaphore(%dma_start3A_177 : memref<!tpu.dma_semaphore, #tpu.memory_space<semaphore_mem>>)
      %get3A_184 = arith.constant 8 : index
      %get3A_185 = memref.load %arg1[%get3A_184] : memref<512xi32, #tpu.memory_space<smem>>
      %dma_start3A_186 = arith.constant 0 : i32
      %dma_start3A_187 = arith.constant 0 : i32
      %dma_start3A_188 = tpu.memref_slice %arg17[%dma_start3A_187] : memref<2x!tpu.dma_semaphore, #tpu.memory_space<semaphore_mem>> -> memref<1x!tpu.dma_semaphore, #tpu.memory_space<semaphore_mem>>
      %dma_start3A_189 = tpu.memref_squeeze %dma_start3A_188 : memref<1x!tpu.dma_semaphore, #tpu.memory_space<semaphore_mem>> -> memref<!tpu.dma_semaphore, #tpu.memory_space<semaphore_mem>>
      %dma_start3A_190 = arith.constant 8 : i32
      %dma_start3A_191 = arith.constant 0 : i32
      %dma_start3A_192 = tpu.memref_slice %arg15[%dma_start3A_186, %dma_start3A_190, %dma_start3A_191] : memref<2x64x768xf32, #tpu.memory_space<vmem>> -> memref<1x1x768xf32, #tpu.memory_space<vmem>>
      %dma_start3A_193 = tpu.memref_squeeze %dma_start3A_192 : memref<1x1x768xf32, #tpu.memory_space<vmem>> -> memref<1x768xf32, #tpu.memory_space<vmem>>
      %dma_start3A_194 = arith.constant 0 : i32
      %dma_start3A_195 = tpu.memref_slice %arg2[%get3A_185, %dma_start3A_194] : memref<30522x768xf32, #tpu.memory_space<any>> -> memref<1x768xf32, #tpu.memory_space<any>>
      tpu.enqueue_dma source(%dma_start3A_195 : memref<1x768xf32, #tpu.memory_space<any>>) target(%dma_start3A_193 : memref<1x768xf32, #tpu.memory_space<vmem>>) target_semaphore(%dma_start3A_189 : memref<!tpu.dma_semaphore, #tpu.memory_space<semaphore_mem>>)
      %get3A_196 = arith.constant 9 : index
      %get3A_197 = memref.load %arg1[%get3A_196] : memref<512xi32, #tpu.memory_space<smem>>
      %dma_start3A_198 = arith.constant 0 : i32
      %dma_start3A_199 = arith.constant 0 : i32
      %dma_start3A_200 = tpu.memref_slice %arg17[%dma_start3A_199] : memref<2x!tpu.dma_semaphore, #tpu.memory_space<semaphore_mem>> -> memref<1x!tpu.dma_semaphore, #tpu.memory_space<semaphore_mem>>
      %dma_start3A_201 = tpu.memref_squeeze %dma_start3A_200 : memref<1x!tpu.dma_semaphore, #tpu.memory_space<semaphore_mem>> -> memref<!tpu.dma_semaphore, #tpu.memory_space<semaphore_mem>>
      %dma_start3A_202 = arith.constant 9 : i32
      %dma_start3A_203 = arith.constant 0 : i32
      %dma_start3A_204 = tpu.memref_slice %arg15[%dma_start3A_198, %dma_start3A_202, %dma_start3A_203] : memref<2x64x768xf32, #tpu.memory_space<vmem>> -> memref<1x1x768xf32, #tpu.memory_space<vmem>>
      %dma_start3A_205 = tpu.memref_squeeze %dma_start3A_204 : memref<1x1x768xf32, #tpu.memory_space<vmem>> -> memref<1x768xf32, #tpu.memory_space<vmem>>
      %dma_start3A_206 = arith.constant 0 : i32
      %dma_start3A_207 = tpu.memref_slice %arg2[%get3A_197, %dma_start3A_206] : memref<30522x768xf32, #tpu.memory_space<any>> -> memref<1x768xf32, #tpu.memory_space<any>>
      tpu.enqueue_dma source(%dma_start3A_207 : memref<1x768xf32, #tpu.memory_space<any>>) target(%dma_start3A_205 : memref<1x768xf32, #tpu.memory_space<vmem>>) target_semaphore(%dma_start3A_201 : memref<!tpu.dma_semaphore, #tpu.memory_space<semaphore_mem>>)
      %get3A_208 = arith.constant 10 : index
      %get3A_209 = memref.load %arg1[%get3A_208] : memref<512xi32, #tpu.memory_space<smem>>
      %dma_start3A_210 = arith.constant 0 : i32
      %dma_start3A_211 = arith.constant 0 : i32
      %dma_start3A_212 = tpu.memref_slice %arg17[%dma_start3A_211] : memref<2x!tpu.dma_semaphore, #tpu.memory_space<semaphore_mem>> -> memref<1x!tpu.dma_semaphore, #tpu.memory_space<semaphore_mem>>
      %dma_start3A_213 = tpu.memref_squeeze %dma_start3A_212 : memref<1x!tpu.dma_semaphore, #tpu.memory_space<semaphore_mem>> -> memref<!tpu.dma_semaphore, #tpu.memory_space<semaphore_mem>>
      %dma_start3A_214 = arith.constant 10 : i32
      %dma_start3A_215 = arith.constant 0 : i32
      %dma_start3A_216 = tpu.memref_slice %arg15[%dma_start3A_210, %dma_start3A_214, %dma_start3A_215] : memref<2x64x768xf32, #tpu.memory_space<vmem>> -> memref<1x1x768xf32, #tpu.memory_space<vmem>>
      %dma_start3A_217 = tpu.memref_squeeze %dma_start3A_216 : memref<1x1x768xf32, #tpu.memory_space<vmem>> -> memref<1x768xf32, #tpu.memory_space<vmem>>
      %dma_start3A_218 = arith.constant 0 : i32
      %dma_start3A_219 = tpu.memref_slice %arg2[%get3A_209, %dma_start3A_218] : memref<30522x768xf32, #tpu.memory_space<any>> -> memref<1x768xf32, #tpu.memory_space<any>>
      tpu.enqueue_dma source(%dma_start3A_219 : memref<1x768xf32, #tpu.memory_space<any>>) target(%dma_start3A_217 : memref<1x768xf32, #tpu.memory_space<vmem>>) target_semaphore(%dma_start3A_213 : memref<!tpu.dma_semaphore, #tpu.memory_space<semaphore_mem>>)
      %get3A_220 = arith.constant 11 : index
      %get3A_221 = memref.load %arg1[%get3A_220] : memref<512xi32, #tpu.memory_space<smem>>
      %dma_start3A_222 = arith.constant 0 : i32
      %dma_start3A_223 = arith.constant 0 : i32
      %dma_start3A_224 = tpu.memref_slice %arg17[%dma_start3A_223] : memref<2x!tpu.dma_semaphore, #tpu.memory_space<semaphore_mem>> -> memref<1x!tpu.dma_semaphore, #tpu.memory_space<semaphore_mem>>
      %dma_start3A_225 = tpu.memref_squeeze %dma_start3A_224 : memref<1x!tpu.dma_semaphore, #tpu.memory_space<semaphore_mem>> -> memref<!tpu.dma_semaphore, #tpu.memory_space<semaphore_mem>>
      %dma_start3A_226 = arith.constant 11 : i32
      %dma_start3A_227 = arith.constant 0 : i32
      %dma_start3A_228 = tpu.memref_slice %arg15[%dma_start3A_222, %dma_start3A_226, %dma_start3A_227] : memref<2x64x768xf32, #tpu.memory_space<vmem>> -> memref<1x1x768xf32, #tpu.memory_space<vmem>>
      %dma_start3A_229 = tpu.memref_squeeze %dma_start3A_228 : memref<1x1x768xf32, #tpu.memory_space<vmem>> -> memref<1x768xf32, #tpu.memory_space<vmem>>
      %dma_start3A_230 = arith.constant 0 : i32
      %dma_start3A_231 = tpu.memref_slice %arg2[%get3A_221, %dma_start3A_230] : memref<30522x768xf32, #tpu.memory_space<any>> -> memref<1x768xf32, #tpu.memory_space<any>>
      tpu.enqueue_dma source(%dma_start3A_231 : memref<1x768xf32, #tpu.memory_space<any>>) target(%dma_start3A_229 : memref<1x768xf32, #tpu.memory_space<vmem>>) target_semaphore(%dma_start3A_225 : memref<!tpu.dma_semaphore, #tpu.memory_space<semaphore_mem>>)
      %get3A_232 = arith.constant 12 : index
      %get3A_233 = memref.load %arg1[%get3A_232] : memref<512xi32, #tpu.memory_space<smem>>
      %dma_start3A_234 = arith.constant 0 : i32
      %dma_start3A_235 = arith.constant 0 : i32
      %dma_start3A_236 = tpu.memref_slice %arg17[%dma_start3A_235] : memref<2x!tpu.dma_semaphore, #tpu.memory_space<semaphore_mem>> -> memref<1x!tpu.dma_semaphore, #tpu.memory_space<semaphore_mem>>
      %dma_start3A_237 = tpu.memref_squeeze %dma_start3A_236 : memref<1x!tpu.dma_semaphore, #tpu.memory_space<semaphore_mem>> -> memref<!tpu.dma_semaphore, #tpu.memory_space<semaphore_mem>>
      %dma_start3A_238 = arith.constant 12 : i32
      %dma_start3A_239 = arith.constant 0 : i32
      %dma_start3A_240 = tpu.memref_slice %arg15[%dma_start3A_234, %dma_start3A_238, %dma_start3A_239] : memref<2x64x768xf32, #tpu.memory_space<vmem>> -> memref<1x1x768xf32, #tpu.memory_space<vmem>>
      %dma_start3A_241 = tpu.memref_squeeze %dma_start3A_240 : memref<1x1x768xf32, #tpu.memory_space<vmem>> -> memref<1x768xf32, #tpu.memory_space<vmem>>
      %dma_start3A_242 = arith.constant 0 : i32
      %dma_start3A_243 = tpu.memref_slice %arg2[%get3A_233, %dma_start3A_242] : memref<30522x768xf32, #tpu.memory_space<any>> -> memref<1x768xf32, #tpu.memory_space<any>>
      tpu.enqueue_dma source(%dma_start3A_243 : memref<1x768xf32, #tpu.memory_space<any>>) target(%dma_start3A_241 : memref<1x768xf32, #tpu.memory_space<vmem>>) target_semaphore(%dma_start3A_237 : memref<!tpu.dma_semaphore, #tpu.memory_space<semaphore_mem>>)
      %get3A_244 = arith.constant 13 : index
      %get3A_245 = memref.load %arg1[%get3A_244] : memref<512xi32, #tpu.memory_space<smem>>
      %dma_start3A_246 = arith.constant 0 : i32
      %dma_start3A_247 = arith.constant 0 : i32
      %dma_start3A_248 = tpu.memref_slice %arg17[%dma_start3A_247] : memref<2x!tpu.dma_semaphore, #tpu.memory_space<semaphore_mem>> -> memref<1x!tpu.dma_semaphore, #tpu.memory_space<semaphore_mem>>
      %dma_start3A_249 = tpu.memref_squeeze %dma_start3A_248 : memref<1x!tpu.dma_semaphore, #tpu.memory_space<semaphore_mem>> -> memref<!tpu.dma_semaphore, #tpu.memory_space<semaphore_mem>>
      %dma_start3A_250 = arith.constant 13 : i32
      %dma_start3A_251 = arith.constant 0 : i32
      %dma_start3A_252 = tpu.memref_slice %arg15[%dma_start3A_246, %dma_start3A_250, %dma_start3A_251] : memref<2x64x768xf32, #tpu.memory_space<vmem>> -> memref<1x1x768xf32, #tpu.memory_space<vmem>>
      %dma_start3A_253 = tpu.memref_squeeze %dma_start3A_252 : memref<1x1x768xf32, #tpu.memory_space<vmem>> -> memref<1x768xf32, #tpu.memory_space<vmem>>
      %dma_start3A_254 = arith.constant 0 : i32
      %dma_start3A_255 = tpu.memref_slice %arg2[%get3A_245, %dma_start3A_254] : memref<30522x768xf32, #tpu.memory_space<any>> -> memref<1x768xf32, #tpu.memory_space<any>>
      tpu.enqueue_dma source(%dma_start3A_255 : memref<1x768xf32, #tpu.memory_space<any>>) target(%dma_start3A_253 : memref<1x768xf32, #tpu.memory_space<vmem>>) target_semaphore(%dma_start3A_249 : memref<!tpu.dma_semaphore, #tpu.memory_space<semaphore_mem>>)
      %get3A_256 = arith.constant 14 : index
      %get3A_257 = memref.load %arg1[%get3A_256] : memref<512xi32, #tpu.memory_space<smem>>
      %dma_start3A_258 = arith.constant 0 : i32
      %dma_start3A_259 = arith.constant 0 : i32
      %dma_start3A_260 = tpu.memref_slice %arg17[%dma_start3A_259] : memref<2x!tpu.dma_semaphore, #tpu.memory_space<semaphore_mem>> -> memref<1x!tpu.dma_semaphore, #tpu.memory_space<semaphore_mem>>
      %dma_start3A_261 = tpu.memref_squeeze %dma_start3A_260 : memref<1x!tpu.dma_semaphore, #tpu.memory_space<semaphore_mem>> -> memref<!tpu.dma_semaphore, #tpu.memory_space<semaphore_mem>>
      %dma_start3A_262 = arith.constant 14 : i32
      %dma_start3A_263 = arith.constant 0 : i32
      %dma_start3A_264 = tpu.memref_slice %arg15[%dma_start3A_258, %dma_start3A_262, %dma_start3A_263] : memref<2x64x768xf32, #tpu.memory_space<vmem>> -> memref<1x1x768xf32, #tpu.memory_space<vmem>>
      %dma_start3A_265 = tpu.memref_squeeze %dma_start3A_264 : memref<1x1x768xf32, #tpu.memory_space<vmem>> -> memref<1x768xf32, #tpu.memory_space<vmem>>
      %dma_start3A_266 = arith.constant 0 : i32
      %dma_start3A_267 = tpu.memref_slice %arg2[%get3A_257, %dma_start3A_266] : memref<30522x768xf32, #tpu.memory_space<any>> -> memref<1x768xf32, #tpu.memory_space<any>>
      tpu.enqueue_dma source(%dma_start3A_267 : memref<1x768xf32, #tpu.memory_space<any>>) target(%dma_start3A_265 : memref<1x768xf32, #tpu.memory_space<vmem>>) target_semaphore(%dma_start3A_261 : memref<!tpu.dma_semaphore, #tpu.memory_space<semaphore_mem>>)
      %get3A_268 = arith.constant 15 : index
      %get3A_269 = memref.load %arg1[%get3A_268] : memref<512xi32, #tpu.memory_space<smem>>
      %dma_start3A_270 = arith.constant 0 : i32
      %dma_start3A_271 = arith.constant 0 : i32
      %dma_start3A_272 = tpu.memref_slice %arg17[%dma_start3A_271] : memref<2x!tpu.dma_semaphore, #tpu.memory_space<semaphore_mem>> -> memref<1x!tpu.dma_semaphore, #tpu.memory_space<semaphore_mem>>
      %dma_start3A_273 = tpu.memref_squeeze %dma_start3A_272 : memref<1x!tpu.dma_semaphore, #tpu.memory_space<semaphore_mem>> -> memref<!tpu.dma_semaphore, #tpu.memory_space<semaphore_mem>>
      %dma_start3A_274 = arith.constant 15 : i32
      %dma_start3A_275 = arith.constant 0 : i32
      %dma_start3A_276 = tpu.memref_slice %arg15[%dma_start3A_270, %dma_start3A_274, %dma_start3A_275] : memref<2x64x768xf32, #tpu.memory_space<vmem>> -> memref<1x1x768xf32, #tpu.memory_space<vmem>>
      %dma_start3A_277 = tpu.memref_squeeze %dma_start3A_276 : memref<1x1x768xf32, #tpu.memory_space<vmem>> -> memref<1x768xf32, #tpu.memory_space<vmem>>
      %dma_start3A_278 = arith.constant 0 : i32
      %dma_start3A_279 = tpu.memref_slice %arg2[%get3A_269, %dma_start3A_278] : memref<30522x768xf32, #tpu.memory_space<any>> -> memref<1x768xf32, #tpu.memory_space<any>>
      tpu.enqueue_dma source(%dma_start3A_279 : memref<1x768xf32, #tpu.memory_space<any>>) target(%dma_start3A_277 : memref<1x768xf32, #tpu.memory_space<vmem>>) target_semaphore(%dma_start3A_273 : memref<!tpu.dma_semaphore, #tpu.memory_space<semaphore_mem>>)
      %get3A_280 = arith.constant 16 : index
      %get3A_281 = memref.load %arg1[%get3A_280] : memref<512xi32, #tpu.memory_space<smem>>
      %dma_start3A_282 = arith.constant 0 : i32
      %dma_start3A_283 = arith.constant 0 : i32
      %dma_start3A_284 = tpu.memref_slice %arg17[%dma_start3A_283] : memref<2x!tpu.dma_semaphore, #tpu.memory_space<semaphore_mem>> -> memref<1x!tpu.dma_semaphore, #tpu.memory_space<semaphore_mem>>
      %dma_start3A_285 = tpu.memref_squeeze %dma_start3A_284 : memref<1x!tpu.dma_semaphore, #tpu.memory_space<semaphore_mem>> -> memref<!tpu.dma_semaphore, #tpu.memory_space<semaphore_mem>>
      %dma_start3A_286 = arith.constant 16 : i32
      %dma_start3A_287 = arith.constant 0 : i32
      %dma_start3A_288 = tpu.memref_slice %arg15[%dma_start3A_282, %dma_start3A_286, %dma_start3A_287] : memref<2x64x768xf32, #tpu.memory_space<vmem>> -> memref<1x1x768xf32, #tpu.memory_space<vmem>>
      %dma_start3A_289 = tpu.memref_squeeze %dma_start3A_288 : memref<1x1x768xf32, #tpu.memory_space<vmem>> -> memref<1x768xf32, #tpu.memory_space<vmem>>
      %dma_start3A_290 = arith.constant 0 : i32
      %dma_start3A_291 = tpu.memref_slice %arg2[%get3A_281, %dma_start3A_290] : memref<30522x768xf32, #tpu.memory_space<any>> -> memref<1x768xf32, #tpu.memory_space<any>>
      tpu.enqueue_dma source(%dma_start3A_291 : memref<1x768xf32, #tpu.memory_space<any>>) target(%dma_start3A_289 : memref<1x768xf32, #tpu.memory_space<vmem>>) target_semaphore(%dma_start3A_285 : memref<!tpu.dma_semaphore, #tpu.memory_space<semaphore_mem>>)
      %get3A_292 = arith.constant 17 : index
      %get3A_293 = memref.load %arg1[%get3A_292] : memref<512xi32, #tpu.memory_space<smem>>
      %dma_start3A_294 = arith.constant 0 : i32
      %dma_start3A_295 = arith.constant 0 : i32
      %dma_start3A_296 = tpu.memref_slice %arg17[%dma_start3A_295] : memref<2x!tpu.dma_semaphore, #tpu.memory_space<semaphore_mem>> -> memref<1x!tpu.dma_semaphore, #tpu.memory_space<semaphore_mem>>
      %dma_start3A_297 = tpu.memref_squeeze %dma_start3A_296 : memref<1x!tpu.dma_semaphore, #tpu.memory_space<semaphore_mem>> -> memref<!tpu.dma_semaphore, #tpu.memory_space<semaphore_mem>>
      %dma_start3A_298 = arith.constant 17 : i32
      %dma_start3A_299 = arith.constant 0 : i32
      %dma_start3A_300 = tpu.memref_slice %arg15[%dma_start3A_294, %dma_start3A_298, %dma_start3A_299] : memref<2x64x768xf32, #tpu.memory_space<vmem>> -> memref<1x1x768xf32, #tpu.memory_space<vmem>>
      %dma_start3A_301 = tpu.memref_squeeze %dma_start3A_300 : memref<1x1x768xf32, #tpu.memory_space<vmem>> -> memref<1x768xf32, #tpu.memory_space<vmem>>
      %dma_start3A_302 = arith.constant 0 : i32
      %dma_start3A_303 = tpu.memref_slice %arg2[%get3A_293, %dma_start3A_302] : memref<30522x768xf32, #tpu.memory_space<any>> -> memref<1x768xf32, #tpu.memory_space<any>>
      tpu.enqueue_dma source(%dma_start3A_303 : memref<1x768xf32, #tpu.memory_space<any>>) target(%dma_start3A_301 : memref<1x768xf32, #tpu.memory_space<vmem>>) target_semaphore(%dma_start3A_297 : memref<!tpu.dma_semaphore, #tpu.memory_space<semaphore_mem>>)
      %get3A_304 = arith.constant 18 : index
      %get3A_305 = memref.load %arg1[%get3A_304] : memref<512xi32, #tpu.memory_space<smem>>
      %dma_start3A_306 = arith.constant 0 : i32
      %dma_start3A_307 = arith.constant 0 : i32
      %dma_start3A_308 = tpu.memref_slice %arg17[%dma_start3A_307] : memref<2x!tpu.dma_semaphore, #tpu.memory_space<semaphore_mem>> -> memref<1x!tpu.dma_semaphore, #tpu.memory_space<semaphore_mem>>
      %dma_start3A_309 = tpu.memref_squeeze %dma_start3A_308 : memref<1x!tpu.dma_semaphore, #tpu.memory_space<semaphore_mem>> -> memref<!tpu.dma_semaphore, #tpu.memory_space<semaphore_mem>>
      %dma_start3A_310 = arith.constant 18 : i32
      %dma_start3A_311 = arith.constant 0 : i32
      %dma_start3A_312 = tpu.memref_slice %arg15[%dma_start3A_306, %dma_start3A_310, %dma_start3A_311] : memref<2x64x768xf32, #tpu.memory_space<vmem>> -> memref<1x1x768xf32, #tpu.memory_space<vmem>>
      %dma_start3A_313 = tpu.memref_squeeze %dma_start3A_312 : memref<1x1x768xf32, #tpu.memory_space<vmem>> -> memref<1x768xf32, #tpu.memory_space<vmem>>
      %dma_start3A_314 = arith.constant 0 : i32
      %dma_start3A_315 = tpu.memref_slice %arg2[%get3A_305, %dma_start3A_314] : memref<30522x768xf32, #tpu.memory_space<any>> -> memref<1x768xf32, #tpu.memory_space<any>>
      tpu.enqueue_dma source(%dma_start3A_315 : memref<1x768xf32, #tpu.memory_space<any>>) target(%dma_start3A_313 : memref<1x768xf32, #tpu.memory_space<vmem>>) target_semaphore(%dma_start3A_309 : memref<!tpu.dma_semaphore, #tpu.memory_space<semaphore_mem>>)
      %get3A_316 = arith.constant 19 : index
      %get3A_317 = memref.load %arg1[%get3A_316] : memref<512xi32, #tpu.memory_space<smem>>
      %dma_start3A_318 = arith.constant 0 : i32
      %dma_start3A_319 = arith.constant 0 : i32
      %dma_start3A_320 = tpu.memref_slice %arg17[%dma_start3A_319] : memref<2x!tpu.dma_semaphore, #tpu.memory_space<semaphore_mem>> -> memref<1x!tpu.dma_semaphore, #tpu.memory_space<semaphore_mem>>
      %dma_start3A_321 = tpu.memref_squeeze %dma_start3A_320 : memref<1x!tpu.dma_semaphore, #tpu.memory_space<semaphore_mem>> -> memref<!tpu.dma_semaphore, #tpu.memory_space<semaphore_mem>>
      %dma_start3A_322 = arith.constant 19 : i32
      %dma_start3A_323 = arith.constant 0 : i32
      %dma_start3A_324 = tpu.memref_slice %arg15[%dma_start3A_318, %dma_start3A_322, %dma_start3A_323] : memref<2x64x768xf32, #tpu.memory_space<vmem>> -> memref<1x1x768xf32, #tpu.memory_space<vmem>>
      %dma_start3A_325 = tpu.memref_squeeze %dma_start3A_324 : memref<1x1x768xf32, #tpu.memory_space<vmem>> -> memref<1x768xf32, #tpu.memory_space<vmem>>
      %dma_start3A_326 = arith.constant 0 : i32
      %dma_start3A_327 = tpu.memref_slice %arg2[%get3A_317, %dma_start3A_326] : memref<30522x768xf32, #tpu.memory_space<any>> -> memref<1x768xf32, #tpu.memory_space<any>>
      tpu.enqueue_dma source(%dma_start3A_327 : memref<1x768xf32, #tpu.memory_space<any>>) target(%dma_start3A_325 : memref<1x768xf32, #tpu.memory_space<vmem>>) target_semaphore(%dma_start3A_321 : memref<!tpu.dma_semaphore, #tpu.memory_space<semaphore_mem>>)
      %get3A_328 = arith.constant 20 : index
      %get3A_329 = memref.load %arg1[%get3A_328] : memref<512xi32, #tpu.memory_space<smem>>
      %dma_start3A_330 = arith.constant 0 : i32
      %dma_start3A_331 = arith.constant 0 : i32
      %dma_start3A_332 = tpu.memref_slice %arg17[%dma_start3A_331] : memref<2x!tpu.dma_semaphore, #tpu.memory_space<semaphore_mem>> -> memref<1x!tpu.dma_semaphore, #tpu.memory_space<semaphore_mem>>
      %dma_start3A_333 = tpu.memref_squeeze %dma_start3A_332 : memref<1x!tpu.dma_semaphore, #tpu.memory_space<semaphore_mem>> -> memref<!tpu.dma_semaphore, #tpu.memory_space<semaphore_mem>>
      %dma_start3A_334 = arith.constant 20 : i32
      %dma_start3A_335 = arith.constant 0 : i32
      %dma_start3A_336 = tpu.memref_slice %arg15[%dma_start3A_330, %dma_start3A_334, %dma_start3A_335] : memref<2x64x768xf32, #tpu.memory_space<vmem>> -> memref<1x1x768xf32, #tpu.memory_space<vmem>>
      %dma_start3A_337 = tpu.memref_squeeze %dma_start3A_336 : memref<1x1x768xf32, #tpu.memory_space<vmem>> -> memref<1x768xf32, #tpu.memory_space<vmem>>
      %dma_start3A_338 = arith.constant 0 : i32
      %dma_start3A_339 = tpu.memref_slice %arg2[%get3A_329, %dma_start3A_338] : memref<30522x768xf32, #tpu.memory_space<any>> -> memref<1x768xf32, #tpu.memory_space<any>>
      tpu.enqueue_dma source(%dma_start3A_339 : memref<1x768xf32, #tpu.memory_space<any>>) target(%dma_start3A_337 : memref<1x768xf32, #tpu.memory_space<vmem>>) target_semaphore(%dma_start3A_333 : memref<!tpu.dma_semaphore, #tpu.memory_space<semaphore_mem>>)
      %get3A_340 = arith.constant 21 : index
      %get3A_341 = memref.load %arg1[%get3A_340] : memref<512xi32, #tpu.memory_space<smem>>
      %dma_start3A_342 = arith.constant 0 : i32
      %dma_start3A_343 = arith.constant 0 : i32
      %dma_start3A_344 = tpu.memref_slice %arg17[%dma_start3A_343] : memref<2x!tpu.dma_semaphore, #tpu.memory_space<semaphore_mem>> -> memref<1x!tpu.dma_semaphore, #tpu.memory_space<semaphore_mem>>
      %dma_start3A_345 = tpu.memref_squeeze %dma_start3A_344 : memref<1x!tpu.dma_semaphore, #tpu.memory_space<semaphore_mem>> -> memref<!tpu.dma_semaphore, #tpu.memory_space<semaphore_mem>>
      %dma_start3A_346 = arith.constant 21 : i32
      %dma_start3A_347 = arith.constant 0 : i32
      %dma_start3A_348 = tpu.memref_slice %arg15[%dma_start3A_342, %dma_start3A_346, %dma_start3A_347] : memref<2x64x768xf32, #tpu.memory_space<vmem>> -> memref<1x1x768xf32, #tpu.memory_space<vmem>>
      %dma_start3A_349 = tpu.memref_squeeze %dma_start3A_348 : memref<1x1x768xf32, #tpu.memory_space<vmem>> -> memref<1x768xf32, #tpu.memory_space<vmem>>
      %dma_start3A_350 = arith.constant 0 : i32
      %dma_start3A_351 = tpu.memref_slice %arg2[%get3A_341, %dma_start3A_350] : memref<30522x768xf32, #tpu.memory_space<any>> -> memref<1x768xf32, #tpu.memory_space<any>>
      tpu.enqueue_dma source(%dma_start3A_351 : memref<1x768xf32, #tpu.memory_space<any>>) target(%dma_start3A_349 : memref<1x768xf32, #tpu.memory_space<vmem>>) target_semaphore(%dma_start3A_345 : memref<!tpu.dma_semaphore, #tpu.memory_space<semaphore_mem>>)
      %get3A_352 = arith.constant 22 : index
      %get3A_353 = memref.load %arg1[%get3A_352] : memref<512xi32, #tpu.memory_space<smem>>
      %dma_start3A_354 = arith.constant 0 : i32
      %dma_start3A_355 = arith.constant 0 : i32
      %dma_start3A_356 = tpu.memref_slice %arg17[%dma_start3A_355] : memref<2x!tpu.dma_semaphore, #tpu.memory_space<semaphore_mem>> -> memref<1x!tpu.dma_semaphore, #tpu.memory_space<semaphore_mem>>
      %dma_start3A_357 = tpu.memref_squeeze %dma_start3A_356 : memref<1x!tpu.dma_semaphore, #tpu.memory_space<semaphore_mem>> -> memref<!tpu.dma_semaphore, #tpu.memory_space<semaphore_mem>>
      %dma_start3A_358 = arith.constant 22 : i32
      %dma_start3A_359 = arith.constant 0 : i32
      %dma_start3A_360 = tpu.memref_slice %arg15[%dma_start3A_354, %dma_start3A_358, %dma_start3A_359] : memref<2x64x768xf32, #tpu.memory_space<vmem>> -> memref<1x1x768xf32, #tpu.memory_space<vmem>>
      %dma_start3A_361 = tpu.memref_squeeze %dma_start3A_360 : memref<1x1x768xf32, #tpu.memory_space<vmem>> -> memref<1x768xf32, #tpu.memory_space<vmem>>
      %dma_start3A_362 = arith.constant 0 : i32
      %dma_start3A_363 = tpu.memref_slice %arg2[%get3A_353, %dma_start3A_362] : memref<30522x768xf32, #tpu.memory_space<any>> -> memref<1x768xf32, #tpu.memory_space<any>>
      tpu.enqueue_dma source(%dma_start3A_363 : memref<1x768xf32, #tpu.memory_space<any>>) target(%dma_start3A_361 : memref<1x768xf32, #tpu.memory_space<vmem>>) target_semaphore(%dma_start3A_357 : memref<!tpu.dma_semaphore, #tpu.memory_space<semaphore_mem>>)
      %get3A_364 = arith.constant 23 : index
      %get3A_365 = memref.load %arg1[%get3A_364] : memref<512xi32, #tpu.memory_space<smem>>
      %dma_start3A_366 = arith.constant 0 : i32
      %dma_start3A_367 = arith.constant 0 : i32
      %dma_start3A_368 = tpu.memref_slice %arg17[%dma_start3A_367] : memref<2x!tpu.dma_semaphore, #tpu.memory_space<semaphore_mem>> -> memref<1x!tpu.dma_semaphore, #tpu.memory_space<semaphore_mem>>
      %dma_start3A_369 = tpu.memref_squeeze %dma_start3A_368 : memref<1x!tpu.dma_semaphore, #tpu.memory_space<semaphore_mem>> -> memref<!tpu.dma_semaphore, #tpu.memory_space<semaphore_mem>>
      %dma_start3A_370 = arith.constant 23 : i32
      %dma_start3A_371 = arith.constant 0 : i32
      %dma_start3A_372 = tpu.memref_slice %arg15[%dma_start3A_366, %dma_start3A_370, %dma_start3A_371] : memref<2x64x768xf32, #tpu.memory_space<vmem>> -> memref<1x1x768xf32, #tpu.memory_space<vmem>>
      %dma_start3A_373 = tpu.memref_squeeze %dma_start3A_372 : memref<1x1x768xf32, #tpu.memory_space<vmem>> -> memref<1x768xf32, #tpu.memory_space<vmem>>
      %dma_start3A_374 = arith.constant 0 : i32
      %dma_start3A_375 = tpu.memref_slice %arg2[%get3A_365, %dma_start3A_374] : memref<30522x768xf32, #tpu.memory_space<any>> -> memref<1x768xf32, #tpu.memory_space<any>>
      tpu.enqueue_dma source(%dma_start3A_375 : memref<1x768xf32, #tpu.memory_space<any>>) target(%dma_start3A_373 : memref<1x768xf32, #tpu.memory_space<vmem>>) target_semaphore(%dma_start3A_369 : memref<!tpu.dma_semaphore, #tpu.memory_space<semaphore_mem>>)
      %get3A_376 = arith.constant 24 : index
      %get3A_377 = memref.load %arg1[%get3A_376] : memref<512xi32, #tpu.memory_space<smem>>
      %dma_start3A_378 = arith.constant 0 : i32
      %dma_start3A_379 = arith.constant 0 : i32
      %dma_start3A_380 = tpu.memref_slice %arg17[%dma_start3A_379] : memref<2x!tpu.dma_semaphore, #tpu.memory_space<semaphore_mem>> -> memref<1x!tpu.dma_semaphore, #tpu.memory_space<semaphore_mem>>
      %dma_start3A_381 = tpu.memref_squeeze %dma_start3A_380 : memref<1x!tpu.dma_semaphore, #tpu.memory_space<semaphore_mem>> -> memref<!tpu.dma_semaphore, #tpu.memory_space<semaphore_mem>>
      %dma_start3A_382 = arith.constant 24 : i32
      %dma_start3A_383 = arith.constant 0 : i32
      %dma_start3A_384 = tpu.memref_slice %arg15[%dma_start3A_378, %dma_start3A_382, %dma_start3A_383] : memref<2x64x768xf32, #tpu.memory_space<vmem>> -> memref<1x1x768xf32, #tpu.memory_space<vmem>>
      %dma_start3A_385 = tpu.memref_squeeze %dma_start3A_384 : memref<1x1x768xf32, #tpu.memory_space<vmem>> -> memref<1x768xf32, #tpu.memory_space<vmem>>
      %dma_start3A_386 = arith.constant 0 : i32
      %dma_start3A_387 = tpu.memref_slice %arg2[%get3A_377, %dma_start3A_386] : memref<30522x768xf32, #tpu.memory_space<any>> -> memref<1x768xf32, #tpu.memory_space<any>>
      tpu.enqueue_dma source(%dma_start3A_387 : memref<1x768xf32, #tpu.memory_space<any>>) target(%dma_start3A_385 : memref<1x768xf32, #tpu.memory_space<vmem>>) target_semaphore(%dma_start3A_381 : memref<!tpu.dma_semaphore, #tpu.memory_space<semaphore_mem>>)
      %get3A_388 = arith.constant 25 : index
      %get3A_389 = memref.load %arg1[%get3A_388] : memref<512xi32, #tpu.memory_space<smem>>
      %dma_start3A_390 = arith.constant 0 : i32
      %dma_start3A_391 = arith.constant 0 : i32
      %dma_start3A_392 = tpu.memref_slice %arg17[%dma_start3A_391] : memref<2x!tpu.dma_semaphore, #tpu.memory_space<semaphore_mem>> -> memref<1x!tpu.dma_semaphore, #tpu.memory_space<semaphore_mem>>
      %dma_start3A_393 = tpu.memref_squeeze %dma_start3A_392 : memref<1x!tpu.dma_semaphore, #tpu.memory_space<semaphore_mem>> -> memref<!tpu.dma_semaphore, #tpu.memory_space<semaphore_mem>>
      %dma_start3A_394 = arith.constant 25 : i32
      %dma_start3A_395 = arith.constant 0 : i32
      %dma_start3A_396 = tpu.memref_slice %arg15[%dma_start3A_390, %dma_start3A_394, %dma_start3A_395] : memref<2x64x768xf32, #tpu.memory_space<vmem>> -> memref<1x1x768xf32, #tpu.memory_space<vmem>>
      %dma_start3A_397 = tpu.memref_squeeze %dma_start3A_396 : memref<1x1x768xf32, #tpu.memory_space<vmem>> -> memref<1x768xf32, #tpu.memory_space<vmem>>
      %dma_start3A_398 = arith.constant 0 : i32
      %dma_start3A_399 = tpu.memref_slice %arg2[%get3A_389, %dma_start3A_398] : memref<30522x768xf32, #tpu.memory_space<any>> -> memref<1x768xf32, #tpu.memory_space<any>>
      tpu.enqueue_dma source(%dma_start3A_399 : memref<1x768xf32, #tpu.memory_space<any>>) target(%dma_start3A_397 : memref<1x768xf32, #tpu.memory_space<vmem>>) target_semaphore(%dma_start3A_393 : memref<!tpu.dma_semaphore, #tpu.memory_space<semaphore_mem>>)
      %get3A_400 = arith.constant 26 : index
      %get3A_401 = memref.load %arg1[%get3A_400] : memref<512xi32, #tpu.memory_space<smem>>
      %dma_start3A_402 = arith.constant 0 : i32
      %dma_start3A_403 = arith.constant 0 : i32
      %dma_start3A_404 = tpu.memref_slice %arg17[%dma_start3A_403] : memref<2x!tpu.dma_semaphore, #tpu.memory_space<semaphore_mem>> -> memref<1x!tpu.dma_semaphore, #tpu.memory_space<semaphore_mem>>
      %dma_start3A_405 = tpu.memref_squeeze %dma_start3A_404 : memref<1x!tpu.dma_semaphore, #tpu.memory_space<semaphore_mem>> -> memref<!tpu.dma_semaphore, #tpu.memory_space<semaphore_mem>>
      %dma_start3A_406 = arith.constant 26 : i32
      %dma_start3A_407 = arith.constant 0 : i32
      %dma_start3A_408 = tpu.memref_slice %arg15[%dma_start3A_402, %dma_start3A_406, %dma_start3A_407] : memref<2x64x768xf32, #tpu.memory_space<vmem>> -> memref<1x1x768xf32, #tpu.memory_space<vmem>>
      %dma_start3A_409 = tpu.memref_squeeze %dma_start3A_408 : memref<1x1x768xf32, #tpu.memory_space<vmem>> -> memref<1x768xf32, #tpu.memory_space<vmem>>
      %dma_start3A_410 = arith.constant 0 : i32
      %dma_start3A_411 = tpu.memref_slice %arg2[%get3A_401, %dma_start3A_410] : memref<30522x768xf32, #tpu.memory_space<any>> -> memref<1x768xf32, #tpu.memory_space<any>>
      tpu.enqueue_dma source(%dma_start3A_411 : memref<1x768xf32, #tpu.memory_space<any>>) target(%dma_start3A_409 : memref<1x768xf32, #tpu.memory_space<vmem>>) target_semaphore(%dma_start3A_405 : memref<!tpu.dma_semaphore, #tpu.memory_space<semaphore_mem>>)
      %get3A_412 = arith.constant 27 : index
      %get3A_413 = memref.load %arg1[%get3A_412] : memref<512xi32, #tpu.memory_space<smem>>
      %dma_start3A_414 = arith.constant 0 : i32
      %dma_start3A_415 = arith.constant 0 : i32
      %dma_start3A_416 = tpu.memref_slice %arg17[%dma_start3A_415] : memref<2x!tpu.dma_semaphore, #tpu.memory_space<semaphore_mem>> -> memref<1x!tpu.dma_semaphore, #tpu.memory_space<semaphore_mem>>
      %dma_start3A_417 = tpu.memref_squeeze %dma_start3A_416 : memref<1x!tpu.dma_semaphore, #tpu.memory_space<semaphore_mem>> -> memref<!tpu.dma_semaphore, #tpu.memory_space<semaphore_mem>>
      %dma_start3A_418 = arith.constant 27 : i32
      %dma_start3A_419 = arith.constant 0 : i32
      %dma_start3A_420 = tpu.memref_slice %arg15[%dma_start3A_414, %dma_start3A_418, %dma_start3A_419] : memref<2x64x768xf32, #tpu.memory_space<vmem>> -> memref<1x1x768xf32, #tpu.memory_space<vmem>>
      %dma_start3A_421 = tpu.memref_squeeze %dma_start3A_420 : memref<1x1x768xf32, #tpu.memory_space<vmem>> -> memref<1x768xf32, #tpu.memory_space<vmem>>
      %dma_start3A_422 = arith.constant 0 : i32
      %dma_start3A_423 = tpu.memref_slice %arg2[%get3A_413, %dma_start3A_422] : memref<30522x768xf32, #tpu.memory_space<any>> -> memref<1x768xf32, #tpu.memory_space<any>>
      tpu.enqueue_dma source(%dma_start3A_423 : memref<1x768xf32, #tpu.memory_space<any>>) target(%dma_start3A_421 : memref<1x768xf32, #tpu.memory_space<vmem>>) target_semaphore(%dma_start3A_417 : memref<!tpu.dma_semaphore, #tpu.memory_space<semaphore_mem>>)
      %get3A_424 = arith.constant 28 : index
      %get3A_425 = memref.load %arg1[%get3A_424] : memref<512xi32, #tpu.memory_space<smem>>
      %dma_start3A_426 = arith.constant 0 : i32
      %dma_start3A_427 = arith.constant 0 : i32
      %dma_start3A_428 = tpu.memref_slice %arg17[%dma_start3A_427] : memref<2x!tpu.dma_semaphore, #tpu.memory_space<semaphore_mem>> -> memref<1x!tpu.dma_semaphore, #tpu.memory_space<semaphore_mem>>
      %dma_start3A_429 = tpu.memref_squeeze %dma_start3A_428 : memref<1x!tpu.dma_semaphore, #tpu.memory_space<semaphore_mem>> -> memref<!tpu.dma_semaphore, #tpu.memory_space<semaphore_mem>>
      %dma_start3A_430 = arith.constant 28 : i32
      %dma_start3A_431 = arith.constant 0 : i32
      %dma_start3A_432 = tpu.memref_slice %arg15[%dma_start3A_426, %dma_start3A_430, %dma_start3A_431] : memref<2x64x768xf32, #tpu.memory_space<vmem>> -> memref<1x1x768xf32, #tpu.memory_space<vmem>>
      %dma_start3A_433 = tpu.memref_squeeze %dma_start3A_432 : memref<1x1x768xf32, #tpu.memory_space<vmem>> -> memref<1x768xf32, #tpu.memory_space<vmem>>
      %dma_start3A_434 = arith.constant 0 : i32
      %dma_start3A_435 = tpu.memref_slice %arg2[%get3A_425, %dma_start3A_434] : memref<30522x768xf32, #tpu.memory_space<any>> -> memref<1x768xf32, #tpu.memory_space<any>>
      tpu.enqueue_dma source(%dma_start3A_435 : memref<1x768xf32, #tpu.memory_space<any>>) target(%dma_start3A_433 : memref<1x768xf32, #tpu.memory_space<vmem>>) target_semaphore(%dma_start3A_429 : memref<!tpu.dma_semaphore, #tpu.memory_space<semaphore_mem>>)
      %get3A_436 = arith.constant 29 : index
      %get3A_437 = memref.load %arg1[%get3A_436] : memref<512xi32, #tpu.memory_space<smem>>
      %dma_start3A_438 = arith.constant 0 : i32
      %dma_start3A_439 = arith.constant 0 : i32
      %dma_start3A_440 = tpu.memref_slice %arg17[%dma_start3A_439] : memref<2x!tpu.dma_semaphore, #tpu.memory_space<semaphore_mem>> -> memref<1x!tpu.dma_semaphore, #tpu.memory_space<semaphore_mem>>
      %dma_start3A_441 = tpu.memref_squeeze %dma_start3A_440 : memref<1x!tpu.dma_semaphore, #tpu.memory_space<semaphore_mem>> -> memref<!tpu.dma_semaphore, #tpu.memory_space<semaphore_mem>>
      %dma_start3A_442 = arith.constant 29 : i32
      %dma_start3A_443 = arith.constant 0 : i32
      %dma_start3A_444 = tpu.memref_slice %arg15[%dma_start3A_438, %dma_start3A_442, %dma_start3A_443] : memref<2x64x768xf32, #tpu.memory_space<vmem>> -> memref<1x1x768xf32, #tpu.memory_space<vmem>>
      %dma_start3A_445 = tpu.memref_squeeze %dma_start3A_444 : memref<1x1x768xf32, #tpu.memory_space<vmem>> -> memref<1x768xf32, #tpu.memory_space<vmem>>
      %dma_start3A_446 = arith.constant 0 : i32
      %dma_start3A_447 = tpu.memref_slice %arg2[%get3A_437, %dma_start3A_446] : memref<30522x768xf32, #tpu.memory_space<any>> -> memref<1x768xf32, #tpu.memory_space<any>>
      tpu.enqueue_dma source(%dma_start3A_447 : memref<1x768xf32, #tpu.memory_space<any>>) target(%dma_start3A_445 : memref<1x768xf32, #tpu.memory_space<vmem>>) target_semaphore(%dma_start3A_441 : memref<!tpu.dma_semaphore, #tpu.memory_space<semaphore_mem>>)
      %get3A_448 = arith.constant 30 : index
      %get3A_449 = memref.load %arg1[%get3A_448] : memref<512xi32, #tpu.memory_space<smem>>
      %dma_start3A_450 = arith.constant 0 : i32
      %dma_start3A_451 = arith.constant 0 : i32
      %dma_start3A_452 = tpu.memref_slice %arg17[%dma_start3A_451] : memref<2x!tpu.dma_semaphore, #tpu.memory_space<semaphore_mem>> -> memref<1x!tpu.dma_semaphore, #tpu.memory_space<semaphore_mem>>
      %dma_start3A_453 = tpu.memref_squeeze %dma_start3A_452 : memref<1x!tpu.dma_semaphore, #tpu.memory_space<semaphore_mem>> -> memref<!tpu.dma_semaphore, #tpu.memory_space<semaphore_mem>>
      %dma_start3A_454 = arith.constant 30 : i32
      %dma_start3A_455 = arith.constant 0 : i32
      %dma_start3A_456 = tpu.memref_slice %arg15[%dma_start3A_450, %dma_start3A_454, %dma_start3A_455] : memref<2x64x768xf32, #tpu.memory_space<vmem>> -> memref<1x1x768xf32, #tpu.memory_space<vmem>>
      %dma_start3A_457 = tpu.memref_squeeze %dma_start3A_456 : memref<1x1x768xf32, #tpu.memory_space<vmem>> -> memref<1x768xf32, #tpu.memory_space<vmem>>
      %dma_start3A_458 = arith.constant 0 : i32
      %dma_start3A_459 = tpu.memref_slice %arg2[%get3A_449, %dma_start3A_458] : memref<30522x768xf32, #tpu.memory_space<any>> -> memref<1x768xf32, #tpu.memory_space<any>>
      tpu.enqueue_dma source(%dma_start3A_459 : memref<1x768xf32, #tpu.memory_space<any>>) target(%dma_start3A_457 : memref<1x768xf32, #tpu.memory_space<vmem>>) target_semaphore(%dma_start3A_453 : memref<!tpu.dma_semaphore, #tpu.memory_space<semaphore_mem>>)
      %get3A_460 = arith.constant 31 : index
      %get3A_461 = memref.load %arg1[%get3A_460] : memref<512xi32, #tpu.memory_space<smem>>
      %dma_start3A_462 = arith.constant 0 : i32
      %dma_start3A_463 = arith.constant 0 : i32
      %dma_start3A_464 = tpu.memref_slice %arg17[%dma_start3A_463] : memref<2x!tpu.dma_semaphore, #tpu.memory_space<semaphore_mem>> -> memref<1x!tpu.dma_semaphore, #tpu.memory_space<semaphore_mem>>
      %dma_start3A_465 = tpu.memref_squeeze %dma_start3A_464 : memref<1x!tpu.dma_semaphore, #tpu.memory_space<semaphore_mem>> -> memref<!tpu.dma_semaphore, #tpu.memory_space<semaphore_mem>>
      %dma_start3A_466 = arith.constant 31 : i32
      %dma_start3A_467 = arith.constant 0 : i32
      %dma_start3A_468 = tpu.memref_slice %arg15[%dma_start3A_462, %dma_start3A_466, %dma_start3A_467] : memref<2x64x768xf32, #tpu.memory_space<vmem>> -> memref<1x1x768xf32, #tpu.memory_space<vmem>>
      %dma_start3A_469 = tpu.memref_squeeze %dma_start3A_468 : memref<1x1x768xf32, #tpu.memory_space<vmem>> -> memref<1x768xf32, #tpu.memory_space<vmem>>
      %dma_start3A_470 = arith.constant 0 : i32
      %dma_start3A_471 = tpu.memref_slice %arg2[%get3A_461, %dma_start3A_470] : memref<30522x768xf32, #tpu.memory_space<any>> -> memref<1x768xf32, #tpu.memory_space<any>>
      tpu.enqueue_dma source(%dma_start3A_471 : memref<1x768xf32, #tpu.memory_space<any>>) target(%dma_start3A_469 : memref<1x768xf32, #tpu.memory_space<vmem>>) target_semaphore(%dma_start3A_465 : memref<!tpu.dma_semaphore, #tpu.memory_space<semaphore_mem>>)
      %get3A_472 = arith.constant 32 : index
      %get3A_473 = memref.load %arg1[%get3A_472] : memref<512xi32, #tpu.memory_space<smem>>
      %dma_start3A_474 = arith.constant 0 : i32
      %dma_start3A_475 = arith.constant 0 : i32
      %dma_start3A_476 = tpu.memref_slice %arg17[%dma_start3A_475] : memref<2x!tpu.dma_semaphore, #tpu.memory_space<semaphore_mem>> -> memref<1x!tpu.dma_semaphore, #tpu.memory_space<semaphore_mem>>
      %dma_start3A_477 = tpu.memref_squeeze %dma_start3A_476 : memref<1x!tpu.dma_semaphore, #tpu.memory_space<semaphore_mem>> -> memref<!tpu.dma_semaphore, #tpu.memory_space<semaphore_mem>>
      %dma_start3A_478 = arith.constant 32 : i32
      %dma_start3A_479 = arith.constant 0 : i32
      %dma_start3A_480 = tpu.memref_slice %arg15[%dma_start3A_474, %dma_start3A_478, %dma_start3A_479] : memref<2x64x768xf32, #tpu.memory_space<vmem>> -> memref<1x1x768xf32, #tpu.memory_space<vmem>>
      %dma_start3A_481 = tpu.memref_squeeze %dma_start3A_480 : memref<1x1x768xf32, #tpu.memory_space<vmem>> -> memref<1x768xf32, #tpu.memory_space<vmem>>
      %dma_start3A_482 = arith.constant 0 : i32
      %dma_start3A_483 = tpu.memref_slice %arg2[%get3A_473, %dma_start3A_482] : memref<30522x768xf32, #tpu.memory_space<any>> -> memref<1x768xf32, #tpu.memory_space<any>>
      tpu.enqueue_dma source(%dma_start3A_483 : memref<1x768xf32, #tpu.memory_space<any>>) target(%dma_start3A_481 : memref<1x768xf32, #tpu.memory_space<vmem>>) target_semaphore(%dma_start3A_477 : memref<!tpu.dma_semaphore, #tpu.memory_space<semaphore_mem>>)
      %get3A_484 = arith.constant 33 : index
      %get3A_485 = memref.load %arg1[%get3A_484] : memref<512xi32, #tpu.memory_space<smem>>
      %dma_start3A_486 = arith.constant 0 : i32
      %dma_start3A_487 = arith.constant 0 : i32
      %dma_start3A_488 = tpu.memref_slice %arg17[%dma_start3A_487] : memref<2x!tpu.dma_semaphore, #tpu.memory_space<semaphore_mem>> -> memref<1x!tpu.dma_semaphore, #tpu.memory_space<semaphore_mem>>
      %dma_start3A_489 = tpu.memref_squeeze %dma_start3A_488 : memref<1x!tpu.dma_semaphore, #tpu.memory_space<semaphore_mem>> -> memref<!tpu.dma_semaphore, #tpu.memory_space<semaphore_mem>>
      %dma_start3A_490 = arith.constant 33 : i32
      %dma_start3A_491 = arith.constant 0 : i32
      %dma_start3A_492 = tpu.memref_slice %arg15[%dma_start3A_486, %dma_start3A_490, %dma_start3A_491] : memref<2x64x768xf32, #tpu.memory_space<vmem>> -> memref<1x1x768xf32, #tpu.memory_space<vmem>>
      %dma_start3A_493 = tpu.memref_squeeze %dma_start3A_492 : memref<1x1x768xf32, #tpu.memory_space<vmem>> -> memref<1x768xf32, #tpu.memory_space<vmem>>
      %dma_start3A_494 = arith.constant 0 : i32
      %dma_start3A_495 = tpu.memref_slice %arg2[%get3A_485, %dma_start3A_494] : memref<30522x768xf32, #tpu.memory_space<any>> -> memref<1x768xf32, #tpu.memory_space<any>>
      tpu.enqueue_dma source(%dma_start3A_495 : memref<1x768xf32, #tpu.memory_space<any>>) target(%dma_start3A_493 : memref<1x768xf32, #tpu.memory_space<vmem>>) target_semaphore(%dma_start3A_489 : memref<!tpu.dma_semaphore, #tpu.memory_space<semaphore_mem>>)
      %get3A_496 = arith.constant 34 : index
      %get3A_497 = memref.load %arg1[%get3A_496] : memref<512xi32, #tpu.memory_space<smem>>
      %dma_start3A_498 = arith.constant 0 : i32
      %dma_start3A_499 = arith.constant 0 : i32
      %dma_start3A_500 = tpu.memref_slice %arg17[%dma_start3A_499] : memref<2x!tpu.dma_semaphore, #tpu.memory_space<semaphore_mem>> -> memref<1x!tpu.dma_semaphore, #tpu.memory_space<semaphore_mem>>
      %dma_start3A_501 = tpu.memref_squeeze %dma_start3A_500 : memref<1x!tpu.dma_semaphore, #tpu.memory_space<semaphore_mem>> -> memref<!tpu.dma_semaphore, #tpu.memory_space<semaphore_mem>>
      %dma_start3A_502 = arith.constant 34 : i32
      %dma_start3A_503 = arith.constant 0 : i32
      %dma_start3A_504 = tpu.memref_slice %arg15[%dma_start3A_498, %dma_start3A_502, %dma_start3A_503] : memref<2x64x768xf32, #tpu.memory_space<vmem>> -> memref<1x1x768xf32, #tpu.memory_space<vmem>>
      %dma_start3A_505 = tpu.memref_squeeze %dma_start3A_504 : memref<1x1x768xf32, #tpu.memory_space<vmem>> -> memref<1x768xf32, #tpu.memory_space<vmem>>
      %dma_start3A_506 = arith.constant 0 : i32
      %dma_start3A_507 = tpu.memref_slice %arg2[%get3A_497, %dma_start3A_506] : memref<30522x768xf32, #tpu.memory_space<any>> -> memref<1x768xf32, #tpu.memory_space<any>>
      tpu.enqueue_dma source(%dma_start3A_507 : memref<1x768xf32, #tpu.memory_space<any>>) target(%dma_start3A_505 : memref<1x768xf32, #tpu.memory_space<vmem>>) target_semaphore(%dma_start3A_501 : memref<!tpu.dma_semaphore, #tpu.memory_space<semaphore_mem>>)
      %get3A_508 = arith.constant 35 : index
      %get3A_509 = memref.load %arg1[%get3A_508] : memref<512xi32, #tpu.memory_space<smem>>
      %dma_start3A_510 = arith.constant 0 : i32
      %dma_start3A_511 = arith.constant 0 : i32
      %dma_start3A_512 = tpu.memref_slice %arg17[%dma_start3A_511] : memref<2x!tpu.dma_semaphore, #tpu.memory_space<semaphore_mem>> -> memref<1x!tpu.dma_semaphore, #tpu.memory_space<semaphore_mem>>
      %dma_start3A_513 = tpu.memref_squeeze %dma_start3A_512 : memref<1x!tpu.dma_semaphore, #tpu.memory_space<semaphore_mem>> -> memref<!tpu.dma_semaphore, #tpu.memory_space<semaphore_mem>>
      %dma_start3A_514 = arith.constant 35 : i32
      %dma_start3A_515 = arith.constant 0 : i32
      %dma_start3A_516 = tpu.memref_slice %arg15[%dma_start3A_510, %dma_start3A_514, %dma_start3A_515] : memref<2x64x768xf32, #tpu.memory_space<vmem>> -> memref<1x1x768xf32, #tpu.memory_space<vmem>>
      %dma_start3A_517 = tpu.memref_squeeze %dma_start3A_516 : memref<1x1x768xf32, #tpu.memory_space<vmem>> -> memref<1x768xf32, #tpu.memory_space<vmem>>
      %dma_start3A_518 = arith.constant 0 : i32
      %dma_start3A_519 = tpu.memref_slice %arg2[%get3A_509, %dma_start3A_518] : memref<30522x768xf32, #tpu.memory_space<any>> -> memref<1x768xf32, #tpu.memory_space<any>>
      tpu.enqueue_dma source(%dma_start3A_519 : memref<1x768xf32, #tpu.memory_space<any>>) target(%dma_start3A_517 : memref<1x768xf32, #tpu.memory_space<vmem>>) target_semaphore(%dma_start3A_513 : memref<!tpu.dma_semaphore, #tpu.memory_space<semaphore_mem>>)
      %get3A_520 = arith.constant 36 : index
      %get3A_521 = memref.load %arg1[%get3A_520] : memref<512xi32, #tpu.memory_space<smem>>
      %dma_start3A_522 = arith.constant 0 : i32
      %dma_start3A_523 = arith.constant 0 : i32
      %dma_start3A_524 = tpu.memref_slice %arg17[%dma_start3A_523] : memref<2x!tpu.dma_semaphore, #tpu.memory_space<semaphore_mem>> -> memref<1x!tpu.dma_semaphore, #tpu.memory_space<semaphore_mem>>
      %dma_start3A_525 = tpu.memref_squeeze %dma_start3A_524 : memref<1x!tpu.dma_semaphore, #tpu.memory_space<semaphore_mem>> -> memref<!tpu.dma_semaphore, #tpu.memory_space<semaphore_mem>>
      %dma_start3A_526 = arith.constant 36 : i32
      %dma_start3A_527 = arith.constant 0 : i32
      %dma_start3A_528 = tpu.memref_slice %arg15[%dma_start3A_522, %dma_start3A_526, %dma_start3A_527] : memref<2x64x768xf32, #tpu.memory_space<vmem>> -> memref<1x1x768xf32, #tpu.memory_space<vmem>>
      %dma_start3A_529 = tpu.memref_squeeze %dma_start3A_528 : memref<1x1x768xf32, #tpu.memory_space<vmem>> -> memref<1x768xf32, #tpu.memory_space<vmem>>
      %dma_start3A_530 = arith.constant 0 : i32
      %dma_start3A_531 = tpu.memref_slice %arg2[%get3A_521, %dma_start3A_530] : memref<30522x768xf32, #tpu.memory_space<any>> -> memref<1x768xf32, #tpu.memory_space<any>>
      tpu.enqueue_dma source(%dma_start3A_531 : memref<1x768xf32, #tpu.memory_space<any>>) target(%dma_start3A_529 : memref<1x768xf32, #tpu.memory_space<vmem>>) target_semaphore(%dma_start3A_525 : memref<!tpu.dma_semaphore, #tpu.memory_space<semaphore_mem>>)
      %get3A_532 = arith.constant 37 : index
      %get3A_533 = memref.load %arg1[%get3A_532] : memref<512xi32, #tpu.memory_space<smem>>
      %dma_start3A_534 = arith.constant 0 : i32
      %dma_start3A_535 = arith.constant 0 : i32
      %dma_start3A_536 = tpu.memref_slice %arg17[%dma_start3A_535] : memref<2x!tpu.dma_semaphore, #tpu.memory_space<semaphore_mem>> -> memref<1x!tpu.dma_semaphore, #tpu.memory_space<semaphore_mem>>
      %dma_start3A_537 = tpu.memref_squeeze %dma_start3A_536 : memref<1x!tpu.dma_semaphore, #tpu.memory_space<semaphore_mem>> -> memref<!tpu.dma_semaphore, #tpu.memory_space<semaphore_mem>>
      %dma_start3A_538 = arith.constant 37 : i32
      %dma_start3A_539 = arith.constant 0 : i32
      %dma_start3A_540 = tpu.memref_slice %arg15[%dma_start3A_534, %dma_start3A_538, %dma_start3A_539] : memref<2x64x768xf32, #tpu.memory_space<vmem>> -> memref<1x1x768xf32, #tpu.memory_space<vmem>>
      %dma_start3A_541 = tpu.memref_squeeze %dma_start3A_540 : memref<1x1x768xf32, #tpu.memory_space<vmem>> -> memref<1x768xf32, #tpu.memory_space<vmem>>
      %dma_start3A_542 = arith.constant 0 : i32
      %dma_start3A_543 = tpu.memref_slice %arg2[%get3A_533, %dma_start3A_542] : memref<30522x768xf32, #tpu.memory_space<any>> -> memref<1x768xf32, #tpu.memory_space<any>>
      tpu.enqueue_dma source(%dma_start3A_543 : memref<1x768xf32, #tpu.memory_space<any>>) target(%dma_start3A_541 : memref<1x768xf32, #tpu.memory_space<vmem>>) target_semaphore(%dma_start3A_537 : memref<!tpu.dma_semaphore, #tpu.memory_space<semaphore_mem>>)
      %get3A_544 = arith.constant 38 : index
      %get3A_545 = memref.load %arg1[%get3A_544] : memref<512xi32, #tpu.memory_space<smem>>
      %dma_start3A_546 = arith.constant 0 : i32
      %dma_start3A_547 = arith.constant 0 : i32
      %dma_start3A_548 = tpu.memref_slice %arg17[%dma_start3A_547] : memref<2x!tpu.dma_semaphore, #tpu.memory_space<semaphore_mem>> -> memref<1x!tpu.dma_semaphore, #tpu.memory_space<semaphore_mem>>
      %dma_start3A_549 = tpu.memref_squeeze %dma_start3A_548 : memref<1x!tpu.dma_semaphore, #tpu.memory_space<semaphore_mem>> -> memref<!tpu.dma_semaphore, #tpu.memory_space<semaphore_mem>>
      %dma_start3A_550 = arith.constant 38 : i32
      %dma_start3A_551 = arith.constant 0 : i32
      %dma_start3A_552 = tpu.memref_slice %arg15[%dma_start3A_546, %dma_start3A_550, %dma_start3A_551] : memref<2x64x768xf32, #tpu.memory_space<vmem>> -> memref<1x1x768xf32, #tpu.memory_space<vmem>>
      %dma_start3A_553 = tpu.memref_squeeze %dma_start3A_552 : memref<1x1x768xf32, #tpu.memory_space<vmem>> -> memref<1x768xf32, #tpu.memory_space<vmem>>
      %dma_start3A_554 = arith.constant 0 : i32
      %dma_start3A_555 = tpu.memref_slice %arg2[%get3A_545, %dma_start3A_554] : memref<30522x768xf32, #tpu.memory_space<any>> -> memref<1x768xf32, #tpu.memory_space<any>>
      tpu.enqueue_dma source(%dma_start3A_555 : memref<1x768xf32, #tpu.memory_space<any>>) target(%dma_start3A_553 : memref<1x768xf32, #tpu.memory_space<vmem>>) target_semaphore(%dma_start3A_549 : memref<!tpu.dma_semaphore, #tpu.memory_space<semaphore_mem>>)
      %get3A_556 = arith.constant 39 : index
      %get3A_557 = memref.load %arg1[%get3A_556] : memref<512xi32, #tpu.memory_space<smem>>
      %dma_start3A_558 = arith.constant 0 : i32
      %dma_start3A_559 = arith.constant 0 : i32
      %dma_start3A_560 = tpu.memref_slice %arg17[%dma_start3A_559] : memref<2x!tpu.dma_semaphore, #tpu.memory_space<semaphore_mem>> -> memref<1x!tpu.dma_semaphore, #tpu.memory_space<semaphore_mem>>
      %dma_start3A_561 = tpu.memref_squeeze %dma_start3A_560 : memref<1x!tpu.dma_semaphore, #tpu.memory_space<semaphore_mem>> -> memref<!tpu.dma_semaphore, #tpu.memory_space<semaphore_mem>>
      %dma_start3A_562 = arith.constant 39 : i32
      %dma_start3A_563 = arith.constant 0 : i32
      %dma_start3A_564 = tpu.memref_slice %arg15[%dma_start3A_558, %dma_start3A_562, %dma_start3A_563] : memref<2x64x768xf32, #tpu.memory_space<vmem>> -> memref<1x1x768xf32, #tpu.memory_space<vmem>>
      %dma_start3A_565 = tpu.memref_squeeze %dma_start3A_564 : memref<1x1x768xf32, #tpu.memory_space<vmem>> -> memref<1x768xf32, #tpu.memory_space<vmem>>
      %dma_start3A_566 = arith.constant 0 : i32
      %dma_start3A_567 = tpu.memref_slice %arg2[%get3A_557, %dma_start3A_566] : memref<30522x768xf32, #tpu.memory_space<any>> -> memref<1x768xf32, #tpu.memory_space<any>>
      tpu.enqueue_dma source(%dma_start3A_567 : memref<1x768xf32, #tpu.memory_space<any>>) target(%dma_start3A_565 : memref<1x768xf32, #tpu.memory_space<vmem>>) target_semaphore(%dma_start3A_561 : memref<!tpu.dma_semaphore, #tpu.memory_space<semaphore_mem>>)
      %get3A_568 = arith.constant 40 : index
      %get3A_569 = memref.load %arg1[%get3A_568] : memref<512xi32, #tpu.memory_space<smem>>
      %dma_start3A_570 = arith.constant 0 : i32
      %dma_start3A_571 = arith.constant 0 : i32
      %dma_start3A_572 = tpu.memref_slice %arg17[%dma_start3A_571] : memref<2x!tpu.dma_semaphore, #tpu.memory_space<semaphore_mem>> -> memref<1x!tpu.dma_semaphore, #tpu.memory_space<semaphore_mem>>
      %dma_start3A_573 = tpu.memref_squeeze %dma_start3A_572 : memref<1x!tpu.dma_semaphore, #tpu.memory_space<semaphore_mem>> -> memref<!tpu.dma_semaphore, #tpu.memory_space<semaphore_mem>>
      %dma_start3A_574 = arith.constant 40 : i32
      %dma_start3A_575 = arith.constant 0 : i32
      %dma_start3A_576 = tpu.memref_slice %arg15[%dma_start3A_570, %dma_start3A_574, %dma_start3A_575] : memref<2x64x768xf32, #tpu.memory_space<vmem>> -> memref<1x1x768xf32, #tpu.memory_space<vmem>>
      %dma_start3A_577 = tpu.memref_squeeze %dma_start3A_576 : memref<1x1x768xf32, #tpu.memory_space<vmem>> -> memref<1x768xf32, #tpu.memory_space<vmem>>
      %dma_start3A_578 = arith.constant 0 : i32
      %dma_start3A_579 = tpu.memref_slice %arg2[%get3A_569, %dma_start3A_578] : memref<30522x768xf32, #tpu.memory_space<any>> -> memref<1x768xf32, #tpu.memory_space<any>>
      tpu.enqueue_dma source(%dma_start3A_579 : memref<1x768xf32, #tpu.memory_space<any>>) target(%dma_start3A_577 : memref<1x768xf32, #tpu.memory_space<vmem>>) target_semaphore(%dma_start3A_573 : memref<!tpu.dma_semaphore, #tpu.memory_space<semaphore_mem>>)
      %get3A_580 = arith.constant 41 : index
      %get3A_581 = memref.load %arg1[%get3A_580] : memref<512xi32, #tpu.memory_space<smem>>
      %dma_start3A_582 = arith.constant 0 : i32
      %dma_start3A_583 = arith.constant 0 : i32
      %dma_start3A_584 = tpu.memref_slice %arg17[%dma_start3A_583] : memref<2x!tpu.dma_semaphore, #tpu.memory_space<semaphore_mem>> -> memref<1x!tpu.dma_semaphore, #tpu.memory_space<semaphore_mem>>
      %dma_start3A_585 = tpu.memref_squeeze %dma_start3A_584 : memref<1x!tpu.dma_semaphore, #tpu.memory_space<semaphore_mem>> -> memref<!tpu.dma_semaphore, #tpu.memory_space<semaphore_mem>>
      %dma_start3A_586 = arith.constant 41 : i32
      %dma_start3A_587 = arith.constant 0 : i32
      %dma_start3A_588 = tpu.memref_slice %arg15[%dma_start3A_582, %dma_start3A_586, %dma_start3A_587] : memref<2x64x768xf32, #tpu.memory_space<vmem>> -> memref<1x1x768xf32, #tpu.memory_space<vmem>>
      %dma_start3A_589 = tpu.memref_squeeze %dma_start3A_588 : memref<1x1x768xf32, #tpu.memory_space<vmem>> -> memref<1x768xf32, #tpu.memory_space<vmem>>
      %dma_start3A_590 = arith.constant 0 : i32
      %dma_start3A_591 = tpu.memref_slice %arg2[%get3A_581, %dma_start3A_590] : memref<30522x768xf32, #tpu.memory_space<any>> -> memref<1x768xf32, #tpu.memory_space<any>>
      tpu.enqueue_dma source(%dma_start3A_591 : memref<1x768xf32, #tpu.memory_space<any>>) target(%dma_start3A_589 : memref<1x768xf32, #tpu.memory_space<vmem>>) target_semaphore(%dma_start3A_585 : memref<!tpu.dma_semaphore, #tpu.memory_space<semaphore_mem>>)
      %get3A_592 = arith.constant 42 : index
      %get3A_593 = memref.load %arg1[%get3A_592] : memref<512xi32, #tpu.memory_space<smem>>
      %dma_start3A_594 = arith.constant 0 : i32
      %dma_start3A_595 = arith.constant 0 : i32
      %dma_start3A_596 = tpu.memref_slice %arg17[%dma_start3A_595] : memref<2x!tpu.dma_semaphore, #tpu.memory_space<semaphore_mem>> -> memref<1x!tpu.dma_semaphore, #tpu.memory_space<semaphore_mem>>
      %dma_start3A_597 = tpu.memref_squeeze %dma_start3A_596 : memref<1x!tpu.dma_semaphore, #tpu.memory_space<semaphore_mem>> -> memref<!tpu.dma_semaphore, #tpu.memory_space<semaphore_mem>>
      %dma_start3A_598 = arith.constant 42 : i32
      %dma_start3A_599 = arith.constant 0 : i32
      %dma_start3A_600 = tpu.memref_slice %arg15[%dma_start3A_594, %dma_start3A_598, %dma_start3A_599] : memref<2x64x768xf32, #tpu.memory_space<vmem>> -> memref<1x1x768xf32, #tpu.memory_space<vmem>>
      %dma_start3A_601 = tpu.memref_squeeze %dma_start3A_600 : memref<1x1x768xf32, #tpu.memory_space<vmem>> -> memref<1x768xf32, #tpu.memory_space<vmem>>
      %dma_start3A_602 = arith.constant 0 : i32
      %dma_start3A_603 = tpu.memref_slice %arg2[%get3A_593, %dma_start3A_602] : memref<30522x768xf32, #tpu.memory_space<any>> -> memref<1x768xf32, #tpu.memory_space<any>>
      tpu.enqueue_dma source(%dma_start3A_603 : memref<1x768xf32, #tpu.memory_space<any>>) target(%dma_start3A_601 : memref<1x768xf32, #tpu.memory_space<vmem>>) target_semaphore(%dma_start3A_597 : memref<!tpu.dma_semaphore, #tpu.memory_space<semaphore_mem>>)
      %get3A_604 = arith.constant 43 : index
      %get3A_605 = memref.load %arg1[%get3A_604] : memref<512xi32, #tpu.memory_space<smem>>
      %dma_start3A_606 = arith.constant 0 : i32
      %dma_start3A_607 = arith.constant 0 : i32
      %dma_start3A_608 = tpu.memref_slice %arg17[%dma_start3A_607] : memref<2x!tpu.dma_semaphore, #tpu.memory_space<semaphore_mem>> -> memref<1x!tpu.dma_semaphore, #tpu.memory_space<semaphore_mem>>
      %dma_start3A_609 = tpu.memref_squeeze %dma_start3A_608 : memref<1x!tpu.dma_semaphore, #tpu.memory_space<semaphore_mem>> -> memref<!tpu.dma_semaphore, #tpu.memory_space<semaphore_mem>>
      %dma_start3A_610 = arith.constant 43 : i32
      %dma_start3A_611 = arith.constant 0 : i32
      %dma_start3A_612 = tpu.memref_slice %arg15[%dma_start3A_606, %dma_start3A_610, %dma_start3A_611] : memref<2x64x768xf32, #tpu.memory_space<vmem>> -> memref<1x1x768xf32, #tpu.memory_space<vmem>>
      %dma_start3A_613 = tpu.memref_squeeze %dma_start3A_612 : memref<1x1x768xf32, #tpu.memory_space<vmem>> -> memref<1x768xf32, #tpu.memory_space<vmem>>
      %dma_start3A_614 = arith.constant 0 : i32
      %dma_start3A_615 = tpu.memref_slice %arg2[%get3A_605, %dma_start3A_614] : memref<30522x768xf32, #tpu.memory_space<any>> -> memref<1x768xf32, #tpu.memory_space<any>>
      tpu.enqueue_dma source(%dma_start3A_615 : memref<1x768xf32, #tpu.memory_space<any>>) target(%dma_start3A_613 : memref<1x768xf32, #tpu.memory_space<vmem>>) target_semaphore(%dma_start3A_609 : memref<!tpu.dma_semaphore, #tpu.memory_space<semaphore_mem>>)
      %get3A_616 = arith.constant 44 : index
      %get3A_617 = memref.load %arg1[%get3A_616] : memref<512xi32, #tpu.memory_space<smem>>
      %dma_start3A_618 = arith.constant 0 : i32
      %dma_start3A_619 = arith.constant 0 : i32
      %dma_start3A_620 = tpu.memref_slice %arg17[%dma_start3A_619] : memref<2x!tpu.dma_semaphore, #tpu.memory_space<semaphore_mem>> -> memref<1x!tpu.dma_semaphore, #tpu.memory_space<semaphore_mem>>
      %dma_start3A_621 = tpu.memref_squeeze %dma_start3A_620 : memref<1x!tpu.dma_semaphore, #tpu.memory_space<semaphore_mem>> -> memref<!tpu.dma_semaphore, #tpu.memory_space<semaphore_mem>>
      %dma_start3A_622 = arith.constant 44 : i32
      %dma_start3A_623 = arith.constant 0 : i32
      %dma_start3A_624 = tpu.memref_slice %arg15[%dma_start3A_618, %dma_start3A_622, %dma_start3A_623] : memref<2x64x768xf32, #tpu.memory_space<vmem>> -> memref<1x1x768xf32, #tpu.memory_space<vmem>>
      %dma_start3A_625 = tpu.memref_squeeze %dma_start3A_624 : memref<1x1x768xf32, #tpu.memory_space<vmem>> -> memref<1x768xf32, #tpu.memory_space<vmem>>
      %dma_start3A_626 = arith.constant 0 : i32
      %dma_start3A_627 = tpu.memref_slice %arg2[%get3A_617, %dma_start3A_626] : memref<30522x768xf32, #tpu.memory_space<any>> -> memref<1x768xf32, #tpu.memory_space<any>>
      tpu.enqueue_dma source(%dma_start3A_627 : memref<1x768xf32, #tpu.memory_space<any>>) target(%dma_start3A_625 : memref<1x768xf32, #tpu.memory_space<vmem>>) target_semaphore(%dma_start3A_621 : memref<!tpu.dma_semaphore, #tpu.memory_space<semaphore_mem>>)
      %get3A_628 = arith.constant 45 : index
      %get3A_629 = memref.load %arg1[%get3A_628] : memref<512xi32, #tpu.memory_space<smem>>
      %dma_start3A_630 = arith.constant 0 : i32
      %dma_start3A_631 = arith.constant 0 : i32
      %dma_start3A_632 = tpu.memref_slice %arg17[%dma_start3A_631] : memref<2x!tpu.dma_semaphore, #tpu.memory_space<semaphore_mem>> -> memref<1x!tpu.dma_semaphore, #tpu.memory_space<semaphore_mem>>
      %dma_start3A_633 = tpu.memref_squeeze %dma_start3A_632 : memref<1x!tpu.dma_semaphore, #tpu.memory_space<semaphore_mem>> -> memref<!tpu.dma_semaphore, #tpu.memory_space<semaphore_mem>>
      %dma_start3A_634 = arith.constant 45 : i32
      %dma_start3A_635 = arith.constant 0 : i32
      %dma_start3A_636 = tpu.memref_slice %arg15[%dma_start3A_630, %dma_start3A_634, %dma_start3A_635] : memref<2x64x768xf32, #tpu.memory_space<vmem>> -> memref<1x1x768xf32, #tpu.memory_space<vmem>>
      %dma_start3A_637 = tpu.memref_squeeze %dma_start3A_636 : memref<1x1x768xf32, #tpu.memory_space<vmem>> -> memref<1x768xf32, #tpu.memory_space<vmem>>
      %dma_start3A_638 = arith.constant 0 : i32
      %dma_start3A_639 = tpu.memref_slice %arg2[%get3A_629, %dma_start3A_638] : memref<30522x768xf32, #tpu.memory_space<any>> -> memref<1x768xf32, #tpu.memory_space<any>>
      tpu.enqueue_dma source(%dma_start3A_639 : memref<1x768xf32, #tpu.memory_space<any>>) target(%dma_start3A_637 : memref<1x768xf32, #tpu.memory_space<vmem>>) target_semaphore(%dma_start3A_633 : memref<!tpu.dma_semaphore, #tpu.memory_space<semaphore_mem>>)
      %get3A_640 = arith.constant 46 : index
      %get3A_641 = memref.load %arg1[%get3A_640] : memref<512xi32, #tpu.memory_space<smem>>
      %dma_start3A_642 = arith.constant 0 : i32
      %dma_start3A_643 = arith.constant 0 : i32
      %dma_start3A_644 = tpu.memref_slice %arg17[%dma_start3A_643] : memref<2x!tpu.dma_semaphore, #tpu.memory_space<semaphore_mem>> -> memref<1x!tpu.dma_semaphore, #tpu.memory_space<semaphore_mem>>
      %dma_start3A_645 = tpu.memref_squeeze %dma_start3A_644 : memref<1x!tpu.dma_semaphore, #tpu.memory_space<semaphore_mem>> -> memref<!tpu.dma_semaphore, #tpu.memory_space<semaphore_mem>>
      %dma_start3A_646 = arith.constant 46 : i32
      %dma_start3A_647 = arith.constant 0 : i32
      %dma_start3A_648 = tpu.memref_slice %arg15[%dma_start3A_642, %dma_start3A_646, %dma_start3A_647] : memref<2x64x768xf32, #tpu.memory_space<vmem>> -> memref<1x1x768xf32, #tpu.memory_space<vmem>>
      %dma_start3A_649 = tpu.memref_squeeze %dma_start3A_648 : memref<1x1x768xf32, #tpu.memory_space<vmem>> -> memref<1x768xf32, #tpu.memory_space<vmem>>
      %dma_start3A_650 = arith.constant 0 : i32
      %dma_start3A_651 = tpu.memref_slice %arg2[%get3A_641, %dma_start3A_650] : memref<30522x768xf32, #tpu.memory_space<any>> -> memref<1x768xf32, #tpu.memory_space<any>>
      tpu.enqueue_dma source(%dma_start3A_651 : memref<1x768xf32, #tpu.memory_space<any>>) target(%dma_start3A_649 : memref<1x768xf32, #tpu.memory_space<vmem>>) target_semaphore(%dma_start3A_645 : memref<!tpu.dma_semaphore, #tpu.memory_space<semaphore_mem>>)
      %get3A_652 = arith.constant 47 : index
      %get3A_653 = memref.load %arg1[%get3A_652] : memref<512xi32, #tpu.memory_space<smem>>
      %dma_start3A_654 = arith.constant 0 : i32
      %dma_start3A_655 = arith.constant 0 : i32
      %dma_start3A_656 = tpu.memref_slice %arg17[%dma_start3A_655] : memref<2x!tpu.dma_semaphore, #tpu.memory_space<semaphore_mem>> -> memref<1x!tpu.dma_semaphore, #tpu.memory_space<semaphore_mem>>
      %dma_start3A_657 = tpu.memref_squeeze %dma_start3A_656 : memref<1x!tpu.dma_semaphore, #tpu.memory_space<semaphore_mem>> -> memref<!tpu.dma_semaphore, #tpu.memory_space<semaphore_mem>>
      %dma_start3A_658 = arith.constant 47 : i32
      %dma_start3A_659 = arith.constant 0 : i32
      %dma_start3A_660 = tpu.memref_slice %arg15[%dma_start3A_654, %dma_start3A_658, %dma_start3A_659] : memref<2x64x768xf32, #tpu.memory_space<vmem>> -> memref<1x1x768xf32, #tpu.memory_space<vmem>>
      %dma_start3A_661 = tpu.memref_squeeze %dma_start3A_660 : memref<1x1x768xf32, #tpu.memory_space<vmem>> -> memref<1x768xf32, #tpu.memory_space<vmem>>
      %dma_start3A_662 = arith.constant 0 : i32
      %dma_start3A_663 = tpu.memref_slice %arg2[%get3A_653, %dma_start3A_662] : memref<30522x768xf32, #tpu.memory_space<any>> -> memref<1x768xf32, #tpu.memory_space<any>>
      tpu.enqueue_dma source(%dma_start3A_663 : memref<1x768xf32, #tpu.memory_space<any>>) target(%dma_start3A_661 : memref<1x768xf32, #tpu.memory_space<vmem>>) target_semaphore(%dma_start3A_657 : memref<!tpu.dma_semaphore, #tpu.memory_space<semaphore_mem>>)
      %get3A_664 = arith.constant 48 : index
      %get3A_665 = memref.load %arg1[%get3A_664] : memref<512xi32, #tpu.memory_space<smem>>
      %dma_start3A_666 = arith.constant 0 : i32
      %dma_start3A_667 = arith.constant 0 : i32
      %dma_start3A_668 = tpu.memref_slice %arg17[%dma_start3A_667] : memref<2x!tpu.dma_semaphore, #tpu.memory_space<semaphore_mem>> -> memref<1x!tpu.dma_semaphore, #tpu.memory_space<semaphore_mem>>
      %dma_start3A_669 = tpu.memref_squeeze %dma_start3A_668 : memref<1x!tpu.dma_semaphore, #tpu.memory_space<semaphore_mem>> -> memref<!tpu.dma_semaphore, #tpu.memory_space<semaphore_mem>>
      %dma_start3A_670 = arith.constant 48 : i32
      %dma_start3A_671 = arith.constant 0 : i32
      %dma_start3A_672 = tpu.memref_slice %arg15[%dma_start3A_666, %dma_start3A_670, %dma_start3A_671] : memref<2x64x768xf32, #tpu.memory_space<vmem>> -> memref<1x1x768xf32, #tpu.memory_space<vmem>>
      %dma_start3A_673 = tpu.memref_squeeze %dma_start3A_672 : memref<1x1x768xf32, #tpu.memory_space<vmem>> -> memref<1x768xf32, #tpu.memory_space<vmem>>
      %dma_start3A_674 = arith.constant 0 : i32
      %dma_start3A_675 = tpu.memref_slice %arg2[%get3A_665, %dma_start3A_674] : memref<30522x768xf32, #tpu.memory_space<any>> -> memref<1x768xf32, #tpu.memory_space<any>>
      tpu.enqueue_dma source(%dma_start3A_675 : memref<1x768xf32, #tpu.memory_space<any>>) target(%dma_start3A_673 : memref<1x768xf32, #tpu.memory_space<vmem>>) target_semaphore(%dma_start3A_669 : memref<!tpu.dma_semaphore, #tpu.memory_space<semaphore_mem>>)
      %get3A_676 = arith.constant 49 : index
      %get3A_677 = memref.load %arg1[%get3A_676] : memref<512xi32, #tpu.memory_space<smem>>
      %dma_start3A_678 = arith.constant 0 : i32
      %dma_start3A_679 = arith.constant 0 : i32
      %dma_start3A_680 = tpu.memref_slice %arg17[%dma_start3A_679] : memref<2x!tpu.dma_semaphore, #tpu.memory_space<semaphore_mem>> -> memref<1x!tpu.dma_semaphore, #tpu.memory_space<semaphore_mem>>
      %dma_start3A_681 = tpu.memref_squeeze %dma_start3A_680 : memref<1x!tpu.dma_semaphore, #tpu.memory_space<semaphore_mem>> -> memref<!tpu.dma_semaphore, #tpu.memory_space<semaphore_mem>>
      %dma_start3A_682 = arith.constant 49 : i32
      %dma_start3A_683 = arith.constant 0 : i32
      %dma_start3A_684 = tpu.memref_slice %arg15[%dma_start3A_678, %dma_start3A_682, %dma_start3A_683] : memref<2x64x768xf32, #tpu.memory_space<vmem>> -> memref<1x1x768xf32, #tpu.memory_space<vmem>>
      %dma_start3A_685 = tpu.memref_squeeze %dma_start3A_684 : memref<1x1x768xf32, #tpu.memory_space<vmem>> -> memref<1x768xf32, #tpu.memory_space<vmem>>
      %dma_start3A_686 = arith.constant 0 : i32
      %dma_start3A_687 = tpu.memref_slice %arg2[%get3A_677, %dma_start3A_686] : memref<30522x768xf32, #tpu.memory_space<any>> -> memref<1x768xf32, #tpu.memory_space<any>>
      tpu.enqueue_dma source(%dma_start3A_687 : memref<1x768xf32, #tpu.memory_space<any>>) target(%dma_start3A_685 : memref<1x768xf32, #tpu.memory_space<vmem>>) target_semaphore(%dma_start3A_681 : memref<!tpu.dma_semaphore, #tpu.memory_space<semaphore_mem>>)
      %get3A_688 = arith.constant 50 : index
      %get3A_689 = memref.load %arg1[%get3A_688] : memref<512xi32, #tpu.memory_space<smem>>
      %dma_start3A_690 = arith.constant 0 : i32
      %dma_start3A_691 = arith.constant 0 : i32
      %dma_start3A_692 = tpu.memref_slice %arg17[%dma_start3A_691] : memref<2x!tpu.dma_semaphore, #tpu.memory_space<semaphore_mem>> -> memref<1x!tpu.dma_semaphore, #tpu.memory_space<semaphore_mem>>
      %dma_start3A_693 = tpu.memref_squeeze %dma_start3A_692 : memref<1x!tpu.dma_semaphore, #tpu.memory_space<semaphore_mem>> -> memref<!tpu.dma_semaphore, #tpu.memory_space<semaphore_mem>>
      %dma_start3A_694 = arith.constant 50 : i32
      %dma_start3A_695 = arith.constant 0 : i32
      %dma_start3A_696 = tpu.memref_slice %arg15[%dma_start3A_690, %dma_start3A_694, %dma_start3A_695] : memref<2x64x768xf32, #tpu.memory_space<vmem>> -> memref<1x1x768xf32, #tpu.memory_space<vmem>>
      %dma_start3A_697 = tpu.memref_squeeze %dma_start3A_696 : memref<1x1x768xf32, #tpu.memory_space<vmem>> -> memref<1x768xf32, #tpu.memory_space<vmem>>
      %dma_start3A_698 = arith.constant 0 : i32
      %dma_start3A_699 = tpu.memref_slice %arg2[%get3A_689, %dma_start3A_698] : memref<30522x768xf32, #tpu.memory_space<any>> -> memref<1x768xf32, #tpu.memory_space<any>>
      tpu.enqueue_dma source(%dma_start3A_699 : memref<1x768xf32, #tpu.memory_space<any>>) target(%dma_start3A_697 : memref<1x768xf32, #tpu.memory_space<vmem>>) target_semaphore(%dma_start3A_693 : memref<!tpu.dma_semaphore, #tpu.memory_space<semaphore_mem>>)
      %get3A_700 = arith.constant 51 : index
      %get3A_701 = memref.load %arg1[%get3A_700] : memref<512xi32, #tpu.memory_space<smem>>
      %dma_start3A_702 = arith.constant 0 : i32
      %dma_start3A_703 = arith.constant 0 : i32
      %dma_start3A_704 = tpu.memref_slice %arg17[%dma_start3A_703] : memref<2x!tpu.dma_semaphore, #tpu.memory_space<semaphore_mem>> -> memref<1x!tpu.dma_semaphore, #tpu.memory_space<semaphore_mem>>
      %dma_start3A_705 = tpu.memref_squeeze %dma_start3A_704 : memref<1x!tpu.dma_semaphore, #tpu.memory_space<semaphore_mem>> -> memref<!tpu.dma_semaphore, #tpu.memory_space<semaphore_mem>>
      %dma_start3A_706 = arith.constant 51 : i32
      %dma_start3A_707 = arith.constant 0 : i32
      %dma_start3A_708 = tpu.memref_slice %arg15[%dma_start3A_702, %dma_start3A_706, %dma_start3A_707] : memref<2x64x768xf32, #tpu.memory_space<vmem>> -> memref<1x1x768xf32, #tpu.memory_space<vmem>>
      %dma_start3A_709 = tpu.memref_squeeze %dma_start3A_708 : memref<1x1x768xf32, #tpu.memory_space<vmem>> -> memref<1x768xf32, #tpu.memory_space<vmem>>
      %dma_start3A_710 = arith.constant 0 : i32
      %dma_start3A_711 = tpu.memref_slice %arg2[%get3A_701, %dma_start3A_710] : memref<30522x768xf32, #tpu.memory_space<any>> -> memref<1x768xf32, #tpu.memory_space<any>>
      tpu.enqueue_dma source(%dma_start3A_711 : memref<1x768xf32, #tpu.memory_space<any>>) target(%dma_start3A_709 : memref<1x768xf32, #tpu.memory_space<vmem>>) target_semaphore(%dma_start3A_705 : memref<!tpu.dma_semaphore, #tpu.memory_space<semaphore_mem>>)
      %get3A_712 = arith.constant 52 : index
      %get3A_713 = memref.load %arg1[%get3A_712] : memref<512xi32, #tpu.memory_space<smem>>
      %dma_start3A_714 = arith.constant 0 : i32
      %dma_start3A_715 = arith.constant 0 : i32
      %dma_start3A_716 = tpu.memref_slice %arg17[%dma_start3A_715] : memref<2x!tpu.dma_semaphore, #tpu.memory_space<semaphore_mem>> -> memref<1x!tpu.dma_semaphore, #tpu.memory_space<semaphore_mem>>
      %dma_start3A_717 = tpu.memref_squeeze %dma_start3A_716 : memref<1x!tpu.dma_semaphore, #tpu.memory_space<semaphore_mem>> -> memref<!tpu.dma_semaphore, #tpu.memory_space<semaphore_mem>>
      %dma_start3A_718 = arith.constant 52 : i32
      %dma_start3A_719 = arith.constant 0 : i32
      %dma_start3A_720 = tpu.memref_slice %arg15[%dma_start3A_714, %dma_start3A_718, %dma_start3A_719] : memref<2x64x768xf32, #tpu.memory_space<vmem>> -> memref<1x1x768xf32, #tpu.memory_space<vmem>>
      %dma_start3A_721 = tpu.memref_squeeze %dma_start3A_720 : memref<1x1x768xf32, #tpu.memory_space<vmem>> -> memref<1x768xf32, #tpu.memory_space<vmem>>
      %dma_start3A_722 = arith.constant 0 : i32
      %dma_start3A_723 = tpu.memref_slice %arg2[%get3A_713, %dma_start3A_722] : memref<30522x768xf32, #tpu.memory_space<any>> -> memref<1x768xf32, #tpu.memory_space<any>>
      tpu.enqueue_dma source(%dma_start3A_723 : memref<1x768xf32, #tpu.memory_space<any>>) target(%dma_start3A_721 : memref<1x768xf32, #tpu.memory_space<vmem>>) target_semaphore(%dma_start3A_717 : memref<!tpu.dma_semaphore, #tpu.memory_space<semaphore_mem>>)
      %get3A_724 = arith.constant 53 : index
      %get3A_725 = memref.load %arg1[%get3A_724] : memref<512xi32, #tpu.memory_space<smem>>
      %dma_start3A_726 = arith.constant 0 : i32
      %dma_start3A_727 = arith.constant 0 : i32
      %dma_start3A_728 = tpu.memref_slice %arg17[%dma_start3A_727] : memref<2x!tpu.dma_semaphore, #tpu.memory_space<semaphore_mem>> -> memref<1x!tpu.dma_semaphore, #tpu.memory_space<semaphore_mem>>
      %dma_start3A_729 = tpu.memref_squeeze %dma_start3A_728 : memref<1x!tpu.dma_semaphore, #tpu.memory_space<semaphore_mem>> -> memref<!tpu.dma_semaphore, #tpu.memory_space<semaphore_mem>>
      %dma_start3A_730 = arith.constant 53 : i32
      %dma_start3A_731 = arith.constant 0 : i32
      %dma_start3A_732 = tpu.memref_slice %arg15[%dma_start3A_726, %dma_start3A_730, %dma_start3A_731] : memref<2x64x768xf32, #tpu.memory_space<vmem>> -> memref<1x1x768xf32, #tpu.memory_space<vmem>>
      %dma_start3A_733 = tpu.memref_squeeze %dma_start3A_732 : memref<1x1x768xf32, #tpu.memory_space<vmem>> -> memref<1x768xf32, #tpu.memory_space<vmem>>
      %dma_start3A_734 = arith.constant 0 : i32
      %dma_start3A_735 = tpu.memref_slice %arg2[%get3A_725, %dma_start3A_734] : memref<30522x768xf32, #tpu.memory_space<any>> -> memref<1x768xf32, #tpu.memory_space<any>>
      tpu.enqueue_dma source(%dma_start3A_735 : memref<1x768xf32, #tpu.memory_space<any>>) target(%dma_start3A_733 : memref<1x768xf32, #tpu.memory_space<vmem>>) target_semaphore(%dma_start3A_729 : memref<!tpu.dma_semaphore, #tpu.memory_space<semaphore_mem>>)
      %get3A_736 = arith.constant 54 : index
      %get3A_737 = memref.load %arg1[%get3A_736] : memref<512xi32, #tpu.memory_space<smem>>
      %dma_start3A_738 = arith.constant 0 : i32
      %dma_start3A_739 = arith.constant 0 : i32
      %dma_start3A_740 = tpu.memref_slice %arg17[%dma_start3A_739] : memref<2x!tpu.dma_semaphore, #tpu.memory_space<semaphore_mem>> -> memref<1x!tpu.dma_semaphore, #tpu.memory_space<semaphore_mem>>
      %dma_start3A_741 = tpu.memref_squeeze %dma_start3A_740 : memref<1x!tpu.dma_semaphore, #tpu.memory_space<semaphore_mem>> -> memref<!tpu.dma_semaphore, #tpu.memory_space<semaphore_mem>>
      %dma_start3A_742 = arith.constant 54 : i32
      %dma_start3A_743 = arith.constant 0 : i32
      %dma_start3A_744 = tpu.memref_slice %arg15[%dma_start3A_738, %dma_start3A_742, %dma_start3A_743] : memref<2x64x768xf32, #tpu.memory_space<vmem>> -> memref<1x1x768xf32, #tpu.memory_space<vmem>>
      %dma_start3A_745 = tpu.memref_squeeze %dma_start3A_744 : memref<1x1x768xf32, #tpu.memory_space<vmem>> -> memref<1x768xf32, #tpu.memory_space<vmem>>
      %dma_start3A_746 = arith.constant 0 : i32
      %dma_start3A_747 = tpu.memref_slice %arg2[%get3A_737, %dma_start3A_746] : memref<30522x768xf32, #tpu.memory_space<any>> -> memref<1x768xf32, #tpu.memory_space<any>>
      tpu.enqueue_dma source(%dma_start3A_747 : memref<1x768xf32, #tpu.memory_space<any>>) target(%dma_start3A_745 : memref<1x768xf32, #tpu.memory_space<vmem>>) target_semaphore(%dma_start3A_741 : memref<!tpu.dma_semaphore, #tpu.memory_space<semaphore_mem>>)
      %get3A_748 = arith.constant 55 : index
      %get3A_749 = memref.load %arg1[%get3A_748] : memref<512xi32, #tpu.memory_space<smem>>
      %dma_start3A_750 = arith.constant 0 : i32
      %dma_start3A_751 = arith.constant 0 : i32
      %dma_start3A_752 = tpu.memref_slice %arg17[%dma_start3A_751] : memref<2x!tpu.dma_semaphore, #tpu.memory_space<semaphore_mem>> -> memref<1x!tpu.dma_semaphore, #tpu.memory_space<semaphore_mem>>
      %dma_start3A_753 = tpu.memref_squeeze %dma_start3A_752 : memref<1x!tpu.dma_semaphore, #tpu.memory_space<semaphore_mem>> -> memref<!tpu.dma_semaphore, #tpu.memory_space<semaphore_mem>>
      %dma_start3A_754 = arith.constant 55 : i32
      %dma_start3A_755 = arith.constant 0 : i32
      %dma_start3A_756 = tpu.memref_slice %arg15[%dma_start3A_750, %dma_start3A_754, %dma_start3A_755] : memref<2x64x768xf32, #tpu.memory_space<vmem>> -> memref<1x1x768xf32, #tpu.memory_space<vmem>>
      %dma_start3A_757 = tpu.memref_squeeze %dma_start3A_756 : memref<1x1x768xf32, #tpu.memory_space<vmem>> -> memref<1x768xf32, #tpu.memory_space<vmem>>
      %dma_start3A_758 = arith.constant 0 : i32
      %dma_start3A_759 = tpu.memref_slice %arg2[%get3A_749, %dma_start3A_758] : memref<30522x768xf32, #tpu.memory_space<any>> -> memref<1x768xf32, #tpu.memory_space<any>>
      tpu.enqueue_dma source(%dma_start3A_759 : memref<1x768xf32, #tpu.memory_space<any>>) target(%dma_start3A_757 : memref<1x768xf32, #tpu.memory_space<vmem>>) target_semaphore(%dma_start3A_753 : memref<!tpu.dma_semaphore, #tpu.memory_space<semaphore_mem>>)
      %get3A_760 = arith.constant 56 : index
      %get3A_761 = memref.load %arg1[%get3A_760] : memref<512xi32, #tpu.memory_space<smem>>
      %dma_start3A_762 = arith.constant 0 : i32
      %dma_start3A_763 = arith.constant 0 : i32
      %dma_start3A_764 = tpu.memref_slice %arg17[%dma_start3A_763] : memref<2x!tpu.dma_semaphore, #tpu.memory_space<semaphore_mem>> -> memref<1x!tpu.dma_semaphore, #tpu.memory_space<semaphore_mem>>
      %dma_start3A_765 = tpu.memref_squeeze %dma_start3A_764 : memref<1x!tpu.dma_semaphore, #tpu.memory_space<semaphore_mem>> -> memref<!tpu.dma_semaphore, #tpu.memory_space<semaphore_mem>>
      %dma_start3A_766 = arith.constant 56 : i32
      %dma_start3A_767 = arith.constant 0 : i32
      %dma_start3A_768 = tpu.memref_slice %arg15[%dma_start3A_762, %dma_start3A_766, %dma_start3A_767] : memref<2x64x768xf32, #tpu.memory_space<vmem>> -> memref<1x1x768xf32, #tpu.memory_space<vmem>>
      %dma_start3A_769 = tpu.memref_squeeze %dma_start3A_768 : memref<1x1x768xf32, #tpu.memory_space<vmem>> -> memref<1x768xf32, #tpu.memory_space<vmem>>
      %dma_start3A_770 = arith.constant 0 : i32
      %dma_start3A_771 = tpu.memref_slice %arg2[%get3A_761, %dma_start3A_770] : memref<30522x768xf32, #tpu.memory_space<any>> -> memref<1x768xf32, #tpu.memory_space<any>>
      tpu.enqueue_dma source(%dma_start3A_771 : memref<1x768xf32, #tpu.memory_space<any>>) target(%dma_start3A_769 : memref<1x768xf32, #tpu.memory_space<vmem>>) target_semaphore(%dma_start3A_765 : memref<!tpu.dma_semaphore, #tpu.memory_space<semaphore_mem>>)
      %get3A_772 = arith.constant 57 : index
      %get3A_773 = memref.load %arg1[%get3A_772] : memref<512xi32, #tpu.memory_space<smem>>
      %dma_start3A_774 = arith.constant 0 : i32
      %dma_start3A_775 = arith.constant 0 : i32
      %dma_start3A_776 = tpu.memref_slice %arg17[%dma_start3A_775] : memref<2x!tpu.dma_semaphore, #tpu.memory_space<semaphore_mem>> -> memref<1x!tpu.dma_semaphore, #tpu.memory_space<semaphore_mem>>
      %dma_start3A_777 = tpu.memref_squeeze %dma_start3A_776 : memref<1x!tpu.dma_semaphore, #tpu.memory_space<semaphore_mem>> -> memref<!tpu.dma_semaphore, #tpu.memory_space<semaphore_mem>>
      %dma_start3A_778 = arith.constant 57 : i32
      %dma_start3A_779 = arith.constant 0 : i32
      %dma_start3A_780 = tpu.memref_slice %arg15[%dma_start3A_774, %dma_start3A_778, %dma_start3A_779] : memref<2x64x768xf32, #tpu.memory_space<vmem>> -> memref<1x1x768xf32, #tpu.memory_space<vmem>>
      %dma_start3A_781 = tpu.memref_squeeze %dma_start3A_780 : memref<1x1x768xf32, #tpu.memory_space<vmem>> -> memref<1x768xf32, #tpu.memory_space<vmem>>
      %dma_start3A_782 = arith.constant 0 : i32
      %dma_start3A_783 = tpu.memref_slice %arg2[%get3A_773, %dma_start3A_782] : memref<30522x768xf32, #tpu.memory_space<any>> -> memref<1x768xf32, #tpu.memory_space<any>>
      tpu.enqueue_dma source(%dma_start3A_783 : memref<1x768xf32, #tpu.memory_space<any>>) target(%dma_start3A_781 : memref<1x768xf32, #tpu.memory_space<vmem>>) target_semaphore(%dma_start3A_777 : memref<!tpu.dma_semaphore, #tpu.memory_space<semaphore_mem>>)
      %get3A_784 = arith.constant 58 : index
      %get3A_785 = memref.load %arg1[%get3A_784] : memref<512xi32, #tpu.memory_space<smem>>
      %dma_start3A_786 = arith.constant 0 : i32
      %dma_start3A_787 = arith.constant 0 : i32
      %dma_start3A_788 = tpu.memref_slice %arg17[%dma_start3A_787] : memref<2x!tpu.dma_semaphore, #tpu.memory_space<semaphore_mem>> -> memref<1x!tpu.dma_semaphore, #tpu.memory_space<semaphore_mem>>
      %dma_start3A_789 = tpu.memref_squeeze %dma_start3A_788 : memref<1x!tpu.dma_semaphore, #tpu.memory_space<semaphore_mem>> -> memref<!tpu.dma_semaphore, #tpu.memory_space<semaphore_mem>>
      %dma_start3A_790 = arith.constant 58 : i32
      %dma_start3A_791 = arith.constant 0 : i32
      %dma_start3A_792 = tpu.memref_slice %arg15[%dma_start3A_786, %dma_start3A_790, %dma_start3A_791] : memref<2x64x768xf32, #tpu.memory_space<vmem>> -> memref<1x1x768xf32, #tpu.memory_space<vmem>>
      %dma_start3A_793 = tpu.memref_squeeze %dma_start3A_792 : memref<1x1x768xf32, #tpu.memory_space<vmem>> -> memref<1x768xf32, #tpu.memory_space<vmem>>
      %dma_start3A_794 = arith.constant 0 : i32
      %dma_start3A_795 = tpu.memref_slice %arg2[%get3A_785, %dma_start3A_794] : memref<30522x768xf32, #tpu.memory_space<any>> -> memref<1x768xf32, #tpu.memory_space<any>>
      tpu.enqueue_dma source(%dma_start3A_795 : memref<1x768xf32, #tpu.memory_space<any>>) target(%dma_start3A_793 : memref<1x768xf32, #tpu.memory_space<vmem>>) target_semaphore(%dma_start3A_789 : memref<!tpu.dma_semaphore, #tpu.memory_space<semaphore_mem>>)
      %get3A_796 = arith.constant 59 : index
      %get3A_797 = memref.load %arg1[%get3A_796] : memref<512xi32, #tpu.memory_space<smem>>
      %dma_start3A_798 = arith.constant 0 : i32
      %dma_start3A_799 = arith.constant 0 : i32
      %dma_start3A_800 = tpu.memref_slice %arg17[%dma_start3A_799] : memref<2x!tpu.dma_semaphore, #tpu.memory_space<semaphore_mem>> -> memref<1x!tpu.dma_semaphore, #tpu.memory_space<semaphore_mem>>
      %dma_start3A_801 = tpu.memref_squeeze %dma_start3A_800 : memref<1x!tpu.dma_semaphore, #tpu.memory_space<semaphore_mem>> -> memref<!tpu.dma_semaphore, #tpu.memory_space<semaphore_mem>>
      %dma_start3A_802 = arith.constant 59 : i32
      %dma_start3A_803 = arith.constant 0 : i32
      %dma_start3A_804 = tpu.memref_slice %arg15[%dma_start3A_798, %dma_start3A_802, %dma_start3A_803] : memref<2x64x768xf32, #tpu.memory_space<vmem>> -> memref<1x1x768xf32, #tpu.memory_space<vmem>>
      %dma_start3A_805 = tpu.memref_squeeze %dma_start3A_804 : memref<1x1x768xf32, #tpu.memory_space<vmem>> -> memref<1x768xf32, #tpu.memory_space<vmem>>
      %dma_start3A_806 = arith.constant 0 : i32
      %dma_start3A_807 = tpu.memref_slice %arg2[%get3A_797, %dma_start3A_806] : memref<30522x768xf32, #tpu.memory_space<any>> -> memref<1x768xf32, #tpu.memory_space<any>>
      tpu.enqueue_dma source(%dma_start3A_807 : memref<1x768xf32, #tpu.memory_space<any>>) target(%dma_start3A_805 : memref<1x768xf32, #tpu.memory_space<vmem>>) target_semaphore(%dma_start3A_801 : memref<!tpu.dma_semaphore, #tpu.memory_space<semaphore_mem>>)
      %get3A_808 = arith.constant 60 : index
      %get3A_809 = memref.load %arg1[%get3A_808] : memref<512xi32, #tpu.memory_space<smem>>
      %dma_start3A_810 = arith.constant 0 : i32
      %dma_start3A_811 = arith.constant 0 : i32
      %dma_start3A_812 = tpu.memref_slice %arg17[%dma_start3A_811] : memref<2x!tpu.dma_semaphore, #tpu.memory_space<semaphore_mem>> -> memref<1x!tpu.dma_semaphore, #tpu.memory_space<semaphore_mem>>
      %dma_start3A_813 = tpu.memref_squeeze %dma_start3A_812 : memref<1x!tpu.dma_semaphore, #tpu.memory_space<semaphore_mem>> -> memref<!tpu.dma_semaphore, #tpu.memory_space<semaphore_mem>>
      %dma_start3A_814 = arith.constant 60 : i32
      %dma_start3A_815 = arith.constant 0 : i32
      %dma_start3A_816 = tpu.memref_slice %arg15[%dma_start3A_810, %dma_start3A_814, %dma_start3A_815] : memref<2x64x768xf32, #tpu.memory_space<vmem>> -> memref<1x1x768xf32, #tpu.memory_space<vmem>>
      %dma_start3A_817 = tpu.memref_squeeze %dma_start3A_816 : memref<1x1x768xf32, #tpu.memory_space<vmem>> -> memref<1x768xf32, #tpu.memory_space<vmem>>
      %dma_start3A_818 = arith.constant 0 : i32
      %dma_start3A_819 = tpu.memref_slice %arg2[%get3A_809, %dma_start3A_818] : memref<30522x768xf32, #tpu.memory_space<any>> -> memref<1x768xf32, #tpu.memory_space<any>>
      tpu.enqueue_dma source(%dma_start3A_819 : memref<1x768xf32, #tpu.memory_space<any>>) target(%dma_start3A_817 : memref<1x768xf32, #tpu.memory_space<vmem>>) target_semaphore(%dma_start3A_813 : memref<!tpu.dma_semaphore, #tpu.memory_space<semaphore_mem>>)
      %get3A_820 = arith.constant 61 : index
      %get3A_821 = memref.load %arg1[%get3A_820] : memref<512xi32, #tpu.memory_space<smem>>
      %dma_start3A_822 = arith.constant 0 : i32
      %dma_start3A_823 = arith.constant 0 : i32
      %dma_start3A_824 = tpu.memref_slice %arg17[%dma_start3A_823] : memref<2x!tpu.dma_semaphore, #tpu.memory_space<semaphore_mem>> -> memref<1x!tpu.dma_semaphore, #tpu.memory_space<semaphore_mem>>
      %dma_start3A_825 = tpu.memref_squeeze %dma_start3A_824 : memref<1x!tpu.dma_semaphore, #tpu.memory_space<semaphore_mem>> -> memref<!tpu.dma_semaphore, #tpu.memory_space<semaphore_mem>>
      %dma_start3A_826 = arith.constant 61 : i32
      %dma_start3A_827 = arith.constant 0 : i32
      %dma_start3A_828 = tpu.memref_slice %arg15[%dma_start3A_822, %dma_start3A_826, %dma_start3A_827] : memref<2x64x768xf32, #tpu.memory_space<vmem>> -> memref<1x1x768xf32, #tpu.memory_space<vmem>>
      %dma_start3A_829 = tpu.memref_squeeze %dma_start3A_828 : memref<1x1x768xf32, #tpu.memory_space<vmem>> -> memref<1x768xf32, #tpu.memory_space<vmem>>
      %dma_start3A_830 = arith.constant 0 : i32
      %dma_start3A_831 = tpu.memref_slice %arg2[%get3A_821, %dma_start3A_830] : memref<30522x768xf32, #tpu.memory_space<any>> -> memref<1x768xf32, #tpu.memory_space<any>>
      tpu.enqueue_dma source(%dma_start3A_831 : memref<1x768xf32, #tpu.memory_space<any>>) target(%dma_start3A_829 : memref<1x768xf32, #tpu.memory_space<vmem>>) target_semaphore(%dma_start3A_825 : memref<!tpu.dma_semaphore, #tpu.memory_space<semaphore_mem>>)
      %get3A_832 = arith.constant 62 : index
      %get3A_833 = memref.load %arg1[%get3A_832] : memref<512xi32, #tpu.memory_space<smem>>
      %dma_start3A_834 = arith.constant 0 : i32
      %dma_start3A_835 = arith.constant 0 : i32
      %dma_start3A_836 = tpu.memref_slice %arg17[%dma_start3A_835] : memref<2x!tpu.dma_semaphore, #tpu.memory_space<semaphore_mem>> -> memref<1x!tpu.dma_semaphore, #tpu.memory_space<semaphore_mem>>
      %dma_start3A_837 = tpu.memref_squeeze %dma_start3A_836 : memref<1x!tpu.dma_semaphore, #tpu.memory_space<semaphore_mem>> -> memref<!tpu.dma_semaphore, #tpu.memory_space<semaphore_mem>>
      %dma_start3A_838 = arith.constant 62 : i32
      %dma_start3A_839 = arith.constant 0 : i32
      %dma_start3A_840 = tpu.memref_slice %arg15[%dma_start3A_834, %dma_start3A_838, %dma_start3A_839] : memref<2x64x768xf32, #tpu.memory_space<vmem>> -> memref<1x1x768xf32, #tpu.memory_space<vmem>>
      %dma_start3A_841 = tpu.memref_squeeze %dma_start3A_840 : memref<1x1x768xf32, #tpu.memory_space<vmem>> -> memref<1x768xf32, #tpu.memory_space<vmem>>
      %dma_start3A_842 = arith.constant 0 : i32
      %dma_start3A_843 = tpu.memref_slice %arg2[%get3A_833, %dma_start3A_842] : memref<30522x768xf32, #tpu.memory_space<any>> -> memref<1x768xf32, #tpu.memory_space<any>>
      tpu.enqueue_dma source(%dma_start3A_843 : memref<1x768xf32, #tpu.memory_space<any>>) target(%dma_start3A_841 : memref<1x768xf32, #tpu.memory_space<vmem>>) target_semaphore(%dma_start3A_837 : memref<!tpu.dma_semaphore, #tpu.memory_space<semaphore_mem>>)
      %get3A_844 = arith.constant 63 : index
      %get3A_845 = memref.load %arg1[%get3A_844] : memref<512xi32, #tpu.memory_space<smem>>
      %dma_start3A_846 = arith.constant 0 : i32
      %dma_start3A_847 = arith.constant 0 : i32
      %dma_start3A_848 = tpu.memref_slice %arg17[%dma_start3A_847] : memref<2x!tpu.dma_semaphore, #tpu.memory_space<semaphore_mem>> -> memref<1x!tpu.dma_semaphore, #tpu.memory_space<semaphore_mem>>
      %dma_start3A_849 = tpu.memref_squeeze %dma_start3A_848 : memref<1x!tpu.dma_semaphore, #tpu.memory_space<semaphore_mem>> -> memref<!tpu.dma_semaphore, #tpu.memory_space<semaphore_mem>>
      %dma_start3A_850 = arith.constant 63 : i32
      %dma_start3A_851 = arith.constant 0 : i32
      %dma_start3A_852 = tpu.memref_slice %arg15[%dma_start3A_846, %dma_start3A_850, %dma_start3A_851] : memref<2x64x768xf32, #tpu.memory_space<vmem>> -> memref<1x1x768xf32, #tpu.memory_space<vmem>>
      %dma_start3A_853 = tpu.memref_squeeze %dma_start3A_852 : memref<1x1x768xf32, #tpu.memory_space<vmem>> -> memref<1x768xf32, #tpu.memory_space<vmem>>
      %dma_start3A_854 = arith.constant 0 : i32
      %dma_start3A_855 = tpu.memref_slice %arg2[%get3A_845, %dma_start3A_854] : memref<30522x768xf32, #tpu.memory_space<any>> -> memref<1x768xf32, #tpu.memory_space<any>>
      tpu.enqueue_dma source(%dma_start3A_855 : memref<1x768xf32, #tpu.memory_space<any>>) target(%dma_start3A_853 : memref<1x768xf32, #tpu.memory_space<vmem>>) target_semaphore(%dma_start3A_849 : memref<!tpu.dma_semaphore, #tpu.memory_space<semaphore_mem>>)
      %get3A_856 = arith.constant 0 : index
      %get3A_857 = arith.constant 0 : index
      %get3A_858 = vector.load %arg7[%get3A_856, %get3A_857] : memref<32x1536xf32, #tpu.memory_space<vmem>>, vector<32x1536xf32>
      %get3A_859 = arith.constant 0 : index
      %get3A_860 = arith.constant 0 : index
      %get3A_861 = vector.load %arg8[%get3A_859, %get3A_860] : memref<768x1536xf32, #tpu.memory_space<vmem>>, vector<768x1536xf32>
      %dot_general3A_862 = arith.constant dense<0.000000e+00> : vector<32x768xf32>
      %dot_general3A_863 = tpu.matmul %get3A_858, %get3A_861, %dot_general3A_862 {dimension_numbers = #tpu.dot_dimension_numbers<[1], [1], [0], [0], [0, 0, 1, 0], [], []>, transpose_lhs_hint = false} : vector<32x1536xf32>, vector<768x1536xf32>, vector<32x768xf32> -> vector<32x768xf32>
      %get3A_864 = arith.constant 0 : index
      %get3A_865 = arith.constant 768 : index
      %get3A_866 = vector.load %arg10[%get3A_864, %get3A_865] : memref<768x2304xf32, #tpu.memory_space<vmem>>, vector<768x768xf32>
      %dot_general3A_867 = arith.constant dense<0.000000e+00> : vector<32x768xf32>
      %dot_general3A_868 = tpu.matmul %dot_general3A_863, %get3A_866, %dot_general3A_867 {dimension_numbers = #tpu.dot_dimension_numbers<[1], [1], [0], [0], [0, 0, 1, 0], [], []>, transpose_lhs_hint = false} : vector<32x768xf32>, vector<768x768xf32>, vector<32x768xf32> -> vector<32x768xf32>
      %get3A_869 = arith.constant 0 : index
      %get3A_870 = arith.constant 0 : index
      %get3A_871 = vector.load %arg9[%get3A_869, %get3A_870] : memref<32x768xf32, #tpu.memory_space<vmem>>, vector<32x768xf32>
      %get3A_872 = arith.constant 0 : index
      %get3A_873 = arith.constant 1536 : index
      %get3A_874 = vector.load %arg10[%get3A_872, %get3A_873] : memref<768x2304xf32, #tpu.memory_space<vmem>>, vector<768x768xf32>
      %dot_general3A_875 = arith.constant dense<0.000000e+00> : vector<32x768xf32>
      %dot_general3A_876 = tpu.matmul %get3A_871, %get3A_874, %dot_general3A_875 {dimension_numbers = #tpu.dot_dimension_numbers<[1], [1], [0], [0], [0, 0, 1, 0], [], []>, transpose_lhs_hint = false} : vector<32x768xf32>, vector<768x768xf32>, vector<32x768xf32> -> vector<32x768xf32>
      %add3A_877 = arith.addf %dot_general3A_868, %dot_general3A_876 : vector<32x768xf32>
      %get3A_878 = arith.constant 0 : index
      %get3A_879 = arith.constant 0 : index
      %get3A_880 = vector.load %arg11[%get3A_878, %get3A_879] : memref<1x768xf32, #tpu.memory_space<vmem>>, vector<1x768xf32>
      %add3A_881 = vector.broadcast %get3A_880 : vector<1x768xf32> to vector<32x768xf32>
      %add3A_882 = arith.addf %add3A_877, %add3A_881 : vector<32x768xf32>
      %swap3A_883 = arith.constant 0 : index
      %swap3A_884 = arith.constant 0 : index
      %swap3A_885 = vector.load %arg16[%swap3A_883, %swap3A_884] : memref<32x768xf32, #tpu.memory_space<vmem>>, vector<32x768xf32>
      tpu.vector_store %arg16[%swap3A_883, %swap3A_884], %add3A_882 {strides = array<i32>} : memref<32x768xf32, #tpu.memory_space<vmem>>, vector<32x768xf32>,
    } else {
    }
    %add3A = arith.constant 1 : i32
    %add3A_2 = arith.addi %arg0, %add3A : i32
    %lt3A = arith.constant 8 : i32
    %lt3A_3 = arith.cmpi slt, %add3A_2, %lt3A : i32
    %convert_element_type3A_4 = arith.extui %lt3A_3 : i1 to i32
    %cond3A_5 = arith.constant 0 : i32
    %cond3A_6 = arith.cmpi ne, %convert_element_type3A_4, %cond3A_5 : i32
    scf.if %cond3A_6 {
      %add3A_89 = arith.constant 1 : i32
      %add3A_90 = arith.addi %arg0, %add3A_89 : i32
      %add3A_91 = arith.constant 1 : i32
      %add3A_92 = arith.addi %arg0, %add3A_91 : i32
      %jit3A_93 = arith.constant 2 : i32
      %eq3A_94 = arith.constant 0 : i32
      %eq3A_95 = arith.cmpi eq, %jit3A_93, %eq3A_94 : i32
      %jit3A_96 = arith.constant 1 : i32
      %select_n3A_97 = arith.select %eq3A_95, %jit3A_96, %jit3A_93 : i32
      %rem3A_98 = arith.remsi %add3A_92, %select_n3A_97 : i32
      %ne3A_99 = arith.constant 0 : i32
      %ne3A_100 = arith.cmpi ne, %rem3A_98, %ne3A_99 : i32
      %lt3A_101 = arith.constant 0 : i32
      %lt3A_102 = arith.cmpi slt, %rem3A_98, %lt3A_101 : i32
      %lt3A_103 = arith.constant 0 : i32
      %lt3A_104 = arith.cmpi slt, %select_n3A_97, %lt3A_103 : i32
      %ne3A_105 = arith.xori %lt3A_102, %lt3A_104 : i1
      %and3A_106 = arith.andi %ne3A_105, %ne3A_100 : i1
      %add3A_107 = arith.addi %rem3A_98, %select_n3A_97 : i32
      %select_n3A_108 = arith.select %and3A_106, %add3A_107, %rem3A_98 : i32
      %mul3A_109 = arith.constant 64 : i32
      %mul3A_110 = arith.muli %add3A_90, %mul3A_109 : i32
      %add3A_111 = arith.constant 0 : i32
      %add3A_112 = arith.addi %mul3A_110, %add3A_111 : i32
      %get3A_113 = arith.index_cast %add3A_112 : i32 to index
      %get3A_114 = memref.load %arg1[%get3A_113] : memref<512xi32, #tpu.memory_space<smem>>
      %dma_start3A = tpu.memref_slice %arg17[%select_n3A_108] : memref<2x!tpu.dma_semaphore, #tpu.memory_space<semaphore_mem>> -> memref<1x!tpu.dma_semaphore, #tpu.memory_space<semaphore_mem>>
      %dma_start3A_115 = tpu.memref_squeeze %dma_start3A : memref<1x!tpu.dma_semaphore, #tpu.memory_space<semaphore_mem>> -> memref<!tpu.dma_semaphore, #tpu.memory_space<semaphore_mem>>
      %dma_start3A_116 = arith.constant 0 : i32
      %dma_start3A_117 = arith.constant 0 : i32
      %dma_start3A_118 = tpu.memref_slice %arg15[%select_n3A_108, %dma_start3A_116, %dma_start3A_117] : memref<2x64x768xf32, #tpu.memory_space<vmem>> -> memref<1x1x768xf32, #tpu.memory_space<vmem>>
      %dma_start3A_119 = tpu.memref_squeeze %dma_start3A_118 : memref<1x1x768xf32, #tpu.memory_space<vmem>> -> memref<1x768xf32, #tpu.memory_space<vmem>>
      %dma_start3A_120 = arith.constant 0 : i32
      %dma_start3A_121 = tpu.memref_slice %arg2[%get3A_114, %dma_start3A_120] : memref<30522x768xf32, #tpu.memory_space<any>> -> memref<1x768xf32, #tpu.memory_space<any>>
      tpu.enqueue_dma source(%dma_start3A_121 : memref<1x768xf32, #tpu.memory_space<any>>) target(%dma_start3A_119 : memref<1x768xf32, #tpu.memory_space<vmem>>) target_semaphore(%dma_start3A_115 : memref<!tpu.dma_semaphore, #tpu.memory_space<semaphore_mem>>)
      %mul3A_122 = arith.constant 64 : i32
      %mul3A_123 = arith.muli %add3A_90, %mul3A_122 : i32
      %add3A_124 = arith.constant 1 : i32
      %add3A_125 = arith.addi %mul3A_123, %add3A_124 : i32
      %get3A_126 = arith.index_cast %add3A_125 : i32 to index
      %get3A_127 = memref.load %arg1[%get3A_126] : memref<512xi32, #tpu.memory_space<smem>>
      %dma_start3A_128 = tpu.memref_slice %arg17[%select_n3A_108] : memref<2x!tpu.dma_semaphore, #tpu.memory_space<semaphore_mem>> -> memref<1x!tpu.dma_semaphore, #tpu.memory_space<semaphore_mem>>
      %dma_start3A_129 = tpu.memref_squeeze %dma_start3A_128 : memref<1x!tpu.dma_semaphore, #tpu.memory_space<semaphore_mem>> -> memref<!tpu.dma_semaphore, #tpu.memory_space<semaphore_mem>>
      %dma_start3A_130 = arith.constant 1 : i32
      %dma_start3A_131 = arith.constant 0 : i32
      %dma_start3A_132 = tpu.memref_slice %arg15[%select_n3A_108, %dma_start3A_130, %dma_start3A_131] : memref<2x64x768xf32, #tpu.memory_space<vmem>> -> memref<1x1x768xf32, #tpu.memory_space<vmem>>
      %dma_start3A_133 = tpu.memref_squeeze %dma_start3A_132 : memref<1x1x768xf32, #tpu.memory_space<vmem>> -> memref<1x768xf32, #tpu.memory_space<vmem>>
      %dma_start3A_134 = arith.constant 0 : i32
      %dma_start3A_135 = tpu.memref_slice %arg2[%get3A_127, %dma_start3A_134] : memref<30522x768xf32, #tpu.memory_space<any>> -> memref<1x768xf32, #tpu.memory_space<any>>
      tpu.enqueue_dma source(%dma_start3A_135 : memref<1x768xf32, #tpu.memory_space<any>>) target(%dma_start3A_133 : memref<1x768xf32, #tpu.memory_space<vmem>>) target_semaphore(%dma_start3A_129 : memref<!tpu.dma_semaphore, #tpu.memory_space<semaphore_mem>>)
      %mul3A_136 = arith.constant 64 : i32
      %mul3A_137 = arith.muli %add3A_90, %mul3A_136 : i32
      %add3A_138 = arith.constant 2 : i32
      %add3A_139 = arith.addi %mul3A_137, %add3A_138 : i32
      %get3A_140 = arith.index_cast %add3A_139 : i32 to index
      %get3A_141 = memref.load %arg1[%get3A_140] : memref<512xi32, #tpu.memory_space<smem>>
      %dma_start3A_142 = tpu.memref_slice %arg17[%select_n3A_108] : memref<2x!tpu.dma_semaphore, #tpu.memory_space<semaphore_mem>> -> memref<1x!tpu.dma_semaphore, #tpu.memory_space<semaphore_mem>>
      %dma_start3A_143 = tpu.memref_squeeze %dma_start3A_142 : memref<1x!tpu.dma_semaphore, #tpu.memory_space<semaphore_mem>> -> memref<!tpu.dma_semaphore, #tpu.memory_space<semaphore_mem>>
      %dma_start3A_144 = arith.constant 2 : i32
      %dma_start3A_145 = arith.constant 0 : i32
      %dma_start3A_146 = tpu.memref_slice %arg15[%select_n3A_108, %dma_start3A_144, %dma_start3A_145] : memref<2x64x768xf32, #tpu.memory_space<vmem>> -> memref<1x1x768xf32, #tpu.memory_space<vmem>>
      %dma_start3A_147 = tpu.memref_squeeze %dma_start3A_146 : memref<1x1x768xf32, #tpu.memory_space<vmem>> -> memref<1x768xf32, #tpu.memory_space<vmem>>
      %dma_start3A_148 = arith.constant 0 : i32
      %dma_start3A_149 = tpu.memref_slice %arg2[%get3A_141, %dma_start3A_148] : memref<30522x768xf32, #tpu.memory_space<any>> -> memref<1x768xf32, #tpu.memory_space<any>>
      tpu.enqueue_dma source(%dma_start3A_149 : memref<1x768xf32, #tpu.memory_space<any>>) target(%dma_start3A_147 : memref<1x768xf32, #tpu.memory_space<vmem>>) target_semaphore(%dma_start3A_143 : memref<!tpu.dma_semaphore, #tpu.memory_space<semaphore_mem>>)
      %mul3A_150 = arith.constant 64 : i32
      %mul3A_151 = arith.muli %add3A_90, %mul3A_150 : i32
      %add3A_152 = arith.constant 3 : i32
      %add3A_153 = arith.addi %mul3A_151, %add3A_152 : i32
      %get3A_154 = arith.index_cast %add3A_153 : i32 to index
      %get3A_155 = memref.load %arg1[%get3A_154] : memref<512xi32, #tpu.memory_space<smem>>
      %dma_start3A_156 = tpu.memref_slice %arg17[%select_n3A_108] : memref<2x!tpu.dma_semaphore, #tpu.memory_space<semaphore_mem>> -> memref<1x!tpu.dma_semaphore, #tpu.memory_space<semaphore_mem>>
      %dma_start3A_157 = tpu.memref_squeeze %dma_start3A_156 : memref<1x!tpu.dma_semaphore, #tpu.memory_space<semaphore_mem>> -> memref<!tpu.dma_semaphore, #tpu.memory_space<semaphore_mem>>
      %dma_start3A_158 = arith.constant 3 : i32
      %dma_start3A_159 = arith.constant 0 : i32
      %dma_start3A_160 = tpu.memref_slice %arg15[%select_n3A_108, %dma_start3A_158, %dma_start3A_159] : memref<2x64x768xf32, #tpu.memory_space<vmem>> -> memref<1x1x768xf32, #tpu.memory_space<vmem>>
      %dma_start3A_161 = tpu.memref_squeeze %dma_start3A_160 : memref<1x1x768xf32, #tpu.memory_space<vmem>> -> memref<1x768xf32, #tpu.memory_space<vmem>>
      %dma_start3A_162 = arith.constant 0 : i32
      %dma_start3A_163 = tpu.memref_slice %arg2[%get3A_155, %dma_start3A_162] : memref<30522x768xf32, #tpu.memory_space<any>> -> memref<1x768xf32, #tpu.memory_space<any>>
      tpu.enqueue_dma source(%dma_start3A_163 : memref<1x768xf32, #tpu.memory_space<any>>) target(%dma_start3A_161 : memref<1x768xf32, #tpu.memory_space<vmem>>) target_semaphore(%dma_start3A_157 : memref<!tpu.dma_semaphore, #tpu.memory_space<semaphore_mem>>)
      %mul3A_164 = arith.constant 64 : i32
      %mul3A_165 = arith.muli %add3A_90, %mul3A_164 : i32
      %add3A_166 = arith.constant 4 : i32
      %add3A_167 = arith.addi %mul3A_165, %add3A_166 : i32
      %get3A_168 = arith.index_cast %add3A_167 : i32 to index
      %get3A_169 = memref.load %arg1[%get3A_168] : memref<512xi32, #tpu.memory_space<smem>>
      %dma_start3A_170 = tpu.memref_slice %arg17[%select_n3A_108] : memref<2x!tpu.dma_semaphore, #tpu.memory_space<semaphore_mem>> -> memref<1x!tpu.dma_semaphore, #tpu.memory_space<semaphore_mem>>
      %dma_start3A_171 = tpu.memref_squeeze %dma_start3A_170 : memref<1x!tpu.dma_semaphore, #tpu.memory_space<semaphore_mem>> -> memref<!tpu.dma_semaphore, #tpu.memory_space<semaphore_mem>>
      %dma_start3A_172 = arith.constant 4 : i32
      %dma_start3A_173 = arith.constant 0 : i32
      %dma_start3A_174 = tpu.memref_slice %arg15[%select_n3A_108, %dma_start3A_172, %dma_start3A_173] : memref<2x64x768xf32, #tpu.memory_space<vmem>> -> memref<1x1x768xf32, #tpu.memory_space<vmem>>
      %dma_start3A_175 = tpu.memref_squeeze %dma_start3A_174 : memref<1x1x768xf32, #tpu.memory_space<vmem>> -> memref<1x768xf32, #tpu.memory_space<vmem>>
      %dma_start3A_176 = arith.constant 0 : i32
      %dma_start3A_177 = tpu.memref_slice %arg2[%get3A_169, %dma_start3A_176] : memref<30522x768xf32, #tpu.memory_space<any>> -> memref<1x768xf32, #tpu.memory_space<any>>
      tpu.enqueue_dma source(%dma_start3A_177 : memref<1x768xf32, #tpu.memory_space<any>>) target(%dma_start3A_175 : memref<1x768xf32, #tpu.memory_space<vmem>>) target_semaphore(%dma_start3A_171 : memref<!tpu.dma_semaphore, #tpu.memory_space<semaphore_mem>>)
      %mul3A_178 = arith.constant 64 : i32
      %mul3A_179 = arith.muli %add3A_90, %mul3A_178 : i32
      %add3A_180 = arith.constant 5 : i32
      %add3A_181 = arith.addi %mul3A_179, %add3A_180 : i32
      %get3A_182 = arith.index_cast %add3A_181 : i32 to index
      %get3A_183 = memref.load %arg1[%get3A_182] : memref<512xi32, #tpu.memory_space<smem>>
      %dma_start3A_184 = tpu.memref_slice %arg17[%select_n3A_108] : memref<2x!tpu.dma_semaphore, #tpu.memory_space<semaphore_mem>> -> memref<1x!tpu.dma_semaphore, #tpu.memory_space<semaphore_mem>>
      %dma_start3A_185 = tpu.memref_squeeze %dma_start3A_184 : memref<1x!tpu.dma_semaphore, #tpu.memory_space<semaphore_mem>> -> memref<!tpu.dma_semaphore, #tpu.memory_space<semaphore_mem>>
      %dma_start3A_186 = arith.constant 5 : i32
      %dma_start3A_187 = arith.constant 0 : i32
      %dma_start3A_188 = tpu.memref_slice %arg15[%select_n3A_108, %dma_start3A_186, %dma_start3A_187] : memref<2x64x768xf32, #tpu.memory_space<vmem>> -> memref<1x1x768xf32, #tpu.memory_space<vmem>>
      %dma_start3A_189 = tpu.memref_squeeze %dma_start3A_188 : memref<1x1x768xf32, #tpu.memory_space<vmem>> -> memref<1x768xf32, #tpu.memory_space<vmem>>
      %dma_start3A_190 = arith.constant 0 : i32
      %dma_start3A_191 = tpu.memref_slice %arg2[%get3A_183, %dma_start3A_190] : memref<30522x768xf32, #tpu.memory_space<any>> -> memref<1x768xf32, #tpu.memory_space<any>>
      tpu.enqueue_dma source(%dma_start3A_191 : memref<1x768xf32, #tpu.memory_space<any>>) target(%dma_start3A_189 : memref<1x768xf32, #tpu.memory_space<vmem>>) target_semaphore(%dma_start3A_185 : memref<!tpu.dma_semaphore, #tpu.memory_space<semaphore_mem>>)
      %mul3A_192 = arith.constant 64 : i32
      %mul3A_193 = arith.muli %add3A_90, %mul3A_192 : i32
      %add3A_194 = arith.constant 6 : i32
      %add3A_195 = arith.addi %mul3A_193, %add3A_194 : i32
      %get3A_196 = arith.index_cast %add3A_195 : i32 to index
      %get3A_197 = memref.load %arg1[%get3A_196] : memref<512xi32, #tpu.memory_space<smem>>
      %dma_start3A_198 = tpu.memref_slice %arg17[%select_n3A_108] : memref<2x!tpu.dma_semaphore, #tpu.memory_space<semaphore_mem>> -> memref<1x!tpu.dma_semaphore, #tpu.memory_space<semaphore_mem>>
      %dma_start3A_199 = tpu.memref_squeeze %dma_start3A_198 : memref<1x!tpu.dma_semaphore, #tpu.memory_space<semaphore_mem>> -> memref<!tpu.dma_semaphore, #tpu.memory_space<semaphore_mem>>
      %dma_start3A_200 = arith.constant 6 : i32
      %dma_start3A_201 = arith.constant 0 : i32
      %dma_start3A_202 = tpu.memref_slice %arg15[%select_n3A_108, %dma_start3A_200, %dma_start3A_201] : memref<2x64x768xf32, #tpu.memory_space<vmem>> -> memref<1x1x768xf32, #tpu.memory_space<vmem>>
      %dma_start3A_203 = tpu.memref_squeeze %dma_start3A_202 : memref<1x1x768xf32, #tpu.memory_space<vmem>> -> memref<1x768xf32, #tpu.memory_space<vmem>>
      %dma_start3A_204 = arith.constant 0 : i32
      %dma_start3A_205 = tpu.memref_slice %arg2[%get3A_197, %dma_start3A_204] : memref<30522x768xf32, #tpu.memory_space<any>> -> memref<1x768xf32, #tpu.memory_space<any>>
      tpu.enqueue_dma source(%dma_start3A_205 : memref<1x768xf32, #tpu.memory_space<any>>) target(%dma_start3A_203 : memref<1x768xf32, #tpu.memory_space<vmem>>) target_semaphore(%dma_start3A_199 : memref<!tpu.dma_semaphore, #tpu.memory_space<semaphore_mem>>)
      %mul3A_206 = arith.constant 64 : i32
      %mul3A_207 = arith.muli %add3A_90, %mul3A_206 : i32
      %add3A_208 = arith.constant 7 : i32
      %add3A_209 = arith.addi %mul3A_207, %add3A_208 : i32
      %get3A_210 = arith.index_cast %add3A_209 : i32 to index
      %get3A_211 = memref.load %arg1[%get3A_210] : memref<512xi32, #tpu.memory_space<smem>>
      %dma_start3A_212 = tpu.memref_slice %arg17[%select_n3A_108] : memref<2x!tpu.dma_semaphore, #tpu.memory_space<semaphore_mem>> -> memref<1x!tpu.dma_semaphore, #tpu.memory_space<semaphore_mem>>
      %dma_start3A_213 = tpu.memref_squeeze %dma_start3A_212 : memref<1x!tpu.dma_semaphore, #tpu.memory_space<semaphore_mem>> -> memref<!tpu.dma_semaphore, #tpu.memory_space<semaphore_mem>>
      %dma_start3A_214 = arith.constant 7 : i32
      %dma_start3A_215 = arith.constant 0 : i32
      %dma_start3A_216 = tpu.memref_slice %arg15[%select_n3A_108, %dma_start3A_214, %dma_start3A_215] : memref<2x64x768xf32, #tpu.memory_space<vmem>> -> memref<1x1x768xf32, #tpu.memory_space<vmem>>
      %dma_start3A_217 = tpu.memref_squeeze %dma_start3A_216 : memref<1x1x768xf32, #tpu.memory_space<vmem>> -> memref<1x768xf32, #tpu.memory_space<vmem>>
      %dma_start3A_218 = arith.constant 0 : i32
      %dma_start3A_219 = tpu.memref_slice %arg2[%get3A_211, %dma_start3A_218] : memref<30522x768xf32, #tpu.memory_space<any>> -> memref<1x768xf32, #tpu.memory_space<any>>
      tpu.enqueue_dma source(%dma_start3A_219 : memref<1x768xf32, #tpu.memory_space<any>>) target(%dma_start3A_217 : memref<1x768xf32, #tpu.memory_space<vmem>>) target_semaphore(%dma_start3A_213 : memref<!tpu.dma_semaphore, #tpu.memory_space<semaphore_mem>>)
      %mul3A_220 = arith.constant 64 : i32
      %mul3A_221 = arith.muli %add3A_90, %mul3A_220 : i32
      %add3A_222 = arith.constant 8 : i32
      %add3A_223 = arith.addi %mul3A_221, %add3A_222 : i32
      %get3A_224 = arith.index_cast %add3A_223 : i32 to index
      %get3A_225 = memref.load %arg1[%get3A_224] : memref<512xi32, #tpu.memory_space<smem>>
      %dma_start3A_226 = tpu.memref_slice %arg17[%select_n3A_108] : memref<2x!tpu.dma_semaphore, #tpu.memory_space<semaphore_mem>> -> memref<1x!tpu.dma_semaphore, #tpu.memory_space<semaphore_mem>>
      %dma_start3A_227 = tpu.memref_squeeze %dma_start3A_226 : memref<1x!tpu.dma_semaphore, #tpu.memory_space<semaphore_mem>> -> memref<!tpu.dma_semaphore, #tpu.memory_space<semaphore_mem>>
      %dma_start3A_228 = arith.constant 8 : i32
      %dma_start3A_229 = arith.constant 0 : i32
      %dma_start3A_230 = tpu.memref_slice %arg15[%select_n3A_108, %dma_start3A_228, %dma_start3A_229] : memref<2x64x768xf32, #tpu.memory_space<vmem>> -> memref<1x1x768xf32, #tpu.memory_space<vmem>>
      %dma_start3A_231 = tpu.memref_squeeze %dma_start3A_230 : memref<1x1x768xf32, #tpu.memory_space<vmem>> -> memref<1x768xf32, #tpu.memory_space<vmem>>
      %dma_start3A_232 = arith.constant 0 : i32
      %dma_start3A_233 = tpu.memref_slice %arg2[%get3A_225, %dma_start3A_232] : memref<30522x768xf32, #tpu.memory_space<any>> -> memref<1x768xf32, #tpu.memory_space<any>>
      tpu.enqueue_dma source(%dma_start3A_233 : memref<1x768xf32, #tpu.memory_space<any>>) target(%dma_start3A_231 : memref<1x768xf32, #tpu.memory_space<vmem>>) target_semaphore(%dma_start3A_227 : memref<!tpu.dma_semaphore, #tpu.memory_space<semaphore_mem>>)
      %mul3A_234 = arith.constant 64 : i32
      %mul3A_235 = arith.muli %add3A_90, %mul3A_234 : i32
      %add3A_236 = arith.constant 9 : i32
      %add3A_237 = arith.addi %mul3A_235, %add3A_236 : i32
      %get3A_238 = arith.index_cast %add3A_237 : i32 to index
      %get3A_239 = memref.load %arg1[%get3A_238] : memref<512xi32, #tpu.memory_space<smem>>
      %dma_start3A_240 = tpu.memref_slice %arg17[%select_n3A_108] : memref<2x!tpu.dma_semaphore, #tpu.memory_space<semaphore_mem>> -> memref<1x!tpu.dma_semaphore, #tpu.memory_space<semaphore_mem>>
      %dma_start3A_241 = tpu.memref_squeeze %dma_start3A_240 : memref<1x!tpu.dma_semaphore, #tpu.memory_space<semaphore_mem>> -> memref<!tpu.dma_semaphore, #tpu.memory_space<semaphore_mem>>
      %dma_start3A_242 = arith.constant 9 : i32
      %dma_start3A_243 = arith.constant 0 : i32
      %dma_start3A_244 = tpu.memref_slice %arg15[%select_n3A_108, %dma_start3A_242, %dma_start3A_243] : memref<2x64x768xf32, #tpu.memory_space<vmem>> -> memref<1x1x768xf32, #tpu.memory_space<vmem>>
      %dma_start3A_245 = tpu.memref_squeeze %dma_start3A_244 : memref<1x1x768xf32, #tpu.memory_space<vmem>> -> memref<1x768xf32, #tpu.memory_space<vmem>>
      %dma_start3A_246 = arith.constant 0 : i32
      %dma_start3A_247 = tpu.memref_slice %arg2[%get3A_239, %dma_start3A_246] : memref<30522x768xf32, #tpu.memory_space<any>> -> memref<1x768xf32, #tpu.memory_space<any>>
      tpu.enqueue_dma source(%dma_start3A_247 : memref<1x768xf32, #tpu.memory_space<any>>) target(%dma_start3A_245 : memref<1x768xf32, #tpu.memory_space<vmem>>) target_semaphore(%dma_start3A_241 : memref<!tpu.dma_semaphore, #tpu.memory_space<semaphore_mem>>)
      %mul3A_248 = arith.constant 64 : i32
      %mul3A_249 = arith.muli %add3A_90, %mul3A_248 : i32
      %add3A_250 = arith.constant 10 : i32
      %add3A_251 = arith.addi %mul3A_249, %add3A_250 : i32
      %get3A_252 = arith.index_cast %add3A_251 : i32 to index
      %get3A_253 = memref.load %arg1[%get3A_252] : memref<512xi32, #tpu.memory_space<smem>>
      %dma_start3A_254 = tpu.memref_slice %arg17[%select_n3A_108] : memref<2x!tpu.dma_semaphore, #tpu.memory_space<semaphore_mem>> -> memref<1x!tpu.dma_semaphore, #tpu.memory_space<semaphore_mem>>
      %dma_start3A_255 = tpu.memref_squeeze %dma_start3A_254 : memref<1x!tpu.dma_semaphore, #tpu.memory_space<semaphore_mem>> -> memref<!tpu.dma_semaphore, #tpu.memory_space<semaphore_mem>>
      %dma_start3A_256 = arith.constant 10 : i32
      %dma_start3A_257 = arith.constant 0 : i32
      %dma_start3A_258 = tpu.memref_slice %arg15[%select_n3A_108, %dma_start3A_256, %dma_start3A_257] : memref<2x64x768xf32, #tpu.memory_space<vmem>> -> memref<1x1x768xf32, #tpu.memory_space<vmem>>
      %dma_start3A_259 = tpu.memref_squeeze %dma_start3A_258 : memref<1x1x768xf32, #tpu.memory_space<vmem>> -> memref<1x768xf32, #tpu.memory_space<vmem>>
      %dma_start3A_260 = arith.constant 0 : i32
      %dma_start3A_261 = tpu.memref_slice %arg2[%get3A_253, %dma_start3A_260] : memref<30522x768xf32, #tpu.memory_space<any>> -> memref<1x768xf32, #tpu.memory_space<any>>
      tpu.enqueue_dma source(%dma_start3A_261 : memref<1x768xf32, #tpu.memory_space<any>>) target(%dma_start3A_259 : memref<1x768xf32, #tpu.memory_space<vmem>>) target_semaphore(%dma_start3A_255 : memref<!tpu.dma_semaphore, #tpu.memory_space<semaphore_mem>>)
      %mul3A_262 = arith.constant 64 : i32
      %mul3A_263 = arith.muli %add3A_90, %mul3A_262 : i32
      %add3A_264 = arith.constant 11 : i32
      %add3A_265 = arith.addi %mul3A_263, %add3A_264 : i32
      %get3A_266 = arith.index_cast %add3A_265 : i32 to index
      %get3A_267 = memref.load %arg1[%get3A_266] : memref<512xi32, #tpu.memory_space<smem>>
      %dma_start3A_268 = tpu.memref_slice %arg17[%select_n3A_108] : memref<2x!tpu.dma_semaphore, #tpu.memory_space<semaphore_mem>> -> memref<1x!tpu.dma_semaphore, #tpu.memory_space<semaphore_mem>>
      %dma_start3A_269 = tpu.memref_squeeze %dma_start3A_268 : memref<1x!tpu.dma_semaphore, #tpu.memory_space<semaphore_mem>> -> memref<!tpu.dma_semaphore, #tpu.memory_space<semaphore_mem>>
      %dma_start3A_270 = arith.constant 11 : i32
      %dma_start3A_271 = arith.constant 0 : i32
      %dma_start3A_272 = tpu.memref_slice %arg15[%select_n3A_108, %dma_start3A_270, %dma_start3A_271] : memref<2x64x768xf32, #tpu.memory_space<vmem>> -> memref<1x1x768xf32, #tpu.memory_space<vmem>>
      %dma_start3A_273 = tpu.memref_squeeze %dma_start3A_272 : memref<1x1x768xf32, #tpu.memory_space<vmem>> -> memref<1x768xf32, #tpu.memory_space<vmem>>
      %dma_start3A_274 = arith.constant 0 : i32
      %dma_start3A_275 = tpu.memref_slice %arg2[%get3A_267, %dma_start3A_274] : memref<30522x768xf32, #tpu.memory_space<any>> -> memref<1x768xf32, #tpu.memory_space<any>>
      tpu.enqueue_dma source(%dma_start3A_275 : memref<1x768xf32, #tpu.memory_space<any>>) target(%dma_start3A_273 : memref<1x768xf32, #tpu.memory_space<vmem>>) target_semaphore(%dma_start3A_269 : memref<!tpu.dma_semaphore, #tpu.memory_space<semaphore_mem>>)
      %mul3A_276 = arith.constant 64 : i32
      %mul3A_277 = arith.muli %add3A_90, %mul3A_276 : i32
      %add3A_278 = arith.constant 12 : i32
      %add3A_279 = arith.addi %mul3A_277, %add3A_278 : i32
      %get3A_280 = arith.index_cast %add3A_279 : i32 to index
      %get3A_281 = memref.load %arg1[%get3A_280] : memref<512xi32, #tpu.memory_space<smem>>
      %dma_start3A_282 = tpu.memref_slice %arg17[%select_n3A_108] : memref<2x!tpu.dma_semaphore, #tpu.memory_space<semaphore_mem>> -> memref<1x!tpu.dma_semaphore, #tpu.memory_space<semaphore_mem>>
      %dma_start3A_283 = tpu.memref_squeeze %dma_start3A_282 : memref<1x!tpu.dma_semaphore, #tpu.memory_space<semaphore_mem>> -> memref<!tpu.dma_semaphore, #tpu.memory_space<semaphore_mem>>
      %dma_start3A_284 = arith.constant 12 : i32
      %dma_start3A_285 = arith.constant 0 : i32
      %dma_start3A_286 = tpu.memref_slice %arg15[%select_n3A_108, %dma_start3A_284, %dma_start3A_285] : memref<2x64x768xf32, #tpu.memory_space<vmem>> -> memref<1x1x768xf32, #tpu.memory_space<vmem>>
      %dma_start3A_287 = tpu.memref_squeeze %dma_start3A_286 : memref<1x1x768xf32, #tpu.memory_space<vmem>> -> memref<1x768xf32, #tpu.memory_space<vmem>>
      %dma_start3A_288 = arith.constant 0 : i32
      %dma_start3A_289 = tpu.memref_slice %arg2[%get3A_281, %dma_start3A_288] : memref<30522x768xf32, #tpu.memory_space<any>> -> memref<1x768xf32, #tpu.memory_space<any>>
      tpu.enqueue_dma source(%dma_start3A_289 : memref<1x768xf32, #tpu.memory_space<any>>) target(%dma_start3A_287 : memref<1x768xf32, #tpu.memory_space<vmem>>) target_semaphore(%dma_start3A_283 : memref<!tpu.dma_semaphore, #tpu.memory_space<semaphore_mem>>)
      %mul3A_290 = arith.constant 64 : i32
      %mul3A_291 = arith.muli %add3A_90, %mul3A_290 : i32
      %add3A_292 = arith.constant 13 : i32
      %add3A_293 = arith.addi %mul3A_291, %add3A_292 : i32
      %get3A_294 = arith.index_cast %add3A_293 : i32 to index
      %get3A_295 = memref.load %arg1[%get3A_294] : memref<512xi32, #tpu.memory_space<smem>>
      %dma_start3A_296 = tpu.memref_slice %arg17[%select_n3A_108] : memref<2x!tpu.dma_semaphore, #tpu.memory_space<semaphore_mem>> -> memref<1x!tpu.dma_semaphore, #tpu.memory_space<semaphore_mem>>
      %dma_start3A_297 = tpu.memref_squeeze %dma_start3A_296 : memref<1x!tpu.dma_semaphore, #tpu.memory_space<semaphore_mem>> -> memref<!tpu.dma_semaphore, #tpu.memory_space<semaphore_mem>>
      %dma_start3A_298 = arith.constant 13 : i32
      %dma_start3A_299 = arith.constant 0 : i32
      %dma_start3A_300 = tpu.memref_slice %arg15[%select_n3A_108, %dma_start3A_298, %dma_start3A_299] : memref<2x64x768xf32, #tpu.memory_space<vmem>> -> memref<1x1x768xf32, #tpu.memory_space<vmem>>
      %dma_start3A_301 = tpu.memref_squeeze %dma_start3A_300 : memref<1x1x768xf32, #tpu.memory_space<vmem>> -> memref<1x768xf32, #tpu.memory_space<vmem>>
      %dma_start3A_302 = arith.constant 0 : i32
      %dma_start3A_303 = tpu.memref_slice %arg2[%get3A_295, %dma_start3A_302] : memref<30522x768xf32, #tpu.memory_space<any>> -> memref<1x768xf32, #tpu.memory_space<any>>
      tpu.enqueue_dma source(%dma_start3A_303 : memref<1x768xf32, #tpu.memory_space<any>>) target(%dma_start3A_301 : memref<1x768xf32, #tpu.memory_space<vmem>>) target_semaphore(%dma_start3A_297 : memref<!tpu.dma_semaphore, #tpu.memory_space<semaphore_mem>>)
      %mul3A_304 = arith.constant 64 : i32
      %mul3A_305 = arith.muli %add3A_90, %mul3A_304 : i32
      %add3A_306 = arith.constant 14 : i32
      %add3A_307 = arith.addi %mul3A_305, %add3A_306 : i32
      %get3A_308 = arith.index_cast %add3A_307 : i32 to index
      %get3A_309 = memref.load %arg1[%get3A_308] : memref<512xi32, #tpu.memory_space<smem>>
      %dma_start3A_310 = tpu.memref_slice %arg17[%select_n3A_108] : memref<2x!tpu.dma_semaphore, #tpu.memory_space<semaphore_mem>> -> memref<1x!tpu.dma_semaphore, #tpu.memory_space<semaphore_mem>>
      %dma_start3A_311 = tpu.memref_squeeze %dma_start3A_310 : memref<1x!tpu.dma_semaphore, #tpu.memory_space<semaphore_mem>> -> memref<!tpu.dma_semaphore, #tpu.memory_space<semaphore_mem>>
      %dma_start3A_312 = arith.constant 14 : i32
      %dma_start3A_313 = arith.constant 0 : i32
      %dma_start3A_314 = tpu.memref_slice %arg15[%select_n3A_108, %dma_start3A_312, %dma_start3A_313] : memref<2x64x768xf32, #tpu.memory_space<vmem>> -> memref<1x1x768xf32, #tpu.memory_space<vmem>>
      %dma_start3A_315 = tpu.memref_squeeze %dma_start3A_314 : memref<1x1x768xf32, #tpu.memory_space<vmem>> -> memref<1x768xf32, #tpu.memory_space<vmem>>
      %dma_start3A_316 = arith.constant 0 : i32
      %dma_start3A_317 = tpu.memref_slice %arg2[%get3A_309, %dma_start3A_316] : memref<30522x768xf32, #tpu.memory_space<any>> -> memref<1x768xf32, #tpu.memory_space<any>>
      tpu.enqueue_dma source(%dma_start3A_317 : memref<1x768xf32, #tpu.memory_space<any>>) target(%dma_start3A_315 : memref<1x768xf32, #tpu.memory_space<vmem>>) target_semaphore(%dma_start3A_311 : memref<!tpu.dma_semaphore, #tpu.memory_space<semaphore_mem>>)
      %mul3A_318 = arith.constant 64 : i32
      %mul3A_319 = arith.muli %add3A_90, %mul3A_318 : i32
      %add3A_320 = arith.constant 15 : i32
      %add3A_321 = arith.addi %mul3A_319, %add3A_320 : i32
      %get3A_322 = arith.index_cast %add3A_321 : i32 to index
      %get3A_323 = memref.load %arg1[%get3A_322] : memref<512xi32, #tpu.memory_space<smem>>
      %dma_start3A_324 = tpu.memref_slice %arg17[%select_n3A_108] : memref<2x!tpu.dma_semaphore, #tpu.memory_space<semaphore_mem>> -> memref<1x!tpu.dma_semaphore, #tpu.memory_space<semaphore_mem>>
      %dma_start3A_325 = tpu.memref_squeeze %dma_start3A_324 : memref<1x!tpu.dma_semaphore, #tpu.memory_space<semaphore_mem>> -> memref<!tpu.dma_semaphore, #tpu.memory_space<semaphore_mem>>
      %dma_start3A_326 = arith.constant 15 : i32
      %dma_start3A_327 = arith.constant 0 : i32
      %dma_start3A_328 = tpu.memref_slice %arg15[%select_n3A_108, %dma_start3A_326, %dma_start3A_327] : memref<2x64x768xf32, #tpu.memory_space<vmem>> -> memref<1x1x768xf32, #tpu.memory_space<vmem>>
      %dma_start3A_329 = tpu.memref_squeeze %dma_start3A_328 : memref<1x1x768xf32, #tpu.memory_space<vmem>> -> memref<1x768xf32, #tpu.memory_space<vmem>>
      %dma_start3A_330 = arith.constant 0 : i32
      %dma_start3A_331 = tpu.memref_slice %arg2[%get3A_323, %dma_start3A_330] : memref<30522x768xf32, #tpu.memory_space<any>> -> memref<1x768xf32, #tpu.memory_space<any>>
      tpu.enqueue_dma source(%dma_start3A_331 : memref<1x768xf32, #tpu.memory_space<any>>) target(%dma_start3A_329 : memref<1x768xf32, #tpu.memory_space<vmem>>) target_semaphore(%dma_start3A_325 : memref<!tpu.dma_semaphore, #tpu.memory_space<semaphore_mem>>)
      %mul3A_332 = arith.constant 64 : i32
      %mul3A_333 = arith.muli %add3A_90, %mul3A_332 : i32
      %add3A_334 = arith.constant 16 : i32
      %add3A_335 = arith.addi %mul3A_333, %add3A_334 : i32
      %get3A_336 = arith.index_cast %add3A_335 : i32 to index
      %get3A_337 = memref.load %arg1[%get3A_336] : memref<512xi32, #tpu.memory_space<smem>>
      %dma_start3A_338 = tpu.memref_slice %arg17[%select_n3A_108] : memref<2x!tpu.dma_semaphore, #tpu.memory_space<semaphore_mem>> -> memref<1x!tpu.dma_semaphore, #tpu.memory_space<semaphore_mem>>
      %dma_start3A_339 = tpu.memref_squeeze %dma_start3A_338 : memref<1x!tpu.dma_semaphore, #tpu.memory_space<semaphore_mem>> -> memref<!tpu.dma_semaphore, #tpu.memory_space<semaphore_mem>>
      %dma_start3A_340 = arith.constant 16 : i32
      %dma_start3A_341 = arith.constant 0 : i32
      %dma_start3A_342 = tpu.memref_slice %arg15[%select_n3A_108, %dma_start3A_340, %dma_start3A_341] : memref<2x64x768xf32, #tpu.memory_space<vmem>> -> memref<1x1x768xf32, #tpu.memory_space<vmem>>
      %dma_start3A_343 = tpu.memref_squeeze %dma_start3A_342 : memref<1x1x768xf32, #tpu.memory_space<vmem>> -> memref<1x768xf32, #tpu.memory_space<vmem>>
      %dma_start3A_344 = arith.constant 0 : i32
      %dma_start3A_345 = tpu.memref_slice %arg2[%get3A_337, %dma_start3A_344] : memref<30522x768xf32, #tpu.memory_space<any>> -> memref<1x768xf32, #tpu.memory_space<any>>
      tpu.enqueue_dma source(%dma_start3A_345 : memref<1x768xf32, #tpu.memory_space<any>>) target(%dma_start3A_343 : memref<1x768xf32, #tpu.memory_space<vmem>>) target_semaphore(%dma_start3A_339 : memref<!tpu.dma_semaphore, #tpu.memory_space<semaphore_mem>>)
      %mul3A_346 = arith.constant 64 : i32
      %mul3A_347 = arith.muli %add3A_90, %mul3A_346 : i32
      %add3A_348 = arith.constant 17 : i32
      %add3A_349 = arith.addi %mul3A_347, %add3A_348 : i32
      %get3A_350 = arith.index_cast %add3A_349 : i32 to index
      %get3A_351 = memref.load %arg1[%get3A_350] : memref<512xi32, #tpu.memory_space<smem>>
      %dma_start3A_352 = tpu.memref_slice %arg17[%select_n3A_108] : memref<2x!tpu.dma_semaphore, #tpu.memory_space<semaphore_mem>> -> memref<1x!tpu.dma_semaphore, #tpu.memory_space<semaphore_mem>>
      %dma_start3A_353 = tpu.memref_squeeze %dma_start3A_352 : memref<1x!tpu.dma_semaphore, #tpu.memory_space<semaphore_mem>> -> memref<!tpu.dma_semaphore, #tpu.memory_space<semaphore_mem>>
      %dma_start3A_354 = arith.constant 17 : i32
      %dma_start3A_355 = arith.constant 0 : i32
      %dma_start3A_356 = tpu.memref_slice %arg15[%select_n3A_108, %dma_start3A_354, %dma_start3A_355] : memref<2x64x768xf32, #tpu.memory_space<vmem>> -> memref<1x1x768xf32, #tpu.memory_space<vmem>>
      %dma_start3A_357 = tpu.memref_squeeze %dma_start3A_356 : memref<1x1x768xf32, #tpu.memory_space<vmem>> -> memref<1x768xf32, #tpu.memory_space<vmem>>
      %dma_start3A_358 = arith.constant 0 : i32
      %dma_start3A_359 = tpu.memref_slice %arg2[%get3A_351, %dma_start3A_358] : memref<30522x768xf32, #tpu.memory_space<any>> -> memref<1x768xf32, #tpu.memory_space<any>>
      tpu.enqueue_dma source(%dma_start3A_359 : memref<1x768xf32, #tpu.memory_space<any>>) target(%dma_start3A_357 : memref<1x768xf32, #tpu.memory_space<vmem>>) target_semaphore(%dma_start3A_353 : memref<!tpu.dma_semaphore, #tpu.memory_space<semaphore_mem>>)
      %mul3A_360 = arith.constant 64 : i32
      %mul3A_361 = arith.muli %add3A_90, %mul3A_360 : i32
      %add3A_362 = arith.constant 18 : i32
      %add3A_363 = arith.addi %mul3A_361, %add3A_362 : i32
      %get3A_364 = arith.index_cast %add3A_363 : i32 to index
      %get3A_365 = memref.load %arg1[%get3A_364] : memref<512xi32, #tpu.memory_space<smem>>
      %dma_start3A_366 = tpu.memref_slice %arg17[%select_n3A_108] : memref<2x!tpu.dma_semaphore, #tpu.memory_space<semaphore_mem>> -> memref<1x!tpu.dma_semaphore, #tpu.memory_space<semaphore_mem>>
      %dma_start3A_367 = tpu.memref_squeeze %dma_start3A_366 : memref<1x!tpu.dma_semaphore, #tpu.memory_space<semaphore_mem>> -> memref<!tpu.dma_semaphore, #tpu.memory_space<semaphore_mem>>
      %dma_start3A_368 = arith.constant 18 : i32
      %dma_start3A_369 = arith.constant 0 : i32
      %dma_start3A_370 = tpu.memref_slice %arg15[%select_n3A_108, %dma_start3A_368, %dma_start3A_369] : memref<2x64x768xf32, #tpu.memory_space<vmem>> -> memref<1x1x768xf32, #tpu.memory_space<vmem>>
      %dma_start3A_371 = tpu.memref_squeeze %dma_start3A_370 : memref<1x1x768xf32, #tpu.memory_space<vmem>> -> memref<1x768xf32, #tpu.memory_space<vmem>>
      %dma_start3A_372 = arith.constant 0 : i32
      %dma_start3A_373 = tpu.memref_slice %arg2[%get3A_365, %dma_start3A_372] : memref<30522x768xf32, #tpu.memory_space<any>> -> memref<1x768xf32, #tpu.memory_space<any>>
      tpu.enqueue_dma source(%dma_start3A_373 : memref<1x768xf32, #tpu.memory_space<any>>) target(%dma_start3A_371 : memref<1x768xf32, #tpu.memory_space<vmem>>) target_semaphore(%dma_start3A_367 : memref<!tpu.dma_semaphore, #tpu.memory_space<semaphore_mem>>)
      %mul3A_374 = arith.constant 64 : i32
      %mul3A_375 = arith.muli %add3A_90, %mul3A_374 : i32
      %add3A_376 = arith.constant 19 : i32
      %add3A_377 = arith.addi %mul3A_375, %add3A_376 : i32
      %get3A_378 = arith.index_cast %add3A_377 : i32 to index
      %get3A_379 = memref.load %arg1[%get3A_378] : memref<512xi32, #tpu.memory_space<smem>>
      %dma_start3A_380 = tpu.memref_slice %arg17[%select_n3A_108] : memref<2x!tpu.dma_semaphore, #tpu.memory_space<semaphore_mem>> -> memref<1x!tpu.dma_semaphore, #tpu.memory_space<semaphore_mem>>
      %dma_start3A_381 = tpu.memref_squeeze %dma_start3A_380 : memref<1x!tpu.dma_semaphore, #tpu.memory_space<semaphore_mem>> -> memref<!tpu.dma_semaphore, #tpu.memory_space<semaphore_mem>>
      %dma_start3A_382 = arith.constant 19 : i32
      %dma_start3A_383 = arith.constant 0 : i32
      %dma_start3A_384 = tpu.memref_slice %arg15[%select_n3A_108, %dma_start3A_382, %dma_start3A_383] : memref<2x64x768xf32, #tpu.memory_space<vmem>> -> memref<1x1x768xf32, #tpu.memory_space<vmem>>
      %dma_start3A_385 = tpu.memref_squeeze %dma_start3A_384 : memref<1x1x768xf32, #tpu.memory_space<vmem>> -> memref<1x768xf32, #tpu.memory_space<vmem>>
      %dma_start3A_386 = arith.constant 0 : i32
      %dma_start3A_387 = tpu.memref_slice %arg2[%get3A_379, %dma_start3A_386] : memref<30522x768xf32, #tpu.memory_space<any>> -> memref<1x768xf32, #tpu.memory_space<any>>
      tpu.enqueue_dma source(%dma_start3A_387 : memref<1x768xf32, #tpu.memory_space<any>>) target(%dma_start3A_385 : memref<1x768xf32, #tpu.memory_space<vmem>>) target_semaphore(%dma_start3A_381 : memref<!tpu.dma_semaphore, #tpu.memory_space<semaphore_mem>>)
      %mul3A_388 = arith.constant 64 : i32
      %mul3A_389 = arith.muli %add3A_90, %mul3A_388 : i32
      %add3A_390 = arith.constant 20 : i32
      %add3A_391 = arith.addi %mul3A_389, %add3A_390 : i32
      %get3A_392 = arith.index_cast %add3A_391 : i32 to index
      %get3A_393 = memref.load %arg1[%get3A_392] : memref<512xi32, #tpu.memory_space<smem>>
      %dma_start3A_394 = tpu.memref_slice %arg17[%select_n3A_108] : memref<2x!tpu.dma_semaphore, #tpu.memory_space<semaphore_mem>> -> memref<1x!tpu.dma_semaphore, #tpu.memory_space<semaphore_mem>>
      %dma_start3A_395 = tpu.memref_squeeze %dma_start3A_394 : memref<1x!tpu.dma_semaphore, #tpu.memory_space<semaphore_mem>> -> memref<!tpu.dma_semaphore, #tpu.memory_space<semaphore_mem>>
      %dma_start3A_396 = arith.constant 20 : i32
      %dma_start3A_397 = arith.constant 0 : i32
      %dma_start3A_398 = tpu.memref_slice %arg15[%select_n3A_108, %dma_start3A_396, %dma_start3A_397] : memref<2x64x768xf32, #tpu.memory_space<vmem>> -> memref<1x1x768xf32, #tpu.memory_space<vmem>>
      %dma_start3A_399 = tpu.memref_squeeze %dma_start3A_398 : memref<1x1x768xf32, #tpu.memory_space<vmem>> -> memref<1x768xf32, #tpu.memory_space<vmem>>
      %dma_start3A_400 = arith.constant 0 : i32
      %dma_start3A_401 = tpu.memref_slice %arg2[%get3A_393, %dma_start3A_400] : memref<30522x768xf32, #tpu.memory_space<any>> -> memref<1x768xf32, #tpu.memory_space<any>>
      tpu.enqueue_dma source(%dma_start3A_401 : memref<1x768xf32, #tpu.memory_space<any>>) target(%dma_start3A_399 : memref<1x768xf32, #tpu.memory_space<vmem>>) target_semaphore(%dma_start3A_395 : memref<!tpu.dma_semaphore, #tpu.memory_space<semaphore_mem>>)
      %mul3A_402 = arith.constant 64 : i32
      %mul3A_403 = arith.muli %add3A_90, %mul3A_402 : i32
      %add3A_404 = arith.constant 21 : i32
      %add3A_405 = arith.addi %mul3A_403, %add3A_404 : i32
      %get3A_406 = arith.index_cast %add3A_405 : i32 to index
      %get3A_407 = memref.load %arg1[%get3A_406] : memref<512xi32, #tpu.memory_space<smem>>
      %dma_start3A_408 = tpu.memref_slice %arg17[%select_n3A_108] : memref<2x!tpu.dma_semaphore, #tpu.memory_space<semaphore_mem>> -> memref<1x!tpu.dma_semaphore, #tpu.memory_space<semaphore_mem>>
      %dma_start3A_409 = tpu.memref_squeeze %dma_start3A_408 : memref<1x!tpu.dma_semaphore, #tpu.memory_space<semaphore_mem>> -> memref<!tpu.dma_semaphore, #tpu.memory_space<semaphore_mem>>
      %dma_start3A_410 = arith.constant 21 : i32
      %dma_start3A_411 = arith.constant 0 : i32
      %dma_start3A_412 = tpu.memref_slice %arg15[%select_n3A_108, %dma_start3A_410, %dma_start3A_411] : memref<2x64x768xf32, #tpu.memory_space<vmem>> -> memref<1x1x768xf32, #tpu.memory_space<vmem>>
      %dma_start3A_413 = tpu.memref_squeeze %dma_start3A_412 : memref<1x1x768xf32, #tpu.memory_space<vmem>> -> memref<1x768xf32, #tpu.memory_space<vmem>>
      %dma_start3A_414 = arith.constant 0 : i32
      %dma_start3A_415 = tpu.memref_slice %arg2[%get3A_407, %dma_start3A_414] : memref<30522x768xf32, #tpu.memory_space<any>> -> memref<1x768xf32, #tpu.memory_space<any>>
      tpu.enqueue_dma source(%dma_start3A_415 : memref<1x768xf32, #tpu.memory_space<any>>) target(%dma_start3A_413 : memref<1x768xf32, #tpu.memory_space<vmem>>) target_semaphore(%dma_start3A_409 : memref<!tpu.dma_semaphore, #tpu.memory_space<semaphore_mem>>)
      %mul3A_416 = arith.constant 64 : i32
      %mul3A_417 = arith.muli %add3A_90, %mul3A_416 : i32
      %add3A_418 = arith.constant 22 : i32
      %add3A_419 = arith.addi %mul3A_417, %add3A_418 : i32
      %get3A_420 = arith.index_cast %add3A_419 : i32 to index
      %get3A_421 = memref.load %arg1[%get3A_420] : memref<512xi32, #tpu.memory_space<smem>>
      %dma_start3A_422 = tpu.memref_slice %arg17[%select_n3A_108] : memref<2x!tpu.dma_semaphore, #tpu.memory_space<semaphore_mem>> -> memref<1x!tpu.dma_semaphore, #tpu.memory_space<semaphore_mem>>
      %dma_start3A_423 = tpu.memref_squeeze %dma_start3A_422 : memref<1x!tpu.dma_semaphore, #tpu.memory_space<semaphore_mem>> -> memref<!tpu.dma_semaphore, #tpu.memory_space<semaphore_mem>>
      %dma_start3A_424 = arith.constant 22 : i32
      %dma_start3A_425 = arith.constant 0 : i32
      %dma_start3A_426 = tpu.memref_slice %arg15[%select_n3A_108, %dma_start3A_424, %dma_start3A_425] : memref<2x64x768xf32, #tpu.memory_space<vmem>> -> memref<1x1x768xf32, #tpu.memory_space<vmem>>
      %dma_start3A_427 = tpu.memref_squeeze %dma_start3A_426 : memref<1x1x768xf32, #tpu.memory_space<vmem>> -> memref<1x768xf32, #tpu.memory_space<vmem>>
      %dma_start3A_428 = arith.constant 0 : i32
      %dma_start3A_429 = tpu.memref_slice %arg2[%get3A_421, %dma_start3A_428] : memref<30522x768xf32, #tpu.memory_space<any>> -> memref<1x768xf32, #tpu.memory_space<any>>
      tpu.enqueue_dma source(%dma_start3A_429 : memref<1x768xf32, #tpu.memory_space<any>>) target(%dma_start3A_427 : memref<1x768xf32, #tpu.memory_space<vmem>>) target_semaphore(%dma_start3A_423 : memref<!tpu.dma_semaphore, #tpu.memory_space<semaphore_mem>>)
      %mul3A_430 = arith.constant 64 : i32
      %mul3A_431 = arith.muli %add3A_90, %mul3A_430 : i32
      %add3A_432 = arith.constant 23 : i32
      %add3A_433 = arith.addi %mul3A_431, %add3A_432 : i32
      %get3A_434 = arith.index_cast %add3A_433 : i32 to index
      %get3A_435 = memref.load %arg1[%get3A_434] : memref<512xi32, #tpu.memory_space<smem>>
      %dma_start3A_436 = tpu.memref_slice %arg17[%select_n3A_108] : memref<2x!tpu.dma_semaphore, #tpu.memory_space<semaphore_mem>> -> memref<1x!tpu.dma_semaphore, #tpu.memory_space<semaphore_mem>>
      %dma_start3A_437 = tpu.memref_squeeze %dma_start3A_436 : memref<1x!tpu.dma_semaphore, #tpu.memory_space<semaphore_mem>> -> memref<!tpu.dma_semaphore, #tpu.memory_space<semaphore_mem>>
      %dma_start3A_438 = arith.constant 23 : i32
      %dma_start3A_439 = arith.constant 0 : i32
      %dma_start3A_440 = tpu.memref_slice %arg15[%select_n3A_108, %dma_start3A_438, %dma_start3A_439] : memref<2x64x768xf32, #tpu.memory_space<vmem>> -> memref<1x1x768xf32, #tpu.memory_space<vmem>>
      %dma_start3A_441 = tpu.memref_squeeze %dma_start3A_440 : memref<1x1x768xf32, #tpu.memory_space<vmem>> -> memref<1x768xf32, #tpu.memory_space<vmem>>
      %dma_start3A_442 = arith.constant 0 : i32
      %dma_start3A_443 = tpu.memref_slice %arg2[%get3A_435, %dma_start3A_442] : memref<30522x768xf32, #tpu.memory_space<any>> -> memref<1x768xf32, #tpu.memory_space<any>>
      tpu.enqueue_dma source(%dma_start3A_443 : memref<1x768xf32, #tpu.memory_space<any>>) target(%dma_start3A_441 : memref<1x768xf32, #tpu.memory_space<vmem>>) target_semaphore(%dma_start3A_437 : memref<!tpu.dma_semaphore, #tpu.memory_space<semaphore_mem>>)
      %mul3A_444 = arith.constant 64 : i32
      %mul3A_445 = arith.muli %add3A_90, %mul3A_444 : i32
      %add3A_446 = arith.constant 24 : i32
      %add3A_447 = arith.addi %mul3A_445, %add3A_446 : i32
      %get3A_448 = arith.index_cast %add3A_447 : i32 to index
      %get3A_449 = memref.load %arg1[%get3A_448] : memref<512xi32, #tpu.memory_space<smem>>
      %dma_start3A_450 = tpu.memref_slice %arg17[%select_n3A_108] : memref<2x!tpu.dma_semaphore, #tpu.memory_space<semaphore_mem>> -> memref<1x!tpu.dma_semaphore, #tpu.memory_space<semaphore_mem>>
      %dma_start3A_451 = tpu.memref_squeeze %dma_start3A_450 : memref<1x!tpu.dma_semaphore, #tpu.memory_space<semaphore_mem>> -> memref<!tpu.dma_semaphore, #tpu.memory_space<semaphore_mem>>
      %dma_start3A_452 = arith.constant 24 : i32
      %dma_start3A_453 = arith.constant 0 : i32
      %dma_start3A_454 = tpu.memref_slice %arg15[%select_n3A_108, %dma_start3A_452, %dma_start3A_453] : memref<2x64x768xf32, #tpu.memory_space<vmem>> -> memref<1x1x768xf32, #tpu.memory_space<vmem>>
      %dma_start3A_455 = tpu.memref_squeeze %dma_start3A_454 : memref<1x1x768xf32, #tpu.memory_space<vmem>> -> memref<1x768xf32, #tpu.memory_space<vmem>>
      %dma_start3A_456 = arith.constant 0 : i32
      %dma_start3A_457 = tpu.memref_slice %arg2[%get3A_449, %dma_start3A_456] : memref<30522x768xf32, #tpu.memory_space<any>> -> memref<1x768xf32, #tpu.memory_space<any>>
      tpu.enqueue_dma source(%dma_start3A_457 : memref<1x768xf32, #tpu.memory_space<any>>) target(%dma_start3A_455 : memref<1x768xf32, #tpu.memory_space<vmem>>) target_semaphore(%dma_start3A_451 : memref<!tpu.dma_semaphore, #tpu.memory_space<semaphore_mem>>)
      %mul3A_458 = arith.constant 64 : i32
      %mul3A_459 = arith.muli %add3A_90, %mul3A_458 : i32
      %add3A_460 = arith.constant 25 : i32
      %add3A_461 = arith.addi %mul3A_459, %add3A_460 : i32
      %get3A_462 = arith.index_cast %add3A_461 : i32 to index
      %get3A_463 = memref.load %arg1[%get3A_462] : memref<512xi32, #tpu.memory_space<smem>>
      %dma_start3A_464 = tpu.memref_slice %arg17[%select_n3A_108] : memref<2x!tpu.dma_semaphore, #tpu.memory_space<semaphore_mem>> -> memref<1x!tpu.dma_semaphore, #tpu.memory_space<semaphore_mem>>
      %dma_start3A_465 = tpu.memref_squeeze %dma_start3A_464 : memref<1x!tpu.dma_semaphore, #tpu.memory_space<semaphore_mem>> -> memref<!tpu.dma_semaphore, #tpu.memory_space<semaphore_mem>>
      %dma_start3A_466 = arith.constant 25 : i32
      %dma_start3A_467 = arith.constant 0 : i32
      %dma_start3A_468 = tpu.memref_slice %arg15[%select_n3A_108, %dma_start3A_466, %dma_start3A_467] : memref<2x64x768xf32, #tpu.memory_space<vmem>> -> memref<1x1x768xf32, #tpu.memory_space<vmem>>
      %dma_start3A_469 = tpu.memref_squeeze %dma_start3A_468 : memref<1x1x768xf32, #tpu.memory_space<vmem>> -> memref<1x768xf32, #tpu.memory_space<vmem>>
      %dma_start3A_470 = arith.constant 0 : i32
      %dma_start3A_471 = tpu.memref_slice %arg2[%get3A_463, %dma_start3A_470] : memref<30522x768xf32, #tpu.memory_space<any>> -> memref<1x768xf32, #tpu.memory_space<any>>
      tpu.enqueue_dma source(%dma_start3A_471 : memref<1x768xf32, #tpu.memory_space<any>>) target(%dma_start3A_469 : memref<1x768xf32, #tpu.memory_space<vmem>>) target_semaphore(%dma_start3A_465 : memref<!tpu.dma_semaphore, #tpu.memory_space<semaphore_mem>>)
      %mul3A_472 = arith.constant 64 : i32
      %mul3A_473 = arith.muli %add3A_90, %mul3A_472 : i32
      %add3A_474 = arith.constant 26 : i32
      %add3A_475 = arith.addi %mul3A_473, %add3A_474 : i32
      %get3A_476 = arith.index_cast %add3A_475 : i32 to index
      %get3A_477 = memref.load %arg1[%get3A_476] : memref<512xi32, #tpu.memory_space<smem>>
      %dma_start3A_478 = tpu.memref_slice %arg17[%select_n3A_108] : memref<2x!tpu.dma_semaphore, #tpu.memory_space<semaphore_mem>> -> memref<1x!tpu.dma_semaphore, #tpu.memory_space<semaphore_mem>>
      %dma_start3A_479 = tpu.memref_squeeze %dma_start3A_478 : memref<1x!tpu.dma_semaphore, #tpu.memory_space<semaphore_mem>> -> memref<!tpu.dma_semaphore, #tpu.memory_space<semaphore_mem>>
      %dma_start3A_480 = arith.constant 26 : i32
      %dma_start3A_481 = arith.constant 0 : i32
      %dma_start3A_482 = tpu.memref_slice %arg15[%select_n3A_108, %dma_start3A_480, %dma_start3A_481] : memref<2x64x768xf32, #tpu.memory_space<vmem>> -> memref<1x1x768xf32, #tpu.memory_space<vmem>>
      %dma_start3A_483 = tpu.memref_squeeze %dma_start3A_482 : memref<1x1x768xf32, #tpu.memory_space<vmem>> -> memref<1x768xf32, #tpu.memory_space<vmem>>
      %dma_start3A_484 = arith.constant 0 : i32
      %dma_start3A_485 = tpu.memref_slice %arg2[%get3A_477, %dma_start3A_484] : memref<30522x768xf32, #tpu.memory_space<any>> -> memref<1x768xf32, #tpu.memory_space<any>>
      tpu.enqueue_dma source(%dma_start3A_485 : memref<1x768xf32, #tpu.memory_space<any>>) target(%dma_start3A_483 : memref<1x768xf32, #tpu.memory_space<vmem>>) target_semaphore(%dma_start3A_479 : memref<!tpu.dma_semaphore, #tpu.memory_space<semaphore_mem>>)
      %mul3A_486 = arith.constant 64 : i32
      %mul3A_487 = arith.muli %add3A_90, %mul3A_486 : i32
      %add3A_488 = arith.constant 27 : i32
      %add3A_489 = arith.addi %mul3A_487, %add3A_488 : i32
      %get3A_490 = arith.index_cast %add3A_489 : i32 to index
      %get3A_491 = memref.load %arg1[%get3A_490] : memref<512xi32, #tpu.memory_space<smem>>
      %dma_start3A_492 = tpu.memref_slice %arg17[%select_n3A_108] : memref<2x!tpu.dma_semaphore, #tpu.memory_space<semaphore_mem>> -> memref<1x!tpu.dma_semaphore, #tpu.memory_space<semaphore_mem>>
      %dma_start3A_493 = tpu.memref_squeeze %dma_start3A_492 : memref<1x!tpu.dma_semaphore, #tpu.memory_space<semaphore_mem>> -> memref<!tpu.dma_semaphore, #tpu.memory_space<semaphore_mem>>
      %dma_start3A_494 = arith.constant 27 : i32
      %dma_start3A_495 = arith.constant 0 : i32
      %dma_start3A_496 = tpu.memref_slice %arg15[%select_n3A_108, %dma_start3A_494, %dma_start3A_495] : memref<2x64x768xf32, #tpu.memory_space<vmem>> -> memref<1x1x768xf32, #tpu.memory_space<vmem>>
      %dma_start3A_497 = tpu.memref_squeeze %dma_start3A_496 : memref<1x1x768xf32, #tpu.memory_space<vmem>> -> memref<1x768xf32, #tpu.memory_space<vmem>>
      %dma_start3A_498 = arith.constant 0 : i32
      %dma_start3A_499 = tpu.memref_slice %arg2[%get3A_491, %dma_start3A_498] : memref<30522x768xf32, #tpu.memory_space<any>> -> memref<1x768xf32, #tpu.memory_space<any>>
      tpu.enqueue_dma source(%dma_start3A_499 : memref<1x768xf32, #tpu.memory_space<any>>) target(%dma_start3A_497 : memref<1x768xf32, #tpu.memory_space<vmem>>) target_semaphore(%dma_start3A_493 : memref<!tpu.dma_semaphore, #tpu.memory_space<semaphore_mem>>)
      %mul3A_500 = arith.constant 64 : i32
      %mul3A_501 = arith.muli %add3A_90, %mul3A_500 : i32
      %add3A_502 = arith.constant 28 : i32
      %add3A_503 = arith.addi %mul3A_501, %add3A_502 : i32
      %get3A_504 = arith.index_cast %add3A_503 : i32 to index
      %get3A_505 = memref.load %arg1[%get3A_504] : memref<512xi32, #tpu.memory_space<smem>>
      %dma_start3A_506 = tpu.memref_slice %arg17[%select_n3A_108] : memref<2x!tpu.dma_semaphore, #tpu.memory_space<semaphore_mem>> -> memref<1x!tpu.dma_semaphore, #tpu.memory_space<semaphore_mem>>
      %dma_start3A_507 = tpu.memref_squeeze %dma_start3A_506 : memref<1x!tpu.dma_semaphore, #tpu.memory_space<semaphore_mem>> -> memref<!tpu.dma_semaphore, #tpu.memory_space<semaphore_mem>>
      %dma_start3A_508 = arith.constant 28 : i32
      %dma_start3A_509 = arith.constant 0 : i32
      %dma_start3A_510 = tpu.memref_slice %arg15[%select_n3A_108, %dma_start3A_508, %dma_start3A_509] : memref<2x64x768xf32, #tpu.memory_space<vmem>> -> memref<1x1x768xf32, #tpu.memory_space<vmem>>
      %dma_start3A_511 = tpu.memref_squeeze %dma_start3A_510 : memref<1x1x768xf32, #tpu.memory_space<vmem>> -> memref<1x768xf32, #tpu.memory_space<vmem>>
      %dma_start3A_512 = arith.constant 0 : i32
      %dma_start3A_513 = tpu.memref_slice %arg2[%get3A_505, %dma_start3A_512] : memref<30522x768xf32, #tpu.memory_space<any>> -> memref<1x768xf32, #tpu.memory_space<any>>
      tpu.enqueue_dma source(%dma_start3A_513 : memref<1x768xf32, #tpu.memory_space<any>>) target(%dma_start3A_511 : memref<1x768xf32, #tpu.memory_space<vmem>>) target_semaphore(%dma_start3A_507 : memref<!tpu.dma_semaphore, #tpu.memory_space<semaphore_mem>>)
      %mul3A_514 = arith.constant 64 : i32
      %mul3A_515 = arith.muli %add3A_90, %mul3A_514 : i32
      %add3A_516 = arith.constant 29 : i32
      %add3A_517 = arith.addi %mul3A_515, %add3A_516 : i32
      %get3A_518 = arith.index_cast %add3A_517 : i32 to index
      %get3A_519 = memref.load %arg1[%get3A_518] : memref<512xi32, #tpu.memory_space<smem>>
      %dma_start3A_520 = tpu.memref_slice %arg17[%select_n3A_108] : memref<2x!tpu.dma_semaphore, #tpu.memory_space<semaphore_mem>> -> memref<1x!tpu.dma_semaphore, #tpu.memory_space<semaphore_mem>>
      %dma_start3A_521 = tpu.memref_squeeze %dma_start3A_520 : memref<1x!tpu.dma_semaphore, #tpu.memory_space<semaphore_mem>> -> memref<!tpu.dma_semaphore, #tpu.memory_space<semaphore_mem>>
      %dma_start3A_522 = arith.constant 29 : i32
      %dma_start3A_523 = arith.constant 0 : i32
      %dma_start3A_524 = tpu.memref_slice %arg15[%select_n3A_108, %dma_start3A_522, %dma_start3A_523] : memref<2x64x768xf32, #tpu.memory_space<vmem>> -> memref<1x1x768xf32, #tpu.memory_space<vmem>>
      %dma_start3A_525 = tpu.memref_squeeze %dma_start3A_524 : memref<1x1x768xf32, #tpu.memory_space<vmem>> -> memref<1x768xf32, #tpu.memory_space<vmem>>
      %dma_start3A_526 = arith.constant 0 : i32
      %dma_start3A_527 = tpu.memref_slice %arg2[%get3A_519, %dma_start3A_526] : memref<30522x768xf32, #tpu.memory_space<any>> -> memref<1x768xf32, #tpu.memory_space<any>>
      tpu.enqueue_dma source(%dma_start3A_527 : memref<1x768xf32, #tpu.memory_space<any>>) target(%dma_start3A_525 : memref<1x768xf32, #tpu.memory_space<vmem>>) target_semaphore(%dma_start3A_521 : memref<!tpu.dma_semaphore, #tpu.memory_space<semaphore_mem>>)
      %mul3A_528 = arith.constant 64 : i32
      %mul3A_529 = arith.muli %add3A_90, %mul3A_528 : i32
      %add3A_530 = arith.constant 30 : i32
      %add3A_531 = arith.addi %mul3A_529, %add3A_530 : i32
      %get3A_532 = arith.index_cast %add3A_531 : i32 to index
      %get3A_533 = memref.load %arg1[%get3A_532] : memref<512xi32, #tpu.memory_space<smem>>
      %dma_start3A_534 = tpu.memref_slice %arg17[%select_n3A_108] : memref<2x!tpu.dma_semaphore, #tpu.memory_space<semaphore_mem>> -> memref<1x!tpu.dma_semaphore, #tpu.memory_space<semaphore_mem>>
      %dma_start3A_535 = tpu.memref_squeeze %dma_start3A_534 : memref<1x!tpu.dma_semaphore, #tpu.memory_space<semaphore_mem>> -> memref<!tpu.dma_semaphore, #tpu.memory_space<semaphore_mem>>
      %dma_start3A_536 = arith.constant 30 : i32
      %dma_start3A_537 = arith.constant 0 : i32
      %dma_start3A_538 = tpu.memref_slice %arg15[%select_n3A_108, %dma_start3A_536, %dma_start3A_537] : memref<2x64x768xf32, #tpu.memory_space<vmem>> -> memref<1x1x768xf32, #tpu.memory_space<vmem>>
      %dma_start3A_539 = tpu.memref_squeeze %dma_start3A_538 : memref<1x1x768xf32, #tpu.memory_space<vmem>> -> memref<1x768xf32, #tpu.memory_space<vmem>>
      %dma_start3A_540 = arith.constant 0 : i32
      %dma_start3A_541 = tpu.memref_slice %arg2[%get3A_533, %dma_start3A_540] : memref<30522x768xf32, #tpu.memory_space<any>> -> memref<1x768xf32, #tpu.memory_space<any>>
      tpu.enqueue_dma source(%dma_start3A_541 : memref<1x768xf32, #tpu.memory_space<any>>) target(%dma_start3A_539 : memref<1x768xf32, #tpu.memory_space<vmem>>) target_semaphore(%dma_start3A_535 : memref<!tpu.dma_semaphore, #tpu.memory_space<semaphore_mem>>)
      %mul3A_542 = arith.constant 64 : i32
      %mul3A_543 = arith.muli %add3A_90, %mul3A_542 : i32
      %add3A_544 = arith.constant 31 : i32
      %add3A_545 = arith.addi %mul3A_543, %add3A_544 : i32
      %get3A_546 = arith.index_cast %add3A_545 : i32 to index
      %get3A_547 = memref.load %arg1[%get3A_546] : memref<512xi32, #tpu.memory_space<smem>>
      %dma_start3A_548 = tpu.memref_slice %arg17[%select_n3A_108] : memref<2x!tpu.dma_semaphore, #tpu.memory_space<semaphore_mem>> -> memref<1x!tpu.dma_semaphore, #tpu.memory_space<semaphore_mem>>
      %dma_start3A_549 = tpu.memref_squeeze %dma_start3A_548 : memref<1x!tpu.dma_semaphore, #tpu.memory_space<semaphore_mem>> -> memref<!tpu.dma_semaphore, #tpu.memory_space<semaphore_mem>>
      %dma_start3A_550 = arith.constant 31 : i32
      %dma_start3A_551 = arith.constant 0 : i32
      %dma_start3A_552 = tpu.memref_slice %arg15[%select_n3A_108, %dma_start3A_550, %dma_start3A_551] : memref<2x64x768xf32, #tpu.memory_space<vmem>> -> memref<1x1x768xf32, #tpu.memory_space<vmem>>
      %dma_start3A_553 = tpu.memref_squeeze %dma_start3A_552 : memref<1x1x768xf32, #tpu.memory_space<vmem>> -> memref<1x768xf32, #tpu.memory_space<vmem>>
      %dma_start3A_554 = arith.constant 0 : i32
      %dma_start3A_555 = tpu.memref_slice %arg2[%get3A_547, %dma_start3A_554] : memref<30522x768xf32, #tpu.memory_space<any>> -> memref<1x768xf32, #tpu.memory_space<any>>
      tpu.enqueue_dma source(%dma_start3A_555 : memref<1x768xf32, #tpu.memory_space<any>>) target(%dma_start3A_553 : memref<1x768xf32, #tpu.memory_space<vmem>>) target_semaphore(%dma_start3A_549 : memref<!tpu.dma_semaphore, #tpu.memory_space<semaphore_mem>>)
      %mul3A_556 = arith.constant 64 : i32
      %mul3A_557 = arith.muli %add3A_90, %mul3A_556 : i32
      %add3A_558 = arith.constant 32 : i32
      %add3A_559 = arith.addi %mul3A_557, %add3A_558 : i32
      %get3A_560 = arith.index_cast %add3A_559 : i32 to index
      %get3A_561 = memref.load %arg1[%get3A_560] : memref<512xi32, #tpu.memory_space<smem>>
      %dma_start3A_562 = tpu.memref_slice %arg17[%select_n3A_108] : memref<2x!tpu.dma_semaphore, #tpu.memory_space<semaphore_mem>> -> memref<1x!tpu.dma_semaphore, #tpu.memory_space<semaphore_mem>>
      %dma_start3A_563 = tpu.memref_squeeze %dma_start3A_562 : memref<1x!tpu.dma_semaphore, #tpu.memory_space<semaphore_mem>> -> memref<!tpu.dma_semaphore, #tpu.memory_space<semaphore_mem>>
      %dma_start3A_564 = arith.constant 32 : i32
      %dma_start3A_565 = arith.constant 0 : i32
      %dma_start3A_566 = tpu.memref_slice %arg15[%select_n3A_108, %dma_start3A_564, %dma_start3A_565] : memref<2x64x768xf32, #tpu.memory_space<vmem>> -> memref<1x1x768xf32, #tpu.memory_space<vmem>>
      %dma_start3A_567 = tpu.memref_squeeze %dma_start3A_566 : memref<1x1x768xf32, #tpu.memory_space<vmem>> -> memref<1x768xf32, #tpu.memory_space<vmem>>
      %dma_start3A_568 = arith.constant 0 : i32
      %dma_start3A_569 = tpu.memref_slice %arg2[%get3A_561, %dma_start3A_568] : memref<30522x768xf32, #tpu.memory_space<any>> -> memref<1x768xf32, #tpu.memory_space<any>>
      tpu.enqueue_dma source(%dma_start3A_569 : memref<1x768xf32, #tpu.memory_space<any>>) target(%dma_start3A_567 : memref<1x768xf32, #tpu.memory_space<vmem>>) target_semaphore(%dma_start3A_563 : memref<!tpu.dma_semaphore, #tpu.memory_space<semaphore_mem>>)
      %mul3A_570 = arith.constant 64 : i32
      %mul3A_571 = arith.muli %add3A_90, %mul3A_570 : i32
      %add3A_572 = arith.constant 33 : i32
      %add3A_573 = arith.addi %mul3A_571, %add3A_572 : i32
      %get3A_574 = arith.index_cast %add3A_573 : i32 to index
      %get3A_575 = memref.load %arg1[%get3A_574] : memref<512xi32, #tpu.memory_space<smem>>
      %dma_start3A_576 = tpu.memref_slice %arg17[%select_n3A_108] : memref<2x!tpu.dma_semaphore, #tpu.memory_space<semaphore_mem>> -> memref<1x!tpu.dma_semaphore, #tpu.memory_space<semaphore_mem>>
      %dma_start3A_577 = tpu.memref_squeeze %dma_start3A_576 : memref<1x!tpu.dma_semaphore, #tpu.memory_space<semaphore_mem>> -> memref<!tpu.dma_semaphore, #tpu.memory_space<semaphore_mem>>
      %dma_start3A_578 = arith.constant 33 : i32
      %dma_start3A_579 = arith.constant 0 : i32
      %dma_start3A_580 = tpu.memref_slice %arg15[%select_n3A_108, %dma_start3A_578, %dma_start3A_579] : memref<2x64x768xf32, #tpu.memory_space<vmem>> -> memref<1x1x768xf32, #tpu.memory_space<vmem>>
      %dma_start3A_581 = tpu.memref_squeeze %dma_start3A_580 : memref<1x1x768xf32, #tpu.memory_space<vmem>> -> memref<1x768xf32, #tpu.memory_space<vmem>>
      %dma_start3A_582 = arith.constant 0 : i32
      %dma_start3A_583 = tpu.memref_slice %arg2[%get3A_575, %dma_start3A_582] : memref<30522x768xf32, #tpu.memory_space<any>> -> memref<1x768xf32, #tpu.memory_space<any>>
      tpu.enqueue_dma source(%dma_start3A_583 : memref<1x768xf32, #tpu.memory_space<any>>) target(%dma_start3A_581 : memref<1x768xf32, #tpu.memory_space<vmem>>) target_semaphore(%dma_start3A_577 : memref<!tpu.dma_semaphore, #tpu.memory_space<semaphore_mem>>)
      %mul3A_584 = arith.constant 64 : i32
      %mul3A_585 = arith.muli %add3A_90, %mul3A_584 : i32
      %add3A_586 = arith.constant 34 : i32
      %add3A_587 = arith.addi %mul3A_585, %add3A_586 : i32
      %get3A_588 = arith.index_cast %add3A_587 : i32 to index
      %get3A_589 = memref.load %arg1[%get3A_588] : memref<512xi32, #tpu.memory_space<smem>>
      %dma_start3A_590 = tpu.memref_slice %arg17[%select_n3A_108] : memref<2x!tpu.dma_semaphore, #tpu.memory_space<semaphore_mem>> -> memref<1x!tpu.dma_semaphore, #tpu.memory_space<semaphore_mem>>
      %dma_start3A_591 = tpu.memref_squeeze %dma_start3A_590 : memref<1x!tpu.dma_semaphore, #tpu.memory_space<semaphore_mem>> -> memref<!tpu.dma_semaphore, #tpu.memory_space<semaphore_mem>>
      %dma_start3A_592 = arith.constant 34 : i32
      %dma_start3A_593 = arith.constant 0 : i32
      %dma_start3A_594 = tpu.memref_slice %arg15[%select_n3A_108, %dma_start3A_592, %dma_start3A_593] : memref<2x64x768xf32, #tpu.memory_space<vmem>> -> memref<1x1x768xf32, #tpu.memory_space<vmem>>
      %dma_start3A_595 = tpu.memref_squeeze %dma_start3A_594 : memref<1x1x768xf32, #tpu.memory_space<vmem>> -> memref<1x768xf32, #tpu.memory_space<vmem>>
      %dma_start3A_596 = arith.constant 0 : i32
      %dma_start3A_597 = tpu.memref_slice %arg2[%get3A_589, %dma_start3A_596] : memref<30522x768xf32, #tpu.memory_space<any>> -> memref<1x768xf32, #tpu.memory_space<any>>
      tpu.enqueue_dma source(%dma_start3A_597 : memref<1x768xf32, #tpu.memory_space<any>>) target(%dma_start3A_595 : memref<1x768xf32, #tpu.memory_space<vmem>>) target_semaphore(%dma_start3A_591 : memref<!tpu.dma_semaphore, #tpu.memory_space<semaphore_mem>>)
      %mul3A_598 = arith.constant 64 : i32
      %mul3A_599 = arith.muli %add3A_90, %mul3A_598 : i32
      %add3A_600 = arith.constant 35 : i32
      %add3A_601 = arith.addi %mul3A_599, %add3A_600 : i32
      %get3A_602 = arith.index_cast %add3A_601 : i32 to index
      %get3A_603 = memref.load %arg1[%get3A_602] : memref<512xi32, #tpu.memory_space<smem>>
      %dma_start3A_604 = tpu.memref_slice %arg17[%select_n3A_108] : memref<2x!tpu.dma_semaphore, #tpu.memory_space<semaphore_mem>> -> memref<1x!tpu.dma_semaphore, #tpu.memory_space<semaphore_mem>>
      %dma_start3A_605 = tpu.memref_squeeze %dma_start3A_604 : memref<1x!tpu.dma_semaphore, #tpu.memory_space<semaphore_mem>> -> memref<!tpu.dma_semaphore, #tpu.memory_space<semaphore_mem>>
      %dma_start3A_606 = arith.constant 35 : i32
      %dma_start3A_607 = arith.constant 0 : i32
      %dma_start3A_608 = tpu.memref_slice %arg15[%select_n3A_108, %dma_start3A_606, %dma_start3A_607] : memref<2x64x768xf32, #tpu.memory_space<vmem>> -> memref<1x1x768xf32, #tpu.memory_space<vmem>>
      %dma_start3A_609 = tpu.memref_squeeze %dma_start3A_608 : memref<1x1x768xf32, #tpu.memory_space<vmem>> -> memref<1x768xf32, #tpu.memory_space<vmem>>
      %dma_start3A_610 = arith.constant 0 : i32
      %dma_start3A_611 = tpu.memref_slice %arg2[%get3A_603, %dma_start3A_610] : memref<30522x768xf32, #tpu.memory_space<any>> -> memref<1x768xf32, #tpu.memory_space<any>>
      tpu.enqueue_dma source(%dma_start3A_611 : memref<1x768xf32, #tpu.memory_space<any>>) target(%dma_start3A_609 : memref<1x768xf32, #tpu.memory_space<vmem>>) target_semaphore(%dma_start3A_605 : memref<!tpu.dma_semaphore, #tpu.memory_space<semaphore_mem>>)
      %mul3A_612 = arith.constant 64 : i32
      %mul3A_613 = arith.muli %add3A_90, %mul3A_612 : i32
      %add3A_614 = arith.constant 36 : i32
      %add3A_615 = arith.addi %mul3A_613, %add3A_614 : i32
      %get3A_616 = arith.index_cast %add3A_615 : i32 to index
      %get3A_617 = memref.load %arg1[%get3A_616] : memref<512xi32, #tpu.memory_space<smem>>
      %dma_start3A_618 = tpu.memref_slice %arg17[%select_n3A_108] : memref<2x!tpu.dma_semaphore, #tpu.memory_space<semaphore_mem>> -> memref<1x!tpu.dma_semaphore, #tpu.memory_space<semaphore_mem>>
      %dma_start3A_619 = tpu.memref_squeeze %dma_start3A_618 : memref<1x!tpu.dma_semaphore, #tpu.memory_space<semaphore_mem>> -> memref<!tpu.dma_semaphore, #tpu.memory_space<semaphore_mem>>
      %dma_start3A_620 = arith.constant 36 : i32
      %dma_start3A_621 = arith.constant 0 : i32
      %dma_start3A_622 = tpu.memref_slice %arg15[%select_n3A_108, %dma_start3A_620, %dma_start3A_621] : memref<2x64x768xf32, #tpu.memory_space<vmem>> -> memref<1x1x768xf32, #tpu.memory_space<vmem>>
      %dma_start3A_623 = tpu.memref_squeeze %dma_start3A_622 : memref<1x1x768xf32, #tpu.memory_space<vmem>> -> memref<1x768xf32, #tpu.memory_space<vmem>>
      %dma_start3A_624 = arith.constant 0 : i32
      %dma_start3A_625 = tpu.memref_slice %arg2[%get3A_617, %dma_start3A_624] : memref<30522x768xf32, #tpu.memory_space<any>> -> memref<1x768xf32, #tpu.memory_space<any>>
      tpu.enqueue_dma source(%dma_start3A_625 : memref<1x768xf32, #tpu.memory_space<any>>) target(%dma_start3A_623 : memref<1x768xf32, #tpu.memory_space<vmem>>) target_semaphore(%dma_start3A_619 : memref<!tpu.dma_semaphore, #tpu.memory_space<semaphore_mem>>)
      %mul3A_626 = arith.constant 64 : i32
      %mul3A_627 = arith.muli %add3A_90, %mul3A_626 : i32
      %add3A_628 = arith.constant 37 : i32
      %add3A_629 = arith.addi %mul3A_627, %add3A_628 : i32
      %get3A_630 = arith.index_cast %add3A_629 : i32 to index
      %get3A_631 = memref.load %arg1[%get3A_630] : memref<512xi32, #tpu.memory_space<smem>>
      %dma_start3A_632 = tpu.memref_slice %arg17[%select_n3A_108] : memref<2x!tpu.dma_semaphore, #tpu.memory_space<semaphore_mem>> -> memref<1x!tpu.dma_semaphore, #tpu.memory_space<semaphore_mem>>
      %dma_start3A_633 = tpu.memref_squeeze %dma_start3A_632 : memref<1x!tpu.dma_semaphore, #tpu.memory_space<semaphore_mem>> -> memref<!tpu.dma_semaphore, #tpu.memory_space<semaphore_mem>>
      %dma_start3A_634 = arith.constant 37 : i32
      %dma_start3A_635 = arith.constant 0 : i32
      %dma_start3A_636 = tpu.memref_slice %arg15[%select_n3A_108, %dma_start3A_634, %dma_start3A_635] : memref<2x64x768xf32, #tpu.memory_space<vmem>> -> memref<1x1x768xf32, #tpu.memory_space<vmem>>
      %dma_start3A_637 = tpu.memref_squeeze %dma_start3A_636 : memref<1x1x768xf32, #tpu.memory_space<vmem>> -> memref<1x768xf32, #tpu.memory_space<vmem>>
      %dma_start3A_638 = arith.constant 0 : i32
      %dma_start3A_639 = tpu.memref_slice %arg2[%get3A_631, %dma_start3A_638] : memref<30522x768xf32, #tpu.memory_space<any>> -> memref<1x768xf32, #tpu.memory_space<any>>
      tpu.enqueue_dma source(%dma_start3A_639 : memref<1x768xf32, #tpu.memory_space<any>>) target(%dma_start3A_637 : memref<1x768xf32, #tpu.memory_space<vmem>>) target_semaphore(%dma_start3A_633 : memref<!tpu.dma_semaphore, #tpu.memory_space<semaphore_mem>>)
      %mul3A_640 = arith.constant 64 : i32
      %mul3A_641 = arith.muli %add3A_90, %mul3A_640 : i32
      %add3A_642 = arith.constant 38 : i32
      %add3A_643 = arith.addi %mul3A_641, %add3A_642 : i32
      %get3A_644 = arith.index_cast %add3A_643 : i32 to index
      %get3A_645 = memref.load %arg1[%get3A_644] : memref<512xi32, #tpu.memory_space<smem>>
      %dma_start3A_646 = tpu.memref_slice %arg17[%select_n3A_108] : memref<2x!tpu.dma_semaphore, #tpu.memory_space<semaphore_mem>> -> memref<1x!tpu.dma_semaphore, #tpu.memory_space<semaphore_mem>>
      %dma_start3A_647 = tpu.memref_squeeze %dma_start3A_646 : memref<1x!tpu.dma_semaphore, #tpu.memory_space<semaphore_mem>> -> memref<!tpu.dma_semaphore, #tpu.memory_space<semaphore_mem>>
      %dma_start3A_648 = arith.constant 38 : i32
      %dma_start3A_649 = arith.constant 0 : i32
      %dma_start3A_650 = tpu.memref_slice %arg15[%select_n3A_108, %dma_start3A_648, %dma_start3A_649] : memref<2x64x768xf32, #tpu.memory_space<vmem>> -> memref<1x1x768xf32, #tpu.memory_space<vmem>>
      %dma_start3A_651 = tpu.memref_squeeze %dma_start3A_650 : memref<1x1x768xf32, #tpu.memory_space<vmem>> -> memref<1x768xf32, #tpu.memory_space<vmem>>
      %dma_start3A_652 = arith.constant 0 : i32
      %dma_start3A_653 = tpu.memref_slice %arg2[%get3A_645, %dma_start3A_652] : memref<30522x768xf32, #tpu.memory_space<any>> -> memref<1x768xf32, #tpu.memory_space<any>>
      tpu.enqueue_dma source(%dma_start3A_653 : memref<1x768xf32, #tpu.memory_space<any>>) target(%dma_start3A_651 : memref<1x768xf32, #tpu.memory_space<vmem>>) target_semaphore(%dma_start3A_647 : memref<!tpu.dma_semaphore, #tpu.memory_space<semaphore_mem>>)
      %mul3A_654 = arith.constant 64 : i32
      %mul3A_655 = arith.muli %add3A_90, %mul3A_654 : i32
      %add3A_656 = arith.constant 39 : i32
      %add3A_657 = arith.addi %mul3A_655, %add3A_656 : i32
      %get3A_658 = arith.index_cast %add3A_657 : i32 to index
      %get3A_659 = memref.load %arg1[%get3A_658] : memref<512xi32, #tpu.memory_space<smem>>
      %dma_start3A_660 = tpu.memref_slice %arg17[%select_n3A_108] : memref<2x!tpu.dma_semaphore, #tpu.memory_space<semaphore_mem>> -> memref<1x!tpu.dma_semaphore, #tpu.memory_space<semaphore_mem>>
      %dma_start3A_661 = tpu.memref_squeeze %dma_start3A_660 : memref<1x!tpu.dma_semaphore, #tpu.memory_space<semaphore_mem>> -> memref<!tpu.dma_semaphore, #tpu.memory_space<semaphore_mem>>
      %dma_start3A_662 = arith.constant 39 : i32
      %dma_start3A_663 = arith.constant 0 : i32
      %dma_start3A_664 = tpu.memref_slice %arg15[%select_n3A_108, %dma_start3A_662, %dma_start3A_663] : memref<2x64x768xf32, #tpu.memory_space<vmem>> -> memref<1x1x768xf32, #tpu.memory_space<vmem>>
      %dma_start3A_665 = tpu.memref_squeeze %dma_start3A_664 : memref<1x1x768xf32, #tpu.memory_space<vmem>> -> memref<1x768xf32, #tpu.memory_space<vmem>>
      %dma_start3A_666 = arith.constant 0 : i32
      %dma_start3A_667 = tpu.memref_slice %arg2[%get3A_659, %dma_start3A_666] : memref<30522x768xf32, #tpu.memory_space<any>> -> memref<1x768xf32, #tpu.memory_space<any>>
      tpu.enqueue_dma source(%dma_start3A_667 : memref<1x768xf32, #tpu.memory_space<any>>) target(%dma_start3A_665 : memref<1x768xf32, #tpu.memory_space<vmem>>) target_semaphore(%dma_start3A_661 : memref<!tpu.dma_semaphore, #tpu.memory_space<semaphore_mem>>)
      %mul3A_668 = arith.constant 64 : i32
      %mul3A_669 = arith.muli %add3A_90, %mul3A_668 : i32
      %add3A_670 = arith.constant 40 : i32
      %add3A_671 = arith.addi %mul3A_669, %add3A_670 : i32
      %get3A_672 = arith.index_cast %add3A_671 : i32 to index
      %get3A_673 = memref.load %arg1[%get3A_672] : memref<512xi32, #tpu.memory_space<smem>>
      %dma_start3A_674 = tpu.memref_slice %arg17[%select_n3A_108] : memref<2x!tpu.dma_semaphore, #tpu.memory_space<semaphore_mem>> -> memref<1x!tpu.dma_semaphore, #tpu.memory_space<semaphore_mem>>
      %dma_start3A_675 = tpu.memref_squeeze %dma_start3A_674 : memref<1x!tpu.dma_semaphore, #tpu.memory_space<semaphore_mem>> -> memref<!tpu.dma_semaphore, #tpu.memory_space<semaphore_mem>>
      %dma_start3A_676 = arith.constant 40 : i32
      %dma_start3A_677 = arith.constant 0 : i32
      %dma_start3A_678 = tpu.memref_slice %arg15[%select_n3A_108, %dma_start3A_676, %dma_start3A_677] : memref<2x64x768xf32, #tpu.memory_space<vmem>> -> memref<1x1x768xf32, #tpu.memory_space<vmem>>
      %dma_start3A_679 = tpu.memref_squeeze %dma_start3A_678 : memref<1x1x768xf32, #tpu.memory_space<vmem>> -> memref<1x768xf32, #tpu.memory_space<vmem>>
      %dma_start3A_680 = arith.constant 0 : i32
      %dma_start3A_681 = tpu.memref_slice %arg2[%get3A_673, %dma_start3A_680] : memref<30522x768xf32, #tpu.memory_space<any>> -> memref<1x768xf32, #tpu.memory_space<any>>
      tpu.enqueue_dma source(%dma_start3A_681 : memref<1x768xf32, #tpu.memory_space<any>>) target(%dma_start3A_679 : memref<1x768xf32, #tpu.memory_space<vmem>>) target_semaphore(%dma_start3A_675 : memref<!tpu.dma_semaphore, #tpu.memory_space<semaphore_mem>>)
      %mul3A_682 = arith.constant 64 : i32
      %mul3A_683 = arith.muli %add3A_90, %mul3A_682 : i32
      %add3A_684 = arith.constant 41 : i32
      %add3A_685 = arith.addi %mul3A_683, %add3A_684 : i32
      %get3A_686 = arith.index_cast %add3A_685 : i32 to index
      %get3A_687 = memref.load %arg1[%get3A_686] : memref<512xi32, #tpu.memory_space<smem>>
      %dma_start3A_688 = tpu.memref_slice %arg17[%select_n3A_108] : memref<2x!tpu.dma_semaphore, #tpu.memory_space<semaphore_mem>> -> memref<1x!tpu.dma_semaphore, #tpu.memory_space<semaphore_mem>>
      %dma_start3A_689 = tpu.memref_squeeze %dma_start3A_688 : memref<1x!tpu.dma_semaphore, #tpu.memory_space<semaphore_mem>> -> memref<!tpu.dma_semaphore, #tpu.memory_space<semaphore_mem>>
      %dma_start3A_690 = arith.constant 41 : i32
      %dma_start3A_691 = arith.constant 0 : i32
      %dma_start3A_692 = tpu.memref_slice %arg15[%select_n3A_108, %dma_start3A_690, %dma_start3A_691] : memref<2x64x768xf32, #tpu.memory_space<vmem>> -> memref<1x1x768xf32, #tpu.memory_space<vmem>>
      %dma_start3A_693 = tpu.memref_squeeze %dma_start3A_692 : memref<1x1x768xf32, #tpu.memory_space<vmem>> -> memref<1x768xf32, #tpu.memory_space<vmem>>
      %dma_start3A_694 = arith.constant 0 : i32
      %dma_start3A_695 = tpu.memref_slice %arg2[%get3A_687, %dma_start3A_694] : memref<30522x768xf32, #tpu.memory_space<any>> -> memref<1x768xf32, #tpu.memory_space<any>>
      tpu.enqueue_dma source(%dma_start3A_695 : memref<1x768xf32, #tpu.memory_space<any>>) target(%dma_start3A_693 : memref<1x768xf32, #tpu.memory_space<vmem>>) target_semaphore(%dma_start3A_689 : memref<!tpu.dma_semaphore, #tpu.memory_space<semaphore_mem>>)
      %mul3A_696 = arith.constant 64 : i32
      %mul3A_697 = arith.muli %add3A_90, %mul3A_696 : i32
      %add3A_698 = arith.constant 42 : i32
      %add3A_699 = arith.addi %mul3A_697, %add3A_698 : i32
      %get3A_700 = arith.index_cast %add3A_699 : i32 to index
      %get3A_701 = memref.load %arg1[%get3A_700] : memref<512xi32, #tpu.memory_space<smem>>
      %dma_start3A_702 = tpu.memref_slice %arg17[%select_n3A_108] : memref<2x!tpu.dma_semaphore, #tpu.memory_space<semaphore_mem>> -> memref<1x!tpu.dma_semaphore, #tpu.memory_space<semaphore_mem>>
      %dma_start3A_703 = tpu.memref_squeeze %dma_start3A_702 : memref<1x!tpu.dma_semaphore, #tpu.memory_space<semaphore_mem>> -> memref<!tpu.dma_semaphore, #tpu.memory_space<semaphore_mem>>
      %dma_start3A_704 = arith.constant 42 : i32
      %dma_start3A_705 = arith.constant 0 : i32
      %dma_start3A_706 = tpu.memref_slice %arg15[%select_n3A_108, %dma_start3A_704, %dma_start3A_705] : memref<2x64x768xf32, #tpu.memory_space<vmem>> -> memref<1x1x768xf32, #tpu.memory_space<vmem>>
      %dma_start3A_707 = tpu.memref_squeeze %dma_start3A_706 : memref<1x1x768xf32, #tpu.memory_space<vmem>> -> memref<1x768xf32, #tpu.memory_space<vmem>>
      %dma_start3A_708 = arith.constant 0 : i32
      %dma_start3A_709 = tpu.memref_slice %arg2[%get3A_701, %dma_start3A_708] : memref<30522x768xf32, #tpu.memory_space<any>> -> memref<1x768xf32, #tpu.memory_space<any>>
      tpu.enqueue_dma source(%dma_start3A_709 : memref<1x768xf32, #tpu.memory_space<any>>) target(%dma_start3A_707 : memref<1x768xf32, #tpu.memory_space<vmem>>) target_semaphore(%dma_start3A_703 : memref<!tpu.dma_semaphore, #tpu.memory_space<semaphore_mem>>)
      %mul3A_710 = arith.constant 64 : i32
      %mul3A_711 = arith.muli %add3A_90, %mul3A_710 : i32
      %add3A_712 = arith.constant 43 : i32
      %add3A_713 = arith.addi %mul3A_711, %add3A_712 : i32
      %get3A_714 = arith.index_cast %add3A_713 : i32 to index
      %get3A_715 = memref.load %arg1[%get3A_714] : memref<512xi32, #tpu.memory_space<smem>>
      %dma_start3A_716 = tpu.memref_slice %arg17[%select_n3A_108] : memref<2x!tpu.dma_semaphore, #tpu.memory_space<semaphore_mem>> -> memref<1x!tpu.dma_semaphore, #tpu.memory_space<semaphore_mem>>
      %dma_start3A_717 = tpu.memref_squeeze %dma_start3A_716 : memref<1x!tpu.dma_semaphore, #tpu.memory_space<semaphore_mem>> -> memref<!tpu.dma_semaphore, #tpu.memory_space<semaphore_mem>>
      %dma_start3A_718 = arith.constant 43 : i32
      %dma_start3A_719 = arith.constant 0 : i32
      %dma_start3A_720 = tpu.memref_slice %arg15[%select_n3A_108, %dma_start3A_718, %dma_start3A_719] : memref<2x64x768xf32, #tpu.memory_space<vmem>> -> memref<1x1x768xf32, #tpu.memory_space<vmem>>
      %dma_start3A_721 = tpu.memref_squeeze %dma_start3A_720 : memref<1x1x768xf32, #tpu.memory_space<vmem>> -> memref<1x768xf32, #tpu.memory_space<vmem>>
      %dma_start3A_722 = arith.constant 0 : i32
      %dma_start3A_723 = tpu.memref_slice %arg2[%get3A_715, %dma_start3A_722] : memref<30522x768xf32, #tpu.memory_space<any>> -> memref<1x768xf32, #tpu.memory_space<any>>
      tpu.enqueue_dma source(%dma_start3A_723 : memref<1x768xf32, #tpu.memory_space<any>>) target(%dma_start3A_721 : memref<1x768xf32, #tpu.memory_space<vmem>>) target_semaphore(%dma_start3A_717 : memref<!tpu.dma_semaphore, #tpu.memory_space<semaphore_mem>>)
      %mul3A_724 = arith.constant 64 : i32
      %mul3A_725 = arith.muli %add3A_90, %mul3A_724 : i32
      %add3A_726 = arith.constant 44 : i32
      %add3A_727 = arith.addi %mul3A_725, %add3A_726 : i32
      %get3A_728 = arith.index_cast %add3A_727 : i32 to index
      %get3A_729 = memref.load %arg1[%get3A_728] : memref<512xi32, #tpu.memory_space<smem>>
      %dma_start3A_730 = tpu.memref_slice %arg17[%select_n3A_108] : memref<2x!tpu.dma_semaphore, #tpu.memory_space<semaphore_mem>> -> memref<1x!tpu.dma_semaphore, #tpu.memory_space<semaphore_mem>>
      %dma_start3A_731 = tpu.memref_squeeze %dma_start3A_730 : memref<1x!tpu.dma_semaphore, #tpu.memory_space<semaphore_mem>> -> memref<!tpu.dma_semaphore, #tpu.memory_space<semaphore_mem>>
      %dma_start3A_732 = arith.constant 44 : i32
      %dma_start3A_733 = arith.constant 0 : i32
      %dma_start3A_734 = tpu.memref_slice %arg15[%select_n3A_108, %dma_start3A_732, %dma_start3A_733] : memref<2x64x768xf32, #tpu.memory_space<vmem>> -> memref<1x1x768xf32, #tpu.memory_space<vmem>>
      %dma_start3A_735 = tpu.memref_squeeze %dma_start3A_734 : memref<1x1x768xf32, #tpu.memory_space<vmem>> -> memref<1x768xf32, #tpu.memory_space<vmem>>
      %dma_start3A_736 = arith.constant 0 : i32
      %dma_start3A_737 = tpu.memref_slice %arg2[%get3A_729, %dma_start3A_736] : memref<30522x768xf32, #tpu.memory_space<any>> -> memref<1x768xf32, #tpu.memory_space<any>>
      tpu.enqueue_dma source(%dma_start3A_737 : memref<1x768xf32, #tpu.memory_space<any>>) target(%dma_start3A_735 : memref<1x768xf32, #tpu.memory_space<vmem>>) target_semaphore(%dma_start3A_731 : memref<!tpu.dma_semaphore, #tpu.memory_space<semaphore_mem>>)
      %mul3A_738 = arith.constant 64 : i32
      %mul3A_739 = arith.muli %add3A_90, %mul3A_738 : i32
      %add3A_740 = arith.constant 45 : i32
      %add3A_741 = arith.addi %mul3A_739, %add3A_740 : i32
      %get3A_742 = arith.index_cast %add3A_741 : i32 to index
      %get3A_743 = memref.load %arg1[%get3A_742] : memref<512xi32, #tpu.memory_space<smem>>
      %dma_start3A_744 = tpu.memref_slice %arg17[%select_n3A_108] : memref<2x!tpu.dma_semaphore, #tpu.memory_space<semaphore_mem>> -> memref<1x!tpu.dma_semaphore, #tpu.memory_space<semaphore_mem>>
      %dma_start3A_745 = tpu.memref_squeeze %dma_start3A_744 : memref<1x!tpu.dma_semaphore, #tpu.memory_space<semaphore_mem>> -> memref<!tpu.dma_semaphore, #tpu.memory_space<semaphore_mem>>
      %dma_start3A_746 = arith.constant 45 : i32
      %dma_start3A_747 = arith.constant 0 : i32
      %dma_start3A_748 = tpu.memref_slice %arg15[%select_n3A_108, %dma_start3A_746, %dma_start3A_747] : memref<2x64x768xf32, #tpu.memory_space<vmem>> -> memref<1x1x768xf32, #tpu.memory_space<vmem>>
      %dma_start3A_749 = tpu.memref_squeeze %dma_start3A_748 : memref<1x1x768xf32, #tpu.memory_space<vmem>> -> memref<1x768xf32, #tpu.memory_space<vmem>>
      %dma_start3A_750 = arith.constant 0 : i32
      %dma_start3A_751 = tpu.memref_slice %arg2[%get3A_743, %dma_start3A_750] : memref<30522x768xf32, #tpu.memory_space<any>> -> memref<1x768xf32, #tpu.memory_space<any>>
      tpu.enqueue_dma source(%dma_start3A_751 : memref<1x768xf32, #tpu.memory_space<any>>) target(%dma_start3A_749 : memref<1x768xf32, #tpu.memory_space<vmem>>) target_semaphore(%dma_start3A_745 : memref<!tpu.dma_semaphore, #tpu.memory_space<semaphore_mem>>)
      %mul3A_752 = arith.constant 64 : i32
      %mul3A_753 = arith.muli %add3A_90, %mul3A_752 : i32
      %add3A_754 = arith.constant 46 : i32
      %add3A_755 = arith.addi %mul3A_753, %add3A_754 : i32
      %get3A_756 = arith.index_cast %add3A_755 : i32 to index
      %get3A_757 = memref.load %arg1[%get3A_756] : memref<512xi32, #tpu.memory_space<smem>>
      %dma_start3A_758 = tpu.memref_slice %arg17[%select_n3A_108] : memref<2x!tpu.dma_semaphore, #tpu.memory_space<semaphore_mem>> -> memref<1x!tpu.dma_semaphore, #tpu.memory_space<semaphore_mem>>
      %dma_start3A_759 = tpu.memref_squeeze %dma_start3A_758 : memref<1x!tpu.dma_semaphore, #tpu.memory_space<semaphore_mem>> -> memref<!tpu.dma_semaphore, #tpu.memory_space<semaphore_mem>>
      %dma_start3A_760 = arith.constant 46 : i32
      %dma_start3A_761 = arith.constant 0 : i32
      %dma_start3A_762 = tpu.memref_slice %arg15[%select_n3A_108, %dma_start3A_760, %dma_start3A_761] : memref<2x64x768xf32, #tpu.memory_space<vmem>> -> memref<1x1x768xf32, #tpu.memory_space<vmem>>
      %dma_start3A_763 = tpu.memref_squeeze %dma_start3A_762 : memref<1x1x768xf32, #tpu.memory_space<vmem>> -> memref<1x768xf32, #tpu.memory_space<vmem>>
      %dma_start3A_764 = arith.constant 0 : i32
      %dma_start3A_765 = tpu.memref_slice %arg2[%get3A_757, %dma_start3A_764] : memref<30522x768xf32, #tpu.memory_space<any>> -> memref<1x768xf32, #tpu.memory_space<any>>
      tpu.enqueue_dma source(%dma_start3A_765 : memref<1x768xf32, #tpu.memory_space<any>>) target(%dma_start3A_763 : memref<1x768xf32, #tpu.memory_space<vmem>>) target_semaphore(%dma_start3A_759 : memref<!tpu.dma_semaphore, #tpu.memory_space<semaphore_mem>>)
      %mul3A_766 = arith.constant 64 : i32
      %mul3A_767 = arith.muli %add3A_90, %mul3A_766 : i32
      %add3A_768 = arith.constant 47 : i32
      %add3A_769 = arith.addi %mul3A_767, %add3A_768 : i32
      %get3A_770 = arith.index_cast %add3A_769 : i32 to index
      %get3A_771 = memref.load %arg1[%get3A_770] : memref<512xi32, #tpu.memory_space<smem>>
      %dma_start3A_772 = tpu.memref_slice %arg17[%select_n3A_108] : memref<2x!tpu.dma_semaphore, #tpu.memory_space<semaphore_mem>> -> memref<1x!tpu.dma_semaphore, #tpu.memory_space<semaphore_mem>>
      %dma_start3A_773 = tpu.memref_squeeze %dma_start3A_772 : memref<1x!tpu.dma_semaphore, #tpu.memory_space<semaphore_mem>> -> memref<!tpu.dma_semaphore, #tpu.memory_space<semaphore_mem>>
      %dma_start3A_774 = arith.constant 47 : i32
      %dma_start3A_775 = arith.constant 0 : i32
      %dma_start3A_776 = tpu.memref_slice %arg15[%select_n3A_108, %dma_start3A_774, %dma_start3A_775] : memref<2x64x768xf32, #tpu.memory_space<vmem>> -> memref<1x1x768xf32, #tpu.memory_space<vmem>>
      %dma_start3A_777 = tpu.memref_squeeze %dma_start3A_776 : memref<1x1x768xf32, #tpu.memory_space<vmem>> -> memref<1x768xf32, #tpu.memory_space<vmem>>
      %dma_start3A_778 = arith.constant 0 : i32
      %dma_start3A_779 = tpu.memref_slice %arg2[%get3A_771, %dma_start3A_778] : memref<30522x768xf32, #tpu.memory_space<any>> -> memref<1x768xf32, #tpu.memory_space<any>>
      tpu.enqueue_dma source(%dma_start3A_779 : memref<1x768xf32, #tpu.memory_space<any>>) target(%dma_start3A_777 : memref<1x768xf32, #tpu.memory_space<vmem>>) target_semaphore(%dma_start3A_773 : memref<!tpu.dma_semaphore, #tpu.memory_space<semaphore_mem>>)
      %mul3A_780 = arith.constant 64 : i32
      %mul3A_781 = arith.muli %add3A_90, %mul3A_780 : i32
      %add3A_782 = arith.constant 48 : i32
      %add3A_783 = arith.addi %mul3A_781, %add3A_782 : i32
      %get3A_784 = arith.index_cast %add3A_783 : i32 to index
      %get3A_785 = memref.load %arg1[%get3A_784] : memref<512xi32, #tpu.memory_space<smem>>
      %dma_start3A_786 = tpu.memref_slice %arg17[%select_n3A_108] : memref<2x!tpu.dma_semaphore, #tpu.memory_space<semaphore_mem>> -> memref<1x!tpu.dma_semaphore, #tpu.memory_space<semaphore_mem>>
      %dma_start3A_787 = tpu.memref_squeeze %dma_start3A_786 : memref<1x!tpu.dma_semaphore, #tpu.memory_space<semaphore_mem>> -> memref<!tpu.dma_semaphore, #tpu.memory_space<semaphore_mem>>
      %dma_start3A_788 = arith.constant 48 : i32
      %dma_start3A_789 = arith.constant 0 : i32
      %dma_start3A_790 = tpu.memref_slice %arg15[%select_n3A_108, %dma_start3A_788, %dma_start3A_789] : memref<2x64x768xf32, #tpu.memory_space<vmem>> -> memref<1x1x768xf32, #tpu.memory_space<vmem>>
      %dma_start3A_791 = tpu.memref_squeeze %dma_start3A_790 : memref<1x1x768xf32, #tpu.memory_space<vmem>> -> memref<1x768xf32, #tpu.memory_space<vmem>>
      %dma_start3A_792 = arith.constant 0 : i32
      %dma_start3A_793 = tpu.memref_slice %arg2[%get3A_785, %dma_start3A_792] : memref<30522x768xf32, #tpu.memory_space<any>> -> memref<1x768xf32, #tpu.memory_space<any>>
      tpu.enqueue_dma source(%dma_start3A_793 : memref<1x768xf32, #tpu.memory_space<any>>) target(%dma_start3A_791 : memref<1x768xf32, #tpu.memory_space<vmem>>) target_semaphore(%dma_start3A_787 : memref<!tpu.dma_semaphore, #tpu.memory_space<semaphore_mem>>)
      %mul3A_794 = arith.constant 64 : i32
      %mul3A_795 = arith.muli %add3A_90, %mul3A_794 : i32
      %add3A_796 = arith.constant 49 : i32
      %add3A_797 = arith.addi %mul3A_795, %add3A_796 : i32
      %get3A_798 = arith.index_cast %add3A_797 : i32 to index
      %get3A_799 = memref.load %arg1[%get3A_798] : memref<512xi32, #tpu.memory_space<smem>>
      %dma_start3A_800 = tpu.memref_slice %arg17[%select_n3A_108] : memref<2x!tpu.dma_semaphore, #tpu.memory_space<semaphore_mem>> -> memref<1x!tpu.dma_semaphore, #tpu.memory_space<semaphore_mem>>
      %dma_start3A_801 = tpu.memref_squeeze %dma_start3A_800 : memref<1x!tpu.dma_semaphore, #tpu.memory_space<semaphore_mem>> -> memref<!tpu.dma_semaphore, #tpu.memory_space<semaphore_mem>>
      %dma_start3A_802 = arith.constant 49 : i32
      %dma_start3A_803 = arith.constant 0 : i32
      %dma_start3A_804 = tpu.memref_slice %arg15[%select_n3A_108, %dma_start3A_802, %dma_start3A_803] : memref<2x64x768xf32, #tpu.memory_space<vmem>> -> memref<1x1x768xf32, #tpu.memory_space<vmem>>
      %dma_start3A_805 = tpu.memref_squeeze %dma_start3A_804 : memref<1x1x768xf32, #tpu.memory_space<vmem>> -> memref<1x768xf32, #tpu.memory_space<vmem>>
      %dma_start3A_806 = arith.constant 0 : i32
      %dma_start3A_807 = tpu.memref_slice %arg2[%get3A_799, %dma_start3A_806] : memref<30522x768xf32, #tpu.memory_space<any>> -> memref<1x768xf32, #tpu.memory_space<any>>
      tpu.enqueue_dma source(%dma_start3A_807 : memref<1x768xf32, #tpu.memory_space<any>>) target(%dma_start3A_805 : memref<1x768xf32, #tpu.memory_space<vmem>>) target_semaphore(%dma_start3A_801 : memref<!tpu.dma_semaphore, #tpu.memory_space<semaphore_mem>>)
      %mul3A_808 = arith.constant 64 : i32
      %mul3A_809 = arith.muli %add3A_90, %mul3A_808 : i32
      %add3A_810 = arith.constant 50 : i32
      %add3A_811 = arith.addi %mul3A_809, %add3A_810 : i32
      %get3A_812 = arith.index_cast %add3A_811 : i32 to index
      %get3A_813 = memref.load %arg1[%get3A_812] : memref<512xi32, #tpu.memory_space<smem>>
      %dma_start3A_814 = tpu.memref_slice %arg17[%select_n3A_108] : memref<2x!tpu.dma_semaphore, #tpu.memory_space<semaphore_mem>> -> memref<1x!tpu.dma_semaphore, #tpu.memory_space<semaphore_mem>>
      %dma_start3A_815 = tpu.memref_squeeze %dma_start3A_814 : memref<1x!tpu.dma_semaphore, #tpu.memory_space<semaphore_mem>> -> memref<!tpu.dma_semaphore, #tpu.memory_space<semaphore_mem>>
      %dma_start3A_816 = arith.constant 50 : i32
      %dma_start3A_817 = arith.constant 0 : i32
      %dma_start3A_818 = tpu.memref_slice %arg15[%select_n3A_108, %dma_start3A_816, %dma_start3A_817] : memref<2x64x768xf32, #tpu.memory_space<vmem>> -> memref<1x1x768xf32, #tpu.memory_space<vmem>>
      %dma_start3A_819 = tpu.memref_squeeze %dma_start3A_818 : memref<1x1x768xf32, #tpu.memory_space<vmem>> -> memref<1x768xf32, #tpu.memory_space<vmem>>
      %dma_start3A_820 = arith.constant 0 : i32
      %dma_start3A_821 = tpu.memref_slice %arg2[%get3A_813, %dma_start3A_820] : memref<30522x768xf32, #tpu.memory_space<any>> -> memref<1x768xf32, #tpu.memory_space<any>>
      tpu.enqueue_dma source(%dma_start3A_821 : memref<1x768xf32, #tpu.memory_space<any>>) target(%dma_start3A_819 : memref<1x768xf32, #tpu.memory_space<vmem>>) target_semaphore(%dma_start3A_815 : memref<!tpu.dma_semaphore, #tpu.memory_space<semaphore_mem>>)
      %mul3A_822 = arith.constant 64 : i32
      %mul3A_823 = arith.muli %add3A_90, %mul3A_822 : i32
      %add3A_824 = arith.constant 51 : i32
      %add3A_825 = arith.addi %mul3A_823, %add3A_824 : i32
      %get3A_826 = arith.index_cast %add3A_825 : i32 to index
      %get3A_827 = memref.load %arg1[%get3A_826] : memref<512xi32, #tpu.memory_space<smem>>
      %dma_start3A_828 = tpu.memref_slice %arg17[%select_n3A_108] : memref<2x!tpu.dma_semaphore, #tpu.memory_space<semaphore_mem>> -> memref<1x!tpu.dma_semaphore, #tpu.memory_space<semaphore_mem>>
      %dma_start3A_829 = tpu.memref_squeeze %dma_start3A_828 : memref<1x!tpu.dma_semaphore, #tpu.memory_space<semaphore_mem>> -> memref<!tpu.dma_semaphore, #tpu.memory_space<semaphore_mem>>
      %dma_start3A_830 = arith.constant 51 : i32
      %dma_start3A_831 = arith.constant 0 : i32
      %dma_start3A_832 = tpu.memref_slice %arg15[%select_n3A_108, %dma_start3A_830, %dma_start3A_831] : memref<2x64x768xf32, #tpu.memory_space<vmem>> -> memref<1x1x768xf32, #tpu.memory_space<vmem>>
      %dma_start3A_833 = tpu.memref_squeeze %dma_start3A_832 : memref<1x1x768xf32, #tpu.memory_space<vmem>> -> memref<1x768xf32, #tpu.memory_space<vmem>>
      %dma_start3A_834 = arith.constant 0 : i32
      %dma_start3A_835 = tpu.memref_slice %arg2[%get3A_827, %dma_start3A_834] : memref<30522x768xf32, #tpu.memory_space<any>> -> memref<1x768xf32, #tpu.memory_space<any>>
      tpu.enqueue_dma source(%dma_start3A_835 : memref<1x768xf32, #tpu.memory_space<any>>) target(%dma_start3A_833 : memref<1x768xf32, #tpu.memory_space<vmem>>) target_semaphore(%dma_start3A_829 : memref<!tpu.dma_semaphore, #tpu.memory_space<semaphore_mem>>)
      %mul3A_836 = arith.constant 64 : i32
      %mul3A_837 = arith.muli %add3A_90, %mul3A_836 : i32
      %add3A_838 = arith.constant 52 : i32
      %add3A_839 = arith.addi %mul3A_837, %add3A_838 : i32
      %get3A_840 = arith.index_cast %add3A_839 : i32 to index
      %get3A_841 = memref.load %arg1[%get3A_840] : memref<512xi32, #tpu.memory_space<smem>>
      %dma_start3A_842 = tpu.memref_slice %arg17[%select_n3A_108] : memref<2x!tpu.dma_semaphore, #tpu.memory_space<semaphore_mem>> -> memref<1x!tpu.dma_semaphore, #tpu.memory_space<semaphore_mem>>
      %dma_start3A_843 = tpu.memref_squeeze %dma_start3A_842 : memref<1x!tpu.dma_semaphore, #tpu.memory_space<semaphore_mem>> -> memref<!tpu.dma_semaphore, #tpu.memory_space<semaphore_mem>>
      %dma_start3A_844 = arith.constant 52 : i32
      %dma_start3A_845 = arith.constant 0 : i32
      %dma_start3A_846 = tpu.memref_slice %arg15[%select_n3A_108, %dma_start3A_844, %dma_start3A_845] : memref<2x64x768xf32, #tpu.memory_space<vmem>> -> memref<1x1x768xf32, #tpu.memory_space<vmem>>
      %dma_start3A_847 = tpu.memref_squeeze %dma_start3A_846 : memref<1x1x768xf32, #tpu.memory_space<vmem>> -> memref<1x768xf32, #tpu.memory_space<vmem>>
      %dma_start3A_848 = arith.constant 0 : i32
      %dma_start3A_849 = tpu.memref_slice %arg2[%get3A_841, %dma_start3A_848] : memref<30522x768xf32, #tpu.memory_space<any>> -> memref<1x768xf32, #tpu.memory_space<any>>
      tpu.enqueue_dma source(%dma_start3A_849 : memref<1x768xf32, #tpu.memory_space<any>>) target(%dma_start3A_847 : memref<1x768xf32, #tpu.memory_space<vmem>>) target_semaphore(%dma_start3A_843 : memref<!tpu.dma_semaphore, #tpu.memory_space<semaphore_mem>>)
      %mul3A_850 = arith.constant 64 : i32
      %mul3A_851 = arith.muli %add3A_90, %mul3A_850 : i32
      %add3A_852 = arith.constant 53 : i32
      %add3A_853 = arith.addi %mul3A_851, %add3A_852 : i32
      %get3A_854 = arith.index_cast %add3A_853 : i32 to index
      %get3A_855 = memref.load %arg1[%get3A_854] : memref<512xi32, #tpu.memory_space<smem>>
      %dma_start3A_856 = tpu.memref_slice %arg17[%select_n3A_108] : memref<2x!tpu.dma_semaphore, #tpu.memory_space<semaphore_mem>> -> memref<1x!tpu.dma_semaphore, #tpu.memory_space<semaphore_mem>>
      %dma_start3A_857 = tpu.memref_squeeze %dma_start3A_856 : memref<1x!tpu.dma_semaphore, #tpu.memory_space<semaphore_mem>> -> memref<!tpu.dma_semaphore, #tpu.memory_space<semaphore_mem>>
      %dma_start3A_858 = arith.constant 53 : i32
      %dma_start3A_859 = arith.constant 0 : i32
      %dma_start3A_860 = tpu.memref_slice %arg15[%select_n3A_108, %dma_start3A_858, %dma_start3A_859] : memref<2x64x768xf32, #tpu.memory_space<vmem>> -> memref<1x1x768xf32, #tpu.memory_space<vmem>>
      %dma_start3A_861 = tpu.memref_squeeze %dma_start3A_860 : memref<1x1x768xf32, #tpu.memory_space<vmem>> -> memref<1x768xf32, #tpu.memory_space<vmem>>
      %dma_start3A_862 = arith.constant 0 : i32
      %dma_start3A_863 = tpu.memref_slice %arg2[%get3A_855, %dma_start3A_862] : memref<30522x768xf32, #tpu.memory_space<any>> -> memref<1x768xf32, #tpu.memory_space<any>>
      tpu.enqueue_dma source(%dma_start3A_863 : memref<1x768xf32, #tpu.memory_space<any>>) target(%dma_start3A_861 : memref<1x768xf32, #tpu.memory_space<vmem>>) target_semaphore(%dma_start3A_857 : memref<!tpu.dma_semaphore, #tpu.memory_space<semaphore_mem>>)
      %mul3A_864 = arith.constant 64 : i32
      %mul3A_865 = arith.muli %add3A_90, %mul3A_864 : i32
      %add3A_866 = arith.constant 54 : i32
      %add3A_867 = arith.addi %mul3A_865, %add3A_866 : i32
      %get3A_868 = arith.index_cast %add3A_867 : i32 to index
      %get3A_869 = memref.load %arg1[%get3A_868] : memref<512xi32, #tpu.memory_space<smem>>
      %dma_start3A_870 = tpu.memref_slice %arg17[%select_n3A_108] : memref<2x!tpu.dma_semaphore, #tpu.memory_space<semaphore_mem>> -> memref<1x!tpu.dma_semaphore, #tpu.memory_space<semaphore_mem>>
      %dma_start3A_871 = tpu.memref_squeeze %dma_start3A_870 : memref<1x!tpu.dma_semaphore, #tpu.memory_space<semaphore_mem>> -> memref<!tpu.dma_semaphore, #tpu.memory_space<semaphore_mem>>
      %dma_start3A_872 = arith.constant 54 : i32
      %dma_start3A_873 = arith.constant 0 : i32
      %dma_start3A_874 = tpu.memref_slice %arg15[%select_n3A_108, %dma_start3A_872, %dma_start3A_873] : memref<2x64x768xf32, #tpu.memory_space<vmem>> -> memref<1x1x768xf32, #tpu.memory_space<vmem>>
      %dma_start3A_875 = tpu.memref_squeeze %dma_start3A_874 : memref<1x1x768xf32, #tpu.memory_space<vmem>> -> memref<1x768xf32, #tpu.memory_space<vmem>>
      %dma_start3A_876 = arith.constant 0 : i32
      %dma_start3A_877 = tpu.memref_slice %arg2[%get3A_869, %dma_start3A_876] : memref<30522x768xf32, #tpu.memory_space<any>> -> memref<1x768xf32, #tpu.memory_space<any>>
      tpu.enqueue_dma source(%dma_start3A_877 : memref<1x768xf32, #tpu.memory_space<any>>) target(%dma_start3A_875 : memref<1x768xf32, #tpu.memory_space<vmem>>) target_semaphore(%dma_start3A_871 : memref<!tpu.dma_semaphore, #tpu.memory_space<semaphore_mem>>)
      %mul3A_878 = arith.constant 64 : i32
      %mul3A_879 = arith.muli %add3A_90, %mul3A_878 : i32
      %add3A_880 = arith.constant 55 : i32
      %add3A_881 = arith.addi %mul3A_879, %add3A_880 : i32
      %get3A_882 = arith.index_cast %add3A_881 : i32 to index
      %get3A_883 = memref.load %arg1[%get3A_882] : memref<512xi32, #tpu.memory_space<smem>>
      %dma_start3A_884 = tpu.memref_slice %arg17[%select_n3A_108] : memref<2x!tpu.dma_semaphore, #tpu.memory_space<semaphore_mem>> -> memref<1x!tpu.dma_semaphore, #tpu.memory_space<semaphore_mem>>
      %dma_start3A_885 = tpu.memref_squeeze %dma_start3A_884 : memref<1x!tpu.dma_semaphore, #tpu.memory_space<semaphore_mem>> -> memref<!tpu.dma_semaphore, #tpu.memory_space<semaphore_mem>>
      %dma_start3A_886 = arith.constant 55 : i32
      %dma_start3A_887 = arith.constant 0 : i32
      %dma_start3A_888 = tpu.memref_slice %arg15[%select_n3A_108, %dma_start3A_886, %dma_start3A_887] : memref<2x64x768xf32, #tpu.memory_space<vmem>> -> memref<1x1x768xf32, #tpu.memory_space<vmem>>
      %dma_start3A_889 = tpu.memref_squeeze %dma_start3A_888 : memref<1x1x768xf32, #tpu.memory_space<vmem>> -> memref<1x768xf32, #tpu.memory_space<vmem>>
      %dma_start3A_890 = arith.constant 0 : i32
      %dma_start3A_891 = tpu.memref_slice %arg2[%get3A_883, %dma_start3A_890] : memref<30522x768xf32, #tpu.memory_space<any>> -> memref<1x768xf32, #tpu.memory_space<any>>
      tpu.enqueue_dma source(%dma_start3A_891 : memref<1x768xf32, #tpu.memory_space<any>>) target(%dma_start3A_889 : memref<1x768xf32, #tpu.memory_space<vmem>>) target_semaphore(%dma_start3A_885 : memref<!tpu.dma_semaphore, #tpu.memory_space<semaphore_mem>>)
      %mul3A_892 = arith.constant 64 : i32
      %mul3A_893 = arith.muli %add3A_90, %mul3A_892 : i32
      %add3A_894 = arith.constant 56 : i32
      %add3A_895 = arith.addi %mul3A_893, %add3A_894 : i32
      %get3A_896 = arith.index_cast %add3A_895 : i32 to index
      %get3A_897 = memref.load %arg1[%get3A_896] : memref<512xi32, #tpu.memory_space<smem>>
      %dma_start3A_898 = tpu.memref_slice %arg17[%select_n3A_108] : memref<2x!tpu.dma_semaphore, #tpu.memory_space<semaphore_mem>> -> memref<1x!tpu.dma_semaphore, #tpu.memory_space<semaphore_mem>>
      %dma_start3A_899 = tpu.memref_squeeze %dma_start3A_898 : memref<1x!tpu.dma_semaphore, #tpu.memory_space<semaphore_mem>> -> memref<!tpu.dma_semaphore, #tpu.memory_space<semaphore_mem>>
      %dma_start3A_900 = arith.constant 56 : i32
      %dma_start3A_901 = arith.constant 0 : i32
      %dma_start3A_902 = tpu.memref_slice %arg15[%select_n3A_108, %dma_start3A_900, %dma_start3A_901] : memref<2x64x768xf32, #tpu.memory_space<vmem>> -> memref<1x1x768xf32, #tpu.memory_space<vmem>>
      %dma_start3A_903 = tpu.memref_squeeze %dma_start3A_902 : memref<1x1x768xf32, #tpu.memory_space<vmem>> -> memref<1x768xf32, #tpu.memory_space<vmem>>
      %dma_start3A_904 = arith.constant 0 : i32
      %dma_start3A_905 = tpu.memref_slice %arg2[%get3A_897, %dma_start3A_904] : memref<30522x768xf32, #tpu.memory_space<any>> -> memref<1x768xf32, #tpu.memory_space<any>>
      tpu.enqueue_dma source(%dma_start3A_905 : memref<1x768xf32, #tpu.memory_space<any>>) target(%dma_start3A_903 : memref<1x768xf32, #tpu.memory_space<vmem>>) target_semaphore(%dma_start3A_899 : memref<!tpu.dma_semaphore, #tpu.memory_space<semaphore_mem>>)
      %mul3A_906 = arith.constant 64 : i32
      %mul3A_907 = arith.muli %add3A_90, %mul3A_906 : i32
      %add3A_908 = arith.constant 57 : i32
      %add3A_909 = arith.addi %mul3A_907, %add3A_908 : i32
      %get3A_910 = arith.index_cast %add3A_909 : i32 to index
      %get3A_911 = memref.load %arg1[%get3A_910] : memref<512xi32, #tpu.memory_space<smem>>
      %dma_start3A_912 = tpu.memref_slice %arg17[%select_n3A_108] : memref<2x!tpu.dma_semaphore, #tpu.memory_space<semaphore_mem>> -> memref<1x!tpu.dma_semaphore, #tpu.memory_space<semaphore_mem>>
      %dma_start3A_913 = tpu.memref_squeeze %dma_start3A_912 : memref<1x!tpu.dma_semaphore, #tpu.memory_space<semaphore_mem>> -> memref<!tpu.dma_semaphore, #tpu.memory_space<semaphore_mem>>
      %dma_start3A_914 = arith.constant 57 : i32
      %dma_start3A_915 = arith.constant 0 : i32
      %dma_start3A_916 = tpu.memref_slice %arg15[%select_n3A_108, %dma_start3A_914, %dma_start3A_915] : memref<2x64x768xf32, #tpu.memory_space<vmem>> -> memref<1x1x768xf32, #tpu.memory_space<vmem>>
      %dma_start3A_917 = tpu.memref_squeeze %dma_start3A_916 : memref<1x1x768xf32, #tpu.memory_space<vmem>> -> memref<1x768xf32, #tpu.memory_space<vmem>>
      %dma_start3A_918 = arith.constant 0 : i32
      %dma_start3A_919 = tpu.memref_slice %arg2[%get3A_911, %dma_start3A_918] : memref<30522x768xf32, #tpu.memory_space<any>> -> memref<1x768xf32, #tpu.memory_space<any>>
      tpu.enqueue_dma source(%dma_start3A_919 : memref<1x768xf32, #tpu.memory_space<any>>) target(%dma_start3A_917 : memref<1x768xf32, #tpu.memory_space<vmem>>) target_semaphore(%dma_start3A_913 : memref<!tpu.dma_semaphore, #tpu.memory_space<semaphore_mem>>)
      %mul3A_920 = arith.constant 64 : i32
      %mul3A_921 = arith.muli %add3A_90, %mul3A_920 : i32
      %add3A_922 = arith.constant 58 : i32
      %add3A_923 = arith.addi %mul3A_921, %add3A_922 : i32
      %get3A_924 = arith.index_cast %add3A_923 : i32 to index
      %get3A_925 = memref.load %arg1[%get3A_924] : memref<512xi32, #tpu.memory_space<smem>>
      %dma_start3A_926 = tpu.memref_slice %arg17[%select_n3A_108] : memref<2x!tpu.dma_semaphore, #tpu.memory_space<semaphore_mem>> -> memref<1x!tpu.dma_semaphore, #tpu.memory_space<semaphore_mem>>
      %dma_start3A_927 = tpu.memref_squeeze %dma_start3A_926 : memref<1x!tpu.dma_semaphore, #tpu.memory_space<semaphore_mem>> -> memref<!tpu.dma_semaphore, #tpu.memory_space<semaphore_mem>>
      %dma_start3A_928 = arith.constant 58 : i32
      %dma_start3A_929 = arith.constant 0 : i32
      %dma_start3A_930 = tpu.memref_slice %arg15[%select_n3A_108, %dma_start3A_928, %dma_start3A_929] : memref<2x64x768xf32, #tpu.memory_space<vmem>> -> memref<1x1x768xf32, #tpu.memory_space<vmem>>
      %dma_start3A_931 = tpu.memref_squeeze %dma_start3A_930 : memref<1x1x768xf32, #tpu.memory_space<vmem>> -> memref<1x768xf32, #tpu.memory_space<vmem>>
      %dma_start3A_932 = arith.constant 0 : i32
      %dma_start3A_933 = tpu.memref_slice %arg2[%get3A_925, %dma_start3A_932] : memref<30522x768xf32, #tpu.memory_space<any>> -> memref<1x768xf32, #tpu.memory_space<any>>
      tpu.enqueue_dma source(%dma_start3A_933 : memref<1x768xf32, #tpu.memory_space<any>>) target(%dma_start3A_931 : memref<1x768xf32, #tpu.memory_space<vmem>>) target_semaphore(%dma_start3A_927 : memref<!tpu.dma_semaphore, #tpu.memory_space<semaphore_mem>>)
      %mul3A_934 = arith.constant 64 : i32
      %mul3A_935 = arith.muli %add3A_90, %mul3A_934 : i32
      %add3A_936 = arith.constant 59 : i32
      %add3A_937 = arith.addi %mul3A_935, %add3A_936 : i32
      %get3A_938 = arith.index_cast %add3A_937 : i32 to index
      %get3A_939 = memref.load %arg1[%get3A_938] : memref<512xi32, #tpu.memory_space<smem>>
      %dma_start3A_940 = tpu.memref_slice %arg17[%select_n3A_108] : memref<2x!tpu.dma_semaphore, #tpu.memory_space<semaphore_mem>> -> memref<1x!tpu.dma_semaphore, #tpu.memory_space<semaphore_mem>>
      %dma_start3A_941 = tpu.memref_squeeze %dma_start3A_940 : memref<1x!tpu.dma_semaphore, #tpu.memory_space<semaphore_mem>> -> memref<!tpu.dma_semaphore, #tpu.memory_space<semaphore_mem>>
      %dma_start3A_942 = arith.constant 59 : i32
      %dma_start3A_943 = arith.constant 0 : i32
      %dma_start3A_944 = tpu.memref_slice %arg15[%select_n3A_108, %dma_start3A_942, %dma_start3A_943] : memref<2x64x768xf32, #tpu.memory_space<vmem>> -> memref<1x1x768xf32, #tpu.memory_space<vmem>>
      %dma_start3A_945 = tpu.memref_squeeze %dma_start3A_944 : memref<1x1x768xf32, #tpu.memory_space<vmem>> -> memref<1x768xf32, #tpu.memory_space<vmem>>
      %dma_start3A_946 = arith.constant 0 : i32
      %dma_start3A_947 = tpu.memref_slice %arg2[%get3A_939, %dma_start3A_946] : memref<30522x768xf32, #tpu.memory_space<any>> -> memref<1x768xf32, #tpu.memory_space<any>>
      tpu.enqueue_dma source(%dma_start3A_947 : memref<1x768xf32, #tpu.memory_space<any>>) target(%dma_start3A_945 : memref<1x768xf32, #tpu.memory_space<vmem>>) target_semaphore(%dma_start3A_941 : memref<!tpu.dma_semaphore, #tpu.memory_space<semaphore_mem>>)
      %mul3A_948 = arith.constant 64 : i32
      %mul3A_949 = arith.muli %add3A_90, %mul3A_948 : i32
      %add3A_950 = arith.constant 60 : i32
      %add3A_951 = arith.addi %mul3A_949, %add3A_950 : i32
      %get3A_952 = arith.index_cast %add3A_951 : i32 to index
      %get3A_953 = memref.load %arg1[%get3A_952] : memref<512xi32, #tpu.memory_space<smem>>
      %dma_start3A_954 = tpu.memref_slice %arg17[%select_n3A_108] : memref<2x!tpu.dma_semaphore, #tpu.memory_space<semaphore_mem>> -> memref<1x!tpu.dma_semaphore, #tpu.memory_space<semaphore_mem>>
      %dma_start3A_955 = tpu.memref_squeeze %dma_start3A_954 : memref<1x!tpu.dma_semaphore, #tpu.memory_space<semaphore_mem>> -> memref<!tpu.dma_semaphore, #tpu.memory_space<semaphore_mem>>
      %dma_start3A_956 = arith.constant 60 : i32
      %dma_start3A_957 = arith.constant 0 : i32
      %dma_start3A_958 = tpu.memref_slice %arg15[%select_n3A_108, %dma_start3A_956, %dma_start3A_957] : memref<2x64x768xf32, #tpu.memory_space<vmem>> -> memref<1x1x768xf32, #tpu.memory_space<vmem>>
      %dma_start3A_959 = tpu.memref_squeeze %dma_start3A_958 : memref<1x1x768xf32, #tpu.memory_space<vmem>> -> memref<1x768xf32, #tpu.memory_space<vmem>>
      %dma_start3A_960 = arith.constant 0 : i32
      %dma_start3A_961 = tpu.memref_slice %arg2[%get3A_953, %dma_start3A_960] : memref<30522x768xf32, #tpu.memory_space<any>> -> memref<1x768xf32, #tpu.memory_space<any>>
      tpu.enqueue_dma source(%dma_start3A_961 : memref<1x768xf32, #tpu.memory_space<any>>) target(%dma_start3A_959 : memref<1x768xf32, #tpu.memory_space<vmem>>) target_semaphore(%dma_start3A_955 : memref<!tpu.dma_semaphore, #tpu.memory_space<semaphore_mem>>)
      %mul3A_962 = arith.constant 64 : i32
      %mul3A_963 = arith.muli %add3A_90, %mul3A_962 : i32
      %add3A_964 = arith.constant 61 : i32
      %add3A_965 = arith.addi %mul3A_963, %add3A_964 : i32
      %get3A_966 = arith.index_cast %add3A_965 : i32 to index
      %get3A_967 = memref.load %arg1[%get3A_966] : memref<512xi32, #tpu.memory_space<smem>>
      %dma_start3A_968 = tpu.memref_slice %arg17[%select_n3A_108] : memref<2x!tpu.dma_semaphore, #tpu.memory_space<semaphore_mem>> -> memref<1x!tpu.dma_semaphore, #tpu.memory_space<semaphore_mem>>
      %dma_start3A_969 = tpu.memref_squeeze %dma_start3A_968 : memref<1x!tpu.dma_semaphore, #tpu.memory_space<semaphore_mem>> -> memref<!tpu.dma_semaphore, #tpu.memory_space<semaphore_mem>>
      %dma_start3A_970 = arith.constant 61 : i32
      %dma_start3A_971 = arith.constant 0 : i32
      %dma_start3A_972 = tpu.memref_slice %arg15[%select_n3A_108, %dma_start3A_970, %dma_start3A_971] : memref<2x64x768xf32, #tpu.memory_space<vmem>> -> memref<1x1x768xf32, #tpu.memory_space<vmem>>
      %dma_start3A_973 = tpu.memref_squeeze %dma_start3A_972 : memref<1x1x768xf32, #tpu.memory_space<vmem>> -> memref<1x768xf32, #tpu.memory_space<vmem>>
      %dma_start3A_974 = arith.constant 0 : i32
      %dma_start3A_975 = tpu.memref_slice %arg2[%get3A_967, %dma_start3A_974] : memref<30522x768xf32, #tpu.memory_space<any>> -> memref<1x768xf32, #tpu.memory_space<any>>
      tpu.enqueue_dma source(%dma_start3A_975 : memref<1x768xf32, #tpu.memory_space<any>>) target(%dma_start3A_973 : memref<1x768xf32, #tpu.memory_space<vmem>>) target_semaphore(%dma_start3A_969 : memref<!tpu.dma_semaphore, #tpu.memory_space<semaphore_mem>>)
      %mul3A_976 = arith.constant 64 : i32
      %mul3A_977 = arith.muli %add3A_90, %mul3A_976 : i32
      %add3A_978 = arith.constant 62 : i32
      %add3A_979 = arith.addi %mul3A_977, %add3A_978 : i32
      %get3A_980 = arith.index_cast %add3A_979 : i32 to index
      %get3A_981 = memref.load %arg1[%get3A_980] : memref<512xi32, #tpu.memory_space<smem>>
      %dma_start3A_982 = tpu.memref_slice %arg17[%select_n3A_108] : memref<2x!tpu.dma_semaphore, #tpu.memory_space<semaphore_mem>> -> memref<1x!tpu.dma_semaphore, #tpu.memory_space<semaphore_mem>>
      %dma_start3A_983 = tpu.memref_squeeze %dma_start3A_982 : memref<1x!tpu.dma_semaphore, #tpu.memory_space<semaphore_mem>> -> memref<!tpu.dma_semaphore, #tpu.memory_space<semaphore_mem>>
      %dma_start3A_984 = arith.constant 62 : i32
      %dma_start3A_985 = arith.constant 0 : i32
      %dma_start3A_986 = tpu.memref_slice %arg15[%select_n3A_108, %dma_start3A_984, %dma_start3A_985] : memref<2x64x768xf32, #tpu.memory_space<vmem>> -> memref<1x1x768xf32, #tpu.memory_space<vmem>>
      %dma_start3A_987 = tpu.memref_squeeze %dma_start3A_986 : memref<1x1x768xf32, #tpu.memory_space<vmem>> -> memref<1x768xf32, #tpu.memory_space<vmem>>
      %dma_start3A_988 = arith.constant 0 : i32
      %dma_start3A_989 = tpu.memref_slice %arg2[%get3A_981, %dma_start3A_988] : memref<30522x768xf32, #tpu.memory_space<any>> -> memref<1x768xf32, #tpu.memory_space<any>>
      tpu.enqueue_dma source(%dma_start3A_989 : memref<1x768xf32, #tpu.memory_space<any>>) target(%dma_start3A_987 : memref<1x768xf32, #tpu.memory_space<vmem>>) target_semaphore(%dma_start3A_983 : memref<!tpu.dma_semaphore, #tpu.memory_space<semaphore_mem>>)
      %mul3A_990 = arith.constant 64 : i32
      %mul3A_991 = arith.muli %add3A_90, %mul3A_990 : i32
      %add3A_992 = arith.constant 63 : i32
      %add3A_993 = arith.addi %mul3A_991, %add3A_992 : i32
      %get3A_994 = arith.index_cast %add3A_993 : i32 to index
      %get3A_995 = memref.load %arg1[%get3A_994] : memref<512xi32, #tpu.memory_space<smem>>
      %dma_start3A_996 = tpu.memref_slice %arg17[%select_n3A_108] : memref<2x!tpu.dma_semaphore, #tpu.memory_space<semaphore_mem>> -> memref<1x!tpu.dma_semaphore, #tpu.memory_space<semaphore_mem>>
      %dma_start3A_997 = tpu.memref_squeeze %dma_start3A_996 : memref<1x!tpu.dma_semaphore, #tpu.memory_space<semaphore_mem>> -> memref<!tpu.dma_semaphore, #tpu.memory_space<semaphore_mem>>
      %dma_start3A_998 = arith.constant 63 : i32
      %dma_start3A_999 = arith.constant 0 : i32
      %dma_start3A_1000 = tpu.memref_slice %arg15[%select_n3A_108, %dma_start3A_998, %dma_start3A_999] : memref<2x64x768xf32, #tpu.memory_space<vmem>> -> memref<1x1x768xf32, #tpu.memory_space<vmem>>
      %dma_start3A_1001 = tpu.memref_squeeze %dma_start3A_1000 : memref<1x1x768xf32, #tpu.memory_space<vmem>> -> memref<1x768xf32, #tpu.memory_space<vmem>>
      %dma_start3A_1002 = arith.constant 0 : i32
      %dma_start3A_1003 = tpu.memref_slice %arg2[%get3A_995, %dma_start3A_1002] : memref<30522x768xf32, #tpu.memory_space<any>> -> memref<1x768xf32, #tpu.memory_space<any>>
      tpu.enqueue_dma source(%dma_start3A_1003 : memref<1x768xf32, #tpu.memory_space<any>>) target(%dma_start3A_1001 : memref<1x768xf32, #tpu.memory_space<vmem>>) target_semaphore(%dma_start3A_997 : memref<!tpu.dma_semaphore, #tpu.memory_space<semaphore_mem>>)
    } else {
    }
    %jit3A = arith.constant 2 : i32
    %eq3A_7 = arith.constant 0 : i32
    %eq3A_8 = arith.cmpi eq, %jit3A, %eq3A_7 : i32
    %jit3A_9 = arith.constant 1 : i32
    %select_n3A = arith.select %eq3A_8, %jit3A_9, %jit3A : i32
    %rem3A = arith.remsi %arg0, %select_n3A : i32
    %ne3A = arith.constant 0 : i32
    %ne3A_10 = arith.cmpi ne, %rem3A, %ne3A : i32
    %lt3A_11 = arith.constant 0 : i32
    %lt3A_12 = arith.cmpi slt, %rem3A, %lt3A_11 : i32
    %lt3A_13 = arith.constant 0 : i32
    %lt3A_14 = arith.cmpi slt, %select_n3A, %lt3A_13 : i32
    %ne3A_15 = arith.xori %lt3A_12, %lt3A_14 : i1
    %and3A = arith.andi %ne3A_15, %ne3A_10 : i1
    %add3A_16 = arith.addi %rem3A, %select_n3A : i32
    %select_n3A_17 = arith.select %and3A, %add3A_16, %rem3A : i32
    %dma_wait3A = tpu.memref_slice %arg17[%select_n3A_17] : memref<2x!tpu.dma_semaphore, #tpu.memory_space<semaphore_mem>> -> memref<1x!tpu.dma_semaphore, #tpu.memory_space<semaphore_mem>>
    %dma_wait3A_18 = tpu.memref_squeeze %dma_wait3A : memref<1x!tpu.dma_semaphore, #tpu.memory_space<semaphore_mem>> -> memref<!tpu.dma_semaphore, #tpu.memory_space<semaphore_mem>>
    %dma_wait3A_19 = arith.constant 0 : i32
    %dma_wait3A_20 = arith.constant 0 : i32
    %dma_wait3A_21 = tpu.memref_slice %arg15[%select_n3A_17, %dma_wait3A_19, %dma_wait3A_20] : memref<2x64x768xf32, #tpu.memory_space<vmem>> -> memref<1x64x768xf32, #tpu.memory_space<vmem>>
    %dma_wait3A_22 = tpu.memref_squeeze %dma_wait3A_21 : memref<1x64x768xf32, #tpu.memory_space<vmem>> -> memref<64x768xf32, #tpu.memory_space<vmem>>
    %dma_wait3A_23 = arith.constant 0 : i32
    %dma_wait3A_24 = arith.constant 0 : i32
    %dma_wait3A_25 = tpu.memref_slice %arg2[%dma_wait3A_23, %dma_wait3A_24] : memref<30522x768xf32, #tpu.memory_space<any>> -> memref<64x768xf32, #tpu.memory_space<any>>
    tpu.wait_dma2 semaphore(%dma_wait3A_18 : memref<!tpu.dma_semaphore, #tpu.memory_space<semaphore_mem>>) src(%dma_wait3A_25 : memref<64x768xf32, #tpu.memory_space<any>>) dst(%dma_wait3A_22 : memref<64x768xf32, #tpu.memory_space<vmem>>)
    %get3A = arith.index_cast %select_n3A_17 : i32 to index
    %get3A_26 = arith.constant 0 : index
    %get3A_27 = arith.constant 0 : index
    %get3A_28 = vector.load %arg15[%get3A, %get3A_26, %get3A_27] : memref<2x64x768xf32, #tpu.memory_space<vmem>>, vector<1x64x768xf32>
    %get3A_29 = vector.shape_cast %get3A_28 : vector<1x64x768xf32> to vector<64x768xf32>
    %get3A_30 = arith.constant 0 : index
    %get3A_31 = arith.constant 0 : index
    %get3A_32 = arith.constant 0 : index
    %get3A_33 = vector.load %arg3[%get3A_30, %get3A_31, %get3A_32] : memref<1x1536x768xf32, #tpu.memory_space<vmem>>, vector<1x1536x768xf32>
    %get3A_34 = vector.shape_cast %get3A_33 : vector<1x1536x768xf32> to vector<1536x768xf32>
    %dot_general3A = arith.constant dense<0.000000e+00> : vector<64x1536xf32>
    %dot_general3A_35 = tpu.matmul %get3A_29, %get3A_34, %dot_general3A {dimension_numbers = #tpu.dot_dimension_numbers<[1], [1], [0], [0], [0, 0, 1, 0], [], []>, transpose_lhs_hint = false} : vector<64x768xf32>, vector<1536x768xf32>, vector<64x1536xf32> -> vector<64x1536xf32>
    %get3A_36 = arith.constant 0 : index
    %get3A_37 = arith.constant 0 : index
    %get3A_38 = arith.constant 0 : index
    %get3A_39 = vector.load %arg4[%get3A_36, %get3A_37, %get3A_38] : memref<1x1536x768xf32, #tpu.memory_space<vmem>>, vector<1x1536x768xf32>
    %get3A_40 = vector.shape_cast %get3A_39 : vector<1x1536x768xf32> to vector<1536x768xf32>
    %dot_general3A_41 = arith.constant dense<0.000000e+00> : vector<64x1536xf32>
    %dot_general3A_42 = tpu.matmul %get3A_29, %get3A_40, %dot_general3A_41 {dimension_numbers = #tpu.dot_dimension_numbers<[1], [1], [0], [0], [0, 0, 1, 0], [], []>, transpose_lhs_hint = false} : vector<64x768xf32>, vector<1536x768xf32>, vector<64x1536xf32> -> vector<64x1536xf32>
    %logistic3A = arith.negf %dot_general3A_35 : vector<64x1536xf32>
    %logistic3A_43 = math.exp %logistic3A : vector<64x1536xf32>
    %logistic3A_44 = arith.constant 1.000000e+00 : f32
    %logistic3A_45 = vector.broadcast %logistic3A_44 : f32 to vector<64x1536xf32>
    %logistic3A_46 = arith.addf %logistic3A_45, %logistic3A_43 : vector<64x1536xf32>
    %logistic3A_47 = arith.divf %logistic3A_45, %logistic3A_46 : vector<64x1536xf32>
    %mul3A = arith.mulf %dot_general3A_35, %logistic3A_47 : vector<64x1536xf32>
    %mul3A_48 = arith.mulf %mul3A, %dot_general3A_42 : vector<64x1536xf32>
    %get3A_49 = arith.constant 0 : index
    %get3A_50 = arith.constant 0 : index
    %get3A_51 = arith.constant 0 : index
    %get3A_52 = vector.load %arg6[%get3A_49, %get3A_50, %get3A_51] : memref<1x1x64xf32, #tpu.memory_space<vmem>>, vector<1x1x64xf32>
    %get3A_53 = vector.shape_cast %get3A_52 : vector<1x1x64xf32> to vector<1x64xf32>
    %squeeze3A = vector.shape_cast %get3A_53 : vector<1x64xf32> to vector<64xf32>
    %broadcast_in_dim3A = vector.shape_cast %squeeze3A : vector<64xf32> to vector<64x1xf32>
    %mul3A_54 = vector.broadcast %broadcast_in_dim3A : vector<64x1xf32> to vector<64x1536xf32>
    %mul3A_55 = arith.mulf %mul3A_48, %mul3A_54 : vector<64x1536xf32>
    %slice3A = vector.extract_strided_slice %mul3A_55 {offsets = [0, 0], sizes = [32, 1536], strides = [1, 1]} : vector<64x1536xf32> to vector<32x1536xf32>
    %slice3A_56 = vector.extract_strided_slice %mul3A_55 {offsets = [32, 0], sizes = [32, 1536], strides = [1, 1]} : vector<64x1536xf32> to vector<32x1536xf32>
    %add3A_57 = arith.addf %slice3A, %slice3A_56 : vector<32x1536xf32>
    %get3A_58 = arith.constant 0 : index
    %get3A_59 = arith.constant 0 : index
    %get3A_60 = arith.constant 0 : index
    %get3A_61 = vector.load %arg5[%get3A_58, %get3A_59, %get3A_60] : memref<1x768x1536xf32, #tpu.memory_space<vmem>>, vector<1x768x1536xf32>
    %get3A_62 = vector.shape_cast %get3A_61 : vector<1x768x1536xf32> to vector<768x1536xf32>
    %dot_general3A_63 = arith.constant dense<0.000000e+00> : vector<32x768xf32>
    %dot_general3A_64 = tpu.matmul %add3A_57, %get3A_62, %dot_general3A_63 {dimension_numbers = #tpu.dot_dimension_numbers<[1], [1], [0], [0], [0, 0, 1, 0], [], []>, transpose_lhs_hint = false} : vector<32x1536xf32>, vector<768x1536xf32>, vector<32x768xf32> -> vector<32x768xf32>
    %get3A_65 = arith.constant 0 : index
    %get3A_66 = arith.constant 0 : index
    %get3A_67 = vector.load %arg16[%get3A_65, %get3A_66] : memref<32x768xf32, #tpu.memory_space<vmem>>, vector<32x768xf32>
    %get3A_68 = arith.constant 0 : index
    %get3A_69 = arith.constant 0 : index
    %get3A_70 = vector.load %arg10[%get3A_68, %get3A_69] : memref<768x2304xf32, #tpu.memory_space<vmem>>, vector<768x768xf32>
    %dot_general3A_71 = arith.constant dense<0.000000e+00> : vector<32x768xf32>
    %dot_general3A_72 = tpu.matmul %dot_general3A_64, %get3A_70, %dot_general3A_71 {dimension_numbers = #tpu.dot_dimension_numbers<[1], [1], [0], [0], [0, 0, 1, 0], [], []>, transpose_lhs_hint = false} : vector<32x768xf32>, vector<768x768xf32>, vector<32x768xf32> -> vector<32x768xf32>
    %add3A_73 = arith.addf %get3A_67, %dot_general3A_72 : vector<32x768xf32>
    %get3A_74 = arith.constant 0 : index
    %get3A_75 = arith.constant 0 : index
    %get3A_76 = vector.load %arg12[%get3A_74, %get3A_75] : memref<128x768xf32, #tpu.memory_space<vmem>>, vector<128x768xf32>
    %dot_general3A_77 = arith.constant dense<0.000000e+00> : vector<32x128xf32>
    %dot_general3A_78 = tpu.matmul %add3A_73, %get3A_76, %dot_general3A_77 {dimension_numbers = #tpu.dot_dimension_numbers<[1], [1], [0], [0], [0, 0, 1, 0], [], []>, transpose_lhs_hint = false} : vector<32x768xf32>, vector<128x768xf32>, vector<32x128xf32> -> vector<32x128xf32>
    %get3A_79 = arith.constant 0 : index
    %get3A_80 = arith.constant 0 : index
    %get3A_81 = vector.load %arg13[%get3A_79, %get3A_80] : memref<1x128xf32, #tpu.memory_space<vmem>>, vector<1x128xf32>
    %add3A_82 = vector.broadcast %get3A_81 : vector<1x128xf32> to vector<32x128xf32>
    %add3A_83 = arith.addf %dot_general3A_78, %add3A_82 : vector<32x128xf32>
    %swap3A = arith.constant 0 : index
    %swap3A_84 = arith.constant 0 : index
    %swap3A_85 = arith.constant 0 : index
    %swap3A_86 = vector.load %arg14[%swap3A, %swap3A_84, %swap3A_85] : memref<1x32x128xf32, #tpu.memory_space<vmem>>, vector<1x32x128xf32>
    %swap3A_87 = vector.shape_cast %swap3A_86 : vector<1x32x128xf32> to vector<32x128xf32>
    %swap3A_88 = vector.shape_cast %add3A_83 : vector<32x128xf32> to vector<1x32x128xf32>
    tpu.vector_store %arg14[%swap3A, %swap3A_84, %swap3A_85], %swap3A_88 {strides = array<i32>} : memref<1x32x128xf32, #tpu.memory_space<vmem>>, vector<1x32x128xf32>,
    return
  }
  func.func @transform_1(%arg0: i32, %arg1: memref<512xi32, #tpu.memory_space<smem>>) -> (i32, i32, i32) {
    %c0_i32 = arith.constant 0 : i32
    %c0_i32_0 = arith.constant 0 : i32
    %c0_i32_1 = arith.constant 0 : i32
    return %arg0, %c0_i32, %c0_i32_0 : i32, i32, i32
  }
  func.func @transform_2(%arg0: i32, %arg1: memref<512xi32, #tpu.memory_space<smem>>) -> (i32, i32, i32) {
    %c0_i32 = arith.constant 0 : i32
    %c0_i32_0 = arith.constant 0 : i32
    %c0_i32_1 = arith.constant 0 : i32
    return %arg0, %c0_i32, %c0_i32_0 : i32, i32, i32
  }
  func.func @transform_3(%arg0: i32, %arg1: memref<512xi32, #tpu.memory_space<smem>>) -> (i32, i32, i32) {
    %c0_i32 = arith.constant 0 : i32
    %c0_i32_0 = arith.constant 0 : i32
    %c0_i32_1 = arith.constant 0 : i32
    return %arg0, %c0_i32, %c0_i32_0 : i32, i32, i32
  }
  func.func @transform_4(%arg0: i32, %arg1: memref<512xi32, #tpu.memory_space<smem>>) -> (i32, i32, i32) {
    %c0_i32 = arith.constant 0 : i32
    %c0_i32_0 = arith.constant 0 : i32
    %c0_i32_1 = arith.constant 0 : i32
    return %arg0, %c0_i32, %c0_i32_0 : i32, i32, i32
  }
  func.func @transform_5(%arg0: i32, %arg1: memref<512xi32, #tpu.memory_space<smem>>) -> (i32, i32) {
    %c0_i32 = arith.constant 0 : i32
    %c0_i32_0 = arith.constant 0 : i32
    %c0_i32_1 = arith.constant 0 : i32
    return %c0_i32, %c0_i32_0 : i32, i32
  }
  func.func @transform_6(%arg0: i32, %arg1: memref<512xi32, #tpu.memory_space<smem>>) -> (i32, i32) {
    %c0_i32 = arith.constant 0 : i32
    %c0_i32_0 = arith.constant 0 : i32
    %c0_i32_1 = arith.constant 0 : i32
    return %c0_i32, %c0_i32_0 : i32, i32
  }
  func.func @transform_7(%arg0: i32, %arg1: memref<512xi32, #tpu.memory_space<smem>>) -> (i32, i32) {
    %c0_i32 = arith.constant 0 : i32
    %c0_i32_0 = arith.constant 0 : i32
    %c0_i32_1 = arith.constant 0 : i32
    return %c0_i32, %c0_i32_0 : i32, i32
  }
  func.func @transform_8(%arg0: i32, %arg1: memref<512xi32, #tpu.memory_space<smem>>) -> (i32, i32) {
    %c0_i32 = arith.constant 0 : i32
    %c0_i32_0 = arith.constant 0 : i32
    %c0_i32_1 = arith.constant 0 : i32
    return %c0_i32, %c0_i32_0 : i32, i32
  }
  func.func @transform_9(%arg0: i32, %arg1: memref<512xi32, #tpu.memory_space<smem>>) -> (i32, i32) {
    %c0_i32 = arith.constant 0 : i32
    %c0_i32_0 = arith.constant 0 : i32
    %c0_i32_1 = arith.constant 0 : i32
    return %c0_i32, %c0_i32_0 : i32, i32
  }
  func.func @transform_10(%arg0: i32, %arg1: memref<512xi32, #tpu.memory_space<smem>>) -> (i32, i32) {
    %c0_i32 = arith.constant 0 : i32
    %c0_i32_0 = arith.constant 0 : i32
    %c0_i32_1 = arith.constant 0 : i32
    return %c0_i32, %c0_i32_0 : i32, i32
  }
  func.func @transform_11(%arg0: i32, %arg1: memref<512xi32, #tpu.memory_space<smem>>) -> (i32, i32) {
    %c0_i32 = arith.constant 0 : i32
    %c0_i32_0 = arith.constant 0 : i32
    %c0_i32_1 = arith.constant 0 : i32
    return %c0_i32, %c0_i32_0 : i32, i32
  }
  func.func @transform_12(%arg0: i32, %arg1: memref<512xi32, #tpu.memory_space<smem>>) -> (i32, i32, i32) {
    %c0_i32 = arith.constant 0 : i32
    %c0_i32_0 = arith.constant 0 : i32
    %c0_i32_1 = arith.constant 0 : i32
    return %arg0, %c0_i32, %c0_i32_0 : i32, i32, i32
  }
}

</mosaic_0001>

<sc_bundles>
// kernel: kernel.10.cloned.1.call-start
scs
__scs_entry_jumppad:
0x0: {  	(pc) =	sbr.rel $0x88, $3  }
0x1: {  	(tag) =	ssettag $0x0;
	lr =	simm.s32 $0x1  }
0x2: {  	[smem:$0x3F93] =	sst lr;
	_ =	strace $0xD0000000  }
0x3: {  	_ = 	snop  }
0x4: {  	_ = 	snop  }
0x5: {  	_ = 	snop  }
0x6: {  	_ = 	snop  }
0x7: {  	_ = 	snop  }
__scs_overlays_trampoline_lowered:
0x8: {  	[smem:$0x3FA2] =	sst s0  }
0x9: {  	[smem:$0x3FA3] =	sst s1  }
0xa: {  	[smem:$0x3FA4] =	sst s2  }
0xb: {  	[smem:$0x3FA5] =	sst s3  }
0xc: {  	[smem:$0x3FA6] =	sst s4  }
0xd: {  	[smem:$0x3FA7] =	sst s5  }
0xe: {  	[smem:$0x3FA8] =	sst s6  }
0xf: {  	[smem:$0x3FA9] =	sst s7  }
0x10: {  	[smem:$0x3FAA] =	sst s8  }
0x11: {  	[smem:$0x3FAB] =	sst s9;
	s0 =	simm.s32 @!p0 $0x0  }
0x12: {  	s1 =	sld [smem:$0x3F91];
	s0 =	simm.s32 @p0 $0x1  }
0x13: {  	[smem:$0x3FAC] =	sst s0;
	s0 =	simm.s32 @!p1 $0x0  }
0x14: {  	s2 =	sld [smem:$0x3F90];
	s0 =	simm.s32 @p1 $0x1  }
0x15: {  	[smem:$0x3FAD] =	sst s0;
	s0 =	simm.s32 @!p2 $0x0  }
0x16: {  	s3 =	sld [smem:$0x3FDB];
	s0 =	simm.s32 @p2 $0x1  }
0x17: {  	s4 =	simm.s32 $0x1BF5;
	[smem:$0x3FAF] =	sst s0  }
0x18: {  	s0 =	sld [smem:$0x3F92];
	_ =	swait.ge [sflag:s4], $0x0  }
0x19: {  	s7 =	sld [smem:$0x3F93]  }
0x1a: {  	s8 =	sadd.s32 $0xFFFFE003, lr  }
0x1b: {  	s9 =	sadd.s32 $0xFFFFFEF7, lr;
	s5 =	simm.s32 $0xFFFFFFFF;
	p2 =	slt.u32 s8, $0xFFFFF086  }
0x1c: {  	p1 =	slt.u32 s9, $0xF7A;
	s5 =	simm.s32 @!p2 $0x0  }
0x1d: {  	s5 =	simm.s32 @p1 $0x1;
	p0 =	seq.s32 s7, s2  }
0x1e: {  	s7 =	smul.u32 @!p0 $0xF7A, s2;
	p2 =	seq.s32 @!p0 s5, $0x0  }
0x1f: {  	s9 =	smul.u32 $0xF7A, s1;
	s8 =	simm.s32 @!p0 $0x1BF5;
	p2 =	por !p2, p0  }
0x20: {  	[sflag:s8] =	ssyncset.s32 @!p0 $0xFFFFF086;
	s6 =	sadd.s32 @!p0 s3, s7;
	s7 =	simm.s32 @!p0 $0x108  }
0x21: {  	s3 =	sadd.s32 s3, s9;
	s6 =	sadd.s32 @!p0 $0x88, s6;
	s7 =	simm.s32 @p2 $0x1082  }
0x22: {  	[simem:s7], [sflag:s8] =	dma.local @!p0 [hbm:s6], $0xF7A  }
0x23: {  	s9 =	sor.u32 $0xD0000000, s2;
	s6 =	simm.s32 $0x108;
	_ =	swait.ge @!p0 [sflag:s8], $0x0  }
0x24: {  	s3 =	sadd.s32 $0x88, s3;
	s6 =	simm.s32 @!p1 $0x1082;
	[sflag:s4] =	ssyncset.s32 $0xFFFFF086  }
0x25: {  	[simem:s6], [sflag:s4] =	dma.local [hbm:s3], $0xF7A  }
0x26: {  	[smem:$0x3F93] =	sst s1;
	(tag) =	ssettag s2;
	_ =	strace s9  }
0x27: {  	s1 =	sld [smem:$0x3FA3]  }
0x28: {  	s2 =	sld [smem:$0x3FA4]  }
0x29: {  	s4 =	sld [smem:$0x3FA6]  }
0x2a: {  	p0 =	seq.s32 s5, $0x0;
	s5 =	sld [smem:$0x3FA7]  }
0x2b: {  	s6 =	sld [smem:$0x3FA8]  }
0x2c: {  	s7 =	sld [smem:$0x3FA9]  }
0x2d: {  	s3 =	simm.s32 $0x108;
	s8 =	sld [smem:$0x3FAA]  }
0x2e: {  	s3 =	simm.s32 @!p0 $0x1082;
	s9 =	sld [smem:$0x3FAB]  }
0x2f: {  	lr =	sadd.s32 s0, s3;
	s0 =	sld [smem:$0x3FA2]  }
0x30: {  	s3 =	sld [smem:$0x3FA5]  }
0x31: {  	[smem:$0x3FAE] =	sst s10  }
0x32: {  	s10 =	sld [smem:$0x3FAC];
	_ =	sdelay $0x3  }
0x33: {  	p0 =	seq.s32 s10, $0x1;
	s10 =	sld [smem:$0x3FAE];
	_ =	sdelay $0x3  }
0x34: {  	[smem:$0x3FAE] =	sst s10  }
0x35: {  	s10 =	sld [smem:$0x3FAD];
	_ =	sdelay $0x3  }
0x36: {  	p1 =	seq.s32 s10, $0x1;
	s10 =	sld [smem:$0x3FAE];
	_ =	sdelay $0x3  }
0x37: {  	[smem:$0x3FAE] =	sst s10  }
0x38: {  	s10 =	sld [smem:$0x3FAF]  }
0x39: {  	_ = 	snop;
	(pc) =	sbr.ind lr, $3  }
0x3a: {  	_ = 	snop  }
0x3b: {  	_ = 	snop  }
0x3c: {  	p2 =	seq.s32 s10, $0x1;
	s10 =	sld [smem:$0x3FAE]  }
0x3d: {  	_ =	shalt  }
0x3e: {  	_ =	shalt  }
0x3f: {  	_ =	shalt  }
0x40: {  	_ =	shalt  }
0x41: {  	_ =	shalt  }
0x42: {  	_ =	shalt  }
0x43: {  	_ =	shalt  }
0x44: {  	_ =	shalt  }
0x45: {  	_ =	shalt  }
0x46: {  	_ =	shalt  }
0x47: {  	_ =	shalt  }
0x48: {  	_ =	shalt  }
0x49: {  	_ =	shalt  }
0x4a: {  	_ =	shalt  }
0x4b: {  	_ =	shalt  }
0x4c: {  	_ =	shalt  }
0x4d: {  	_ =	shalt  }
0x4e: {  	_ =	shalt  }
0x4f: {  	_ =	shalt  }
0x50: {  	_ =	shalt  }
0x51: {  	_ =	shalt  }
0x52: {  	_ =	shalt  }
0x53: {  	_ =	shalt  }
0x54: {  	_ =	shalt  }
0x55: {  	_ =	shalt  }
0x56: {  	_ =	shalt  }
0x57: {  	_ =	shalt  }
0x58: {  	_ =	shalt  }
0x59: {  	_ =	shalt  }
0x5a: {  	_ =	shalt  }
0x5b: {  	_ =	shalt  }
0x5c: {  	_ =	shalt  }
0x5d: {  	_ =	shalt  }
0x5e: {  	_ =	shalt  }
0x5f: {  	_ =	shalt  }
0x60: {  	_ =	shalt  }
0x61: {  	_ =	shalt  }
0x62: {  	_ =	shalt  }
0x63: {  	_ =	shalt  }
0x64: {  	_ =	shalt  }
0x65: {  	_ =	shalt  }
0x66: {  	_ =	shalt  }
0x67: {  	_ =	shalt  }
0x68: {  	_ =	shalt  }
0x69: {  	_ =	shalt  }
0x6a: {  	_ =	shalt  }
0x6b: {  	_ =	shalt  }
0x6c: {  	_ =	shalt  }
0x6d: {  	_ =	shalt  }
0x6e: {  	_ =	shalt  }
0x6f: {  	_ =	shalt  }
0x70: {  	_ =	shalt  }
0x71: {  	_ =	shalt  }
0x72: {  	_ =	shalt  }
0x73: {  	_ =	shalt  }
0x74: {  	_ =	shalt  }
0x75: {  	_ =	shalt  }
0x76: {  	_ =	shalt  }
0x77: {  	_ =	shalt  }
0x78: {  	_ =	shalt  }
0x79: {  	_ =	shalt  }
0x7a: {  	_ =	shalt  }
0x7b: {  	_ =	shalt  }
0x7c: {  	_ =	shalt  }
0x7d: {  	_ =	shalt  }
0x7e: {  	_ =	shalt  }
0x7f: {  	_ =	shalt  }
0x80: {  	_ =	shalt  }
0x81: {  	_ =	shalt  }
0x82: {  	_ =	shalt  }
0x83: {  	_ =	shalt  }
0x84: {  	_ =	shalt  }
0x85: {  	_ =	shalt  }
0x86: {  	_ =	shalt  }
0x87: {  	_ =	shalt  }
.Lfunc_end0:
.L_simem_size_0:
called_computation.1_lowered:
.L_overlay_start_0:
0x88: {  	s2 =	sld [smem:$0x3FD9]  }
0x89: {  	s3 =	sld [smem:$0x3FFE];
	_ =	sdelay $0x1  }
0x8a: {  	s1 =	srdreg.scid  }
0x8b: {  	s0 =	sand.u32 $0x1, s1  }
0x8c: {  	s17 =	sshll.u32 s0, $0xA;
	s2 =	sadd.s32 s3, s2  }
0x8d: {  	s2 =	sadd.s32 s2, s17  }
0x8e: {  	[smem:$0x3FBA] =	sst s2  }
0x8f: {  	_ = 	snop  }
0x90: {  	s2 =	sld [smem:$0x3FC8]  }
0x91: {  	s18 =	sld [smem:$0x3FD0];
	(tm) =	ssettm $0x1  }
0x92: {  	s4 =	sld [smem:$0x3FFB];
	_ =	sdelay $0x3  }
0x93: {  	_ =	strace s4  }
0x94: {  	s4 =	sld [smem:$0x3FFC];
	_ =	sdelay $0x3  }
0x95: {  	_ =	strace s4  }
0x96: {  	s4 =	sld [smem:$0x3FFD];
	_ =	sdelay $0x3  }
0x97: {  	_ =	strace s4  }
0x98: {  	_ =	strace $0x8FFFFFFF  }
0x99: {  	s19 =	sld [smem:$0x3FDB];
	_ =	sdelay $0x1  }
0x9a: {  	s5 =	simm.s32 $_scs_section_size  }
0x9b: {  	s6 =	simm.s32 $_size__tile_overlayer_lowered;
	s7 =	simm.s32 $_tile_overlayer_lowered  }
0x9c: {  	s22 =	simm.s32 $0x1BFF;
	s21 =	sshll.u32 s7, $0x1;
	s4 =	sadd.s32 s5, s19  }
0x9d: {  	s8 =	simm.s32 $0x0;
	s20 =	sshll.u32 s6, $0x1;
	s6 =	sadd.s32 s21, s4  }
0x9e: {  	[timem:s8], [sflag:s22] =	dma.local [hbm:s6], s20  }
0x9f: {  	_ =	swait.ge [sflag:s22], s20  }
0xa0: {  	s5 =	ssub.s32 $0x0, s20;
	[sflag:s22] =	ssyncset.done $0x0  }
0xa1: {  	[sflag:s22] =	ssyncadd.s32 s5;
	_ =	sdelay $0x1  }
0xa2: {  	s23 =	simm.s32 $0x1B8B  }
0xa3: {  	_ =	swait.ge [sflag:s23], $0x1  }
0xa4: {  	[sflag:s23] =	ssyncset.done $0x0  }
0xa5: {  	s25 =	simm.s32 $0x1B8E;
	s24 =	sld [smem:$0x3FFE];
	[sflag:s23] =	ssyncadd.s32 $0xFFFFFFFF  }
0xa6: {  	s26 =	simm.s32 $execute0_lowered;
	[smem:$0x3FD2] =	sst s25  }
0xa7: {  	s6 =	sshll.u32 s26, $0x1;
	_ =	strace $0x80000046;
	[dreg:$0x1] =	wrdreg $0xFFFFFFFF  }
0xa8: {  	s28 =	simm.s32 $_size_execute0_lowered;
	s4 =	sadd.s32 s4, s6;
	[dreg:$0x0] =	wrdreg $0x0  }
0xa9: {  	s6 =	sshll.u32 s28, $0x1;
	[dreg:$0x2] =	wrdreg s4  }
0xaa: {  	[dreg:$0x3] =	wrdreg s6  }
0xab: {  	[dreg:$0x4] =	wrdreg $0xC0  }
0xac: {  	_ =	task [dreg:s8], $0x5FFFF  }
0xad: {  	[dreg:$0x1] =	wrdreg $0xFFFFFFFF  }
0xae: {  	[dreg:$0x0] =	wrdreg $0x60  }
0xaf: {  	[dreg:$0x2] =	wrdreg s2  }
0xb0: {  	[dreg:$0x3] =	wrdreg s18  }
0xb1: {  	[dreg:$0x4] =	wrdreg s24  }
0xb2: {  	[dreg:$0x5] =	wrdreg $0xA  }
0xb3: {  	_ =	task.clear_ibuf [dreg:s8], $0x6FFFF;
	_ =	strace $0x90000046  }
0xb4: {  	s29 =	simm.s32 $0xA;
	_ =	strace $0x80000048  }
0xb5: {  	_ =	swait.ge [sflag:s29], $0x1  }
0xb6: {  	[sflag:s29] =	ssyncadd.s32 $0xFFFFFFFF  }
0xb7: {  	_ =	strace $0x90000048  }
0xb8: {  	_ =	sfence  }
0xb9: {  	s30 =	sld [smem:$0x0];
	_ =	sdelay $0x2  }
0xba: {  	s31 =	sshll.u32 s1, $0xD;
	s1 =	sshrl.u32 s1, $0x2  }
0xbb: {  	s3 =	sand.u32 $0x4000, s31;
	s1 =	sadd.s32 s1, s30  }
0xbc: {  	s0 =	sor.u32 s3, s0;
	s1 =	sshll.u32 s1, $0x11  }
0xbd: {  	s0 =	sor.u32 s1, s0  }
0xbe: {  	s0 =	sadd.s32 $0x8F2B, s0  }
0xbf: {  	[sflag:s0] =	ssyncadd.remote.s32 $0x1  }
0xc0: {  	_ =	sfence.sel $0xFFFF  }
0xc1: {  	[dreg:$0x0] =	wrdreg $0xFFFFFFFF;
	(pc) =	sbr.abs _section_cstart, $3  }
0xc2: {  	[dreg:$0x1] =	wrdreg $0xFFFFFFFF  }
0xc3: {  	_ =	task.clear_ibuf [dreg:s8], $0x2FFFF;
	_ =	strace $0x9FFFFFFF  }
0xc4: {  	(tm) =	ssettm $0x7FFFFFFF  }
0xc5: {  	_ =	shalt  }
tec
execute0_lowered:
.L_overlay_start_1:
0x0: {  	(tag) =	ssettag $0x1  }
0x1: {  	s1 =	rddreg [dreg:$0x0]  }
0x2: {  	s0 =	rddreg [dreg:$0x1];
	s2 =	srdreg.scid  }
0x3: {  	s3 =	stileid.u32;
	s4 =	rddreg [dreg:$0x2];
	s28 =	simm.s32 $0x3400  }
0x4: {  	s29 =	simm.s32 $0x3C00;
	s30 =	simm.s32 $0x4400;
	s31 =	simm.s32 $0x4C00  }
0x5: {  	s11 =	simm.s32 $0x6400;
	s15 =	simm.s32 $0xAC00;
	s16 =	simm.s32 $0xB400  }
0x6: {  	s17 =	simm.s32 $0xBC00;
	s18 =	simm.s32 $0xC400;
	s8 =	simm.s32 $0x12400  }
0x7: {  	s2 =	sand.u32 $0x1, s2;
	s5 =	sshll.u32 s3, $0x1;
	s3 =	simm.s32 $0x0  }
0x8: {  	s4 =	sadd.s32 $0x2C00, s4;
	s5 =	sor.u32 s2, s5;
	[smem:$0x7FF] =	sst s3  }
0x9: {  	s2 =	ssub.s32 $0x2, s2;
	s6 =	smul.u32 $0x6000, s5;
	s7 =	sshll.u32 s5, $0x7  }
0xa: {  	s5 =	smul.u32 $0x30000, s5;
	_ =	strace $0x80000047;
	s23 =	sshrl.u32 s2, $0x1  }
0xb: {  	s0 =	sadd.s32 s0, s7;
	s2 =	ssub.s32 s2, s23;
	s23 =	simm.s32 $0x1400  }
0xc: {  	s6 =	sadd.s32 s4, s6;
	[dreg:$0x4] =	wrdreg s0;
	s5 =	sshrl.u32 s5, $0x3  }
0xd: {  	s7 =	smax.u32 s2, $0x1;
	s19 =	sadd.s32 $0xC00, s6;
	[dreg:$0xc] =	wrdreg s6  }
0xe: {  	s20 =	sadd.s32 $0x1800, s6;
	s4 =	sadd.s32 s4, s5;
	[dreg:$0x5] =	wrdreg s19  }
0xf: {  	s2 =	simm.s32 $0x2;
	[dreg:$0x6] =	wrdreg s20;
	s21 =	sadd.s32 $0x2400, s4  }
0x10: {  	s5 =	sadd.s32 $0x100, s1;
	s22 =	sadd.s32 $0x3000, s4;
	[dreg:$0x7] =	wrdreg s21  }
0x11: {  	s6 =	sadd.s32 $0x200, s1;
	s24 =	sadd.s32 $0x3C00, s4;
	[dreg:$0x8] =	wrdreg s22  }
0x12: {  	s25 =	sadd.s32 $0x4800, s4;
	s26 =	sadd.s32 $0x5400, s4;
	[dreg:$0x9] =	wrdreg s24  }
0x13: {  	v2 =	vlaneseq.u32;
	s20 =	simm.s32 $0xC00;
	s4 =	simm.s32 $0x5;
	[dreg:$0xa] =	wrdreg s25  }
0x14: {  	vm0 =	vmmov $0xffff;
	v1 =	vshrl.u32 v2, $0x3;
	[dreg:$0xb] =	wrdreg s26;
	s21 =	simm.s32 $0x400;
	s24 =	simm.s32 $0x1C00  }
0x15: {  	v0 =	vand.u32 $0x7, v2;
	v2 =	vor.u32 $0x8, v2;
	v1 =	vmul.u32 $0x8, v1;
	s25 =	simm.s32 $0x2400;
	s26 =	simm.s32 $0x2C00;
	s22 =	simm.s32 $0x8400  }
.LBB2_1:
0x16: {  	s19 =	rddreg [dreg:$0x4];
	s0 =	simm.s32 $0x9  }
0x17: {  	[tilespmem:s3], [sflag:$0x9] =	stream.linear.gather [hbm4b:s19+s3], $0x400, $0x38;
	[tilespmem:$0x18400] =	vst v63  }
0x18: {  	_ =	swait.ge [sflag:s0], $0x400  }
0x19: {  	[sflag:s0] =	ssyncset.done $0x0  }
0x1a: {  	[sflag:s0] =	ssyncadd.s32 $0xFFFFFC00  }
0x1b: {  	v3 =	vld [tilespmem:$0x0];
	_ =	sdelay $0x4  }
0x1c: {  	v4 =	vshrl.u32 v3, $0x3  }
0x1d: {  	v4 =	vmul.u32 $0x30, v4  }
0x1e: {  	v3 =	vand.u32 $0x7, v3  }
0x1f: {  	v3 =	vor.u32 v3, v4  }
0x20: {  	v4 =	vperm.xlane v3, v0;
	_ =	sdelay $0x1  }
0x21: {  	v4 =	vadd.s32 v1, v4;
	_ =	sdelay $0x3  }
0x22: {  	v3 =	vperm.xlane v3, v2  }
0x23: {  	[tilespmem:s21], [sflag:$0x1] =	stream.indirect_vreg.gather [hbm4b:s1+s3], $0x80, v4, vm0, $0xb8;
	[tilespmem:$0x18400] =	vst v63  }
0x24: {  	v3 =	vadd.s32 v1, v3  }
0x25: {  	[tilespmem:s20], [sflag:$0x1] =	stream.indirect_vreg.gather [hbm4b:s5+s3], $0x80, v4, vm0, $0xb8;
	[tilespmem:$0x18400] =	vst v63  }
0x26: {  	_ = 	snop  }
0x27: {  	[tilespmem:s23], [sflag:$0x1] =	stream.indirect_vreg.gather [hbm4b:s6+s3], $0x80, v4, vm0, $0xb8;
	[tilespmem:$0x18400] =	vst v63  }
0x28: {  	_ = 	snop  }
0x29: {  	[tilespmem:s24], [sflag:$0x1] =	stream.indirect_vreg.gather [hbm4b:s1+s3], $0x80, v3, vm0, $0xb8;
	[tilespmem:$0x18400] =	vst v63  }
0x2a: {  	_ = 	snop  }
0x2b: {  	[tilespmem:s25], [sflag:$0x1] =	stream.indirect_vreg.gather [hbm4b:s5+s3], $0x80, v3, vm0, $0xb8;
	[tilespmem:$0x18400] =	vst v63  }
0x2c: {  	_ = 	snop  }
0x2d: {  	[tilespmem:s26], [sflag:$0x1] =	stream.indirect_vreg.gather [hbm4b:s6+s3], $0x80, v3, vm0, $0xb8;
	[tilespmem:$0x18400] =	vst v63  }
0x2e: {  	v3 =	vld [tilespmem:$0x10];
	_ =	sdelay $0x4  }
0x2f: {  	v49 =	vshrl.u32 v3, $0x3  }
0x30: {  	v4 =	vmul.u32 $0x30, v49  }
0x31: {  	v3 =	vand.u32 $0x7, v3  }
0x32: {  	v3 =	vor.u32 v3, v4  }
0x33: {  	v4 =	vperm.xlane v3, v0;
	_ =	sdelay $0x1  }
0x34: {  	v4 =	vadd.s32 v1, v4;
	_ =	sdelay $0x3  }
0x35: {  	v3 =	vperm.xlane v3, v2  }
0x36: {  	[tilespmem:s28], [sflag:$0x1] =	stream.indirect_vreg.gather [hbm4b:s1+s3], $0x80, v4, vm0, $0xb8;
	[tilespmem:$0x18400] =	vst v63  }
0x37: {  	v3 =	vadd.s32 v1, v3  }
0x38: {  	[tilespmem:s29], [sflag:$0x1] =	stream.indirect_vreg.gather [hbm4b:s5+s3], $0x80, v4, vm0, $0xb8;
	[tilespmem:$0x18400] =	vst v63  }
0x39: {  	_ = 	snop  }
0x3a: {  	[tilespmem:s30], [sflag:$0x1] =	stream.indirect_vreg.gather [hbm4b:s6+s3], $0x80, v4, vm0, $0xb8;
	[tilespmem:$0x18400] =	vst v63  }
0x3b: {  	_ = 	snop  }
0x3c: {  	[tilespmem:s31], [sflag:$0x1] =	stream.indirect_vreg.gather [hbm4b:s1+s3], $0x80, v3, vm0, $0xb8;
	[tilespmem:$0x18400] =	vst v63  }
0x3d: {  	s10 =	simm.s32 $0x5400  }
0x3e: {  	[tilespmem:s10], [sflag:$0x1] =	stream.indirect_vreg.gather [hbm4b:s5+s3], $0x80, v3, vm0, $0xb8;
	[tilespmem:$0x18400] =	vst v63  }
0x3f: {  	s9 =	simm.s32 $0x5C00  }
0x40: {  	[tilespmem:s9], [sflag:$0x1] =	stream.indirect_vreg.gather [hbm4b:s6+s3], $0x80, v3, vm0, $0xb8;
	[tilespmem:$0x18400] =	vst v63  }
0x41: {  	v3 =	vld [tilespmem:$0x80];
	_ =	sdelay $0x4  }
0x42: {  	v50 =	vshrl.u32 v3, $0x3  }
0x43: {  	v4 =	vmul.u32 $0x30, v50  }
0x44: {  	v3 =	vand.u32 $0x7, v3  }
0x45: {  	v3 =	vor.u32 v3, v4  }
0x46: {  	v4 =	vperm.xlane v3, v0;
	_ =	sdelay $0x1  }
0x47: {  	v4 =	vadd.s32 v1, v4;
	_ =	sdelay $0x3  }
0x48: {  	v3 =	vperm.xlane v3, v2  }
0x49: {  	[tilespmem:s11], [sflag:$0x2] =	stream.indirect_vreg.gather [hbm4b:s1+s3], $0x80, v4, vm0, $0xb8;
	[tilespmem:$0x18400] =	vst v63  }
0x4a: {  	s12 =	simm.s32 $0x6C00;
	v3 =	vadd.s32 v1, v3  }
0x4b: {  	[tilespmem:s12], [sflag:$0x2] =	stream.indirect_vreg.gather [hbm4b:s5+s3], $0x80, v4, vm0, $0xb8;
	[tilespmem:$0x18400] =	vst v63  }
0x4c: {  	s13 =	simm.s32 $0x7400  }
0x4d: {  	[tilespmem:s13], [sflag:$0x2] =	stream.indirect_vreg.gather [hbm4b:s6+s3], $0x80, v4, vm0, $0xb8;
	[tilespmem:$0x18400] =	vst v63  }
0x4e: {  	s14 =	simm.s32 $0x7C00  }
0x4f: {  	[tilespmem:s14], [sflag:$0x2] =	stream.indirect_vreg.gather [hbm4b:s1+s3], $0x80, v3, vm0, $0xb8;
	[tilespmem:$0x18400] =	vst v63  }
0x50: {  	_ = 	snop  }
0x51: {  	[tilespmem:s22], [sflag:$0x2] =	stream.indirect_vreg.gather [hbm4b:s5+s3], $0x80, v3, vm0, $0xb8;
	[tilespmem:$0x18400] =	vst v63  }
0x52: {  	s12 =	simm.s32 $0x8C00  }
0x53: {  	[tilespmem:s12], [sflag:$0x2] =	stream.indirect_vreg.gather [hbm4b:s6+s3], $0x80, v3, vm0, $0xb8;
	[tilespmem:$0x18400] =	vst v63  }
0x54: {  	v3 =	vld [tilespmem:$0x90];
	_ =	sdelay $0x4  }
0x55: {  	v51 =	vshrl.u32 v3, $0x3  }
0x56: {  	v4 =	vmul.u32 $0x30, v51  }
0x57: {  	v3 =	vand.u32 $0x7, v3  }
0x58: {  	v3 =	vor.u32 v3, v4  }
0x59: {  	v4 =	vperm.xlane v3, v0;
	_ =	sdelay $0x1  }
0x5a: {  	v4 =	vadd.s32 v1, v4;
	_ =	sdelay $0x3  }
0x5b: {  	s13 =	simm.s32 $0x9400;
	v3 =	vperm.xlane v3, v2  }
0x5c: {  	[tilespmem:s13], [sflag:$0x2] =	stream.indirect_vreg.gather [hbm4b:s1+s3], $0x80, v4, vm0, $0xb8;
	[tilespmem:$0x18400] =	vst v63  }
0x5d: {  	s14 =	simm.s32 $0x9C00;
	v3 =	vadd.s32 v1, v3  }
0x5e: {  	[tilespmem:s14], [sflag:$0x2] =	stream.indirect_vreg.gather [hbm4b:s5+s3], $0x80, v4, vm0, $0xb8;
	[tilespmem:$0x18400] =	vst v63  }
0x5f: {  	s19 =	simm.s32 $0xA400  }
0x60: {  	[tilespmem:s19], [sflag:$0x2] =	stream.indirect_vreg.gather [hbm4b:s6+s3], $0x80, v4, vm0, $0xb8;
	[tilespmem:$0x18400] =	vst v63  }
0x61: {  	_ = 	snop  }
0x62: {  	[tilespmem:s15], [sflag:$0x2] =	stream.indirect_vreg.gather [hbm4b:s1+s3], $0x80, v3, vm0, $0xb8;
	[tilespmem:$0x18400] =	vst v63  }
0x63: {  	_ = 	snop  }
0x64: {  	[tilespmem:s16], [sflag:$0x2] =	stream.indirect_vreg.gather [hbm4b:s5+s3], $0x80, v3, vm0, $0xb8;
	[tilespmem:$0x18400] =	vst v63  }
0x65: {  	_ = 	snop  }
0x66: {  	[tilespmem:s17], [sflag:$0x2] =	stream.indirect_vreg.gather [hbm4b:s6+s3], $0x80, v3, vm0, $0xb8;
	[tilespmem:$0x18400] =	vst v63  }
0x67: {  	v3 =	vld [tilespmem:$0x100];
	_ =	sdelay $0x4  }
0x68: {  	v52 =	vshrl.u32 v3, $0x3  }
0x69: {  	v4 =	vmul.u32 $0x30, v52  }
0x6a: {  	v3 =	vand.u32 $0x7, v3  }
0x6b: {  	v3 =	vor.u32 v3, v4  }
0x6c: {  	v4 =	vperm.xlane v3, v0;
	_ =	sdelay $0x1  }
0x6d: {  	v4 =	vadd.s32 v1, v4;
	_ =	sdelay $0x3  }
0x6e: {  	v3 =	vperm.xlane v3, v2  }
0x6f: {  	[tilespmem:s18], [sflag:$0x3] =	stream.indirect_vreg.gather [hbm4b:s1+s3], $0x80, v4, vm0, $0xb8;
	[tilespmem:$0x18400] =	vst v63  }
0x70: {  	s19 =	simm.s32 $0xCC00;
	v3 =	vadd.s32 v1, v3  }
0x71: {  	[tilespmem:s19], [sflag:$0x3] =	stream.indirect_vreg.gather [hbm4b:s5+s3], $0x80, v4, vm0, $0xb8;
	[tilespmem:$0x18400] =	vst v63  }
0x72: {  	s19 =	simm.s32 $0xD400  }
0x73: {  	[tilespmem:s19], [sflag:$0x3] =	stream.indirect_vreg.gather [hbm4b:s6+s3], $0x80, v4, vm0, $0xb8;
	[tilespmem:$0x18400] =	vst v63  }
0x74: {  	s19 =	simm.s32 $0xDC00  }
0x75: {  	[tilespmem:s19], [sflag:$0x3] =	stream.indirect_vreg.gather [hbm4b:s1+s3], $0x80, v3, vm0, $0xb8;
	[tilespmem:$0x18400] =	vst v63  }
0x76: {  	s19 =	simm.s32 $0xE400  }
0x77: {  	[tilespmem:s19], [sflag:$0x3] =	stream.indirect_vreg.gather [hbm4b:s5+s3], $0x80, v3, vm0, $0xb8;
	[tilespmem:$0x18400] =	vst v63  }
0x78: {  	s19 =	simm.s32 $0xEC00  }
0x79: {  	[tilespmem:s19], [sflag:$0x3] =	stream.indirect_vreg.gather [hbm4b:s6+s3], $0x80, v3, vm0, $0xb8;
	[tilespmem:$0x18400] =	vst v63  }
0x7a: {  	v3 =	vld [tilespmem:$0x110];
	_ =	sdelay $0x4  }
0x7b: {  	v53 =	vshrl.u32 v3, $0x3  }
0x7c: {  	v4 =	vmul.u32 $0x30, v53  }
0x7d: {  	v3 =	vand.u32 $0x7, v3  }
0x7e: {  	v3 =	vor.u32 v3, v4  }
0x7f: {  	v4 =	vperm.xlane v3, v0;
	_ =	sdelay $0x1  }
0x80: {  	v4 =	vadd.s32 v1, v4;
	_ =	sdelay $0x3  }
0x81: {  	s19 =	simm.s32 $0xF400;
	v3 =	vperm.xlane v3, v2  }
0x82: {  	[tilespmem:s19], [sflag:$0x3] =	stream.indirect_vreg.gather [hbm4b:s1+s3], $0x80, v4, vm0, $0xb8;
	[tilespmem:$0x18400] =	vst v63  }
0x83: {  	v3 =	vadd.s32 v1, v3;
	s19 =	simm.s32 $0xFC00  }
0x84: {  	[tilespmem:s19], [sflag:$0x3] =	stream.indirect_vreg.gather [hbm4b:s5+s3], $0x80, v4, vm0, $0xb8;
	[tilespmem:$0x18400] =	vst v63  }
0x85: {  	s19 =	simm.s32 $0x10400  }
0x86: {  	[tilespmem:s19], [sflag:$0x3] =	stream.indirect_vreg.gather [hbm4b:s6+s3], $0x80, v4, vm0, $0xb8;
	[tilespmem:$0x18400] =	vst v63  }
0x87: {  	s19 =	simm.s32 $0x10C00  }
0x88: {  	[tilespmem:s19], [sflag:$0x3] =	stream.indirect_vreg.gather [hbm4b:s1+s3], $0x80, v3, vm0, $0xb8;
	[tilespmem:$0x18400] =	vst v63  }
0x89: {  	s19 =	simm.s32 $0x11400  }
0x8a: {  	[tilespmem:s19], [sflag:$0x3] =	stream.indirect_vreg.gather [hbm4b:s5+s3], $0x80, v3, vm0, $0xb8;
	[tilespmem:$0x18400] =	vst v63  }
0x8b: {  	s19 =	simm.s32 $0x11C00  }
0x8c: {  	[tilespmem:s19], [sflag:$0x3] =	stream.indirect_vreg.gather [hbm4b:s6+s3], $0x80, v3, vm0, $0xb8;
	[tilespmem:$0x18400] =	vst v63  }
0x8d: {  	v3 =	vld [tilespmem:$0x180];
	_ =	sdelay $0x4  }
0x8e: {  	v54 =	vshrl.u32 v3, $0x3  }
0x8f: {  	v4 =	vmul.u32 $0x30, v54  }
0x90: {  	v3 =	vand.u32 $0x7, v3  }
0x91: {  	v3 =	vor.u32 v3, v4  }
0x92: {  	v4 =	vperm.xlane v3, v0;
	_ =	sdelay $0x1  }
0x93: {  	v4 =	vadd.s32 v1, v4;
	_ =	sdelay $0x3  }
0x94: {  	v3 =	vperm.xlane v3, v2  }
0x95: {  	[tilespmem:s8], [sflag:$0x4] =	stream.indirect_vreg.gather [hbm4b:s1+s3], $0x80, v4, vm0, $0xb8;
	[tilespmem:$0x18400] =	vst v63  }
0x96: {  	s19 =	simm.s32 $0x12C00;
	v3 =	vadd.s32 v1, v3  }
0x97: {  	[tilespmem:s19], [sflag:$0x4] =	stream.indirect_vreg.gather [hbm4b:s5+s3], $0x80, v4, vm0, $0xb8;
	[tilespmem:$0x18400] =	vst v63  }
0x98: {  	s19 =	simm.s32 $0x13400  }
0x99: {  	[tilespmem:s19], [sflag:$0x4] =	stream.indirect_vreg.gather [hbm4b:s6+s3], $0x80, v4, vm0, $0xb8;
	[tilespmem:$0x18400] =	vst v63  }
0x9a: {  	s19 =	simm.s32 $0x13C00  }
0x9b: {  	[tilespmem:s19], [sflag:$0x4] =	stream.indirect_vreg.gather [hbm4b:s1+s3], $0x80, v3, vm0, $0xb8;
	[tilespmem:$0x18400] =	vst v63  }
0x9c: {  	s19 =	simm.s32 $0x14400  }
0x9d: {  	[tilespmem:s19], [sflag:$0x4] =	stream.indirect_vreg.gather [hbm4b:s5+s3], $0x80, v3, vm0, $0xb8;
	[tilespmem:$0x18400] =	vst v63  }
0x9e: {  	s19 =	simm.s32 $0x14C00  }
0x9f: {  	[tilespmem:s19], [sflag:$0x4] =	stream.indirect_vreg.gather [hbm4b:s6+s3], $0x80, v3, vm0, $0xb8;
	[tilespmem:$0x18400] =	vst v63  }
0xa0: {  	v3 =	vld [tilespmem:$0x190];
	_ =	sdelay $0x4  }
0xa1: {  	v55 =	vshrl.u32 v3, $0x3  }
0xa2: {  	v4 =	vmul.u32 $0x30, v55  }
0xa3: {  	v3 =	vand.u32 $0x7, v3  }
0xa4: {  	v3 =	vor.u32 v3, v4  }
0xa5: {  	v4 =	vperm.xlane v3, v0;
	_ =	sdelay $0x1  }
0xa6: {  	v4 =	vadd.s32 v1, v4;
	_ =	sdelay $0x3  }
0xa7: {  	s19 =	simm.s32 $0x15400;
	v3 =	vperm.xlane v3, v2  }
0xa8: {  	[tilespmem:s19], [sflag:$0x4] =	stream.indirect_vreg.gather [hbm4b:s1+s3], $0x80, v4, vm0, $0xb8;
	[tilespmem:$0x18400] =	vst v63  }
0xa9: {  	v3 =	vadd.s32 v1, v3;
	s19 =	simm.s32 $0x15C00  }
0xaa: {  	[tilespmem:s19], [sflag:$0x4] =	stream.indirect_vreg.gather [hbm4b:s5+s3], $0x80, v4, vm0, $0xb8;
	[tilespmem:$0x18400] =	vst v63  }
0xab: {  	s19 =	simm.s32 $0x16400  }
0xac: {  	[tilespmem:s19], [sflag:$0x4] =	stream.indirect_vreg.gather [hbm4b:s6+s3], $0x80, v4, vm0, $0xb8;
	[tilespmem:$0x18400] =	vst v63  }
0xad: {  	s19 =	simm.s32 $0x16C00  }
0xae: {  	[tilespmem:s19], [sflag:$0x4] =	stream.indirect_vreg.gather [hbm4b:s1+s3], $0x80, v3, vm0, $0xb8;
	[tilespmem:$0x18400] =	vst v63  }
0xaf: {  	s19 =	simm.s32 $0x17400  }
0xb0: {  	[tilespmem:s19], [sflag:$0x4] =	stream.indirect_vreg.gather [hbm4b:s5+s3], $0x80, v3, vm0, $0xb8;
	[tilespmem:$0x18400] =	vst v63  }
0xb1: {  	s0 =	simm.s32 $0x1;
	s19 =	simm.s32 $0x17C00  }
0xb2: {  	[tilespmem:s19], [sflag:$0x4] =	stream.indirect_vreg.gather [hbm4b:s6+s3], $0x80, v3, vm0, $0xb8;
	[tilespmem:$0x18400] =	vst v63  }
0xb3: {  	_ =	swait.ge [sflag:s0], $0x6000  }
0xb4: {  	[sflag:s0] =	ssyncset.done $0x0  }
0xb5: {  	s19 =	rddreg [dreg:$0xc];
	[sflag:s0] =	ssyncadd.s32 $0xFFFFA000  }
0xb6: {  	[hbm4b:s19+s3] =	stream.linear.scatter [tilespmem:s21], [sflag:$0x5], $0x6000, $0x38;
	[tilespmem:$0x18400] =	vst v63  }
0xb7: {  	_ =	swait.ge [sflag:s2], $0x6000  }
0xb8: {  	[sflag:s2] =	ssyncset.done $0x0  }
0xb9: {  	s19 =	rddreg [dreg:$0x5];
	[sflag:s2] =	ssyncadd.s32 $0xFFFFA000  }
0xba: {  	[hbm4b:s19+s3] =	stream.linear.scatter [tilespmem:s11], [sflag:$0x6], $0x6000, $0x38;
	[tilespmem:$0x18400] =	vst v63  }
0xbb: {  	_ =	swait.ge [sflag:s4], $0x6000  }
0xbc: {  	[sflag:s4] =	ssyncset.done $0x0  }
0xbd: {  	[sflag:s4] =	ssyncadd.s32 $0xFFFFA000  }
0xbe: {  	v3 =	vld [tilespmem:$0x200];
	_ =	sdelay $0x4  }
0xbf: {  	v56 =	vshrl.u32 v3, $0x3  }
0xc0: {  	v4 =	vmul.u32 $0x30, v56  }
0xc1: {  	v3 =	vand.u32 $0x7, v3  }
0xc2: {  	v3 =	vor.u32 v3, v4  }
0xc3: {  	v4 =	vperm.xlane v3, v0;
	_ =	sdelay $0x1  }
0xc4: {  	v4 =	vadd.s32 v1, v4;
	_ =	sdelay $0x3  }
0xc5: {  	v3 =	vperm.xlane v3, v2  }
0xc6: {  	[tilespmem:s21], [sflag:$0x1] =	stream.indirect_vreg.gather [hbm4b:s1+s3], $0x80, v4, vm0, $0xb8;
	[tilespmem:$0x18400] =	vst v63  }
0xc7: {  	v3 =	vadd.s32 v1, v3  }
0xc8: {  	[tilespmem:s20], [sflag:$0x1] =	stream.indirect_vreg.gather [hbm4b:s5+s3], $0x80, v4, vm0, $0xb8;
	[tilespmem:$0x18400] =	vst v63  }
0xc9: {  	_ = 	snop  }
0xca: {  	[tilespmem:s23], [sflag:$0x1] =	stream.indirect_vreg.gather [hbm4b:s6+s3], $0x80, v4, vm0, $0xb8;
	[tilespmem:$0x18400] =	vst v63  }
0xcb: {  	_ = 	snop  }
0xcc: {  	[tilespmem:s24], [sflag:$0x1] =	stream.indirect_vreg.gather [hbm4b:s1+s3], $0x80, v3, vm0, $0xb8;
	[tilespmem:$0x18400] =	vst v63  }
0xcd: {  	_ = 	snop  }
0xce: {  	[tilespmem:s25], [sflag:$0x1] =	stream.indirect_vreg.gather [hbm4b:s5+s3], $0x80, v3, vm0, $0xb8;
	[tilespmem:$0x18400] =	vst v63  }
0xcf: {  	_ = 	snop  }
0xd0: {  	[tilespmem:s26], [sflag:$0x1] =	stream.indirect_vreg.gather [hbm4b:s6+s3], $0x80, v3, vm0, $0xb8;
	[tilespmem:$0x18400] =	vst v63  }
0xd1: {  	v3 =	vld [tilespmem:$0x210];
	_ =	sdelay $0x4  }
0xd2: {  	v57 =	vshrl.u32 v3, $0x3  }
0xd3: {  	v4 =	vmul.u32 $0x30, v57  }
0xd4: {  	v3 =	vand.u32 $0x7, v3  }
0xd5: {  	v3 =	vor.u32 v3, v4  }
0xd6: {  	v4 =	vperm.xlane v3, v0;
	_ =	sdelay $0x1  }
0xd7: {  	v4 =	vadd.s32 v1, v4;
	_ =	sdelay $0x3  }
0xd8: {  	v3 =	vperm.xlane v3, v2  }
0xd9: {  	[tilespmem:s28], [sflag:$0x1] =	stream.indirect_vreg.gather [hbm4b:s1+s3], $0x80, v4, vm0, $0xb8;
	[tilespmem:$0x18400] =	vst v63  }
0xda: {  	v3 =	vadd.s32 v1, v3  }
0xdb: {  	[tilespmem:s29], [sflag:$0x1] =	stream.indirect_vreg.gather [hbm4b:s5+s3], $0x80, v4, vm0, $0xb8;
	[tilespmem:$0x18400] =	vst v63  }
0xdc: {  	_ = 	snop  }
0xdd: {  	[tilespmem:s30], [sflag:$0x1] =	stream.indirect_vreg.gather [hbm4b:s6+s3], $0x80, v4, vm0, $0xb8;
	[tilespmem:$0x18400] =	vst v63  }
0xde: {  	_ = 	snop  }
0xdf: {  	[tilespmem:s31], [sflag:$0x1] =	stream.indirect_vreg.gather [hbm4b:s1+s3], $0x80, v3, vm0, $0xb8;
	[tilespmem:$0x18400] =	vst v63  }
0xe0: {  	_ = 	snop  }
0xe1: {  	[tilespmem:s10], [sflag:$0x1] =	stream.indirect_vreg.gather [hbm4b:s5+s3], $0x80, v3, vm0, $0xb8;
	[tilespmem:$0x18400] =	vst v63  }
0xe2: {  	_ = 	snop  }
0xe3: {  	[tilespmem:s9], [sflag:$0x1] =	stream.indirect_vreg.gather [hbm4b:s6+s3], $0x80, v3, vm0, $0xb8;
	[tilespmem:$0x18400] =	vst v63  }
0xe4: {  	s9 =	simm.s32 $0x3  }
0xe5: {  	_ =	swait.ge [sflag:s9], $0x6000  }
0xe6: {  	[sflag:s9] =	ssyncset.done $0x0  }
0xe7: {  	s10 =	rddreg [dreg:$0x6];
	[sflag:s9] =	ssyncadd.s32 $0xFFFFA000  }
0xe8: {  	[hbm4b:s10+s3] =	stream.linear.scatter [tilespmem:s18], [sflag:$0x7], $0x6000, $0x38;
	[tilespmem:$0x18400] =	vst v63  }
0xe9: {  	s10 =	simm.s32 $0x6  }
0xea: {  	_ =	swait.ge [sflag:s10], $0x6000  }
0xeb: {  	[sflag:s10] =	ssyncset.done $0x0  }
0xec: {  	[sflag:s10] =	ssyncadd.s32 $0xFFFFA000  }
0xed: {  	v3 =	vld [tilespmem:$0x280];
	_ =	sdelay $0x4  }
0xee: {  	v58 =	vshrl.u32 v3, $0x3  }
0xef: {  	v4 =	vmul.u32 $0x30, v58  }
0xf0: {  	v3 =	vand.u32 $0x7, v3  }
0xf1: {  	v3 =	vor.u32 v3, v4  }
0xf2: {  	v4 =	vperm.xlane v3, v0;
	_ =	sdelay $0x1  }
0xf3: {  	v4 =	vadd.s32 v1, v4;
	_ =	sdelay $0x3  }
0xf4: {  	v3 =	vperm.xlane v3, v2  }
0xf5: {  	[tilespmem:s11], [sflag:$0x2] =	stream.indirect_vreg.gather [hbm4b:s1+s3], $0x80, v4, vm0, $0xb8;
	[tilespmem:$0x18400] =	vst v63  }
0xf6: {  	s19 =	simm.s32 $0x6C00;
	v3 =	vadd.s32 v1, v3  }
0xf7: {  	[tilespmem:s19], [sflag:$0x2] =	stream.indirect_vreg.gather [hbm4b:s5+s3], $0x80, v4, vm0, $0xb8;
	[tilespmem:$0x18400] =	vst v63  }
0xf8: {  	s19 =	simm.s32 $0x7400  }
0xf9: {  	[tilespmem:s19], [sflag:$0x2] =	stream.indirect_vreg.gather [hbm4b:s6+s3], $0x80, v4, vm0, $0xb8;
	[tilespmem:$0x18400] =	vst v63  }
0xfa: {  	s19 =	simm.s32 $0x7C00  }
0xfb: {  	[tilespmem:s19], [sflag:$0x2] =	stream.indirect_vreg.gather [hbm4b:s1+s3], $0x80, v3, vm0, $0xb8;
	[tilespmem:$0x18400] =	vst v63  }
0xfc: {  	_ = 	snop  }
0xfd: {  	[tilespmem:s22], [sflag:$0x2] =	stream.indirect_vreg.gather [hbm4b:s5+s3], $0x80, v3, vm0, $0xb8;
	[tilespmem:$0x18400] =	vst v63  }
0xfe: {  	_ = 	snop  }
0xff: {  	[tilespmem:s12], [sflag:$0x2] =	stream.indirect_vreg.gather [hbm4b:s6+s3], $0x80, v3, vm0, $0xb8;
	[tilespmem:$0x18400] =	vst v63  }
0x100: {  	v3 =	vld [tilespmem:$0x290];
	_ =	sdelay $0x4  }
0x101: {  	v59 =	vshrl.u32 v3, $0x3  }
0x102: {  	v4 =	vmul.u32 $0x30, v59  }
0x103: {  	v3 =	vand.u32 $0x7, v3  }
0x104: {  	v3 =	vor.u32 v3, v4  }
0x105: {  	v4 =	vperm.xlane v3, v0;
	_ =	sdelay $0x1  }
0x106: {  	v4 =	vadd.s32 v1, v4;
	_ =	sdelay $0x3  }
0x107: {  	v3 =	vperm.xlane v3, v2  }
0x108: {  	[tilespmem:s13], [sflag:$0x2] =	stream.indirect_vreg.gather [hbm4b:s1+s3], $0x80, v4, vm0, $0xb8;
	[tilespmem:$0x18400] =	vst v63  }
0x109: {  	v3 =	vadd.s32 v1, v3  }
0x10a: {  	[tilespmem:s14], [sflag:$0x2] =	stream.indirect_vreg.gather [hbm4b:s5+s3], $0x80, v4, vm0, $0xb8;
	[tilespmem:$0x18400] =	vst v63  }
0x10b: {  	s13 =	simm.s32 $0xA400  }
0x10c: {  	[tilespmem:s13], [sflag:$0x2] =	stream.indirect_vreg.gather [hbm4b:s6+s3], $0x80, v4, vm0, $0xb8;
	[tilespmem:$0x18400] =	vst v63  }
0x10d: {  	_ = 	snop  }
0x10e: {  	[tilespmem:s15], [sflag:$0x2] =	stream.indirect_vreg.gather [hbm4b:s1+s3], $0x80, v3, vm0, $0xb8;
	[tilespmem:$0x18400] =	vst v63  }
0x10f: {  	_ = 	snop  }
0x110: {  	[tilespmem:s16], [sflag:$0x2] =	stream.indirect_vreg.gather [hbm4b:s5+s3], $0x80, v3, vm0, $0xb8;
	[tilespmem:$0x18400] =	vst v63  }
0x111: {  	s12 =	simm.s32 $0x4  }
0x112: {  	[tilespmem:s17], [sflag:$0x2] =	stream.indirect_vreg.gather [hbm4b:s6+s3], $0x80, v3, vm0, $0xb8;
	[tilespmem:$0x18400] =	vst v63  }
0x113: {  	_ =	swait.ge [sflag:s12], $0x6000  }
0x114: {  	[sflag:s12] =	ssyncset.done $0x0  }
0x115: {  	s13 =	simm.s32 $0x7;
	s14 =	rddreg [dreg:$0x7];
	[sflag:s12] =	ssyncadd.s32 $0xFFFFA000  }
0x116: {  	[hbm4b:s14+s3] =	stream.linear.scatter [tilespmem:s8], [sflag:$0x8], $0x6000, $0x38;
	[tilespmem:$0x18400] =	vst v63  }
0x117: {  	_ =	swait.ge [sflag:s13], $0x6000  }
0x118: {  	[sflag:s13] =	ssyncset.done $0x0  }
0x119: {  	[sflag:s13] =	ssyncadd.s32 $0xFFFFA000  }
0x11a: {  	v3 =	vld [tilespmem:$0x300];
	_ =	sdelay $0x4  }
0x11b: {  	v60 =	vshrl.u32 v3, $0x3  }
0x11c: {  	v4 =	vmul.u32 $0x30, v60  }
0x11d: {  	v3 =	vand.u32 $0x7, v3  }
0x11e: {  	v3 =	vor.u32 v3, v4  }
0x11f: {  	v4 =	vperm.xlane v3, v0;
	_ =	sdelay $0x1  }
0x120: {  	v4 =	vadd.s32 v1, v4;
	_ =	sdelay $0x3  }
0x121: {  	v3 =	vperm.xlane v3, v2  }
0x122: {  	[tilespmem:s18], [sflag:$0x3] =	stream.indirect_vreg.gather [hbm4b:s1+s3], $0x80, v4, vm0, $0xb8;
	[tilespmem:$0x18400] =	vst v63  }
0x123: {  	s19 =	simm.s32 $0xCC00;
	v3 =	vadd.s32 v1, v3  }
0x124: {  	[tilespmem:s19], [sflag:$0x3] =	stream.indirect_vreg.gather [hbm4b:s5+s3], $0x80, v4, vm0, $0xb8;
	[tilespmem:$0x18400] =	vst v63  }
0x125: {  	s19 =	simm.s32 $0xD400  }
0x126: {  	[tilespmem:s19], [sflag:$0x3] =	stream.indirect_vreg.gather [hbm4b:s6+s3], $0x80, v4, vm0, $0xb8;
	[tilespmem:$0x18400] =	vst v63  }
0x127: {  	s19 =	simm.s32 $0xDC00  }
0x128: {  	[tilespmem:s19], [sflag:$0x3] =	stream.indirect_vreg.gather [hbm4b:s1+s3], $0x80, v3, vm0, $0xb8;
	[tilespmem:$0x18400] =	vst v63  }
0x129: {  	s19 =	simm.s32 $0xE400  }
0x12a: {  	[tilespmem:s19], [sflag:$0x3] =	stream.indirect_vreg.gather [hbm4b:s5+s3], $0x80, v3, vm0, $0xb8;
	[tilespmem:$0x18400] =	vst v63  }
0x12b: {  	s19 =	simm.s32 $0xEC00  }
0x12c: {  	[tilespmem:s19], [sflag:$0x3] =	stream.indirect_vreg.gather [hbm4b:s6+s3], $0x80, v3, vm0, $0xb8;
	[tilespmem:$0x18400] =	vst v63  }
0x12d: {  	v3 =	vld [tilespmem:$0x310];
	_ =	sdelay $0x4  }
0x12e: {  	v61 =	vshrl.u32 v3, $0x3  }
0x12f: {  	v4 =	vmul.u32 $0x30, v61  }
0x130: {  	v3 =	vand.u32 $0x7, v3  }
0x131: {  	v3 =	vor.u32 v3, v4  }
0x132: {  	v4 =	vperm.xlane v3, v0;
	_ =	sdelay $0x1  }
0x133: {  	v4 =	vadd.s32 v1, v4;
	_ =	sdelay $0x3  }
0x134: {  	s19 =	simm.s32 $0xF400;
	v3 =	vperm.xlane v3, v2  }
0x135: {  	[tilespmem:s19], [sflag:$0x3] =	stream.indirect_vreg.gather [hbm4b:s1+s3], $0x80, v4, vm0, $0xb8;
	[tilespmem:$0x18400] =	vst v63  }
0x136: {  	v3 =	vadd.s32 v1, v3;
	s19 =	simm.s32 $0xFC00  }
0x137: {  	[tilespmem:s19], [sflag:$0x3] =	stream.indirect_vreg.gather [hbm4b:s5+s3], $0x80, v4, vm0, $0xb8;
	[tilespmem:$0x18400] =	vst v63  }
0x138: {  	s19 =	simm.s32 $0x10400  }
0x139: {  	[tilespmem:s19], [sflag:$0x3] =	stream.indirect_vreg.gather [hbm4b:s6+s3], $0x80, v4, vm0, $0xb8;
	[tilespmem:$0x18400] =	vst v63  }
0x13a: {  	s19 =	simm.s32 $0x10C00  }
0x13b: {  	[tilespmem:s19], [sflag:$0x3] =	stream.indirect_vreg.gather [hbm4b:s1+s3], $0x80, v3, vm0, $0xb8;
	[tilespmem:$0x18400] =	vst v63  }
0x13c: {  	s19 =	simm.s32 $0x11400  }
0x13d: {  	[tilespmem:s19], [sflag:$0x3] =	stream.indirect_vreg.gather [hbm4b:s5+s3], $0x80, v3, vm0, $0xb8;
	[tilespmem:$0x18400] =	vst v63  }
0x13e: {  	s19 =	simm.s32 $0x11C00  }
0x13f: {  	[tilespmem:s19], [sflag:$0x3] =	stream.indirect_vreg.gather [hbm4b:s6+s3], $0x80, v3, vm0, $0xb8;
	[tilespmem:$0x18400] =	vst v63  }
0x140: {  	_ =	swait.ge [sflag:s0], $0x6000  }
0x141: {  	[sflag:s0] =	ssyncset.done $0x0  }
0x142: {  	s14 =	rddreg [dreg:$0x8];
	[sflag:s0] =	ssyncadd.s32 $0xFFFFA000;
	s0 =	simm.s32 $0x8  }
0x143: {  	[hbm4b:s14+s3] =	stream.linear.scatter [tilespmem:s21], [sflag:$0x5], $0x6000, $0x38;
	[tilespmem:$0x18400] =	vst v63  }
0x144: {  	_ =	swait.ge [sflag:s0], $0x6000  }
0x145: {  	[sflag:s0] =	ssyncset.done $0x0  }
0x146: {  	[sflag:s0] =	ssyncadd.s32 $0xFFFFA000  }
0x147: {  	v3 =	vld [tilespmem:$0x380];
	_ =	sdelay $0x4  }
0x148: {  	v62 =	vshrl.u32 v3, $0x3  }
0x149: {  	v4 =	vmul.u32 $0x30, v62  }
0x14a: {  	v3 =	vand.u32 $0x7, v3  }
0x14b: {  	v3 =	vor.u32 v3, v4  }
0x14c: {  	v4 =	vperm.xlane v3, v0;
	_ =	sdelay $0x1  }
0x14d: {  	v4 =	vadd.s32 v1, v4;
	_ =	sdelay $0x3  }
0x14e: {  	v3 =	vperm.xlane v3, v2  }
0x14f: {  	[tilespmem:s8], [sflag:$0x4] =	stream.indirect_vreg.gather [hbm4b:s1+s3], $0x80, v4, vm0, $0xb8;
	[tilespmem:$0x18400] =	vst v63  }
0x150: {  	s19 =	simm.s32 $0x12C00;
	v3 =	vadd.s32 v1, v3  }
0x151: {  	[tilespmem:s19], [sflag:$0x4] =	stream.indirect_vreg.gather [hbm4b:s5+s3], $0x80, v4, vm0, $0xb8;
	[tilespmem:$0x18400] =	vst v63  }
0x152: {  	s19 =	simm.s32 $0x13400  }
0x153: {  	[tilespmem:s19], [sflag:$0x4] =	stream.indirect_vreg.gather [hbm4b:s6+s3], $0x80, v4, vm0, $0xb8;
	[tilespmem:$0x18400] =	vst v63  }
0x154: {  	s19 =	simm.s32 $0x13C00  }
0x155: {  	[tilespmem:s19], [sflag:$0x4] =	stream.indirect_vreg.gather [hbm4b:s1+s3], $0x80, v3, vm0, $0xb8;
	[tilespmem:$0x18400] =	vst v63  }
0x156: {  	s19 =	simm.s32 $0x14400  }
0x157: {  	[tilespmem:s19], [sflag:$0x4] =	stream.indirect_vreg.gather [hbm4b:s5+s3], $0x80, v3, vm0, $0xb8;
	[tilespmem:$0x18400] =	vst v63  }
0x158: {  	s19 =	simm.s32 $0x14C00  }
0x159: {  	[tilespmem:s19], [sflag:$0x4] =	stream.indirect_vreg.gather [hbm4b:s6+s3], $0x80, v3, vm0, $0xb8;
	[tilespmem:$0x18400] =	vst v63  }
0x15a: {  	v3 =	vld [tilespmem:$0x390];
	_ =	sdelay $0x4  }
0x15b: {  	v63 =	vshrl.u32 v3, $0x3  }
0x15c: {  	v4 =	vmul.u32 $0x30, v63  }
0x15d: {  	v3 =	vand.u32 $0x7, v3  }
0x15e: {  	v3 =	vor.u32 v3, v4  }
0x15f: {  	v4 =	vperm.xlane v3, v0;
	_ =	sdelay $0x1  }
0x160: {  	v4 =	vadd.s32 v1, v4;
	_ =	sdelay $0x3  }
0x161: {  	s19 =	simm.s32 $0x15400;
	v3 =	vperm.xlane v3, v2  }
0x162: {  	[tilespmem:s19], [sflag:$0x4] =	stream.indirect_vreg.gather [hbm4b:s1+s3], $0x80, v4, vm0, $0xb8;
	[tilespmem:$0x18400] =	vst v63  }
0x163: {  	v3 =	vadd.s32 v1, v3;
	s19 =	simm.s32 $0x15C00  }
0x164: {  	[tilespmem:s19], [sflag:$0x4] =	stream.indirect_vreg.gather [hbm4b:s5+s3], $0x80, v4, vm0, $0xb8;
	[tilespmem:$0x18400] =	vst v63  }
0x165: {  	s19 =	simm.s32 $0x16400  }
0x166: {  	[tilespmem:s19], [sflag:$0x4] =	stream.indirect_vreg.gather [hbm4b:s6+s3], $0x80, v4, vm0, $0xb8;
	[tilespmem:$0x18400] =	vst v63  }
0x167: {  	s19 =	simm.s32 $0x16C00  }
0x168: {  	[tilespmem:s19], [sflag:$0x4] =	stream.indirect_vreg.gather [hbm4b:s1+s3], $0x80, v3, vm0, $0xb8;
	[tilespmem:$0x18400] =	vst v63  }
0x169: {  	s19 =	simm.s32 $0x17400  }
0x16a: {  	[tilespmem:s19], [sflag:$0x4] =	stream.indirect_vreg.gather [hbm4b:s5+s3], $0x80, v3, vm0, $0xb8;
	[tilespmem:$0x18400] =	vst v63  }
0x16b: {  	s19 =	simm.s32 $0x17C00  }
0x16c: {  	[tilespmem:s19], [sflag:$0x4] =	stream.indirect_vreg.gather [hbm4b:s6+s3], $0x80, v3, vm0, $0xb8;
	[tilespmem:$0x18400] =	vst v63  }
0x16d: {  	_ =	swait.ge [sflag:s2], $0x6000  }
0x16e: {  	[sflag:s2] =	ssyncset.done $0x0  }
0x16f: {  	s14 =	rddreg [dreg:$0x9];
	[sflag:s2] =	ssyncadd.s32 $0xFFFFA000  }
0x170: {  	[hbm4b:s14+s3] =	stream.linear.scatter [tilespmem:s11], [sflag:$0x6], $0x6000, $0x38;
	[tilespmem:$0x18400] =	vst v63  }
0x171: {  	_ =	swait.ge [sflag:s9], $0x6000  }
0x172: {  	[sflag:s9] =	ssyncset.done $0x0  }
0x173: {  	s14 =	rddreg [dreg:$0xa];
	[sflag:s9] =	ssyncadd.s32 $0xFFFFA000  }
0x174: {  	[hbm4b:s14+s3] =	stream.linear.scatter [tilespmem:s18], [sflag:$0x7], $0x6000, $0x38;
	[tilespmem:$0x18400] =	vst v63  }
0x175: {  	_ =	swait.ge [sflag:s12], $0x6000  }
0x176: {  	[sflag:s12] =	ssyncset.done $0x0  }
0x177: {  	s14 =	rddreg [dreg:$0xb];
	[sflag:s12] =	ssyncadd.s32 $0xFFFFA000  }
0x178: {  	[hbm4b:s14+s3] =	stream.linear.scatter [tilespmem:s8], [sflag:$0x8], $0x6000, $0x38;
	[tilespmem:$0x18400] =	vst v63  }
0x179: {  	_ =	swait.ge [sflag:s4], $0x6000  }
0x17a: {  	[sflag:s4] =	ssyncset.done $0x0  }
0x17b: {  	[sflag:s4] =	ssyncadd.s32 $0xFFFFA000  }
0x17c: {  	_ =	swait.ge [sflag:s10], $0x6000  }
0x17d: {  	[sflag:s10] =	ssyncset.done $0x0  }
0x17e: {  	[sflag:s10] =	ssyncadd.s32 $0xFFFFA000  }
0x17f: {  	p0 =	sne.s32 s7, $0x1;
	_ =	swait.ge [sflag:s13], $0x6000  }
.Ltmp0:
0x180: {  	[sflag:s13] =	ssyncset.done $0x0;
	(pc) =	sbr.rel @p0 .LBB2_1-.Ltmp0, $4  }
0x181: {  	[sflag:s13] =	ssyncadd.s32 $0xFFFFA000  }
0x182: {  	_ =	swait.ge [sflag:s0], $0x6000  }
0x183: {  	[sflag:s0] =	ssyncset.done $0x0  }
0x184: {  	s7 =	sadd.s32 $0xFFFFFFFF, s7;
	[sflag:s0] =	ssyncadd.s32 $0xFFFFA000  }
0x185: {  	_ =	sfence.sel $0x180000  }
0x186: {  	[bflag:$0x0] =	sbarrier.arrive $0xFFFF  }
0x187: {  	_ =	strace $0x90000047  }
0x188: {  	s0 =	stileid.u32;
	[bflag:$0x2] =	sbarrier.arrive $0xFFFF  }
0x189: {  	p0 =	sne.s32 s0, $0x0;
	s0 =	rddreg [dreg:$0x3]  }
0x18a: {  	s0 =	sadd.s32 @!p0 $0x100000, s0  }
0x18b: {  	[sflag:s0] =	ssyncadd.tile.s32 @!p0 $0x1;
	_ =	shalt  }
.Lfunc_end2:
_tile_overlayer_lowered:
.L_overlay_start_2:
0x18c: {  	(tag) =	ssettag $0x2  }
0x18d: {  	s0 =	rddreg [dreg:$0x0];
	s2 =	stileid.u32  }
0x18e: {  	s1 =	rddreg [dreg:$0x1];
	p0 =	sne.s32 s2, $0x0  }
0x18f: {  	s3 =	rddreg [dreg:$0x2];
	[bflag:$0x3] =	sbarrier.arrive $0xFFFF;
	s2 =	simm.s32 @!p0 $0x1C09  }
0x190: {  	[timem:s3], [sflag:s2] =	dma.local @!p0 [hbm:s0], s1  }
0x191: {  	s0 =	simm.s32 @!p0 $0x9  }
0x192: {  	_ =	swait.ge @!p0 [sflag:s0], s1  }
0x193: {  	s1 =	ssub.s32 @!p0 $0x0, s1;
	[sflag:s0] =	ssyncset.done @!p0 $0x0  }
0x194: {  	[sflag:s0] =	ssyncadd.s32 @!p0 s1  }
0x195: {  	[bflag:$0x3] =	sbarrier.arrive $0xFFFF  }
0x196: {  	_ =	shalt  }

// kernel: kernel.7.cloned.1.call-start
scs
__scs_entry_jumppad:
0x0: {  	(pc) =	sbr.rel $0x88, $3  }
0x1: {  	(tag) =	ssettag $0x0;
	lr =	simm.s32 $0x1  }
0x2: {  	[smem:$0x3F93] =	sst lr;
	_ =	strace $0xD0000000  }
0x3: {  	_ = 	snop  }
0x4: {  	_ = 	snop  }
0x5: {  	_ = 	snop  }
0x6: {  	_ = 	snop  }
0x7: {  	_ = 	snop  }
__scs_overlays_trampoline_lowered:
0x8: {  	[smem:$0x3FA2] =	sst s0  }
0x9: {  	[smem:$0x3FA3] =	sst s1  }
0xa: {  	[smem:$0x3FA4] =	sst s2  }
0xb: {  	[smem:$0x3FA5] =	sst s3  }
0xc: {  	[smem:$0x3FA6] =	sst s4  }
0xd: {  	[smem:$0x3FA7] =	sst s5  }
0xe: {  	[smem:$0x3FA8] =	sst s6  }
0xf: {  	[smem:$0x3FA9] =	sst s7  }
0x10: {  	[smem:$0x3FAA] =	sst s8  }
0x11: {  	[smem:$0x3FAB] =	sst s9;
	s0 =	simm.s32 @!p0 $0x0  }
0x12: {  	s1 =	sld [smem:$0x3F91];
	s0 =	simm.s32 @p0 $0x1  }
0x13: {  	[smem:$0x3FAC] =	sst s0;
	s0 =	simm.s32 @!p1 $0x0  }
0x14: {  	s2 =	sld [smem:$0x3F90];
	s0 =	simm.s32 @p1 $0x1  }
0x15: {  	[smem:$0x3FAD] =	sst s0;
	s0 =	simm.s32 @!p2 $0x0  }
0x16: {  	s3 =	sld [smem:$0x3FDB];
	s0 =	simm.s32 @p2 $0x1  }
0x17: {  	s4 =	simm.s32 $0x1BF5;
	[smem:$0x3FAF] =	sst s0  }
0x18: {  	s0 =	sld [smem:$0x3F92];
	_ =	swait.ge [sflag:s4], $0x0  }
0x19: {  	s7 =	sld [smem:$0x3F93]  }
0x1a: {  	s8 =	sadd.s32 $0xFFFFE003, lr  }
0x1b: {  	s9 =	sadd.s32 $0xFFFFFEF7, lr;
	s5 =	simm.s32 $0xFFFFFFFF;
	p2 =	slt.u32 s8, $0xFFFFF086  }
0x1c: {  	p1 =	slt.u32 s9, $0xF7A;
	s5 =	simm.s32 @!p2 $0x0  }
0x1d: {  	s5 =	simm.s32 @p1 $0x1;
	p0 =	seq.s32 s7, s2  }
0x1e: {  	s7 =	smul.u32 @!p0 $0xF7A, s2;
	p2 =	seq.s32 @!p0 s5, $0x0  }
0x1f: {  	s9 =	smul.u32 $0xF7A, s1;
	s8 =	simm.s32 @!p0 $0x1BF5;
	p2 =	por !p2, p0  }
0x20: {  	[sflag:s8] =	ssyncset.s32 @!p0 $0xFFFFF086;
	s6 =	sadd.s32 @!p0 s3, s7;
	s7 =	simm.s32 @!p0 $0x108  }
0x21: {  	s3 =	sadd.s32 s3, s9;
	s6 =	sadd.s32 @!p0 $0x88, s6;
	s7 =	simm.s32 @p2 $0x1082  }
0x22: {  	[simem:s7], [sflag:s8] =	dma.local @!p0 [hbm:s6], $0xF7A  }
0x23: {  	s9 =	sor.u32 $0xD0000000, s2;
	s6 =	simm.s32 $0x108;
	_ =	swait.ge @!p0 [sflag:s8], $0x0  }
0x24: {  	s3 =	sadd.s32 $0x88, s3;
	s6 =	simm.s32 @!p1 $0x1082;
	[sflag:s4] =	ssyncset.s32 $0xFFFFF086  }
0x25: {  	[simem:s6], [sflag:s4] =	dma.local [hbm:s3], $0xF7A  }
0x26: {  	[smem:$0x3F93] =	sst s1;
	(tag) =	ssettag s2;
	_ =	strace s9  }
0x27: {  	s1 =	sld [smem:$0x3FA3]  }
0x28: {  	s2 =	sld [smem:$0x3FA4]  }
0x29: {  	s4 =	sld [smem:$0x3FA6]  }
0x2a: {  	p0 =	seq.s32 s5, $0x0;
	s5 =	sld [smem:$0x3FA7]  }
0x2b: {  	s6 =	sld [smem:$0x3FA8]  }
0x2c: {  	s7 =	sld [smem:$0x3FA9]  }
0x2d: {  	s3 =	simm.s32 $0x108;
	s8 =	sld [smem:$0x3FAA]  }
0x2e: {  	s3 =	simm.s32 @!p0 $0x1082;
	s9 =	sld [smem:$0x3FAB]  }
0x2f: {  	lr =	sadd.s32 s0, s3;
	s0 =	sld [smem:$0x3FA2]  }
0x30: {  	s3 =	sld [smem:$0x3FA5]  }
0x31: {  	[smem:$0x3FAE] =	sst s10  }
0x32: {  	s10 =	sld [smem:$0x3FAC];
	_ =	sdelay $0x3  }
0x33: {  	p0 =	seq.s32 s10, $0x1;
	s10 =	sld [smem:$0x3FAE];
	_ =	sdelay $0x3  }
0x34: {  	[smem:$0x3FAE] =	sst s10  }
0x35: {  	s10 =	sld [smem:$0x3FAD];
	_ =	sdelay $0x3  }
0x36: {  	p1 =	seq.s32 s10, $0x1;
	s10 =	sld [smem:$0x3FAE];
	_ =	sdelay $0x3  }
0x37: {  	[smem:$0x3FAE] =	sst s10  }
0x38: {  	s10 =	sld [smem:$0x3FAF]  }
0x39: {  	_ = 	snop;
	(pc) =	sbr.ind lr, $3  }
0x3a: {  	_ = 	snop  }
0x3b: {  	_ = 	snop  }
0x3c: {  	p2 =	seq.s32 s10, $0x1;
	s10 =	sld [smem:$0x3FAE]  }
0x3d: {  	_ =	shalt  }
0x3e: {  	_ =	shalt  }
0x3f: {  	_ =	shalt  }
0x40: {  	_ =	shalt  }
0x41: {  	_ =	shalt  }
0x42: {  	_ =	shalt  }
0x43: {  	_ =	shalt  }
0x44: {  	_ =	shalt  }
0x45: {  	_ =	shalt  }
0x46: {  	_ =	shalt  }
0x47: {  	_ =	shalt  }
0x48: {  	_ =	shalt  }
0x49: {  	_ =	shalt  }
0x4a: {  	_ =	shalt  }
0x4b: {  	_ =	shalt  }
0x4c: {  	_ =	shalt  }
0x4d: {  	_ =	shalt  }
0x4e: {  	_ =	shalt  }
0x4f: {  	_ =	shalt  }
0x50: {  	_ =	shalt  }
0x51: {  	_ =	shalt  }
0x52: {  	_ =	shalt  }
0x53: {  	_ =	shalt  }
0x54: {  	_ =	shalt  }
0x55: {  	_ =	shalt  }
0x56: {  	_ =	shalt  }
0x57: {  	_ =	shalt  }
0x58: {  	_ =	shalt  }
0x59: {  	_ =	shalt  }
0x5a: {  	_ =	shalt  }
0x5b: {  	_ =	shalt  }
0x5c: {  	_ =	shalt  }
0x5d: {  	_ =	shalt  }
0x5e: {  	_ =	shalt  }
0x5f: {  	_ =	shalt  }
0x60: {  	_ =	shalt  }
0x61: {  	_ =	shalt  }
0x62: {  	_ =	shalt  }
0x63: {  	_ =	shalt  }
0x64: {  	_ =	shalt  }
0x65: {  	_ =	shalt  }
0x66: {  	_ =	shalt  }
0x67: {  	_ =	shalt  }
0x68: {  	_ =	shalt  }
0x69: {  	_ =	shalt  }
0x6a: {  	_ =	shalt  }
0x6b: {  	_ =	shalt  }
0x6c: {  	_ =	shalt  }
0x6d: {  	_ =	shalt  }
0x6e: {  	_ =	shalt  }
0x6f: {  	_ =	shalt  }
0x70: {  	_ =	shalt  }
0x71: {  	_ =	shalt  }
0x72: {  	_ =	shalt  }
0x73: {  	_ =	shalt  }
0x74: {  	_ =	shalt  }
0x75: {  	_ =	shalt  }
0x76: {  	_ =	shalt  }
0x77: {  	_ =	shalt  }
0x78: {  	_ =	shalt  }
0x79: {  	_ =	shalt  }
0x7a: {  	_ =	shalt  }
0x7b: {  	_ =	shalt  }
0x7c: {  	_ =	shalt  }
0x7d: {  	_ =	shalt  }
0x7e: {  	_ =	shalt  }
0x7f: {  	_ =	shalt  }
0x80: {  	_ =	shalt  }
0x81: {  	_ =	shalt  }
0x82: {  	_ =	shalt  }
0x83: {  	_ =	shalt  }
0x84: {  	_ =	shalt  }
0x85: {  	_ =	shalt  }
0x86: {  	_ =	shalt  }
0x87: {  	_ =	shalt  }
.Lfunc_end0:
.L_simem_size_0:
called_computation_lowered:
.L_overlay_start_0:
0x88: {  	s2 =	sld [smem:$0x3FD9]  }
0x89: {  	s3 =	sld [smem:$0x3FFE];
	_ =	sdelay $0x1  }
0x8a: {  	s1 =	srdreg.scid  }
0x8b: {  	s0 =	sand.u32 $0x1, s1  }
0x8c: {  	s17 =	sshll.u32 s0, $0xA;
	s2 =	sadd.s32 s3, s2  }
0x8d: {  	s2 =	sadd.s32 s2, s17  }
0x8e: {  	[smem:$0x3FBA] =	sst s2  }
0x8f: {  	_ = 	snop  }
0x90: {  	s18 =	sld [smem:$0x3FC8];
	(tm) =	ssettm $0x1  }
0x91: {  	s19 =	sld [smem:$0x3FFB];
	_ =	sdelay $0x3  }
0x92: {  	_ =	strace s19  }
0x93: {  	s2 =	sld [smem:$0x3FFC];
	_ =	sdelay $0x3  }
0x94: {  	_ =	strace s2  }
0x95: {  	s2 =	sld [smem:$0x3FFD];
	_ =	sdelay $0x3  }
0x96: {  	_ =	strace s2  }
0x97: {  	_ =	strace $0x8FFFFFFF  }
0x98: {  	s20 =	sld [smem:$0x3FDB];
	_ =	sdelay $0x1  }
0x99: {  	s4 =	simm.s32 $_scs_section_size  }
0x9a: {  	s5 =	simm.s32 $_size__tile_overlayer_lowered;
	s6 =	simm.s32 $_tile_overlayer_lowered  }
0x9b: {  	s7 =	simm.s32 $0x1BFF;
	s21 =	sshll.u32 s6, $0x1;
	s4 =	sadd.s32 s4, s20  }
0x9c: {  	s22 =	simm.s32 $0x0;
	s5 =	sshll.u32 s5, $0x1;
	s6 =	sadd.s32 s21, s4  }
0x9d: {  	[timem:s22], [sflag:s7] =	dma.local [hbm:s6], s5  }
0x9e: {  	_ =	swait.ge [sflag:s7], s5  }
0x9f: {  	s5 =	ssub.s32 $0x0, s5;
	[sflag:s7] =	ssyncset.done $0x0  }
0xa0: {  	[sflag:s7] =	ssyncadd.s32 s5;
	_ =	sdelay $0x1  }
0xa1: {  	s23 =	simm.s32 $0x1B8B  }
0xa2: {  	_ =	swait.ge [sflag:s23], $0x1  }
0xa3: {  	[sflag:s23] =	ssyncset.done $0x0  }
0xa4: {  	[sflag:s23] =	ssyncadd.s32 $0xFFFFFFFF  }
0xa5: {  	s5 =	sld [smem:$0x0]  }
0xa6: {  	s6 =	sand.u32 $0xFFFFFFFE, s1  }
0xa7: {  	p0 =	sne.s32 s1, s6  }
0xa8: {  	s6 =	sshll.u32 @p0 s6, $0xE  }
0xa9: {  	s6 =	sadd.s32 @p0 $0x11B8D, s6;
	s7 =	sshll.u32 @p0 s5, $0x11  }
0xaa: {  	s6 =	sor.u32 @p0 s7, s6  }
0xab: {  	[sflag:s6] =	ssyncadd.remote.s32 @p0 $0x1;
	_ =	sdelay $0x1  }
0xac: {  	s6 =	simm.s32 @p0 $0x1B8D  }
0xad: {  	_ =	swait.eq @p0 [sflag:s6], $0x1  }
0xae: {  	[sflag:s6] =	ssyncadd.s32 @p0 $0xFFFFFFFF  }
0xaf: {  	s7 =	sshll.u32 @!p0 s1, $0xE  }
0xb0: {  	s7 =	sor.u32 @!p0 $0x4000, s7;
	s6 =	simm.s32 @!p0 $0x1B8D  }
0xb1: {  	s5 =	sshll.u32 @!p0 s5, $0x11;
	s7 =	sadd.s32 @!p0 $0x11B8D, s7;
	_ =	swait.eq @!p0 [sflag:s6], $0x1  }
0xb2: {  	s5 =	sor.u32 @!p0 s5, s7;
	[sflag:s6] =	ssyncadd.s32 @!p0 $0xFFFFFFFF  }
0xb3: {  	s25 =	simm.s32 $0x1B8E;
	s24 =	sld [smem:$0x3FFE];
	[sflag:s5] =	ssyncadd.remote.s32 @!p0 $0x1  }
0xb4: {  	s26 =	simm.s32 $execute0_lowered;
	[smem:$0x3FD2] =	sst s25  }
0xb5: {  	s6 =	sshll.u32 s26, $0x1;
	_ =	strace $0x80000049;
	[dreg:$0x1] =	wrdreg $0xFFFFFFFF  }
0xb6: {  	s28 =	simm.s32 $_size_execute0_lowered;
	s4 =	sadd.s32 s4, s6;
	[dreg:$0x0] =	wrdreg $0x0  }
0xb7: {  	s6 =	sshll.u32 s28, $0x1;
	[dreg:$0x2] =	wrdreg s4  }
0xb8: {  	[dreg:$0x3] =	wrdreg s6  }
0xb9: {  	[dreg:$0x4] =	wrdreg $0xC0  }
0xba: {  	_ =	task [dreg:s22], $0x5FFFF  }
0xbb: {  	[dreg:$0x1] =	wrdreg $0xFFFFFFFF  }
0xbc: {  	[dreg:$0x0] =	wrdreg $0x60  }
0xbd: {  	[dreg:$0x2] =	wrdreg s18  }
0xbe: {  	[dreg:$0x3] =	wrdreg s24  }
0xbf: {  	[dreg:$0x4] =	wrdreg $0x9  }
0xc0: {  	_ =	task.clear_ibuf [dreg:s22], $0x5FFFF;
	_ =	strace $0x90000049  }
0xc1: {  	s29 =	simm.s32 $0x9;
	_ =	strace $0x8000004B  }
0xc2: {  	_ =	swait.ge [sflag:s29], $0x1  }
0xc3: {  	[sflag:s29] =	ssyncadd.s32 $0xFFFFFFFF  }
0xc4: {  	_ =	strace $0x9000004B  }
0xc5: {  	_ =	sfence  }
0xc6: {  	s30 =	sld [smem:$0x0];
	_ =	sdelay $0x2  }
0xc7: {  	s31 =	sshll.u32 s1, $0xD;
	s1 =	sshrl.u32 s1, $0x2  }
0xc8: {  	s4 =	sand.u32 $0x4000, s31;
	s1 =	sadd.s32 s1, s30  }
0xc9: {  	s0 =	sor.u32 s4, s0;
	s1 =	sshll.u32 s1, $0x11  }
0xca: {  	s0 =	sor.u32 s1, s0  }
0xcb: {  	s0 =	sadd.s32 $0x8F2B, s0  }
0xcc: {  	[sflag:s0] =	ssyncadd.remote.s32 $0x1  }
0xcd: {  	_ =	sfence.sel $0xFFFF  }
0xce: {  	[dreg:$0x0] =	wrdreg $0xFFFFFFFF;
	(pc) =	sbr.abs _section_cstart, $3  }
0xcf: {  	[dreg:$0x1] =	wrdreg $0xFFFFFFFF  }
0xd0: {  	_ =	task.clear_ibuf [dreg:s22], $0x2FFFF;
	_ =	strace $0x9FFFFFFF  }
0xd1: {  	(tm) =	ssettm $0x7FFFFFFF  }
tec
execute0_lowered:
.L_overlay_start_1:
0x0: {  	(tag) =	ssettag $0x1  }
0x1: {  	s2 =	rddreg [dreg:$0x0]  }
0x2: {  	s0 =	srdreg.scid;
	s3 =	stileid.u32  }
0x3: {  	s1 =	rddreg [dreg:$0x1];
	s20 =	simm.s32 $0xC00;
	s28 =	simm.s32 $0x3400  }
0x4: {  	s29 =	simm.s32 $0x3C00;
	s30 =	simm.s32 $0x4400;
	s31 =	simm.s32 $0x4C00  }
0x5: {  	s11 =	simm.s32 $0x6400;
	s15 =	simm.s32 $0xAC00;
	s16 =	simm.s32 $0xB400  }
0x6: {  	s17 =	simm.s32 $0xBC00;
	s0 =	sand.u32 $0x1, s0;
	s4 =	sshll.u32 s3, $0x1  }
0x7: {  	s18 =	simm.s32 $0xC400;
	s3 =	simm.s32 $0x0;
	s4 =	sor.u32 s0, s4  }
0x8: {  	s8 =	simm.s32 $0x12400;
	[smem:$0x7FF] =	sst s3;
	s6 =	smul.u32 $0x6000, s4  }
0x9: {  	s0 =	ssub.s32 $0x2, s0;
	s5 =	sshll.u32 s4, $0x7;
	s4 =	smul.u32 $0x30000, s4  }
0xa: {  	_ =	strace $0x8000004A;
	s24 =	sshrl.u32 s0, $0x1;
	s5 =	sadd.s32 s5, s1  }
0xb: {  	s1 =	sadd.s32 $0xC3C00, s1;
	s0 =	ssub.s32 s0, s24;
	s5 =	sadd.s32 $0xC2C00, s5  }
0xc: {  	s24 =	simm.s32 $0x1C00;
	s6 =	sadd.s32 s1, s6;
	[dreg:$0x3] =	wrdreg s5  }
0xd: {  	s4 =	sshrl.u32 s4, $0x3;
	s21 =	sadd.s32 $0xC00, s6;
	[dreg:$0xb] =	wrdreg s6  }
0xe: {  	s22 =	sadd.s32 $0x1800, s6;
	s1 =	sadd.s32 s1, s4;
	[dreg:$0x4] =	wrdreg s21  }
0xf: {  	s7 =	smax.u32 s0, $0x1;
	[dreg:$0x5] =	wrdreg s22;
	s4 =	sadd.s32 $0x2400, s1  }
0x10: {  	s5 =	sadd.s32 $0x100, s2;
	s23 =	sadd.s32 $0x3000, s1;
	[dreg:$0x6] =	wrdreg s4  }
0x11: {  	s6 =	sadd.s32 $0x200, s2;
	s25 =	sadd.s32 $0x3C00, s1;
	[dreg:$0x7] =	wrdreg s23  }
0x12: {  	s26 =	sadd.s32 $0x4800, s1;
	s1 =	sadd.s32 $0x5400, s1;
	[dreg:$0x8] =	wrdreg s25  }
0x13: {  	v2 =	vlaneseq.u32;
	s21 =	simm.s32 $0x400;
	s22 =	simm.s32 $0x8400;
	[dreg:$0x9] =	wrdreg s26  }
0x14: {  	vm0 =	vmmov $0xffff;
	v1 =	vshrl.u32 v2, $0x3;
	[dreg:$0xa] =	wrdreg s1;
	s23 =	simm.s32 $0x1400;
	s25 =	simm.s32 $0x2400  }
0x15: {  	v0 =	vand.u32 $0x7, v2;
	v2 =	vor.u32 $0x8, v2;
	v1 =	vmul.u32 $0x8, v1;
	s26 =	simm.s32 $0x2C00;
	s1 =	simm.s32 $0x2;
	s4 =	simm.s32 $0x5  }
.LBB2_1:
0x16: {  	s19 =	rddreg [dreg:$0x3];
	s0 =	simm.s32 $0x9  }
0x17: {  	[tilespmem:s3], [sflag:$0x9] =	stream.linear.gather [hbm4b:s19+s3], $0x400, $0x38;
	[tilespmem:$0x18400] =	vst v63  }
0x18: {  	_ =	swait.ge [sflag:s0], $0x400  }
0x19: {  	[sflag:s0] =	ssyncset.done $0x0  }
0x1a: {  	[sflag:s0] =	ssyncadd.s32 $0xFFFFFC00  }
0x1b: {  	v3 =	vld [tilespmem:$0x0];
	_ =	sdelay $0x4  }
0x1c: {  	v4 =	vshrl.u32 v3, $0x3  }
0x1d: {  	v4 =	vmul.u32 $0x30, v4  }
0x1e: {  	v3 =	vand.u32 $0x7, v3  }
0x1f: {  	v3 =	vor.u32 v3, v4  }
0x20: {  	v4 =	vperm.xlane v3, v0;
	_ =	sdelay $0x1  }
0x21: {  	v4 =	vadd.s32 v1, v4;
	_ =	sdelay $0x3  }
0x22: {  	v3 =	vperm.xlane v3, v2  }
0x23: {  	[tilespmem:s21], [sflag:$0x1] =	stream.indirect_vreg.gather [hbm4b:s2+s3], $0x80, v4, vm0, $0xb8;
	[tilespmem:$0x18400] =	vst v63  }
0x24: {  	v3 =	vadd.s32 v1, v3  }
0x25: {  	[tilespmem:s20], [sflag:$0x1] =	stream.indirect_vreg.gather [hbm4b:s5+s3], $0x80, v4, vm0, $0xb8;
	[tilespmem:$0x18400] =	vst v63  }
0x26: {  	_ = 	snop  }
0x27: {  	[tilespmem:s23], [sflag:$0x1] =	stream.indirect_vreg.gather [hbm4b:s6+s3], $0x80, v4, vm0, $0xb8;
	[tilespmem:$0x18400] =	vst v63  }
0x28: {  	_ = 	snop  }
0x29: {  	[tilespmem:s24], [sflag:$0x1] =	stream.indirect_vreg.gather [hbm4b:s2+s3], $0x80, v3, vm0, $0xb8;
	[tilespmem:$0x18400] =	vst v63  }
0x2a: {  	_ = 	snop  }
0x2b: {  	[tilespmem:s25], [sflag:$0x1] =	stream.indirect_vreg.gather [hbm4b:s5+s3], $0x80, v3, vm0, $0xb8;
	[tilespmem:$0x18400] =	vst v63  }
0x2c: {  	_ = 	snop  }
0x2d: {  	[tilespmem:s26], [sflag:$0x1] =	stream.indirect_vreg.gather [hbm4b:s6+s3], $0x80, v3, vm0, $0xb8;
	[tilespmem:$0x18400] =	vst v63  }
0x2e: {  	v3 =	vld [tilespmem:$0x10];
	_ =	sdelay $0x4  }
0x2f: {  	v49 =	vshrl.u32 v3, $0x3  }
0x30: {  	v4 =	vmul.u32 $0x30, v49  }
0x31: {  	v3 =	vand.u32 $0x7, v3  }
0x32: {  	v3 =	vor.u32 v3, v4  }
0x33: {  	v4 =	vperm.xlane v3, v0;
	_ =	sdelay $0x1  }
0x34: {  	v4 =	vadd.s32 v1, v4;
	_ =	sdelay $0x3  }
0x35: {  	v3 =	vperm.xlane v3, v2  }
0x36: {  	[tilespmem:s28], [sflag:$0x1] =	stream.indirect_vreg.gather [hbm4b:s2+s3], $0x80, v4, vm0, $0xb8;
	[tilespmem:$0x18400] =	vst v63  }
0x37: {  	v3 =	vadd.s32 v1, v3  }
0x38: {  	[tilespmem:s29], [sflag:$0x1] =	stream.indirect_vreg.gather [hbm4b:s5+s3], $0x80, v4, vm0, $0xb8;
	[tilespmem:$0x18400] =	vst v63  }
0x39: {  	_ = 	snop  }
0x3a: {  	[tilespmem:s30], [sflag:$0x1] =	stream.indirect_vreg.gather [hbm4b:s6+s3], $0x80, v4, vm0, $0xb8;
	[tilespmem:$0x18400] =	vst v63  }
0x3b: {  	_ = 	snop  }
0x3c: {  	[tilespmem:s31], [sflag:$0x1] =	stream.indirect_vreg.gather [hbm4b:s2+s3], $0x80, v3, vm0, $0xb8;
	[tilespmem:$0x18400] =	vst v63  }
0x3d: {  	s10 =	simm.s32 $0x5400  }
0x3e: {  	[tilespmem:s10], [sflag:$0x1] =	stream.indirect_vreg.gather [hbm4b:s5+s3], $0x80, v3, vm0, $0xb8;
	[tilespmem:$0x18400] =	vst v63  }
0x3f: {  	s9 =	simm.s32 $0x5C00  }
0x40: {  	[tilespmem:s9], [sflag:$0x1] =	stream.indirect_vreg.gather [hbm4b:s6+s3], $0x80, v3, vm0, $0xb8;
	[tilespmem:$0x18400] =	vst v63  }
0x41: {  	v3 =	vld [tilespmem:$0x80];
	_ =	sdelay $0x4  }
0x42: {  	v50 =	vshrl.u32 v3, $0x3  }
0x43: {  	v4 =	vmul.u32 $0x30, v50  }
0x44: {  	v3 =	vand.u32 $0x7, v3  }
0x45: {  	v3 =	vor.u32 v3, v4  }
0x46: {  	v4 =	vperm.xlane v3, v0;
	_ =	sdelay $0x1  }
0x47: {  	v4 =	vadd.s32 v1, v4;
	_ =	sdelay $0x3  }
0x48: {  	v3 =	vperm.xlane v3, v2  }
0x49: {  	[tilespmem:s11], [sflag:$0x2] =	stream.indirect_vreg.gather [hbm4b:s2+s3], $0x80, v4, vm0, $0xb8;
	[tilespmem:$0x18400] =	vst v63  }
0x4a: {  	s12 =	simm.s32 $0x6C00;
	v3 =	vadd.s32 v1, v3  }
0x4b: {  	[tilespmem:s12], [sflag:$0x2] =	stream.indirect_vreg.gather [hbm4b:s5+s3], $0x80, v4, vm0, $0xb8;
	[tilespmem:$0x18400] =	vst v63  }
0x4c: {  	s13 =	simm.s32 $0x7400  }
0x4d: {  	[tilespmem:s13], [sflag:$0x2] =	stream.indirect_vreg.gather [hbm4b:s6+s3], $0x80, v4, vm0, $0xb8;
	[tilespmem:$0x18400] =	vst v63  }
0x4e: {  	s14 =	simm.s32 $0x7C00  }
0x4f: {  	[tilespmem:s14], [sflag:$0x2] =	stream.indirect_vreg.gather [hbm4b:s2+s3], $0x80, v3, vm0, $0xb8;
	[tilespmem:$0x18400] =	vst v63  }
0x50: {  	_ = 	snop  }
0x51: {  	[tilespmem:s22], [sflag:$0x2] =	stream.indirect_vreg.gather [hbm4b:s5+s3], $0x80, v3, vm0, $0xb8;
	[tilespmem:$0x18400] =	vst v63  }
0x52: {  	s12 =	simm.s32 $0x8C00  }
0x53: {  	[tilespmem:s12], [sflag:$0x2] =	stream.indirect_vreg.gather [hbm4b:s6+s3], $0x80, v3, vm0, $0xb8;
	[tilespmem:$0x18400] =	vst v63  }
0x54: {  	v3 =	vld [tilespmem:$0x90];
	_ =	sdelay $0x4  }
0x55: {  	v51 =	vshrl.u32 v3, $0x3  }
0x56: {  	v4 =	vmul.u32 $0x30, v51  }
0x57: {  	v3 =	vand.u32 $0x7, v3  }
0x58: {  	v3 =	vor.u32 v3, v4  }
0x59: {  	v4 =	vperm.xlane v3, v0;
	_ =	sdelay $0x1  }
0x5a: {  	v4 =	vadd.s32 v1, v4;
	_ =	sdelay $0x3  }
0x5b: {  	s13 =	simm.s32 $0x9400;
	v3 =	vperm.xlane v3, v2  }
0x5c: {  	[tilespmem:s13], [sflag:$0x2] =	stream.indirect_vreg.gather [hbm4b:s2+s3], $0x80, v4, vm0, $0xb8;
	[tilespmem:$0x18400] =	vst v63  }
0x5d: {  	s14 =	simm.s32 $0x9C00;
	v3 =	vadd.s32 v1, v3  }
0x5e: {  	[tilespmem:s14], [sflag:$0x2] =	stream.indirect_vreg.gather [hbm4b:s5+s3], $0x80, v4, vm0, $0xb8;
	[tilespmem:$0x18400] =	vst v63  }
0x5f: {  	s19 =	simm.s32 $0xA400  }
0x60: {  	[tilespmem:s19], [sflag:$0x2] =	stream.indirect_vreg.gather [hbm4b:s6+s3], $0x80, v4, vm0, $0xb8;
	[tilespmem:$0x18400] =	vst v63  }
0x61: {  	_ = 	snop  }
0x62: {  	[tilespmem:s15], [sflag:$0x2] =	stream.indirect_vreg.gather [hbm4b:s2+s3], $0x80, v3, vm0, $0xb8;
	[tilespmem:$0x18400] =	vst v63  }
0x63: {  	_ = 	snop  }
0x64: {  	[tilespmem:s16], [sflag:$0x2] =	stream.indirect_vreg.gather [hbm4b:s5+s3], $0x80, v3, vm0, $0xb8;
	[tilespmem:$0x18400] =	vst v63  }
0x65: {  	_ = 	snop  }
0x66: {  	[tilespmem:s17], [sflag:$0x2] =	stream.indirect_vreg.gather [hbm4b:s6+s3], $0x80, v3, vm0, $0xb8;
	[tilespmem:$0x18400] =	vst v63  }
0x67: {  	v3 =	vld [tilespmem:$0x100];
	_ =	sdelay $0x4  }
0x68: {  	v52 =	vshrl.u32 v3, $0x3  }
0x69: {  	v4 =	vmul.u32 $0x30, v52  }
0x6a: {  	v3 =	vand.u32 $0x7, v3  }
0x6b: {  	v3 =	vor.u32 v3, v4  }
0x6c: {  	v4 =	vperm.xlane v3, v0;
	_ =	sdelay $0x1  }
0x6d: {  	v4 =	vadd.s32 v1, v4;
	_ =	sdelay $0x3  }
0x6e: {  	v3 =	vperm.xlane v3, v2  }
0x6f: {  	[tilespmem:s18], [sflag:$0x3] =	stream.indirect_vreg.gather [hbm4b:s2+s3], $0x80, v4, vm0, $0xb8;
	[tilespmem:$0x18400] =	vst v63  }
0x70: {  	s19 =	simm.s32 $0xCC00;
	v3 =	vadd.s32 v1, v3  }
0x71: {  	[tilespmem:s19], [sflag:$0x3] =	stream.indirect_vreg.gather [hbm4b:s5+s3], $0x80, v4, vm0, $0xb8;
	[tilespmem:$0x18400] =	vst v63  }
0x72: {  	s19 =	simm.s32 $0xD400  }
0x73: {  	[tilespmem:s19], [sflag:$0x3] =	stream.indirect_vreg.gather [hbm4b:s6+s3], $0x80, v4, vm0, $0xb8;
	[tilespmem:$0x18400] =	vst v63  }
0x74: {  	s19 =	simm.s32 $0xDC00  }
0x75: {  	[tilespmem:s19], [sflag:$0x3] =	stream.indirect_vreg.gather [hbm4b:s2+s3], $0x80, v3, vm0, $0xb8;
	[tilespmem:$0x18400] =	vst v63  }
0x76: {  	s19 =	simm.s32 $0xE400  }
0x77: {  	[tilespmem:s19], [sflag:$0x3] =	stream.indirect_vreg.gather [hbm4b:s5+s3], $0x80, v3, vm0, $0xb8;
	[tilespmem:$0x18400] =	vst v63  }
0x78: {  	s19 =	simm.s32 $0xEC00  }
0x79: {  	[tilespmem:s19], [sflag:$0x3] =	stream.indirect_vreg.gather [hbm4b:s6+s3], $0x80, v3, vm0, $0xb8;
	[tilespmem:$0x18400] =	vst v63  }
0x7a: {  	v3 =	vld [tilespmem:$0x110];
	_ =	sdelay $0x4  }
0x7b: {  	v53 =	vshrl.u32 v3, $0x3  }
0x7c: {  	v4 =	vmul.u32 $0x30, v53  }
0x7d: {  	v3 =	vand.u32 $0x7, v3  }
0x7e: {  	v3 =	vor.u32 v3, v4  }
0x7f: {  	v4 =	vperm.xlane v3, v0;
	_ =	sdelay $0x1  }
0x80: {  	v4 =	vadd.s32 v1, v4;
	_ =	sdelay $0x3  }
0x81: {  	s19 =	simm.s32 $0xF400;
	v3 =	vperm.xlane v3, v2  }
0x82: {  	[tilespmem:s19], [sflag:$0x3] =	stream.indirect_vreg.gather [hbm4b:s2+s3], $0x80, v4, vm0, $0xb8;
	[tilespmem:$0x18400] =	vst v63  }
0x83: {  	v3 =	vadd.s32 v1, v3;
	s19 =	simm.s32 $0xFC00  }
0x84: {  	[tilespmem:s19], [sflag:$0x3] =	stream.indirect_vreg.gather [hbm4b:s5+s3], $0x80, v4, vm0, $0xb8;
	[tilespmem:$0x18400] =	vst v63  }
0x85: {  	s19 =	simm.s32 $0x10400  }
0x86: {  	[tilespmem:s19], [sflag:$0x3] =	stream.indirect_vreg.gather [hbm4b:s6+s3], $0x80, v4, vm0, $0xb8;
	[tilespmem:$0x18400] =	vst v63  }
0x87: {  	s19 =	simm.s32 $0x10C00  }
0x88: {  	[tilespmem:s19], [sflag:$0x3] =	stream.indirect_vreg.gather [hbm4b:s2+s3], $0x80, v3, vm0, $0xb8;
	[tilespmem:$0x18400] =	vst v63  }
0x89: {  	s19 =	simm.s32 $0x11400  }
0x8a: {  	[tilespmem:s19], [sflag:$0x3] =	stream.indirect_vreg.gather [hbm4b:s5+s3], $0x80, v3, vm0, $0xb8;
	[tilespmem:$0x18400] =	vst v63  }
0x8b: {  	s19 =	simm.s32 $0x11C00  }
0x8c: {  	[tilespmem:s19], [sflag:$0x3] =	stream.indirect_vreg.gather [hbm4b:s6+s3], $0x80, v3, vm0, $0xb8;
	[tilespmem:$0x18400] =	vst v63  }
0x8d: {  	v3 =	vld [tilespmem:$0x180];
	_ =	sdelay $0x4  }
0x8e: {  	v54 =	vshrl.u32 v3, $0x3  }
0x8f: {  	v4 =	vmul.u32 $0x30, v54  }
0x90: {  	v3 =	vand.u32 $0x7, v3  }
0x91: {  	v3 =	vor.u32 v3, v4  }
0x92: {  	v4 =	vperm.xlane v3, v0;
	_ =	sdelay $0x1  }
0x93: {  	v4 =	vadd.s32 v1, v4;
	_ =	sdelay $0x3  }
0x94: {  	v3 =	vperm.xlane v3, v2  }
0x95: {  	[tilespmem:s8], [sflag:$0x4] =	stream.indirect_vreg.gather [hbm4b:s2+s3], $0x80, v4, vm0, $0xb8;
	[tilespmem:$0x18400] =	vst v63  }
0x96: {  	s19 =	simm.s32 $0x12C00;
	v3 =	vadd.s32 v1, v3  }
0x97: {  	[tilespmem:s19], [sflag:$0x4] =	stream.indirect_vreg.gather [hbm4b:s5+s3], $0x80, v4, vm0, $0xb8;
	[tilespmem:$0x18400] =	vst v63  }
0x98: {  	s19 =	simm.s32 $0x13400  }
0x99: {  	[tilespmem:s19], [sflag:$0x4] =	stream.indirect_vreg.gather [hbm4b:s6+s3], $0x80, v4, vm0, $0xb8;
	[tilespmem:$0x18400] =	vst v63  }
0x9a: {  	s19 =	simm.s32 $0x13C00  }
0x9b: {  	[tilespmem:s19], [sflag:$0x4] =	stream.indirect_vreg.gather [hbm4b:s2+s3], $0x80, v3, vm0, $0xb8;
	[tilespmem:$0x18400] =	vst v63  }
0x9c: {  	s19 =	simm.s32 $0x14400  }
0x9d: {  	[tilespmem:s19], [sflag:$0x4] =	stream.indirect_vreg.gather [hbm4b:s5+s3], $0x80, v3, vm0, $0xb8;
	[tilespmem:$0x18400] =	vst v63  }
0x9e: {  	s19 =	simm.s32 $0x14C00  }
0x9f: {  	[tilespmem:s19], [sflag:$0x4] =	stream.indirect_vreg.gather [hbm4b:s6+s3], $0x80, v3, vm0, $0xb8;
	[tilespmem:$0x18400] =	vst v63  }
0xa0: {  	v3 =	vld [tilespmem:$0x190];
	_ =	sdelay $0x4  }
0xa1: {  	v55 =	vshrl.u32 v3, $0x3  }
0xa2: {  	v4 =	vmul.u32 $0x30, v55  }
0xa3: {  	v3 =	vand.u32 $0x7, v3  }
0xa4: {  	v3 =	vor.u32 v3, v4  }
0xa5: {  	v4 =	vperm.xlane v3, v0;
	_ =	sdelay $0x1  }
0xa6: {  	v4 =	vadd.s32 v1, v4;
	_ =	sdelay $0x3  }
0xa7: {  	s19 =	simm.s32 $0x15400;
	v3 =	vperm.xlane v3, v2  }
0xa8: {  	[tilespmem:s19], [sflag:$0x4] =	stream.indirect_vreg.gather [hbm4b:s2+s3], $0x80, v4, vm0, $0xb8;
	[tilespmem:$0x18400] =	vst v63  }
0xa9: {  	v3 =	vadd.s32 v1, v3;
	s19 =	simm.s32 $0x15C00  }
0xaa: {  	[tilespmem:s19], [sflag:$0x4] =	stream.indirect_vreg.gather [hbm4b:s5+s3], $0x80, v4, vm0, $0xb8;
	[tilespmem:$0x18400] =	vst v63  }
0xab: {  	s19 =	simm.s32 $0x16400  }
0xac: {  	[tilespmem:s19], [sflag:$0x4] =	stream.indirect_vreg.gather [hbm4b:s6+s3], $0x80, v4, vm0, $0xb8;
	[tilespmem:$0x18400] =	vst v63  }
0xad: {  	s19 =	simm.s32 $0x16C00  }
0xae: {  	[tilespmem:s19], [sflag:$0x4] =	stream.indirect_vreg.gather [hbm4b:s2+s3], $0x80, v3, vm0, $0xb8;
	[tilespmem:$0x18400] =	vst v63  }
0xaf: {  	s19 =	simm.s32 $0x17400  }
0xb0: {  	[tilespmem:s19], [sflag:$0x4] =	stream.indirect_vreg.gather [hbm4b:s5+s3], $0x80, v3, vm0, $0xb8;
	[tilespmem:$0x18400] =	vst v63  }
0xb1: {  	s0 =	simm.s32 $0x1;
	s19 =	simm.s32 $0x17C00  }
0xb2: {  	[tilespmem:s19], [sflag:$0x4] =	stream.indirect_vreg.gather [hbm4b:s6+s3], $0x80, v3, vm0, $0xb8;
	[tilespmem:$0x18400] =	vst v63  }
0xb3: {  	_ =	swait.ge [sflag:s0], $0x6000  }
0xb4: {  	[sflag:s0] =	ssyncset.done $0x0  }
0xb5: {  	s19 =	rddreg [dreg:$0xb];
	[sflag:s0] =	ssyncadd.s32 $0xFFFFA000  }
0xb6: {  	[hbm4b:s19+s3] =	stream.linear.scatter [tilespmem:s21], [sflag:$0x5], $0x6000, $0x38;
	[tilespmem:$0x18400] =	vst v63  }
0xb7: {  	_ =	swait.ge [sflag:s1], $0x6000  }
0xb8: {  	[sflag:s1] =	ssyncset.done $0x0  }
0xb9: {  	s19 =	rddreg [dreg:$0x4];
	[sflag:s1] =	ssyncadd.s32 $0xFFFFA000  }
0xba: {  	[hbm4b:s19+s3] =	stream.linear.scatter [tilespmem:s11], [sflag:$0x6], $0x6000, $0x38;
	[tilespmem:$0x18400] =	vst v63  }
0xbb: {  	_ =	swait.ge [sflag:s4], $0x6000  }
0xbc: {  	[sflag:s4] =	ssyncset.done $0x0  }
0xbd: {  	[sflag:s4] =	ssyncadd.s32 $0xFFFFA000  }
0xbe: {  	v3 =	vld [tilespmem:$0x200];
	_ =	sdelay $0x4  }
0xbf: {  	v56 =	vshrl.u32 v3, $0x3  }
0xc0: {  	v4 =	vmul.u32 $0x30, v56  }
0xc1: {  	v3 =	vand.u32 $0x7, v3  }
0xc2: {  	v3 =	vor.u32 v3, v4  }
0xc3: {  	v4 =	vperm.xlane v3, v0;
	_ =	sdelay $0x1  }
0xc4: {  	v4 =	vadd.s32 v1, v4;
	_ =	sdelay $0x3  }
0xc5: {  	v3 =	vperm.xlane v3, v2  }
0xc6: {  	[tilespmem:s21], [sflag:$0x1] =	stream.indirect_vreg.gather [hbm4b:s2+s3], $0x80, v4, vm0, $0xb8;
	[tilespmem:$0x18400] =	vst v63  }
0xc7: {  	v3 =	vadd.s32 v1, v3  }
0xc8: {  	[tilespmem:s20], [sflag:$0x1] =	stream.indirect_vreg.gather [hbm4b:s5+s3], $0x80, v4, vm0, $0xb8;
	[tilespmem:$0x18400] =	vst v63  }
0xc9: {  	_ = 	snop  }
0xca: {  	[tilespmem:s23], [sflag:$0x1] =	stream.indirect_vreg.gather [hbm4b:s6+s3], $0x80, v4, vm0, $0xb8;
	[tilespmem:$0x18400] =	vst v63  }
0xcb: {  	_ = 	snop  }
0xcc: {  	[tilespmem:s24], [sflag:$0x1] =	stream.indirect_vreg.gather [hbm4b:s2+s3], $0x80, v3, vm0, $0xb8;
	[tilespmem:$0x18400] =	vst v63  }
0xcd: {  	_ = 	snop  }
0xce: {  	[tilespmem:s25], [sflag:$0x1] =	stream.indirect_vreg.gather [hbm4b:s5+s3], $0x80, v3, vm0, $0xb8;
	[tilespmem:$0x18400] =	vst v63  }
0xcf: {  	_ = 	snop  }
0xd0: {  	[tilespmem:s26], [sflag:$0x1] =	stream.indirect_vreg.gather [hbm4b:s6+s3], $0x80, v3, vm0, $0xb8;
	[tilespmem:$0x18400] =	vst v63  }
0xd1: {  	v3 =	vld [tilespmem:$0x210];
	_ =	sdelay $0x4  }
0xd2: {  	v57 =	vshrl.u32 v3, $0x3  }
0xd3: {  	v4 =	vmul.u32 $0x30, v57  }
0xd4: {  	v3 =	vand.u32 $0x7, v3  }
0xd5: {  	v3 =	vor.u32 v3, v4  }
0xd6: {  	v4 =	vperm.xlane v3, v0;
	_ =	sdelay $0x1  }
0xd7: {  	v4 =	vadd.s32 v1, v4;
	_ =	sdelay $0x3  }
0xd8: {  	v3 =	vperm.xlane v3, v2  }
0xd9: {  	[tilespmem:s28], [sflag:$0x1] =	stream.indirect_vreg.gather [hbm4b:s2+s3], $0x80, v4, vm0, $0xb8;
	[tilespmem:$0x18400] =	vst v63  }
0xda: {  	v3 =	vadd.s32 v1, v3  }
0xdb: {  	[tilespmem:s29], [sflag:$0x1] =	stream.indirect_vreg.gather [hbm4b:s5+s3], $0x80, v4, vm0, $0xb8;
	[tilespmem:$0x18400] =	vst v63  }
0xdc: {  	_ = 	snop  }
0xdd: {  	[tilespmem:s30], [sflag:$0x1] =	stream.indirect_vreg.gather [hbm4b:s6+s3], $0x80, v4, vm0, $0xb8;
	[tilespmem:$0x18400] =	vst v63  }
0xde: {  	_ = 	snop  }
0xdf: {  	[tilespmem:s31], [sflag:$0x1] =	stream.indirect_vreg.gather [hbm4b:s2+s3], $0x80, v3, vm0, $0xb8;
	[tilespmem:$0x18400] =	vst v63  }
0xe0: {  	_ = 	snop  }
0xe1: {  	[tilespmem:s10], [sflag:$0x1] =	stream.indirect_vreg.gather [hbm4b:s5+s3], $0x80, v3, vm0, $0xb8;
	[tilespmem:$0x18400] =	vst v63  }
0xe2: {  	_ = 	snop  }
0xe3: {  	[tilespmem:s9], [sflag:$0x1] =	stream.indirect_vreg.gather [hbm4b:s6+s3], $0x80, v3, vm0, $0xb8;
	[tilespmem:$0x18400] =	vst v63  }
0xe4: {  	s9 =	simm.s32 $0x3  }
0xe5: {  	_ =	swait.ge [sflag:s9], $0x6000  }
0xe6: {  	[sflag:s9] =	ssyncset.done $0x0  }
0xe7: {  	s10 =	rddreg [dreg:$0x5];
	[sflag:s9] =	ssyncadd.s32 $0xFFFFA000  }
0xe8: {  	[hbm4b:s10+s3] =	stream.linear.scatter [tilespmem:s18], [sflag:$0x7], $0x6000, $0x38;
	[tilespmem:$0x18400] =	vst v63  }
0xe9: {  	s10 =	simm.s32 $0x6  }
0xea: {  	_ =	swait.ge [sflag:s10], $0x6000  }
0xeb: {  	[sflag:s10] =	ssyncset.done $0x0  }
0xec: {  	[sflag:s10] =	ssyncadd.s32 $0xFFFFA000  }
0xed: {  	v3 =	vld [tilespmem:$0x280];
	_ =	sdelay $0x4  }
0xee: {  	v58 =	vshrl.u32 v3, $0x3  }
0xef: {  	v4 =	vmul.u32 $0x30, v58  }
0xf0: {  	v3 =	vand.u32 $0x7, v3  }
0xf1: {  	v3 =	vor.u32 v3, v4  }
0xf2: {  	v4 =	vperm.xlane v3, v0;
	_ =	sdelay $0x1  }
0xf3: {  	v4 =	vadd.s32 v1, v4;
	_ =	sdelay $0x3  }
0xf4: {  	v3 =	vperm.xlane v3, v2  }
0xf5: {  	[tilespmem:s11], [sflag:$0x2] =	stream.indirect_vreg.gather [hbm4b:s2+s3], $0x80, v4, vm0, $0xb8;
	[tilespmem:$0x18400] =	vst v63  }
0xf6: {  	s19 =	simm.s32 $0x6C00;
	v3 =	vadd.s32 v1, v3  }
0xf7: {  	[tilespmem:s19], [sflag:$0x2] =	stream.indirect_vreg.gather [hbm4b:s5+s3], $0x80, v4, vm0, $0xb8;
	[tilespmem:$0x18400] =	vst v63  }
0xf8: {  	s19 =	simm.s32 $0x7400  }
0xf9: {  	[tilespmem:s19], [sflag:$0x2] =	stream.indirect_vreg.gather [hbm4b:s6+s3], $0x80, v4, vm0, $0xb8;
	[tilespmem:$0x18400] =	vst v63  }
0xfa: {  	s19 =	simm.s32 $0x7C00  }
0xfb: {  	[tilespmem:s19], [sflag:$0x2] =	stream.indirect_vreg.gather [hbm4b:s2+s3], $0x80, v3, vm0, $0xb8;
	[tilespmem:$0x18400] =	vst v63  }
0xfc: {  	_ = 	snop  }
0xfd: {  	[tilespmem:s22], [sflag:$0x2] =	stream.indirect_vreg.gather [hbm4b:s5+s3], $0x80, v3, vm0, $0xb8;
	[tilespmem:$0x18400] =	vst v63  }
0xfe: {  	_ = 	snop  }
0xff: {  	[tilespmem:s12], [sflag:$0x2] =	stream.indirect_vreg.gather [hbm4b:s6+s3], $0x80, v3, vm0, $0xb8;
	[tilespmem:$0x18400] =	vst v63  }
0x100: {  	v3 =	vld [tilespmem:$0x290];
	_ =	sdelay $0x4  }
0x101: {  	v59 =	vshrl.u32 v3, $0x3  }
0x102: {  	v4 =	vmul.u32 $0x30, v59  }
0x103: {  	v3 =	vand.u32 $0x7, v3  }
0x104: {  	v3 =	vor.u32 v3, v4  }
0x105: {  	v4 =	vperm.xlane v3, v0;
	_ =	sdelay $0x1  }
0x106: {  	v4 =	vadd.s32 v1, v4;
	_ =	sdelay $0x3  }
0x107: {  	v3 =	vperm.xlane v3, v2  }
0x108: {  	[tilespmem:s13], [sflag:$0x2] =	stream.indirect_vreg.gather [hbm4b:s2+s3], $0x80, v4, vm0, $0xb8;
	[tilespmem:$0x18400] =	vst v63  }
0x109: {  	v3 =	vadd.s32 v1, v3  }
0x10a: {  	[tilespmem:s14], [sflag:$0x2] =	stream.indirect_vreg.gather [hbm4b:s5+s3], $0x80, v4, vm0, $0xb8;
	[tilespmem:$0x18400] =	vst v63  }
0x10b: {  	s13 =	simm.s32 $0xA400  }
0x10c: {  	[tilespmem:s13], [sflag:$0x2] =	stream.indirect_vreg.gather [hbm4b:s6+s3], $0x80, v4, vm0, $0xb8;
	[tilespmem:$0x18400] =	vst v63  }
0x10d: {  	_ = 	snop  }
0x10e: {  	[tilespmem:s15], [sflag:$0x2] =	stream.indirect_vreg.gather [hbm4b:s2+s3], $0x80, v3, vm0, $0xb8;
	[tilespmem:$0x18400] =	vst v63  }
0x10f: {  	_ = 	snop  }
0x110: {  	[tilespmem:s16], [sflag:$0x2] =	stream.indirect_vreg.gather [hbm4b:s5+s3], $0x80, v3, vm0, $0xb8;
	[tilespmem:$0x18400] =	vst v63  }
0x111: {  	s12 =	simm.s32 $0x4  }
0x112: {  	[tilespmem:s17], [sflag:$0x2] =	stream.indirect_vreg.gather [hbm4b:s6+s3], $0x80, v3, vm0, $0xb8;
	[tilespmem:$0x18400] =	vst v63  }
0x113: {  	_ =	swait.ge [sflag:s12], $0x6000  }
0x114: {  	[sflag:s12] =	ssyncset.done $0x0  }
0x115: {  	s13 =	simm.s32 $0x7;
	s14 =	rddreg [dreg:$0x6];
	[sflag:s12] =	ssyncadd.s32 $0xFFFFA000  }
0x116: {  	[hbm4b:s14+s3] =	stream.linear.scatter [tilespmem:s8], [sflag:$0x8], $0x6000, $0x38;
	[tilespmem:$0x18400] =	vst v63  }
0x117: {  	_ =	swait.ge [sflag:s13], $0x6000  }
0x118: {  	[sflag:s13] =	ssyncset.done $0x0  }
0x119: {  	[sflag:s13] =	ssyncadd.s32 $0xFFFFA000  }
0x11a: {  	v3 =	vld [tilespmem:$0x300];
	_ =	sdelay $0x4  }
0x11b: {  	v60 =	vshrl.u32 v3, $0x3  }
0x11c: {  	v4 =	vmul.u32 $0x30, v60  }
0x11d: {  	v3 =	vand.u32 $0x7, v3  }
0x11e: {  	v3 =	vor.u32 v3, v4  }
0x11f: {  	v4 =	vperm.xlane v3, v0;
	_ =	sdelay $0x1  }
0x120: {  	v4 =	vadd.s32 v1, v4;
	_ =	sdelay $0x3  }
0x121: {  	v3 =	vperm.xlane v3, v2  }
0x122: {  	[tilespmem:s18], [sflag:$0x3] =	stream.indirect_vreg.gather [hbm4b:s2+s3], $0x80, v4, vm0, $0xb8;
	[tilespmem:$0x18400] =	vst v63  }
0x123: {  	s19 =	simm.s32 $0xCC00;
	v3 =	vadd.s32 v1, v3  }
0x124: {  	[tilespmem:s19], [sflag:$0x3] =	stream.indirect_vreg.gather [hbm4b:s5+s3], $0x80, v4, vm0, $0xb8;
	[tilespmem:$0x18400] =	vst v63  }
0x125: {  	s19 =	simm.s32 $0xD400  }
0x126: {  	[tilespmem:s19], [sflag:$0x3] =	stream.indirect_vreg.gather [hbm4b:s6+s3], $0x80, v4, vm0, $0xb8;
	[tilespmem:$0x18400] =	vst v63  }
0x127: {  	s19 =	simm.s32 $0xDC00  }
0x128: {  	[tilespmem:s19], [sflag:$0x3] =	stream.indirect_vreg.gather [hbm4b:s2+s3], $0x80, v3, vm0, $0xb8;
	[tilespmem:$0x18400] =	vst v63  }
0x129: {  	s19 =	simm.s32 $0xE400  }
0x12a: {  	[tilespmem:s19], [sflag:$0x3] =	stream.indirect_vreg.gather [hbm4b:s5+s3], $0x80, v3, vm0, $0xb8;
	[tilespmem:$0x18400] =	vst v63  }
0x12b: {  	s19 =	simm.s32 $0xEC00  }
0x12c: {  	[tilespmem:s19], [sflag:$0x3] =	stream.indirect_vreg.gather [hbm4b:s6+s3], $0x80, v3, vm0, $0xb8;
	[tilespmem:$0x18400] =	vst v63  }
0x12d: {  	v3 =	vld [tilespmem:$0x310];
	_ =	sdelay $0x4  }
0x12e: {  	v61 =	vshrl.u32 v3, $0x3  }
0x12f: {  	v4 =	vmul.u32 $0x30, v61  }
0x130: {  	v3 =	vand.u32 $0x7, v3  }
0x131: {  	v3 =	vor.u32 v3, v4  }
0x132: {  	v4 =	vperm.xlane v3, v0;
	_ =	sdelay $0x1  }
0x133: {  	v4 =	vadd.s32 v1, v4;
	_ =	sdelay $0x3  }
0x134: {  	s19 =	simm.s32 $0xF400;
	v3 =	vperm.xlane v3, v2  }
0x135: {  	[tilespmem:s19], [sflag:$0x3] =	stream.indirect_vreg.gather [hbm4b:s2+s3], $0x80, v4, vm0, $0xb8;
	[tilespmem:$0x18400] =	vst v63  }
0x136: {  	v3 =	vadd.s32 v1, v3;
	s19 =	simm.s32 $0xFC00  }
0x137: {  	[tilespmem:s19], [sflag:$0x3] =	stream.indirect_vreg.gather [hbm4b:s5+s3], $0x80, v4, vm0, $0xb8;
	[tilespmem:$0x18400] =	vst v63  }
0x138: {  	s19 =	simm.s32 $0x10400  }
0x139: {  	[tilespmem:s19], [sflag:$0x3] =	stream.indirect_vreg.gather [hbm4b:s6+s3], $0x80, v4, vm0, $0xb8;
	[tilespmem:$0x18400] =	vst v63  }
0x13a: {  	s19 =	simm.s32 $0x10C00  }
0x13b: {  	[tilespmem:s19], [sflag:$0x3] =	stream.indirect_vreg.gather [hbm4b:s2+s3], $0x80, v3, vm0, $0xb8;
	[tilespmem:$0x18400] =	vst v63  }
0x13c: {  	s19 =	simm.s32 $0x11400  }
0x13d: {  	[tilespmem:s19], [sflag:$0x3] =	stream.indirect_vreg.gather [hbm4b:s5+s3], $0x80, v3, vm0, $0xb8;
	[tilespmem:$0x18400] =	vst v63  }
0x13e: {  	s19 =	simm.s32 $0x11C00  }
0x13f: {  	[tilespmem:s19], [sflag:$0x3] =	stream.indirect_vreg.gather [hbm4b:s6+s3], $0x80, v3, vm0, $0xb8;
	[tilespmem:$0x18400] =	vst v63  }
0x140: {  	_ =	swait.ge [sflag:s0], $0x6000  }
0x141: {  	[sflag:s0] =	ssyncset.done $0x0  }
0x142: {  	s14 =	rddreg [dreg:$0x7];
	[sflag:s0] =	ssyncadd.s32 $0xFFFFA000;
	s0 =	simm.s32 $0x8  }
0x143: {  	[hbm4b:s14+s3] =	stream.linear.scatter [tilespmem:s21], [sflag:$0x5], $0x6000, $0x38;
	[tilespmem:$0x18400] =	vst v63  }
0x144: {  	_ =	swait.ge [sflag:s0], $0x6000  }
0x145: {  	[sflag:s0] =	ssyncset.done $0x0  }
0x146: {  	[sflag:s0] =	ssyncadd.s32 $0xFFFFA000  }
0x147: {  	v3 =	vld [tilespmem:$0x380];
	_ =	sdelay $0x4  }
0x148: {  	v62 =	vshrl.u32 v3, $0x3  }
0x149: {  	v4 =	vmul.u32 $0x30, v62  }
0x14a: {  	v3 =	vand.u32 $0x7, v3  }
0x14b: {  	v3 =	vor.u32 v3, v4  }
0x14c: {  	v4 =	vperm.xlane v3, v0;
	_ =	sdelay $0x1  }
0x14d: {  	v4 =	vadd.s32 v1, v4;
	_ =	sdelay $0x3  }
0x14e: {  	v3 =	vperm.xlane v3, v2  }
0x14f: {  	[tilespmem:s8], [sflag:$0x4] =	stream.indirect_vreg.gather [hbm4b:s2+s3], $0x80, v4, vm0, $0xb8;
	[tilespmem:$0x18400] =	vst v63  }
0x150: {  	s19 =	simm.s32 $0x12C00;
	v3 =	vadd.s32 v1, v3  }
0x151: {  	[tilespmem:s19], [sflag:$0x4] =	stream.indirect_vreg.gather [hbm4b:s5+s3], $0x80, v4, vm0, $0xb8;
	[tilespmem:$0x18400] =	vst v63  }
0x152: {  	s19 =	simm.s32 $0x13400  }
0x153: {  	[tilespmem:s19], [sflag:$0x4] =	stream.indirect_vreg.gather [hbm4b:s6+s3], $0x80, v4, vm0, $0xb8;
	[tilespmem:$0x18400] =	vst v63  }
0x154: {  	s19 =	simm.s32 $0x13C00  }
0x155: {  	[tilespmem:s19], [sflag:$0x4] =	stream.indirect_vreg.gather [hbm4b:s2+s3], $0x80, v3, vm0, $0xb8;
	[tilespmem:$0x18400] =	vst v63  }
0x156: {  	s19 =	simm.s32 $0x14400  }
0x157: {  	[tilespmem:s19], [sflag:$0x4] =	stream.indirect_vreg.gather [hbm4b:s5+s3], $0x80, v3, vm0, $0xb8;
	[tilespmem:$0x18400] =	vst v63  }
0x158: {  	s19 =	simm.s32 $0x14C00  }
0x159: {  	[tilespmem:s19], [sflag:$0x4] =	stream.indirect_vreg.gather [hbm4b:s6+s3], $0x80, v3, vm0, $0xb8;
	[tilespmem:$0x18400] =	vst v63  }
0x15a: {  	v3 =	vld [tilespmem:$0x390];
	_ =	sdelay $0x4  }
0x15b: {  	v63 =	vshrl.u32 v3, $0x3  }
0x15c: {  	v4 =	vmul.u32 $0x30, v63  }
0x15d: {  	v3 =	vand.u32 $0x7, v3  }
0x15e: {  	v3 =	vor.u32 v3, v4  }
0x15f: {  	v4 =	vperm.xlane v3, v0;
	_ =	sdelay $0x1  }
0x160: {  	v4 =	vadd.s32 v1, v4;
	_ =	sdelay $0x3  }
0x161: {  	s19 =	simm.s32 $0x15400;
	v3 =	vperm.xlane v3, v2  }
0x162: {  	[tilespmem:s19], [sflag:$0x4] =	stream.indirect_vreg.gather [hbm4b:s2+s3], $0x80, v4, vm0, $0xb8;
	[tilespmem:$0x18400] =	vst v63  }
0x163: {  	v3 =	vadd.s32 v1, v3;
	s19 =	simm.s32 $0x15C00  }
0x164: {  	[tilespmem:s19], [sflag:$0x4] =	stream.indirect_vreg.gather [hbm4b:s5+s3], $0x80, v4, vm0, $0xb8;
	[tilespmem:$0x18400] =	vst v63  }
0x165: {  	s19 =	simm.s32 $0x16400  }
0x166: {  	[tilespmem:s19], [sflag:$0x4] =	stream.indirect_vreg.gather [hbm4b:s6+s3], $0x80, v4, vm0, $0xb8;
	[tilespmem:$0x18400] =	vst v63  }
0x167: {  	s19 =	simm.s32 $0x16C00  }
0x168: {  	[tilespmem:s19], [sflag:$0x4] =	stream.indirect_vreg.gather [hbm4b:s2+s3], $0x80, v3, vm0, $0xb8;
	[tilespmem:$0x18400] =	vst v63  }
0x169: {  	s19 =	simm.s32 $0x17400  }
0x16a: {  	[tilespmem:s19], [sflag:$0x4] =	stream.indirect_vreg.gather [hbm4b:s5+s3], $0x80, v3, vm0, $0xb8;
	[tilespmem:$0x18400] =	vst v63  }
0x16b: {  	s19 =	simm.s32 $0x17C00  }
0x16c: {  	[tilespmem:s19], [sflag:$0x4] =	stream.indirect_vreg.gather [hbm4b:s6+s3], $0x80, v3, vm0, $0xb8;
	[tilespmem:$0x18400] =	vst v63  }
0x16d: {  	_ =	swait.ge [sflag:s1], $0x6000  }
0x16e: {  	[sflag:s1] =	ssyncset.done $0x0  }
0x16f: {  	s14 =	rddreg [dreg:$0x8];
	[sflag:s1] =	ssyncadd.s32 $0xFFFFA000  }
0x170: {  	[hbm4b:s14+s3] =	stream.linear.scatter [tilespmem:s11], [sflag:$0x6], $0x6000, $0x38;
	[tilespmem:$0x18400] =	vst v63  }
0x171: {  	_ =	swait.ge [sflag:s9], $0x6000  }
0x172: {  	[sflag:s9] =	ssyncset.done $0x0  }
0x173: {  	s14 =	rddreg [dreg:$0x9];
	[sflag:s9] =	ssyncadd.s32 $0xFFFFA000  }
0x174: {  	[hbm4b:s14+s3] =	stream.linear.scatter [tilespmem:s18], [sflag:$0x7], $0x6000, $0x38;
	[tilespmem:$0x18400] =	vst v63  }
0x175: {  	_ =	swait.ge [sflag:s12], $0x6000  }
0x176: {  	[sflag:s12] =	ssyncset.done $0x0  }
0x177: {  	s14 =	rddreg [dreg:$0xa];
	[sflag:s12] =	ssyncadd.s32 $0xFFFFA000  }
0x178: {  	[hbm4b:s14+s3] =	stream.linear.scatter [tilespmem:s8], [sflag:$0x8], $0x6000, $0x38;
	[tilespmem:$0x18400] =	vst v63  }
0x179: {  	_ =	swait.ge [sflag:s4], $0x6000  }
0x17a: {  	[sflag:s4] =	ssyncset.done $0x0  }
0x17b: {  	[sflag:s4] =	ssyncadd.s32 $0xFFFFA000  }
0x17c: {  	_ =	swait.ge [sflag:s10], $0x6000  }
0x17d: {  	[sflag:s10] =	ssyncset.done $0x0  }
0x17e: {  	[sflag:s10] =	ssyncadd.s32 $0xFFFFA000  }
0x17f: {  	p0 =	sne.s32 s7, $0x1;
	_ =	swait.ge [sflag:s13], $0x6000  }
.Ltmp0:
0x180: {  	[sflag:s13] =	ssyncset.done $0x0;
	(pc) =	sbr.rel @p0 .LBB2_1-.Ltmp0, $4  }
0x181: {  	[sflag:s13] =	ssyncadd.s32 $0xFFFFA000  }
0x182: {  	_ =	swait.ge [sflag:s0], $0x6000  }
0x183: {  	[sflag:s0] =	ssyncset.done $0x0  }
0x184: {  	s7 =	sadd.s32 $0xFFFFFFFF, s7;
	[sflag:s0] =	ssyncadd.s32 $0xFFFFA000  }
0x185: {  	_ =	sfence.sel $0x180000  }
0x186: {  	[bflag:$0x0] =	sbarrier.arrive $0xFFFF  }
0x187: {  	_ =	strace $0x9000004A  }
0x188: {  	s0 =	stileid.u32;
	[bflag:$0x2] =	sbarrier.arrive $0xFFFF  }
0x189: {  	p0 =	sne.s32 s0, $0x0;
	s0 =	rddreg [dreg:$0x2]  }
0x18a: {  	s0 =	sadd.s32 @!p0 $0x100000, s0  }
0x18b: {  	[sflag:s0] =	ssyncadd.tile.s32 @!p0 $0x1;
	_ =	shalt  }
.Lfunc_end2:
_tile_overlayer_lowered:
.L_overlay_start_2:
0x18c: {  	(tag) =	ssettag $0x2  }
0x18d: {  	s0 =	rddreg [dreg:$0x0];
	s2 =	stileid.u32  }
0x18e: {  	s1 =	rddreg [dreg:$0x1];
	p0 =	sne.s32 s2, $0x0  }
0x18f: {  	s3 =	rddreg [dreg:$0x2];
	[bflag:$0x3] =	sbarrier.arrive $0xFFFF;
	s2 =	simm.s32 @!p0 $0x1C09  }
0x190: {  	[timem:s3], [sflag:s2] =	dma.local @!p0 [hbm:s0], s1  }
0x191: {  	s0 =	simm.s32 @!p0 $0x9  }
0x192: {  	_ =	swait.ge @!p0 [sflag:s0], s1  }
0x193: {  	s1 =	ssub.s32 @!p0 $0x0, s1;
	[sflag:s0] =	ssyncset.done @!p0 $0x0  }
0x194: {  	[sflag:s0] =	ssyncadd.s32 @!p0 s1  }
0x195: {  	[bflag:$0x3] =	sbarrier.arrive $0xFFFF  }
0x196: {  	_ =	shalt  }

</sc_bundles>
